<compile_context>
chip_gen: v7x
topology: tpu7x:2x2x1
jax: 0.10.2.dev20260603
libtpu: 0.0.44.dev20260713+nightly
codegen_flags: <defaults>
</compile_context>

<pallas_src>
import dataclasses
import functools

import jax
import jax.numpy as jnp
from jax import lax
from jax.experimental import pallas as pl
from jax.experimental.pallas import tpu as pltpu
from jax.experimental.pallas import tpu_sc as plsc

N_NODES = 10000
N_PAD = 10112
IN_CH = 128
OUT_CH = 128
NUM_T = 7
SCALING = 100.0
NC = 2
NS = 16
NW = NC * NS
CHUNK = 128
ROW_BLK = 1000


def _scaled_table(x_src, weight, relation_weight):

    def body(rw_ref, x_ref, w_ref, out_ref, acc_ref):
        t = pl.program_id(0)

        @pl.when(t == 0)
        def _():
            acc_ref[...] = jnp.dot(
                x_ref[...], w_ref[...], preferred_element_type=jnp.float32
            )

        s = rw_ref[t] * SCALING
        s = jnp.where(s >= 0.0, s, 0.01 * s)
        out_ref[...] = acc_ref[...] * s

    return pl.pallas_call(
        body,
        grid=(NUM_T,),
        in_specs=[
            pl.BlockSpec(memory_space=pltpu.SMEM),
            pl.BlockSpec((N_NODES, IN_CH), lambda t: (0, 0)),
            pl.BlockSpec((IN_CH, OUT_CH), lambda t: (0, 0)),
        ],
        out_specs=pl.BlockSpec((N_NODES, OUT_CH), lambda t: (t, 0)),
        out_shape=jax.ShapeDtypeStruct((NUM_T * N_NODES, OUT_CH), jnp.float32),
        scratch_shapes=[pltpu.VMEM((N_NODES, OUT_CH), jnp.float32)],
    )(relation_weight, x_src, weight)


N_CHUNKS = 2500
N_UNIFORM = N_CHUNKS // NW
N_EXTRA = N_CHUNKS - N_UNIFORM * NW
N_MAIN = (N_UNIFORM // 4) * 4 - 4


def _sc_aggregate(table, row2, col2, ty2, w8):
    rows_per_sub = N_PAD // NS
    mesh = plsc.VectorSubcoreMesh(core_axis_name="c", subcore_axis_name="s")

    @functools.partial(
        pl.kernel,
        mesh=mesh,
        out_type=[
            jax.ShapeDtypeStruct((N_PAD, OUT_CH), jnp.float32),
            jax.ShapeDtypeStruct((N_PAD, OUT_CH), jnp.float32),
            jax.ShapeDtypeStruct((N_PAD, 16), jnp.float32),
            jax.ShapeDtypeStruct((N_PAD, 16), jnp.float32),
        ],
        scratch_types=[
            [pltpu.VMEM((CHUNK,), jnp.int32) for _ in range(4)],
            [pltpu.VMEM((CHUNK,), jnp.int32) for _ in range(4)],
            [pltpu.VMEM((CHUNK,), jnp.int32) for _ in range(4)],
            [pltpu.VMEM((CHUNK,), jnp.int32) for _ in range(2)],
            [pltpu.VMEM((CHUNK, OUT_CH), jnp.float32) for _ in range(2)],
            [pltpu.VMEM((CHUNK, 16), jnp.float32) for _ in range(2)],
            pltpu.VMEM((8,), jnp.float32),
            pltpu.VMEM_SHARED((N_PAD, OUT_CH), jnp.float32),
            pltpu.VMEM_SHARED((N_PAD, 16), jnp.float32),
            [pltpu.SemaphoreType.DMA for _ in range(4)],
            [pltpu.SemaphoreType.DMA for _ in range(2)],
        ],
        compiler_params=dataclasses.replace(
            pltpu.CompilerParams(),
            needs_layout_passes=False,
            use_tc_tiling_on_sc=False,
        ),
    )
    def k(table_hbm, row_hbm, col_hbm, ty_hbm, w8_hbm,
          out0_hbm, out1_hbm, outd0_hbm, outd1_hbm,
          row_r, ty_r, col_r, gidx, rows, wv, wtbl, acc, accd, isem, gsem):
        cid = lax.axis_index("c")
        sid = lax.axis_index("s")
        wid = sid * NC + cid

        def idx_load(j, q):
            ci = j * NW + wid
            pltpu.async_copy(row_hbm.at[ci], row_r[q], isem[q])
            pltpu.async_copy(col_hbm.at[ci], col_r[q], isem[q])
            pltpu.async_copy(ty_hbm.at[ci], ty_r[q], isem[q])

        def idx_wait(q):
            pltpu.make_async_copy(row_hbm.at[0], row_r[q], isem[q]).wait()
            pltpu.make_async_copy(row_hbm.at[0], col_r[q], isem[q]).wait()
            pltpu.make_async_copy(row_hbm.at[0], ty_r[q], isem[q]).wait()

        def compute_gidx_w(q, x):
            lane = lax.iota(jnp.int32, 16)
            zero16 = jnp.zeros((16,), jnp.int32)
            for kk in range(CHUNK // 16):
                sl = pl.ds(kk * 16, 16)
                t16 = ty_r[q][sl]
                gidx[x][sl] = t16 * N_NODES + row_r[q][sl]
                w16 = plsc.load_gather(wtbl, [t16])
                plsc.store_scatter(wv[x], [kk * 16 + lane, zero16], w16)

        def gather_start(x):
            pltpu.async_copy(table_hbm.at[gidx[x]], rows[x], gsem[x])

        def gather_wait(x):
            pltpu.make_async_copy(table_hbm.at[gidx[x]], rows[x], gsem[x]).wait()

        def scatter(q, x):
            pltpu.sync_copy(rows[x], acc.at[col_r[q]], add=True)
            pltpu.sync_copy(wv[x], accd.at[col_r[q]], add=True)

        for q in range(4):
            idx_load(q, q)
        pltpu.sync_copy(w8_hbm, wtbl)

        @pl.loop(0, CHUNK)
        def _(r):
            for c in range(OUT_CH // 16):
                rows[1][r, pl.ds(c * 16, 16)] = jnp.zeros((16,), jnp.float32)

        @pl.loop(0, CHUNK)
        def _(r):
            wv[0][r, pl.ds(0, 16)] = jnp.zeros((16,), jnp.float32)
            wv[1][r, pl.ds(0, 16)] = jnp.zeros((16,), jnp.float32)

        sub0 = sid * rows_per_sub
        n_full = rows_per_sub // CHUNK
        for b in range(n_full):
            pltpu.sync_copy(rows[1], acc.at[pl.ds(sub0 + b * CHUNK, CHUNK)])
            pltpu.sync_copy(wv[1], accd.at[pl.ds(sub0 + b * CHUNK, CHUNK)])
        rem = rows_per_sub % CHUNK
        pltpu.sync_copy(rows[1].at[pl.ds(0, rem)],
                        acc.at[pl.ds(sub0 + n_full * CHUNK, rem)])
        pltpu.sync_copy(wv[1].at[pl.ds(0, rem)],
                        accd.at[pl.ds(sub0 + n_full * CHUNK, rem)])

        idx_wait(0)
        compute_gidx_w(0, 0)
        gather_start(0)
        plsc.subcore_barrier()

        @pl.loop(0, N_MAIN // 4)
        def _(m):
            j0 = 4 * m
            for r in range(4):
                x, xn, q, qn = r % 2, (r + 1) % 2, r, (r + 1) % 4
                idx_wait(qn)
                compute_gidx_w(qn, xn)
                gather_start(xn)
                gather_wait(x)
                scatter(q, x)
                idx_load(j0 + r + 4, q)

        for j in range(N_MAIN, N_UNIFORM):
            x, xn, q, qn = j % 2, (j + 1) % 2, j % 4, (j + 1) % 4
            if j + 1 < N_UNIFORM:
                idx_wait(qn)
                compute_gidx_w(qn, xn)
                gather_start(xn)
            gather_wait(x)
            scatter(q, x)
            if j + 4 < N_UNIFORM:
                idx_load(j + 4, q)

        @pl.when(wid < N_EXTRA)
        def _():
            ci = N_UNIFORM * NW + wid
            pltpu.async_copy(row_hbm.at[ci], row_r[0], isem[0])
            pltpu.async_copy(col_hbm.at[ci], col_r[0], isem[0])
            pltpu.async_copy(ty_hbm.at[ci], ty_r[0], isem[0])
            idx_wait(0)
            compute_gidx_w(0, 0)
            pltpu.async_copy(table_hbm.at[gidx[0]], rows[0], gsem[0]).wait()
            scatter(0, 0)

        plsc.subcore_barrier()
        sub_slc = pl.ds(sub0, rows_per_sub)

        @pl.when(cid == 0)
        def _():
            pltpu.sync_copy(acc.at[sub_slc], out0_hbm.at[sub_slc])
            pltpu.sync_copy(accd.at[sub_slc], outd0_hbm.at[sub_slc])

        @pl.when(cid == 1)
        def _():
            pltpu.sync_copy(acc.at[sub_slc], out1_hbm.at[sub_slc])
            pltpu.sync_copy(accd.at[sub_slc], outd1_hbm.at[sub_slc])

    return k(table, row2, col2, ty2, w8)


def _finalize(p0, p1, d0, d1, bias):

    def body(p0_ref, p1_ref, d0_ref, d1_ref, b_ref, o_ref):
        a = p0_ref[...] + p1_ref[...]
        deg = d0_ref[:, 0:1] + d1_ref[:, 0:1]
        inv = jnp.where(deg != 0.0, 1.0 / deg, 0.0)
        o_ref[...] = a * inv + b_ref[...]

    n_blk = N_NODES // ROW_BLK
    return pl.pallas_call(
        body,
        grid=(n_blk,),
        in_specs=[
            pl.BlockSpec((ROW_BLK, OUT_CH), lambda i: (i, 0)),
            pl.BlockSpec((ROW_BLK, OUT_CH), lambda i: (i, 0)),
            pl.BlockSpec((ROW_BLK, 16), lambda i: (i, 0)),
            pl.BlockSpec((ROW_BLK, 16), lambda i: (i, 0)),
            pl.BlockSpec((1, OUT_CH), lambda i: (0, 0)),
        ],
        out_specs=pl.BlockSpec((ROW_BLK, OUT_CH), lambda i: (i, 0)),
        out_shape=jax.ShapeDtypeStruct((N_NODES, OUT_CH), jnp.float32),
    )(p0, p1, d0, d1, bias)


def kernel(x_src, x_target, edge_index, edge_type, target_node_type,
           weight, bias, relation_weight):
    ei = edge_index.astype(jnp.int32)
    row2 = ei[0].reshape(N_CHUNKS, CHUNK)
    col2 = ei[1].reshape(N_CHUNKS, CHUNK)
    ty2 = edge_type.astype(jnp.int32).reshape(N_CHUNKS, CHUNK)
    rw = relation_weight.astype(jnp.float32)
    w7 = rw * SCALING
    w7 = jnp.where(w7 >= 0.0, w7, 0.01 * w7)
    w8 = jnp.pad(w7, (0, 1))
    table = _scaled_table(x_src, weight, rw)
    p0, p1, d0, d1 = _sc_aggregate(table, row2, col2, ty2, w8)
    return _finalize(p0, p1, d0, d1, bias.reshape(1, OUT_CH))

# --- scband reference (transcript-rebuilt; emitter-appended) ---
"""Pipeline reference for scband-regcn-23278722744746 (READ-ONLY COPY).

The authoritative reference and input builder live on the scoring server;
editing this copy changes nothing except your own understanding.
"""

import jax, jax.numpy as jnp
import numpy as np

N_NODES = 10000
N_EDGES = 320000
IN_CH = 128
OUT_CH = 128
NUM_EDGE_TYPES = 7
SCALING_FACTOR = 100.0


def setup_inputs(seed: int = 0) -> dict:
    key = jax.random.key(seed)
    k1, k2, k3, k4, k5, k6 = jax.random.split(key, 6)
    x_src = jax.random.normal(k1, (N_NODES, IN_CH), dtype=jnp.float32)
    x_target = jax.random.normal(k2, (N_NODES, IN_CH), dtype=jnp.float32)
    edge_index = jax.random.randint(k3, (2, N_EDGES), 0, N_NODES, dtype=jnp.int64)
    edge_type = jax.random.randint(k4, (N_EDGES,), 0, NUM_EDGE_TYPES, dtype=jnp.int64)
    target_node_type = jax.random.randint(k5, (N_NODES,), 0, 4, dtype=jnp.int64)
    # Parameters: xavier_uniform weight, zeros bias, relation_weight = 1/scaling_factor
    limit = float(np.sqrt(6.0 / (IN_CH + OUT_CH)))
    weight = jax.random.uniform(k6, (IN_CH, OUT_CH), minval=-limit, maxval=limit, dtype=jnp.float32)
    bias = jnp.zeros((OUT_CH,), dtype=jnp.float32)
    relation_weight = jnp.full((NUM_EDGE_TYPES,), 1.0 / SCALING_FACTOR, dtype=jnp.float32)
    return {
        "x_src": x_src,
        "x_target": x_target,
        "edge_index": edge_index,
        "edge_type": edge_type,
        "target_node_type": target_node_type,
        "weight": weight,
        "bias": bias,
        "relation_weight": relation_weight,
    }


def reference(x_src, x_target, edge_index, edge_type, target_node_type, weight, bias, relation_weight):
    # self_loop_type in [1, 3]: one-hot edge-type features (scatter_ of 1.0)
    e_feat = jax.nn.one_hot(edge_type, NUM_EDGE_TYPES, dtype=x_src.dtype)
    # linear transform of source and target features
    xs = jnp.matmul(x_src, weight)
    xt = jnp.matmul(x_target, weight)
    # relation weights
    rw = relation_weight * SCALING_FACTOR
    rw = jax.nn.leaky_relu(rw)  # negative_slope=0.01 matches torch default
    edge_weight = jnp.matmul(e_feat, rw)  # [E]
    row = edge_index[0]
    col = edge_index[1]
    # weighted_degree normalization (use_softmax=False)
    n_target = xt.shape[0]
    deg = jax.ops.segment_sum(edge_weight, col, num_segments=n_target)
    deg_inv = deg ** (-1.0)
    norm = deg_inv[col]
    ew = edge_weight * norm
    # dropout p=0.0 -> identity
    # propagate (aggr='add'): message = ew * x_j, scatter-add at col
    msgs = ew[:, None] * jnp.take(xs, row, axis=0)
    aggr = jax.ops.segment_sum(msgs, col, num_segments=n_target)
    # update: add bias
    out = aggr + bias
    return out

if __name__ == "__main__":
    import jax
    _d = setup_inputs()
    print(jax.jit(kernel)(*tuple(_d.values())))

</pallas_src>

<mosaic_0001>
#map = affine_map<(d0, d1) -> (0, 0)>
#map1 = affine_map<(d0, d1) -> (0)>
module attributes {stable_mosaic.version = 14 : i64} {
  func.func @k(%arg0: i32, %arg1: i32, %arg2: memref<70000x128xf32, #tpu.memory_space<hbm>>, %arg3: memref<2500x128xi32, #tpu.memory_space<hbm>>, %arg4: memref<2500x128xi32, #tpu.memory_space<hbm>>, %arg5: memref<2500x128xi32, #tpu.memory_space<hbm>>, %arg6: memref<8xf32, #tpu.memory_space<hbm>>, %arg7: memref<10112x128xf32, #tpu.memory_space<hbm>>, %arg8: memref<10112x128xf32, #tpu.memory_space<hbm>>, %arg9: memref<10112x16xf32, #tpu.memory_space<hbm>>, %arg10: memref<10112x16xf32, #tpu.memory_space<hbm>>, %arg11: memref<128xi32, #tpu.memory_space<vmem>>, %arg12: memref<128xi32, #tpu.memory_space<vmem>>, %arg13: memref<128xi32, #tpu.memory_space<vmem>>, %arg14: memref<128xi32, #tpu.memory_space<vmem>>, %arg15: memref<128xi32, #tpu.memory_space<vmem>>, %arg16: memref<128xi32, #tpu.memory_space<vmem>>, %arg17: memref<128xi32, #tpu.memory_space<vmem>>, %arg18: memref<128xi32, #tpu.memory_space<vmem>>, %arg19: memref<128xi32, #tpu.memory_space<vmem>>, %arg20: memref<128xi32, #tpu.memory_space<vmem>>, %arg21: memref<128xi32, #tpu.memory_space<vmem>>, %arg22: memref<128xi32, #tpu.memory_space<vmem>>, %arg23: memref<128xi32, #tpu.memory_space<vmem>>, %arg24: memref<128xi32, #tpu.memory_space<vmem>>, %arg25: memref<128x128xf32, #tpu.memory_space<vmem>>, %arg26: memref<128x128xf32, #tpu.memory_space<vmem>>, %arg27: memref<128x16xf32, #tpu.memory_space<vmem>>, %arg28: memref<128x16xf32, #tpu.memory_space<vmem>>, %arg29: memref<8xf32, #tpu.memory_space<vmem>>, %arg30: memref<10112x128xf32, #tpu.memory_space<vmem_shared>>, %arg31: memref<10112x16xf32, #tpu.memory_space<vmem_shared>>, %arg32: memref<!tpu.dma_semaphore, #tpu.memory_space<semaphore_mem>>, %arg33: memref<!tpu.dma_semaphore, #tpu.memory_space<semaphore_mem>>, %arg34: memref<!tpu.dma_semaphore, #tpu.memory_space<semaphore_mem>>, %arg35: memref<!tpu.dma_semaphore, #tpu.memory_space<semaphore_mem>>, %arg36: memref<!tpu.dma_semaphore, #tpu.memory_space<semaphore_mem>>, %arg37: memref<!tpu.dma_semaphore, #tpu.memory_space<semaphore_mem>>) attributes {dimension_semantics = [#tpu.dimension_semantics<core_parallel>, #tpu.dimension_semantics<subcore_parallel>], iteration_bounds = array<i64: 2, 16>, scalar_prefetch = 0 : i64, scratch_operands = 27 : i64, tpu.core_type = #tpu.core_type<sc_vector_subcore>, window_params = [{transform_indices = #map}, {transform_indices = #map}, {transform_indices = #map}, {transform_indices = #map}, {transform_indices = #map1}, {transform_indices = #map}, {transform_indices = #map}, {transform_indices = #map}, {transform_indices = #map}]} {
    %mul3A = arith.constant 2 : i32
    %mul3A_0 = arith.muli %arg1, %mul3A : i32
    %add3A = arith.addi %mul3A_0, %arg0 : i32
    %add3A_1 = arith.constant 0 : i32
    %add3A_2 = arith.addi %add3A_1, %add3A : i32
    %dma_start3A = arith.constant 0 : i32
    %dma_start3A_3 = tpu.memref_slice %arg3[%add3A_2, %dma_start3A] : memref<2500x128xi32, #tpu.memory_space<hbm>> -> memref<1x128xi32, #tpu.memory_space<hbm>>
    %dma_start3A_4 = tpu.memref_squeeze %dma_start3A_3 : memref<1x128xi32, #tpu.memory_space<hbm>> -> memref<128xi32, #tpu.memory_space<hbm>>
    %dma_start3A_5 = arith.constant 0 : i32
    %dma_start3A_6 = tpu.memref_slice %arg3[%add3A_2, %dma_start3A_5] : memref<2500x128xi32, #tpu.memory_space<hbm>> -> memref<1x128xi32, #tpu.memory_space<hbm>>
    %dma_start3A_7 = tpu.memref_squeeze %dma_start3A_6 : memref<1x128xi32, #tpu.memory_space<hbm>> -> memref<128xi32, #tpu.memory_space<hbm>>
    tpu.enqueue_dma source(%dma_start3A_7 : memref<128xi32, #tpu.memory_space<hbm>>) target(%arg11 : memref<128xi32, #tpu.memory_space<vmem>>) target_semaphore(%arg32 : memref<!tpu.dma_semaphore, #tpu.memory_space<semaphore_mem>>)
    %dma_start3A_8 = arith.constant 0 : i32
    %dma_start3A_9 = tpu.memref_slice %arg4[%add3A_2, %dma_start3A_8] : memref<2500x128xi32, #tpu.memory_space<hbm>> -> memref<1x128xi32, #tpu.memory_space<hbm>>
    %dma_start3A_10 = tpu.memref_squeeze %dma_start3A_9 : memref<1x128xi32, #tpu.memory_space<hbm>> -> memref<128xi32, #tpu.memory_space<hbm>>
    %dma_start3A_11 = arith.constant 0 : i32
    %dma_start3A_12 = tpu.memref_slice %arg4[%add3A_2, %dma_start3A_11] : memref<2500x128xi32, #tpu.memory_space<hbm>> -> memref<1x128xi32, #tpu.memory_space<hbm>>
    %dma_start3A_13 = tpu.memref_squeeze %dma_start3A_12 : memref<1x128xi32, #tpu.memory_space<hbm>> -> memref<128xi32, #tpu.memory_space<hbm>>
    tpu.enqueue_dma source(%dma_start3A_13 : memref<128xi32, #tpu.memory_space<hbm>>) target(%arg19 : memref<128xi32, #tpu.memory_space<vmem>>) target_semaphore(%arg32 : memref<!tpu.dma_semaphore, #tpu.memory_space<semaphore_mem>>)
    %dma_start3A_14 = arith.constant 0 : i32
    %dma_start3A_15 = tpu.memref_slice %arg5[%add3A_2, %dma_start3A_14] : memref<2500x128xi32, #tpu.memory_space<hbm>> -> memref<1x128xi32, #tpu.memory_space<hbm>>
    %dma_start3A_16 = tpu.memref_squeeze %dma_start3A_15 : memref<1x128xi32, #tpu.memory_space<hbm>> -> memref<128xi32, #tpu.memory_space<hbm>>
    %dma_start3A_17 = arith.constant 0 : i32
    %dma_start3A_18 = tpu.memref_slice %arg5[%add3A_2, %dma_start3A_17] : memref<2500x128xi32, #tpu.memory_space<hbm>> -> memref<1x128xi32, #tpu.memory_space<hbm>>
    %dma_start3A_19 = tpu.memref_squeeze %dma_start3A_18 : memref<1x128xi32, #tpu.memory_space<hbm>> -> memref<128xi32, #tpu.memory_space<hbm>>
    tpu.enqueue_dma source(%dma_start3A_19 : memref<128xi32, #tpu.memory_space<hbm>>) target(%arg15 : memref<128xi32, #tpu.memory_space<vmem>>) target_semaphore(%arg32 : memref<!tpu.dma_semaphore, #tpu.memory_space<semaphore_mem>>)
    %add3A_20 = arith.constant 32 : i32
    %add3A_21 = arith.addi %add3A_20, %add3A : i32
    %dma_start3A_22 = arith.constant 0 : i32
    %dma_start3A_23 = tpu.memref_slice %arg3[%add3A_21, %dma_start3A_22] : memref<2500x128xi32, #tpu.memory_space<hbm>> -> memref<1x128xi32, #tpu.memory_space<hbm>>
    %dma_start3A_24 = tpu.memref_squeeze %dma_start3A_23 : memref<1x128xi32, #tpu.memory_space<hbm>> -> memref<128xi32, #tpu.memory_space<hbm>>
    %dma_start3A_25 = arith.constant 0 : i32
    %dma_start3A_26 = tpu.memref_slice %arg3[%add3A_21, %dma_start3A_25] : memref<2500x128xi32, #tpu.memory_space<hbm>> -> memref<1x128xi32, #tpu.memory_space<hbm>>
    %dma_start3A_27 = tpu.memref_squeeze %dma_start3A_26 : memref<1x128xi32, #tpu.memory_space<hbm>> -> memref<128xi32, #tpu.memory_space<hbm>>
    tpu.enqueue_dma source(%dma_start3A_27 : memref<128xi32, #tpu.memory_space<hbm>>) target(%arg12 : memref<128xi32, #tpu.memory_space<vmem>>) target_semaphore(%arg33 : memref<!tpu.dma_semaphore, #tpu.memory_space<semaphore_mem>>)
    %dma_start3A_28 = arith.constant 0 : i32
    %dma_start3A_29 = tpu.memref_slice %arg4[%add3A_21, %dma_start3A_28] : memref<2500x128xi32, #tpu.memory_space<hbm>> -> memref<1x128xi32, #tpu.memory_space<hbm>>
    %dma_start3A_30 = tpu.memref_squeeze %dma_start3A_29 : memref<1x128xi32, #tpu.memory_space<hbm>> -> memref<128xi32, #tpu.memory_space<hbm>>
    %dma_start3A_31 = arith.constant 0 : i32
    %dma_start3A_32 = tpu.memref_slice %arg4[%add3A_21, %dma_start3A_31] : memref<2500x128xi32, #tpu.memory_space<hbm>> -> memref<1x128xi32, #tpu.memory_space<hbm>>
    %dma_start3A_33 = tpu.memref_squeeze %dma_start3A_32 : memref<1x128xi32, #tpu.memory_space<hbm>> -> memref<128xi32, #tpu.memory_space<hbm>>
    tpu.enqueue_dma source(%dma_start3A_33 : memref<128xi32, #tpu.memory_space<hbm>>) target(%arg20 : memref<128xi32, #tpu.memory_space<vmem>>) target_semaphore(%arg33 : memref<!tpu.dma_semaphore, #tpu.memory_space<semaphore_mem>>)
    %dma_start3A_34 = arith.constant 0 : i32
    %dma_start3A_35 = tpu.memref_slice %arg5[%add3A_21, %dma_start3A_34] : memref<2500x128xi32, #tpu.memory_space<hbm>> -> memref<1x128xi32, #tpu.memory_space<hbm>>
    %dma_start3A_36 = tpu.memref_squeeze %dma_start3A_35 : memref<1x128xi32, #tpu.memory_space<hbm>> -> memref<128xi32, #tpu.memory_space<hbm>>
    %dma_start3A_37 = arith.constant 0 : i32
    %dma_start3A_38 = tpu.memref_slice %arg5[%add3A_21, %dma_start3A_37] : memref<2500x128xi32, #tpu.memory_space<hbm>> -> memref<1x128xi32, #tpu.memory_space<hbm>>
    %dma_start3A_39 = tpu.memref_squeeze %dma_start3A_38 : memref<1x128xi32, #tpu.memory_space<hbm>> -> memref<128xi32, #tpu.memory_space<hbm>>
    tpu.enqueue_dma source(%dma_start3A_39 : memref<128xi32, #tpu.memory_space<hbm>>) target(%arg16 : memref<128xi32, #tpu.memory_space<vmem>>) target_semaphore(%arg33 : memref<!tpu.dma_semaphore, #tpu.memory_space<semaphore_mem>>)
    %add3A_40 = arith.constant 64 : i32
    %add3A_41 = arith.addi %add3A_40, %add3A : i32
    %dma_start3A_42 = arith.constant 0 : i32
    %dma_start3A_43 = tpu.memref_slice %arg3[%add3A_41, %dma_start3A_42] : memref<2500x128xi32, #tpu.memory_space<hbm>> -> memref<1x128xi32, #tpu.memory_space<hbm>>
    %dma_start3A_44 = tpu.memref_squeeze %dma_start3A_43 : memref<1x128xi32, #tpu.memory_space<hbm>> -> memref<128xi32, #tpu.memory_space<hbm>>
    %dma_start3A_45 = arith.constant 0 : i32
    %dma_start3A_46 = tpu.memref_slice %arg3[%add3A_41, %dma_start3A_45] : memref<2500x128xi32, #tpu.memory_space<hbm>> -> memref<1x128xi32, #tpu.memory_space<hbm>>
    %dma_start3A_47 = tpu.memref_squeeze %dma_start3A_46 : memref<1x128xi32, #tpu.memory_space<hbm>> -> memref<128xi32, #tpu.memory_space<hbm>>
    tpu.enqueue_dma source(%dma_start3A_47 : memref<128xi32, #tpu.memory_space<hbm>>) target(%arg13 : memref<128xi32, #tpu.memory_space<vmem>>) target_semaphore(%arg34 : memref<!tpu.dma_semaphore, #tpu.memory_space<semaphore_mem>>)
    %dma_start3A_48 = arith.constant 0 : i32
    %dma_start3A_49 = tpu.memref_slice %arg4[%add3A_41, %dma_start3A_48] : memref<2500x128xi32, #tpu.memory_space<hbm>> -> memref<1x128xi32, #tpu.memory_space<hbm>>
    %dma_start3A_50 = tpu.memref_squeeze %dma_start3A_49 : memref<1x128xi32, #tpu.memory_space<hbm>> -> memref<128xi32, #tpu.memory_space<hbm>>
    %dma_start3A_51 = arith.constant 0 : i32
    %dma_start3A_52 = tpu.memref_slice %arg4[%add3A_41, %dma_start3A_51] : memref<2500x128xi32, #tpu.memory_space<hbm>> -> memref<1x128xi32, #tpu.memory_space<hbm>>
    %dma_start3A_53 = tpu.memref_squeeze %dma_start3A_52 : memref<1x128xi32, #tpu.memory_space<hbm>> -> memref<128xi32, #tpu.memory_space<hbm>>
    tpu.enqueue_dma source(%dma_start3A_53 : memref<128xi32, #tpu.memory_space<hbm>>) target(%arg21 : memref<128xi32, #tpu.memory_space<vmem>>) target_semaphore(%arg34 : memref<!tpu.dma_semaphore, #tpu.memory_space<semaphore_mem>>)
    %dma_start3A_54 = arith.constant 0 : i32
    %dma_start3A_55 = tpu.memref_slice %arg5[%add3A_41, %dma_start3A_54] : memref<2500x128xi32, #tpu.memory_space<hbm>> -> memref<1x128xi32, #tpu.memory_space<hbm>>
    %dma_start3A_56 = tpu.memref_squeeze %dma_start3A_55 : memref<1x128xi32, #tpu.memory_space<hbm>> -> memref<128xi32, #tpu.memory_space<hbm>>
    %dma_start3A_57 = arith.constant 0 : i32
    %dma_start3A_58 = tpu.memref_slice %arg5[%add3A_41, %dma_start3A_57] : memref<2500x128xi32, #tpu.memory_space<hbm>> -> memref<1x128xi32, #tpu.memory_space<hbm>>
    %dma_start3A_59 = tpu.memref_squeeze %dma_start3A_58 : memref<1x128xi32, #tpu.memory_space<hbm>> -> memref<128xi32, #tpu.memory_space<hbm>>
    tpu.enqueue_dma source(%dma_start3A_59 : memref<128xi32, #tpu.memory_space<hbm>>) target(%arg17 : memref<128xi32, #tpu.memory_space<vmem>>) target_semaphore(%arg34 : memref<!tpu.dma_semaphore, #tpu.memory_space<semaphore_mem>>)
    %add3A_60 = arith.constant 96 : i32
    %add3A_61 = arith.addi %add3A_60, %add3A : i32
    %dma_start3A_62 = arith.constant 0 : i32
    %dma_start3A_63 = tpu.memref_slice %arg3[%add3A_61, %dma_start3A_62] : memref<2500x128xi32, #tpu.memory_space<hbm>> -> memref<1x128xi32, #tpu.memory_space<hbm>>
    %dma_start3A_64 = tpu.memref_squeeze %dma_start3A_63 : memref<1x128xi32, #tpu.memory_space<hbm>> -> memref<128xi32, #tpu.memory_space<hbm>>
    %dma_start3A_65 = arith.constant 0 : i32
    %dma_start3A_66 = tpu.memref_slice %arg3[%add3A_61, %dma_start3A_65] : memref<2500x128xi32, #tpu.memory_space<hbm>> -> memref<1x128xi32, #tpu.memory_space<hbm>>
    %dma_start3A_67 = tpu.memref_squeeze %dma_start3A_66 : memref<1x128xi32, #tpu.memory_space<hbm>> -> memref<128xi32, #tpu.memory_space<hbm>>
    tpu.enqueue_dma source(%dma_start3A_67 : memref<128xi32, #tpu.memory_space<hbm>>) target(%arg14 : memref<128xi32, #tpu.memory_space<vmem>>) target_semaphore(%arg35 : memref<!tpu.dma_semaphore, #tpu.memory_space<semaphore_mem>>)
    %dma_start3A_68 = arith.constant 0 : i32
    %dma_start3A_69 = tpu.memref_slice %arg4[%add3A_61, %dma_start3A_68] : memref<2500x128xi32, #tpu.memory_space<hbm>> -> memref<1x128xi32, #tpu.memory_space<hbm>>
    %dma_start3A_70 = tpu.memref_squeeze %dma_start3A_69 : memref<1x128xi32, #tpu.memory_space<hbm>> -> memref<128xi32, #tpu.memory_space<hbm>>
    %dma_start3A_71 = arith.constant 0 : i32
    %dma_start3A_72 = tpu.memref_slice %arg4[%add3A_61, %dma_start3A_71] : memref<2500x128xi32, #tpu.memory_space<hbm>> -> memref<1x128xi32, #tpu.memory_space<hbm>>
    %dma_start3A_73 = tpu.memref_squeeze %dma_start3A_72 : memref<1x128xi32, #tpu.memory_space<hbm>> -> memref<128xi32, #tpu.memory_space<hbm>>
    tpu.enqueue_dma source(%dma_start3A_73 : memref<128xi32, #tpu.memory_space<hbm>>) target(%arg22 : memref<128xi32, #tpu.memory_space<vmem>>) target_semaphore(%arg35 : memref<!tpu.dma_semaphore, #tpu.memory_space<semaphore_mem>>)
    %dma_start3A_74 = arith.constant 0 : i32
    %dma_start3A_75 = tpu.memref_slice %arg5[%add3A_61, %dma_start3A_74] : memref<2500x128xi32, #tpu.memory_space<hbm>> -> memref<1x128xi32, #tpu.memory_space<hbm>>
    %dma_start3A_76 = tpu.memref_squeeze %dma_start3A_75 : memref<1x128xi32, #tpu.memory_space<hbm>> -> memref<128xi32, #tpu.memory_space<hbm>>
    %dma_start3A_77 = arith.constant 0 : i32
    %dma_start3A_78 = tpu.memref_slice %arg5[%add3A_61, %dma_start3A_77] : memref<2500x128xi32, #tpu.memory_space<hbm>> -> memref<1x128xi32, #tpu.memory_space<hbm>>
    %dma_start3A_79 = tpu.memref_squeeze %dma_start3A_78 : memref<1x128xi32, #tpu.memory_space<hbm>> -> memref<128xi32, #tpu.memory_space<hbm>>
    tpu.enqueue_dma source(%dma_start3A_79 : memref<128xi32, #tpu.memory_space<hbm>>) target(%arg18 : memref<128xi32, #tpu.memory_space<vmem>>) target_semaphore(%arg35 : memref<!tpu.dma_semaphore, #tpu.memory_space<semaphore_mem>>)
    "tpu.region"() ({
      %run_scoped3A = tpu.sem_alloc : memref<!tpu.dma_semaphore, #tpu.memory_space<semaphore_mem>>
      tpu.enqueue_dma source(%arg6 : memref<8xf32, #tpu.memory_space<hbm>>) target(%arg29 : memref<8xf32, #tpu.memory_space<vmem>>) target_semaphore(%run_scoped3A : memref<!tpu.dma_semaphore, #tpu.memory_space<semaphore_mem>>)
      tpu.wait_dma2 semaphore(%run_scoped3A : memref<!tpu.dma_semaphore, #tpu.memory_space<semaphore_mem>>) src(%arg6 : memref<8xf32, #tpu.memory_space<hbm>>) dst(%arg29 : memref<8xf32, #tpu.memory_space<vmem>>)
      tpu.yield
    }) : () -> ()
    %scan3A = arith.constant 0 : i32
    %scan3A_80 = arith.constant 128 : i32
    %scan3A_81 = arith.addi %scan3A, %scan3A_80 : i32
    %scan3A_82 = arith.constant 1 : i32
    scf.for %scan3A_1014 = %scan3A to %scan3A_81 step %scan3A_82  : i32 {
      %mul3A_1015 = arith.constant 1 : i32
      %mul3A_1016 = arith.muli %scan3A_1014, %mul3A_1015 : i32
      %add3A_1017 = arith.constant 0 : i32
      %add3A_1018 = arith.addi %add3A_1017, %mul3A_1016 : i32
      %broadcast_in_dim3A_1019 = arith.constant 0.000000e+00 : f32
      %broadcast_in_dim3A_1020 = vector.broadcast %broadcast_in_dim3A_1019 : f32 to vector<16xf32>
      %swap3A_1021 = arith.index_cast %add3A_1018 : i32 to index
      %swap3A_1022 = arith.constant 0 : index
      %swap3A_1023 = tpu.vector_load %arg26[%swap3A_1021, %swap3A_1022] {strides = array<i32>} : memref<128x128xf32, #tpu.memory_space<vmem>>, vector<16xf32>,
      tpu.vector_store %arg26[%swap3A_1021, %swap3A_1022], %broadcast_in_dim3A_1020 {strides = array<i32>} : memref<128x128xf32, #tpu.memory_space<vmem>>, vector<16xf32>,
      %broadcast_in_dim3A_1024 = arith.constant 0.000000e+00 : f32
      %broadcast_in_dim3A_1025 = vector.broadcast %broadcast_in_dim3A_1024 : f32 to vector<16xf32>
      %swap3A_1026 = arith.index_cast %add3A_1018 : i32 to index
      %swap3A_1027 = arith.constant 16 : index
      %swap3A_1028 = tpu.vector_load %arg26[%swap3A_1026, %swap3A_1027] {strides = array<i32>} : memref<128x128xf32, #tpu.memory_space<vmem>>, vector<16xf32>,
      tpu.vector_store %arg26[%swap3A_1026, %swap3A_1027], %broadcast_in_dim3A_1025 {strides = array<i32>} : memref<128x128xf32, #tpu.memory_space<vmem>>, vector<16xf32>,
      %broadcast_in_dim3A_1029 = arith.constant 0.000000e+00 : f32
      %broadcast_in_dim3A_1030 = vector.broadcast %broadcast_in_dim3A_1029 : f32 to vector<16xf32>
      %swap3A_1031 = arith.index_cast %add3A_1018 : i32 to index
      %swap3A_1032 = arith.constant 32 : index
      %swap3A_1033 = tpu.vector_load %arg26[%swap3A_1031, %swap3A_1032] {strides = array<i32>} : memref<128x128xf32, #tpu.memory_space<vmem>>, vector<16xf32>,
      tpu.vector_store %arg26[%swap3A_1031, %swap3A_1032], %broadcast_in_dim3A_1030 {strides = array<i32>} : memref<128x128xf32, #tpu.memory_space<vmem>>, vector<16xf32>,
      %broadcast_in_dim3A_1034 = arith.constant 0.000000e+00 : f32
      %broadcast_in_dim3A_1035 = vector.broadcast %broadcast_in_dim3A_1034 : f32 to vector<16xf32>
      %swap3A_1036 = arith.index_cast %add3A_1018 : i32 to index
      %swap3A_1037 = arith.constant 48 : index
      %swap3A_1038 = tpu.vector_load %arg26[%swap3A_1036, %swap3A_1037] {strides = array<i32>} : memref<128x128xf32, #tpu.memory_space<vmem>>, vector<16xf32>,
      tpu.vector_store %arg26[%swap3A_1036, %swap3A_1037], %broadcast_in_dim3A_1035 {strides = array<i32>} : memref<128x128xf32, #tpu.memory_space<vmem>>, vector<16xf32>,
      %broadcast_in_dim3A_1039 = arith.constant 0.000000e+00 : f32
      %broadcast_in_dim3A_1040 = vector.broadcast %broadcast_in_dim3A_1039 : f32 to vector<16xf32>
      %swap3A_1041 = arith.index_cast %add3A_1018 : i32 to index
      %swap3A_1042 = arith.constant 64 : index
      %swap3A_1043 = tpu.vector_load %arg26[%swap3A_1041, %swap3A_1042] {strides = array<i32>} : memref<128x128xf32, #tpu.memory_space<vmem>>, vector<16xf32>,
      tpu.vector_store %arg26[%swap3A_1041, %swap3A_1042], %broadcast_in_dim3A_1040 {strides = array<i32>} : memref<128x128xf32, #tpu.memory_space<vmem>>, vector<16xf32>,
      %broadcast_in_dim3A_1044 = arith.constant 0.000000e+00 : f32
      %broadcast_in_dim3A_1045 = vector.broadcast %broadcast_in_dim3A_1044 : f32 to vector<16xf32>
      %swap3A_1046 = arith.index_cast %add3A_1018 : i32 to index
      %swap3A_1047 = arith.constant 80 : index
      %swap3A_1048 = tpu.vector_load %arg26[%swap3A_1046, %swap3A_1047] {strides = array<i32>} : memref<128x128xf32, #tpu.memory_space<vmem>>, vector<16xf32>,
      tpu.vector_store %arg26[%swap3A_1046, %swap3A_1047], %broadcast_in_dim3A_1045 {strides = array<i32>} : memref<128x128xf32, #tpu.memory_space<vmem>>, vector<16xf32>,
      %broadcast_in_dim3A_1049 = arith.constant 0.000000e+00 : f32
      %broadcast_in_dim3A_1050 = vector.broadcast %broadcast_in_dim3A_1049 : f32 to vector<16xf32>
      %swap3A_1051 = arith.index_cast %add3A_1018 : i32 to index
      %swap3A_1052 = arith.constant 96 : index
      %swap3A_1053 = tpu.vector_load %arg26[%swap3A_1051, %swap3A_1052] {strides = array<i32>} : memref<128x128xf32, #tpu.memory_space<vmem>>, vector<16xf32>,
      tpu.vector_store %arg26[%swap3A_1051, %swap3A_1052], %broadcast_in_dim3A_1050 {strides = array<i32>} : memref<128x128xf32, #tpu.memory_space<vmem>>, vector<16xf32>,
      %broadcast_in_dim3A_1054 = arith.constant 0.000000e+00 : f32
      %broadcast_in_dim3A_1055 = vector.broadcast %broadcast_in_dim3A_1054 : f32 to vector<16xf32>
      %swap3A_1056 = arith.index_cast %add3A_1018 : i32 to index
      %swap3A_1057 = arith.constant 112 : index
      %swap3A_1058 = tpu.vector_load %arg26[%swap3A_1056, %swap3A_1057] {strides = array<i32>} : memref<128x128xf32, #tpu.memory_space<vmem>>, vector<16xf32>,
      tpu.vector_store %arg26[%swap3A_1056, %swap3A_1057], %broadcast_in_dim3A_1055 {strides = array<i32>} : memref<128x128xf32, #tpu.memory_space<vmem>>, vector<16xf32>,
    }
    %scan3A_83 = arith.constant 128 : i32
    %scan3A_84 = arith.constant 0 : i32
    %scan3A_85 = arith.constant 128 : i32
    %scan3A_86 = arith.addi %scan3A_84, %scan3A_85 : i32
    %scan3A_87 = arith.constant 1 : i32
    scf.for %scan3A_1014 = %scan3A_84 to %scan3A_86 step %scan3A_87  : i32 {
      %mul3A_1015 = arith.constant 1 : i32
      %mul3A_1016 = arith.muli %scan3A_1014, %mul3A_1015 : i32
      %add3A_1017 = arith.constant 0 : i32
      %add3A_1018 = arith.addi %add3A_1017, %mul3A_1016 : i32
      %broadcast_in_dim3A_1019 = arith.constant 0.000000e+00 : f32
      %broadcast_in_dim3A_1020 = vector.broadcast %broadcast_in_dim3A_1019 : f32 to vector<16xf32>
      %swap3A_1021 = arith.index_cast %add3A_1018 : i32 to index
      %swap3A_1022 = arith.constant 0 : index
      %swap3A_1023 = tpu.vector_load %arg27[%swap3A_1021, %swap3A_1022] {strides = array<i32>} : memref<128x16xf32, #tpu.memory_space<vmem>>, vector<16xf32>,
      tpu.vector_store %arg27[%swap3A_1021, %swap3A_1022], %broadcast_in_dim3A_1020 {strides = array<i32>} : memref<128x16xf32, #tpu.memory_space<vmem>>, vector<16xf32>,
      %broadcast_in_dim3A_1024 = arith.constant 0.000000e+00 : f32
      %broadcast_in_dim3A_1025 = vector.broadcast %broadcast_in_dim3A_1024 : f32 to vector<16xf32>
      %swap3A_1026 = arith.index_cast %add3A_1018 : i32 to index
      %swap3A_1027 = arith.constant 0 : index
      %swap3A_1028 = tpu.vector_load %arg28[%swap3A_1026, %swap3A_1027] {strides = array<i32>} : memref<128x16xf32, #tpu.memory_space<vmem>>, vector<16xf32>,
      tpu.vector_store %arg28[%swap3A_1026, %swap3A_1027], %broadcast_in_dim3A_1025 {strides = array<i32>} : memref<128x16xf32, #tpu.memory_space<vmem>>, vector<16xf32>,
    }
    %scan3A_88 = arith.constant 128 : i32
    %mul3A_89 = arith.constant 632 : i32
    %mul3A_90 = arith.muli %arg1, %mul3A_89 : i32
    %add3A_91 = arith.constant 0 : i32
    %add3A_92 = arith.addi %mul3A_90, %add3A_91 : i32
    "tpu.region"() ({
      %run_scoped3A = tpu.sem_alloc : memref<!tpu.dma_semaphore, #tpu.memory_space<semaphore_mem>>
      %dma_start3A_1014 = arith.constant 0 : i32
      %dma_start3A_1015 = tpu.memref_slice %arg30[%add3A_92, %dma_start3A_1014] : memref<10112x128xf32, #tpu.memory_space<vmem_shared>> -> memref<128x128xf32, #tpu.memory_space<vmem_shared>>
      %dma_start3A_1016 = arith.constant 0 : i32
      %dma_start3A_1017 = tpu.memref_slice %arg30[%add3A_92, %dma_start3A_1016] : memref<10112x128xf32, #tpu.memory_space<vmem_shared>> -> memref<128x128xf32, #tpu.memory_space<vmem_shared>>
      tpu.enqueue_dma source(%arg26 : memref<128x128xf32, #tpu.memory_space<vmem>>) target(%dma_start3A_1017 : memref<128x128xf32, #tpu.memory_space<vmem_shared>>) target_semaphore(%run_scoped3A : memref<!tpu.dma_semaphore, #tpu.memory_space<semaphore_mem>>)
      %dma_wait3A_1018 = arith.constant 0 : i32
      %dma_wait3A_1019 = tpu.memref_slice %arg30[%add3A_92, %dma_wait3A_1018] : memref<10112x128xf32, #tpu.memory_space<vmem_shared>> -> memref<128x128xf32, #tpu.memory_space<vmem_shared>>
      %dma_wait3A_1020 = arith.constant 0 : i32
      %dma_wait3A_1021 = tpu.memref_slice %arg30[%add3A_92, %dma_wait3A_1020] : memref<10112x128xf32, #tpu.memory_space<vmem_shared>> -> memref<128x128xf32, #tpu.memory_space<vmem_shared>>
      tpu.wait_dma2 semaphore(%run_scoped3A : memref<!tpu.dma_semaphore, #tpu.memory_space<semaphore_mem>>) src(%arg26 : memref<128x128xf32, #tpu.memory_space<vmem>>) dst(%dma_wait3A_1021 : memref<128x128xf32, #tpu.memory_space<vmem_shared>>)
      tpu.yield
    }) : () -> ()
    %add3A_93 = arith.constant 0 : i32
    %add3A_94 = arith.addi %mul3A_90, %add3A_93 : i32
    "tpu.region"() ({
      %run_scoped3A = tpu.sem_alloc : memref<!tpu.dma_semaphore, #tpu.memory_space<semaphore_mem>>
      %dma_start3A_1014 = arith.constant 0 : i32
      %dma_start3A_1015 = tpu.memref_slice %arg31[%add3A_94, %dma_start3A_1014] : memref<10112x16xf32, #tpu.memory_space<vmem_shared>> -> memref<128x16xf32, #tpu.memory_space<vmem_shared>>
      %dma_start3A_1016 = arith.constant 0 : i32
      %dma_start3A_1017 = tpu.memref_slice %arg31[%add3A_94, %dma_start3A_1016] : memref<10112x16xf32, #tpu.memory_space<vmem_shared>> -> memref<128x16xf32, #tpu.memory_space<vmem_shared>>
      tpu.enqueue_dma source(%arg28 : memref<128x16xf32, #tpu.memory_space<vmem>>) target(%dma_start3A_1017 : memref<128x16xf32, #tpu.memory_space<vmem_shared>>) target_semaphore(%run_scoped3A : memref<!tpu.dma_semaphore, #tpu.memory_space<semaphore_mem>>)
      %dma_wait3A_1018 = arith.constant 0 : i32
      %dma_wait3A_1019 = tpu.memref_slice %arg31[%add3A_94, %dma_wait3A_1018] : memref<10112x16xf32, #tpu.memory_space<vmem_shared>> -> memref<128x16xf32, #tpu.memory_space<vmem_shared>>
      %dma_wait3A_1020 = arith.constant 0 : i32
      %dma_wait3A_1021 = tpu.memref_slice %arg31[%add3A_94, %dma_wait3A_1020] : memref<10112x16xf32, #tpu.memory_space<vmem_shared>> -> memref<128x16xf32, #tpu.memory_space<vmem_shared>>
      tpu.wait_dma2 semaphore(%run_scoped3A : memref<!tpu.dma_semaphore, #tpu.memory_space<semaphore_mem>>) src(%arg28 : memref<128x16xf32, #tpu.memory_space<vmem>>) dst(%dma_wait3A_1021 : memref<128x16xf32, #tpu.memory_space<vmem_shared>>)
      tpu.yield
    }) : () -> ()
    %add3A_95 = arith.constant 128 : i32
    %add3A_96 = arith.addi %mul3A_90, %add3A_95 : i32
    "tpu.region"() ({
      %run_scoped3A = tpu.sem_alloc : memref<!tpu.dma_semaphore, #tpu.memory_space<semaphore_mem>>
      %dma_start3A_1014 = arith.constant 0 : i32
      %dma_start3A_1015 = tpu.memref_slice %arg30[%add3A_96, %dma_start3A_1014] : memref<10112x128xf32, #tpu.memory_space<vmem_shared>> -> memref<128x128xf32, #tpu.memory_space<vmem_shared>>
      %dma_start3A_1016 = arith.constant 0 : i32
      %dma_start3A_1017 = tpu.memref_slice %arg30[%add3A_96, %dma_start3A_1016] : memref<10112x128xf32, #tpu.memory_space<vmem_shared>> -> memref<128x128xf32, #tpu.memory_space<vmem_shared>>
      tpu.enqueue_dma source(%arg26 : memref<128x128xf32, #tpu.memory_space<vmem>>) target(%dma_start3A_1017 : memref<128x128xf32, #tpu.memory_space<vmem_shared>>) target_semaphore(%run_scoped3A : memref<!tpu.dma_semaphore, #tpu.memory_space<semaphore_mem>>)
      %dma_wait3A_1018 = arith.constant 0 : i32
      %dma_wait3A_1019 = tpu.memref_slice %arg30[%add3A_96, %dma_wait3A_1018] : memref<10112x128xf32, #tpu.memory_space<vmem_shared>> -> memref<128x128xf32, #tpu.memory_space<vmem_shared>>
      %dma_wait3A_1020 = arith.constant 0 : i32
      %dma_wait3A_1021 = tpu.memref_slice %arg30[%add3A_96, %dma_wait3A_1020] : memref<10112x128xf32, #tpu.memory_space<vmem_shared>> -> memref<128x128xf32, #tpu.memory_space<vmem_shared>>
      tpu.wait_dma2 semaphore(%run_scoped3A : memref<!tpu.dma_semaphore, #tpu.memory_space<semaphore_mem>>) src(%arg26 : memref<128x128xf32, #tpu.memory_space<vmem>>) dst(%dma_wait3A_1021 : memref<128x128xf32, #tpu.memory_space<vmem_shared>>)
      tpu.yield
    }) : () -> ()
    %add3A_97 = arith.constant 128 : i32
    %add3A_98 = arith.addi %mul3A_90, %add3A_97 : i32
    "tpu.region"() ({
      %run_scoped3A = tpu.sem_alloc : memref<!tpu.dma_semaphore, #tpu.memory_space<semaphore_mem>>
      %dma_start3A_1014 = arith.constant 0 : i32
      %dma_start3A_1015 = tpu.memref_slice %arg31[%add3A_98, %dma_start3A_1014] : memref<10112x16xf32, #tpu.memory_space<vmem_shared>> -> memref<128x16xf32, #tpu.memory_space<vmem_shared>>
      %dma_start3A_1016 = arith.constant 0 : i32
      %dma_start3A_1017 = tpu.memref_slice %arg31[%add3A_98, %dma_start3A_1016] : memref<10112x16xf32, #tpu.memory_space<vmem_shared>> -> memref<128x16xf32, #tpu.memory_space<vmem_shared>>
      tpu.enqueue_dma source(%arg28 : memref<128x16xf32, #tpu.memory_space<vmem>>) target(%dma_start3A_1017 : memref<128x16xf32, #tpu.memory_space<vmem_shared>>) target_semaphore(%run_scoped3A : memref<!tpu.dma_semaphore, #tpu.memory_space<semaphore_mem>>)
      %dma_wait3A_1018 = arith.constant 0 : i32
      %dma_wait3A_1019 = tpu.memref_slice %arg31[%add3A_98, %dma_wait3A_1018] : memref<10112x16xf32, #tpu.memory_space<vmem_shared>> -> memref<128x16xf32, #tpu.memory_space<vmem_shared>>
      %dma_wait3A_1020 = arith.constant 0 : i32
      %dma_wait3A_1021 = tpu.memref_slice %arg31[%add3A_98, %dma_wait3A_1020] : memref<10112x16xf32, #tpu.memory_space<vmem_shared>> -> memref<128x16xf32, #tpu.memory_space<vmem_shared>>
      tpu.wait_dma2 semaphore(%run_scoped3A : memref<!tpu.dma_semaphore, #tpu.memory_space<semaphore_mem>>) src(%arg28 : memref<128x16xf32, #tpu.memory_space<vmem>>) dst(%dma_wait3A_1021 : memref<128x16xf32, #tpu.memory_space<vmem_shared>>)
      tpu.yield
    }) : () -> ()
    %add3A_99 = arith.constant 256 : i32
    %add3A_100 = arith.addi %mul3A_90, %add3A_99 : i32
    "tpu.region"() ({
      %run_scoped3A = tpu.sem_alloc : memref<!tpu.dma_semaphore, #tpu.memory_space<semaphore_mem>>
      %dma_start3A_1014 = arith.constant 0 : i32
      %dma_start3A_1015 = tpu.memref_slice %arg30[%add3A_100, %dma_start3A_1014] : memref<10112x128xf32, #tpu.memory_space<vmem_shared>> -> memref<128x128xf32, #tpu.memory_space<vmem_shared>>
      %dma_start3A_1016 = arith.constant 0 : i32
      %dma_start3A_1017 = tpu.memref_slice %arg30[%add3A_100, %dma_start3A_1016] : memref<10112x128xf32, #tpu.memory_space<vmem_shared>> -> memref<128x128xf32, #tpu.memory_space<vmem_shared>>
      tpu.enqueue_dma source(%arg26 : memref<128x128xf32, #tpu.memory_space<vmem>>) target(%dma_start3A_1017 : memref<128x128xf32, #tpu.memory_space<vmem_shared>>) target_semaphore(%run_scoped3A : memref<!tpu.dma_semaphore, #tpu.memory_space<semaphore_mem>>)
      %dma_wait3A_1018 = arith.constant 0 : i32
      %dma_wait3A_1019 = tpu.memref_slice %arg30[%add3A_100, %dma_wait3A_1018] : memref<10112x128xf32, #tpu.memory_space<vmem_shared>> -> memref<128x128xf32, #tpu.memory_space<vmem_shared>>
      %dma_wait3A_1020 = arith.constant 0 : i32
      %dma_wait3A_1021 = tpu.memref_slice %arg30[%add3A_100, %dma_wait3A_1020] : memref<10112x128xf32, #tpu.memory_space<vmem_shared>> -> memref<128x128xf32, #tpu.memory_space<vmem_shared>>
      tpu.wait_dma2 semaphore(%run_scoped3A : memref<!tpu.dma_semaphore, #tpu.memory_space<semaphore_mem>>) src(%arg26 : memref<128x128xf32, #tpu.memory_space<vmem>>) dst(%dma_wait3A_1021 : memref<128x128xf32, #tpu.memory_space<vmem_shared>>)
      tpu.yield
    }) : () -> ()
    %add3A_101 = arith.constant 256 : i32
    %add3A_102 = arith.addi %mul3A_90, %add3A_101 : i32
    "tpu.region"() ({
      %run_scoped3A = tpu.sem_alloc : memref<!tpu.dma_semaphore, #tpu.memory_space<semaphore_mem>>
      %dma_start3A_1014 = arith.constant 0 : i32
      %dma_start3A_1015 = tpu.memref_slice %arg31[%add3A_102, %dma_start3A_1014] : memref<10112x16xf32, #tpu.memory_space<vmem_shared>> -> memref<128x16xf32, #tpu.memory_space<vmem_shared>>
      %dma_start3A_1016 = arith.constant 0 : i32
      %dma_start3A_1017 = tpu.memref_slice %arg31[%add3A_102, %dma_start3A_1016] : memref<10112x16xf32, #tpu.memory_space<vmem_shared>> -> memref<128x16xf32, #tpu.memory_space<vmem_shared>>
      tpu.enqueue_dma source(%arg28 : memref<128x16xf32, #tpu.memory_space<vmem>>) target(%dma_start3A_1017 : memref<128x16xf32, #tpu.memory_space<vmem_shared>>) target_semaphore(%run_scoped3A : memref<!tpu.dma_semaphore, #tpu.memory_space<semaphore_mem>>)
      %dma_wait3A_1018 = arith.constant 0 : i32
      %dma_wait3A_1019 = tpu.memref_slice %arg31[%add3A_102, %dma_wait3A_1018] : memref<10112x16xf32, #tpu.memory_space<vmem_shared>> -> memref<128x16xf32, #tpu.memory_space<vmem_shared>>
      %dma_wait3A_1020 = arith.constant 0 : i32
      %dma_wait3A_1021 = tpu.memref_slice %arg31[%add3A_102, %dma_wait3A_1020] : memref<10112x16xf32, #tpu.memory_space<vmem_shared>> -> memref<128x16xf32, #tpu.memory_space<vmem_shared>>
      tpu.wait_dma2 semaphore(%run_scoped3A : memref<!tpu.dma_semaphore, #tpu.memory_space<semaphore_mem>>) src(%arg28 : memref<128x16xf32, #tpu.memory_space<vmem>>) dst(%dma_wait3A_1021 : memref<128x16xf32, #tpu.memory_space<vmem_shared>>)
      tpu.yield
    }) : () -> ()
    %add3A_103 = arith.constant 384 : i32
    %add3A_104 = arith.addi %mul3A_90, %add3A_103 : i32
    "tpu.region"() ({
      %run_scoped3A = tpu.sem_alloc : memref<!tpu.dma_semaphore, #tpu.memory_space<semaphore_mem>>
      %dma_start3A_1014 = arith.constant 0 : i32
      %dma_start3A_1015 = tpu.memref_slice %arg30[%add3A_104, %dma_start3A_1014] : memref<10112x128xf32, #tpu.memory_space<vmem_shared>> -> memref<128x128xf32, #tpu.memory_space<vmem_shared>>
      %dma_start3A_1016 = arith.constant 0 : i32
      %dma_start3A_1017 = tpu.memref_slice %arg30[%add3A_104, %dma_start3A_1016] : memref<10112x128xf32, #tpu.memory_space<vmem_shared>> -> memref<128x128xf32, #tpu.memory_space<vmem_shared>>
      tpu.enqueue_dma source(%arg26 : memref<128x128xf32, #tpu.memory_space<vmem>>) target(%dma_start3A_1017 : memref<128x128xf32, #tpu.memory_space<vmem_shared>>) target_semaphore(%run_scoped3A : memref<!tpu.dma_semaphore, #tpu.memory_space<semaphore_mem>>)
      %dma_wait3A_1018 = arith.constant 0 : i32
      %dma_wait3A_1019 = tpu.memref_slice %arg30[%add3A_104, %dma_wait3A_1018] : memref<10112x128xf32, #tpu.memory_space<vmem_shared>> -> memref<128x128xf32, #tpu.memory_space<vmem_shared>>
      %dma_wait3A_1020 = arith.constant 0 : i32
      %dma_wait3A_1021 = tpu.memref_slice %arg30[%add3A_104, %dma_wait3A_1020] : memref<10112x128xf32, #tpu.memory_space<vmem_shared>> -> memref<128x128xf32, #tpu.memory_space<vmem_shared>>
      tpu.wait_dma2 semaphore(%run_scoped3A : memref<!tpu.dma_semaphore, #tpu.memory_space<semaphore_mem>>) src(%arg26 : memref<128x128xf32, #tpu.memory_space<vmem>>) dst(%dma_wait3A_1021 : memref<128x128xf32, #tpu.memory_space<vmem_shared>>)
      tpu.yield
    }) : () -> ()
    %add3A_105 = arith.constant 384 : i32
    %add3A_106 = arith.addi %mul3A_90, %add3A_105 : i32
    "tpu.region"() ({
      %run_scoped3A = tpu.sem_alloc : memref<!tpu.dma_semaphore, #tpu.memory_space<semaphore_mem>>
      %dma_start3A_1014 = arith.constant 0 : i32
      %dma_start3A_1015 = tpu.memref_slice %arg31[%add3A_106, %dma_start3A_1014] : memref<10112x16xf32, #tpu.memory_space<vmem_shared>> -> memref<128x16xf32, #tpu.memory_space<vmem_shared>>
      %dma_start3A_1016 = arith.constant 0 : i32
      %dma_start3A_1017 = tpu.memref_slice %arg31[%add3A_106, %dma_start3A_1016] : memref<10112x16xf32, #tpu.memory_space<vmem_shared>> -> memref<128x16xf32, #tpu.memory_space<vmem_shared>>
      tpu.enqueue_dma source(%arg28 : memref<128x16xf32, #tpu.memory_space<vmem>>) target(%dma_start3A_1017 : memref<128x16xf32, #tpu.memory_space<vmem_shared>>) target_semaphore(%run_scoped3A : memref<!tpu.dma_semaphore, #tpu.memory_space<semaphore_mem>>)
      %dma_wait3A_1018 = arith.constant 0 : i32
      %dma_wait3A_1019 = tpu.memref_slice %arg31[%add3A_106, %dma_wait3A_1018] : memref<10112x16xf32, #tpu.memory_space<vmem_shared>> -> memref<128x16xf32, #tpu.memory_space<vmem_shared>>
      %dma_wait3A_1020 = arith.constant 0 : i32
      %dma_wait3A_1021 = tpu.memref_slice %arg31[%add3A_106, %dma_wait3A_1020] : memref<10112x16xf32, #tpu.memory_space<vmem_shared>> -> memref<128x16xf32, #tpu.memory_space<vmem_shared>>
      tpu.wait_dma2 semaphore(%run_scoped3A : memref<!tpu.dma_semaphore, #tpu.memory_space<semaphore_mem>>) src(%arg28 : memref<128x16xf32, #tpu.memory_space<vmem>>) dst(%dma_wait3A_1021 : memref<128x16xf32, #tpu.memory_space<vmem_shared>>)
      tpu.yield
    }) : () -> ()
    %add3A_107 = arith.constant 512 : i32
    %add3A_108 = arith.addi %mul3A_90, %add3A_107 : i32
    "tpu.region"() ({
      %run_scoped3A = tpu.sem_alloc : memref<!tpu.dma_semaphore, #tpu.memory_space<semaphore_mem>>
      %dma_start3A_1014 = arith.constant 0 : i32
      %dma_start3A_1015 = arith.constant 0 : i32
      %dma_start3A_1016 = tpu.memref_slice %arg26[%dma_start3A_1014, %dma_start3A_1015] : memref<128x128xf32, #tpu.memory_space<vmem>> -> memref<120x128xf32, #tpu.memory_space<vmem>>
      %dma_start3A_1017 = arith.constant 0 : i32
      %dma_start3A_1018 = tpu.memref_slice %arg30[%add3A_108, %dma_start3A_1017] : memref<10112x128xf32, #tpu.memory_space<vmem_shared>> -> memref<120x128xf32, #tpu.memory_space<vmem_shared>>
      %dma_start3A_1019 = arith.constant 0 : i32
      %dma_start3A_1020 = tpu.memref_slice %arg30[%add3A_108, %dma_start3A_1019] : memref<10112x128xf32, #tpu.memory_space<vmem_shared>> -> memref<120x128xf32, #tpu.memory_space<vmem_shared>>
      %dma_start3A_1021 = arith.constant 0 : i32
      %dma_start3A_1022 = arith.constant 0 : i32
      %dma_start3A_1023 = tpu.memref_slice %arg26[%dma_start3A_1021, %dma_start3A_1022] : memref<128x128xf32, #tpu.memory_space<vmem>> -> memref<120x128xf32, #tpu.memory_space<vmem>>
      tpu.enqueue_dma source(%dma_start3A_1023 : memref<120x128xf32, #tpu.memory_space<vmem>>) target(%dma_start3A_1020 : memref<120x128xf32, #tpu.memory_space<vmem_shared>>) target_semaphore(%run_scoped3A : memref<!tpu.dma_semaphore, #tpu.memory_space<semaphore_mem>>)
      %dma_wait3A_1024 = arith.constant 0 : i32
      %dma_wait3A_1025 = arith.constant 0 : i32
      %dma_wait3A_1026 = tpu.memref_slice %arg26[%dma_wait3A_1024, %dma_wait3A_1025] : memref<128x128xf32, #tpu.memory_space<vmem>> -> memref<120x128xf32, #tpu.memory_space<vmem>>
      %dma_wait3A_1027 = arith.constant 0 : i32
      %dma_wait3A_1028 = tpu.memref_slice %arg30[%add3A_108, %dma_wait3A_1027] : memref<10112x128xf32, #tpu.memory_space<vmem_shared>> -> memref<120x128xf32, #tpu.memory_space<vmem_shared>>
      %dma_wait3A_1029 = arith.constant 0 : i32
      %dma_wait3A_1030 = tpu.memref_slice %arg30[%add3A_108, %dma_wait3A_1029] : memref<10112x128xf32, #tpu.memory_space<vmem_shared>> -> memref<120x128xf32, #tpu.memory_space<vmem_shared>>
      %dma_wait3A_1031 = arith.constant 0 : i32
      %dma_wait3A_1032 = arith.constant 0 : i32
      %dma_wait3A_1033 = tpu.memref_slice %arg26[%dma_wait3A_1031, %dma_wait3A_1032] : memref<128x128xf32, #tpu.memory_space<vmem>> -> memref<120x128xf32, #tpu.memory_space<vmem>>
      tpu.wait_dma2 semaphore(%run_scoped3A : memref<!tpu.dma_semaphore, #tpu.memory_space<semaphore_mem>>) src(%dma_wait3A_1033 : memref<120x128xf32, #tpu.memory_space<vmem>>) dst(%dma_wait3A_1030 : memref<120x128xf32, #tpu.memory_space<vmem_shared>>)
      tpu.yield
    }) : () -> ()
    %add3A_109 = arith.constant 512 : i32
    %add3A_110 = arith.addi %mul3A_90, %add3A_109 : i32
    "tpu.region"() ({
      %run_scoped3A = tpu.sem_alloc : memref<!tpu.dma_semaphore, #tpu.memory_space<semaphore_mem>>
      %dma_start3A_1014 = arith.constant 0 : i32
      %dma_start3A_1015 = arith.constant 0 : i32
      %dma_start3A_1016 = tpu.memref_slice %arg28[%dma_start3A_1014, %dma_start3A_1015] : memref<128x16xf32, #tpu.memory_space<vmem>> -> memref<120x16xf32, #tpu.memory_space<vmem>>
      %dma_start3A_1017 = arith.constant 0 : i32
      %dma_start3A_1018 = tpu.memref_slice %arg31[%add3A_110, %dma_start3A_1017] : memref<10112x16xf32, #tpu.memory_space<vmem_shared>> -> memref<120x16xf32, #tpu.memory_space<vmem_shared>>
      %dma_start3A_1019 = arith.constant 0 : i32
      %dma_start3A_1020 = tpu.memref_slice %arg31[%add3A_110, %dma_start3A_1019] : memref<10112x16xf32, #tpu.memory_space<vmem_shared>> -> memref<120x16xf32, #tpu.memory_space<vmem_shared>>
      %dma_start3A_1021 = arith.constant 0 : i32
      %dma_start3A_1022 = arith.constant 0 : i32
      %dma_start3A_1023 = tpu.memref_slice %arg28[%dma_start3A_1021, %dma_start3A_1022] : memref<128x16xf32, #tpu.memory_space<vmem>> -> memref<120x16xf32, #tpu.memory_space<vmem>>
      tpu.enqueue_dma source(%dma_start3A_1023 : memref<120x16xf32, #tpu.memory_space<vmem>>) target(%dma_start3A_1020 : memref<120x16xf32, #tpu.memory_space<vmem_shared>>) target_semaphore(%run_scoped3A : memref<!tpu.dma_semaphore, #tpu.memory_space<semaphore_mem>>)
      %dma_wait3A_1024 = arith.constant 0 : i32
      %dma_wait3A_1025 = arith.constant 0 : i32
      %dma_wait3A_1026 = tpu.memref_slice %arg28[%dma_wait3A_1024, %dma_wait3A_1025] : memref<128x16xf32, #tpu.memory_space<vmem>> -> memref<120x16xf32, #tpu.memory_space<vmem>>
      %dma_wait3A_1027 = arith.constant 0 : i32
      %dma_wait3A_1028 = tpu.memref_slice %arg31[%add3A_110, %dma_wait3A_1027] : memref<10112x16xf32, #tpu.memory_space<vmem_shared>> -> memref<120x16xf32, #tpu.memory_space<vmem_shared>>
      %dma_wait3A_1029 = arith.constant 0 : i32
      %dma_wait3A_1030 = tpu.memref_slice %arg31[%add3A_110, %dma_wait3A_1029] : memref<10112x16xf32, #tpu.memory_space<vmem_shared>> -> memref<120x16xf32, #tpu.memory_space<vmem_shared>>
      %dma_wait3A_1031 = arith.constant 0 : i32
      %dma_wait3A_1032 = arith.constant 0 : i32
      %dma_wait3A_1033 = tpu.memref_slice %arg28[%dma_wait3A_1031, %dma_wait3A_1032] : memref<128x16xf32, #tpu.memory_space<vmem>> -> memref<120x16xf32, #tpu.memory_space<vmem>>
      tpu.wait_dma2 semaphore(%run_scoped3A : memref<!tpu.dma_semaphore, #tpu.memory_space<semaphore_mem>>) src(%dma_wait3A_1033 : memref<120x16xf32, #tpu.memory_space<vmem>>) dst(%dma_wait3A_1030 : memref<120x16xf32, #tpu.memory_space<vmem_shared>>)
      tpu.yield
    }) : () -> ()
    %dma_wait3A = arith.constant 0 : i32
    %dma_wait3A_111 = arith.constant 0 : i32
    %dma_wait3A_112 = tpu.memref_slice %arg3[%dma_wait3A, %dma_wait3A_111] : memref<2500x128xi32, #tpu.memory_space<hbm>> -> memref<1x128xi32, #tpu.memory_space<hbm>>
    %dma_wait3A_113 = tpu.memref_squeeze %dma_wait3A_112 : memref<1x128xi32, #tpu.memory_space<hbm>> -> memref<128xi32, #tpu.memory_space<hbm>>
    %dma_wait3A_114 = arith.constant 0 : i32
    %dma_wait3A_115 = tpu.memref_slice %arg3[%dma_wait3A, %dma_wait3A_114] : memref<2500x128xi32, #tpu.memory_space<hbm>> -> memref<1x128xi32, #tpu.memory_space<hbm>>
    %dma_wait3A_116 = tpu.memref_squeeze %dma_wait3A_115 : memref<1x128xi32, #tpu.memory_space<hbm>> -> memref<128xi32, #tpu.memory_space<hbm>>
    tpu.wait_dma2 semaphore(%arg32 : memref<!tpu.dma_semaphore, #tpu.memory_space<semaphore_mem>>) src(%dma_wait3A_116 : memref<128xi32, #tpu.memory_space<hbm>>) dst(%arg11 : memref<128xi32, #tpu.memory_space<vmem>>)
    %dma_wait3A_117 = arith.constant 0 : i32
    %dma_wait3A_118 = arith.constant 0 : i32
    %dma_wait3A_119 = tpu.memref_slice %arg3[%dma_wait3A_117, %dma_wait3A_118] : memref<2500x128xi32, #tpu.memory_space<hbm>> -> memref<1x128xi32, #tpu.memory_space<hbm>>
    %dma_wait3A_120 = tpu.memref_squeeze %dma_wait3A_119 : memref<1x128xi32, #tpu.memory_space<hbm>> -> memref<128xi32, #tpu.memory_space<hbm>>
    %dma_wait3A_121 = arith.constant 0 : i32
    %dma_wait3A_122 = tpu.memref_slice %arg3[%dma_wait3A_117, %dma_wait3A_121] : memref<2500x128xi32, #tpu.memory_space<hbm>> -> memref<1x128xi32, #tpu.memory_space<hbm>>
    %dma_wait3A_123 = tpu.memref_squeeze %dma_wait3A_122 : memref<1x128xi32, #tpu.memory_space<hbm>> -> memref<128xi32, #tpu.memory_space<hbm>>
    tpu.wait_dma2 semaphore(%arg32 : memref<!tpu.dma_semaphore, #tpu.memory_space<semaphore_mem>>) src(%dma_wait3A_123 : memref<128xi32, #tpu.memory_space<hbm>>) dst(%arg19 : memref<128xi32, #tpu.memory_space<vmem>>)
    %dma_wait3A_124 = arith.constant 0 : i32
    %dma_wait3A_125 = arith.constant 0 : i32
    %dma_wait3A_126 = tpu.memref_slice %arg3[%dma_wait3A_124, %dma_wait3A_125] : memref<2500x128xi32, #tpu.memory_space<hbm>> -> memref<1x128xi32, #tpu.memory_space<hbm>>
    %dma_wait3A_127 = tpu.memref_squeeze %dma_wait3A_126 : memref<1x128xi32, #tpu.memory_space<hbm>> -> memref<128xi32, #tpu.memory_space<hbm>>
    %dma_wait3A_128 = arith.constant 0 : i32
    %dma_wait3A_129 = tpu.memref_slice %arg3[%dma_wait3A_124, %dma_wait3A_128] : memref<2500x128xi32, #tpu.memory_space<hbm>> -> memref<1x128xi32, #tpu.memory_space<hbm>>
    %dma_wait3A_130 = tpu.memref_squeeze %dma_wait3A_129 : memref<1x128xi32, #tpu.memory_space<hbm>> -> memref<128xi32, #tpu.memory_space<hbm>>
    tpu.wait_dma2 semaphore(%arg32 : memref<!tpu.dma_semaphore, #tpu.memory_space<semaphore_mem>>) src(%dma_wait3A_130 : memref<128xi32, #tpu.memory_space<hbm>>) dst(%arg15 : memref<128xi32, #tpu.memory_space<vmem>>)
    %iota3A = tpu.iota {dimensions = array<i32: 0>} : vector<16xi32>
    %broadcast_in_dim3A = arith.constant 0 : i32
    %broadcast_in_dim3A_131 = vector.broadcast %broadcast_in_dim3A : i32 to vector<16xi32>
    %get3A = arith.constant 0 : index
    %get3A_132 = tpu.vector_load %arg15[%get3A] {strides = array<i32>} : memref<128xi32, #tpu.memory_space<vmem>>, vector<16xi32>,
    %mul3A_133 = arith.constant 10000 : i32
    %mul3A_134 = vector.broadcast %mul3A_133 : i32 to vector<16xi32>
    %mul3A_135 = arith.muli %get3A_132, %mul3A_134 : vector<16xi32>
    %get3A_136 = arith.constant 0 : index
    %get3A_137 = tpu.vector_load %arg11[%get3A_136] {strides = array<i32>} : memref<128xi32, #tpu.memory_space<vmem>>, vector<16xi32>,
    %add3A_138 = arith.addi %mul3A_135, %get3A_137 : vector<16xi32>
    %swap3A = arith.constant 0 : index
    %swap3A_139 = tpu.vector_load %arg23[%swap3A] {strides = array<i32>} : memref<128xi32, #tpu.memory_space<vmem>>, vector<16xi32>,
    tpu.vector_store %arg23[%swap3A], %add3A_138 {strides = array<i32>} : memref<128xi32, #tpu.memory_space<vmem>>, vector<16xi32>,
    %gather3A = tpu.vector_load_idx %arg29[%get3A_132] : memref<8xf32, #tpu.memory_space<vmem>>[vector<16xi32>], vector<16xf32>,
    %add3A_140 = arith.constant 0 : i32
    %add3A_141 = vector.broadcast %add3A_140 : i32 to vector<16xi32>
    %add3A_142 = arith.addi %add3A_141, %iota3A : vector<16xi32>
    tpu.vector_store_idx %arg27[%add3A_142, %broadcast_in_dim3A_131], %gather3A : memref<128x16xf32, #tpu.memory_space<vmem>>[vector<16xi32>, vector<16xi32>], vector<16xf32>,
    %get3A_143 = arith.constant 16 : index
    %get3A_144 = tpu.vector_load %arg15[%get3A_143] {strides = array<i32>} : memref<128xi32, #tpu.memory_space<vmem>>, vector<16xi32>,
    %mul3A_145 = arith.constant 10000 : i32
    %mul3A_146 = vector.broadcast %mul3A_145 : i32 to vector<16xi32>
    %mul3A_147 = arith.muli %get3A_144, %mul3A_146 : vector<16xi32>
    %get3A_148 = arith.constant 16 : index
    %get3A_149 = tpu.vector_load %arg11[%get3A_148] {strides = array<i32>} : memref<128xi32, #tpu.memory_space<vmem>>, vector<16xi32>,
    %add3A_150 = arith.addi %mul3A_147, %get3A_149 : vector<16xi32>
    %swap3A_151 = arith.constant 16 : index
    %swap3A_152 = tpu.vector_load %arg23[%swap3A_151] {strides = array<i32>} : memref<128xi32, #tpu.memory_space<vmem>>, vector<16xi32>,
    tpu.vector_store %arg23[%swap3A_151], %add3A_150 {strides = array<i32>} : memref<128xi32, #tpu.memory_space<vmem>>, vector<16xi32>,
    %gather3A_153 = tpu.vector_load_idx %arg29[%get3A_144] : memref<8xf32, #tpu.memory_space<vmem>>[vector<16xi32>], vector<16xf32>,
    %add3A_154 = arith.constant 16 : i32
    %add3A_155 = vector.broadcast %add3A_154 : i32 to vector<16xi32>
    %add3A_156 = arith.addi %add3A_155, %iota3A : vector<16xi32>
    tpu.vector_store_idx %arg27[%add3A_156, %broadcast_in_dim3A_131], %gather3A_153 : memref<128x16xf32, #tpu.memory_space<vmem>>[vector<16xi32>, vector<16xi32>], vector<16xf32>,
    %get3A_157 = arith.constant 32 : index
    %get3A_158 = tpu.vector_load %arg15[%get3A_157] {strides = array<i32>} : memref<128xi32, #tpu.memory_space<vmem>>, vector<16xi32>,
    %mul3A_159 = arith.constant 10000 : i32
    %mul3A_160 = vector.broadcast %mul3A_159 : i32 to vector<16xi32>
    %mul3A_161 = arith.muli %get3A_158, %mul3A_160 : vector<16xi32>
    %get3A_162 = arith.constant 32 : index
    %get3A_163 = tpu.vector_load %arg11[%get3A_162] {strides = array<i32>} : memref<128xi32, #tpu.memory_space<vmem>>, vector<16xi32>,
    %add3A_164 = arith.addi %mul3A_161, %get3A_163 : vector<16xi32>
    %swap3A_165 = arith.constant 32 : index
    %swap3A_166 = tpu.vector_load %arg23[%swap3A_165] {strides = array<i32>} : memref<128xi32, #tpu.memory_space<vmem>>, vector<16xi32>,
    tpu.vector_store %arg23[%swap3A_165], %add3A_164 {strides = array<i32>} : memref<128xi32, #tpu.memory_space<vmem>>, vector<16xi32>,
    %gather3A_167 = tpu.vector_load_idx %arg29[%get3A_158] : memref<8xf32, #tpu.memory_space<vmem>>[vector<16xi32>], vector<16xf32>,
    %add3A_168 = arith.constant 32 : i32
    %add3A_169 = vector.broadcast %add3A_168 : i32 to vector<16xi32>
    %add3A_170 = arith.addi %add3A_169, %iota3A : vector<16xi32>
    tpu.vector_store_idx %arg27[%add3A_170, %broadcast_in_dim3A_131], %gather3A_167 : memref<128x16xf32, #tpu.memory_space<vmem>>[vector<16xi32>, vector<16xi32>], vector<16xf32>,
    %get3A_171 = arith.constant 48 : index
    %get3A_172 = tpu.vector_load %arg15[%get3A_171] {strides = array<i32>} : memref<128xi32, #tpu.memory_space<vmem>>, vector<16xi32>,
    %mul3A_173 = arith.constant 10000 : i32
    %mul3A_174 = vector.broadcast %mul3A_173 : i32 to vector<16xi32>
    %mul3A_175 = arith.muli %get3A_172, %mul3A_174 : vector<16xi32>
    %get3A_176 = arith.constant 48 : index
    %get3A_177 = tpu.vector_load %arg11[%get3A_176] {strides = array<i32>} : memref<128xi32, #tpu.memory_space<vmem>>, vector<16xi32>,
    %add3A_178 = arith.addi %mul3A_175, %get3A_177 : vector<16xi32>
    %swap3A_179 = arith.constant 48 : index
    %swap3A_180 = tpu.vector_load %arg23[%swap3A_179] {strides = array<i32>} : memref<128xi32, #tpu.memory_space<vmem>>, vector<16xi32>,
    tpu.vector_store %arg23[%swap3A_179], %add3A_178 {strides = array<i32>} : memref<128xi32, #tpu.memory_space<vmem>>, vector<16xi32>,
    %gather3A_181 = tpu.vector_load_idx %arg29[%get3A_172] : memref<8xf32, #tpu.memory_space<vmem>>[vector<16xi32>], vector<16xf32>,
    %add3A_182 = arith.constant 48 : i32
    %add3A_183 = vector.broadcast %add3A_182 : i32 to vector<16xi32>
    %add3A_184 = arith.addi %add3A_183, %iota3A : vector<16xi32>
    tpu.vector_store_idx %arg27[%add3A_184, %broadcast_in_dim3A_131], %gather3A_181 : memref<128x16xf32, #tpu.memory_space<vmem>>[vector<16xi32>, vector<16xi32>], vector<16xf32>,
    %get3A_185 = arith.constant 64 : index
    %get3A_186 = tpu.vector_load %arg15[%get3A_185] {strides = array<i32>} : memref<128xi32, #tpu.memory_space<vmem>>, vector<16xi32>,
    %mul3A_187 = arith.constant 10000 : i32
    %mul3A_188 = vector.broadcast %mul3A_187 : i32 to vector<16xi32>
    %mul3A_189 = arith.muli %get3A_186, %mul3A_188 : vector<16xi32>
    %get3A_190 = arith.constant 64 : index
    %get3A_191 = tpu.vector_load %arg11[%get3A_190] {strides = array<i32>} : memref<128xi32, #tpu.memory_space<vmem>>, vector<16xi32>,
    %add3A_192 = arith.addi %mul3A_189, %get3A_191 : vector<16xi32>
    %swap3A_193 = arith.constant 64 : index
    %swap3A_194 = tpu.vector_load %arg23[%swap3A_193] {strides = array<i32>} : memref<128xi32, #tpu.memory_space<vmem>>, vector<16xi32>,
    tpu.vector_store %arg23[%swap3A_193], %add3A_192 {strides = array<i32>} : memref<128xi32, #tpu.memory_space<vmem>>, vector<16xi32>,
    %gather3A_195 = tpu.vector_load_idx %arg29[%get3A_186] : memref<8xf32, #tpu.memory_space<vmem>>[vector<16xi32>], vector<16xf32>,
    %add3A_196 = arith.constant 64 : i32
    %add3A_197 = vector.broadcast %add3A_196 : i32 to vector<16xi32>
    %add3A_198 = arith.addi %add3A_197, %iota3A : vector<16xi32>
    tpu.vector_store_idx %arg27[%add3A_198, %broadcast_in_dim3A_131], %gather3A_195 : memref<128x16xf32, #tpu.memory_space<vmem>>[vector<16xi32>, vector<16xi32>], vector<16xf32>,
    %get3A_199 = arith.constant 80 : index
    %get3A_200 = tpu.vector_load %arg15[%get3A_199] {strides = array<i32>} : memref<128xi32, #tpu.memory_space<vmem>>, vector<16xi32>,
    %mul3A_201 = arith.constant 10000 : i32
    %mul3A_202 = vector.broadcast %mul3A_201 : i32 to vector<16xi32>
    %mul3A_203 = arith.muli %get3A_200, %mul3A_202 : vector<16xi32>
    %get3A_204 = arith.constant 80 : index
    %get3A_205 = tpu.vector_load %arg11[%get3A_204] {strides = array<i32>} : memref<128xi32, #tpu.memory_space<vmem>>, vector<16xi32>,
    %add3A_206 = arith.addi %mul3A_203, %get3A_205 : vector<16xi32>
    %swap3A_207 = arith.constant 80 : index
    %swap3A_208 = tpu.vector_load %arg23[%swap3A_207] {strides = array<i32>} : memref<128xi32, #tpu.memory_space<vmem>>, vector<16xi32>,
    tpu.vector_store %arg23[%swap3A_207], %add3A_206 {strides = array<i32>} : memref<128xi32, #tpu.memory_space<vmem>>, vector<16xi32>,
    %gather3A_209 = tpu.vector_load_idx %arg29[%get3A_200] : memref<8xf32, #tpu.memory_space<vmem>>[vector<16xi32>], vector<16xf32>,
    %add3A_210 = arith.constant 80 : i32
    %add3A_211 = vector.broadcast %add3A_210 : i32 to vector<16xi32>
    %add3A_212 = arith.addi %add3A_211, %iota3A : vector<16xi32>
    tpu.vector_store_idx %arg27[%add3A_212, %broadcast_in_dim3A_131], %gather3A_209 : memref<128x16xf32, #tpu.memory_space<vmem>>[vector<16xi32>, vector<16xi32>], vector<16xf32>,
    %get3A_213 = arith.constant 96 : index
    %get3A_214 = tpu.vector_load %arg15[%get3A_213] {strides = array<i32>} : memref<128xi32, #tpu.memory_space<vmem>>, vector<16xi32>,
    %mul3A_215 = arith.constant 10000 : i32
    %mul3A_216 = vector.broadcast %mul3A_215 : i32 to vector<16xi32>
    %mul3A_217 = arith.muli %get3A_214, %mul3A_216 : vector<16xi32>
    %get3A_218 = arith.constant 96 : index
    %get3A_219 = tpu.vector_load %arg11[%get3A_218] {strides = array<i32>} : memref<128xi32, #tpu.memory_space<vmem>>, vector<16xi32>,
    %add3A_220 = arith.addi %mul3A_217, %get3A_219 : vector<16xi32>
    %swap3A_221 = arith.constant 96 : index
    %swap3A_222 = tpu.vector_load %arg23[%swap3A_221] {strides = array<i32>} : memref<128xi32, #tpu.memory_space<vmem>>, vector<16xi32>,
    tpu.vector_store %arg23[%swap3A_221], %add3A_220 {strides = array<i32>} : memref<128xi32, #tpu.memory_space<vmem>>, vector<16xi32>,
    %gather3A_223 = tpu.vector_load_idx %arg29[%get3A_214] : memref<8xf32, #tpu.memory_space<vmem>>[vector<16xi32>], vector<16xf32>,
    %add3A_224 = arith.constant 96 : i32
    %add3A_225 = vector.broadcast %add3A_224 : i32 to vector<16xi32>
    %add3A_226 = arith.addi %add3A_225, %iota3A : vector<16xi32>
    tpu.vector_store_idx %arg27[%add3A_226, %broadcast_in_dim3A_131], %gather3A_223 : memref<128x16xf32, #tpu.memory_space<vmem>>[vector<16xi32>, vector<16xi32>], vector<16xf32>,
    %get3A_227 = arith.constant 112 : index
    %get3A_228 = tpu.vector_load %arg15[%get3A_227] {strides = array<i32>} : memref<128xi32, #tpu.memory_space<vmem>>, vector<16xi32>,
    %mul3A_229 = arith.constant 10000 : i32
    %mul3A_230 = vector.broadcast %mul3A_229 : i32 to vector<16xi32>
    %mul3A_231 = arith.muli %get3A_228, %mul3A_230 : vector<16xi32>
    %get3A_232 = arith.constant 112 : index
    %get3A_233 = tpu.vector_load %arg11[%get3A_232] {strides = array<i32>} : memref<128xi32, #tpu.memory_space<vmem>>, vector<16xi32>,
    %add3A_234 = arith.addi %mul3A_231, %get3A_233 : vector<16xi32>
    %swap3A_235 = arith.constant 112 : index
    %swap3A_236 = tpu.vector_load %arg23[%swap3A_235] {strides = array<i32>} : memref<128xi32, #tpu.memory_space<vmem>>, vector<16xi32>,
    tpu.vector_store %arg23[%swap3A_235], %add3A_234 {strides = array<i32>} : memref<128xi32, #tpu.memory_space<vmem>>, vector<16xi32>,
    %gather3A_237 = tpu.vector_load_idx %arg29[%get3A_228] : memref<8xf32, #tpu.memory_space<vmem>>[vector<16xi32>], vector<16xf32>,
    %add3A_238 = arith.constant 112 : i32
    %add3A_239 = vector.broadcast %add3A_238 : i32 to vector<16xi32>
    %add3A_240 = arith.addi %add3A_239, %iota3A : vector<16xi32>
    tpu.vector_store_idx %arg27[%add3A_240, %broadcast_in_dim3A_131], %gather3A_237 : memref<128x16xf32, #tpu.memory_space<vmem>>[vector<16xi32>, vector<16xi32>], vector<16xf32>,
    %dma_start3A_241 = arith.constant 0 : i32
    %dma_start3A_242 = arith.constant 0 : i32
    %dma_start3A_243 = tpu.memref_slice %arg2[%dma_start3A_241, %dma_start3A_242] : memref<70000x128xf32, #tpu.memory_space<hbm>> -> memref<70000x128xf32, #tpu.memory_space<hbm>>
    tpu.enqueue_indirect_dma source(%dma_start3A_243 : memref<70000x128xf32, #tpu.memory_space<hbm>>) target(%arg25 : memref<128x128xf32, #tpu.memory_space<vmem>>) offsets(%arg23 : memref<128xi32, #tpu.memory_space<vmem>>) semaphore(%arg36 : memref<!tpu.dma_semaphore, #tpu.memory_space<semaphore_mem>>)
    %barrier3A = arith.constant 0 : index
    tpu.barrier barrier_id(%barrier3A)
    %scan3A_244 = arith.constant 0 : i32
    %scan3A_245 = arith.constant 18 : i32
    %scan3A_246 = arith.addi %scan3A_244, %scan3A_245 : i32
    %scan3A_247 = arith.constant 1 : i32
    scf.for %scan3A_1014 = %scan3A_244 to %scan3A_246 step %scan3A_247  : i32 {
      %mul3A_1015 = arith.constant 1 : i32
      %mul3A_1016 = arith.muli %scan3A_1014, %mul3A_1015 : i32
      %add3A_1017 = arith.constant 0 : i32
      %add3A_1018 = arith.addi %add3A_1017, %mul3A_1016 : i32
      %mul3A_1019 = arith.constant 4 : i32
      %mul3A_1020 = arith.muli %mul3A_1019, %add3A_1018 : i32
      %dma_wait3A_1021 = arith.constant 0 : i32
      %dma_wait3A_1022 = arith.constant 0 : i32
      %dma_wait3A_1023 = tpu.memref_slice %arg3[%dma_wait3A_1021, %dma_wait3A_1022] : memref<2500x128xi32, #tpu.memory_space<hbm>> -> memref<1x128xi32, #tpu.memory_space<hbm>>
      %dma_wait3A_1024 = tpu.memref_squeeze %dma_wait3A_1023 : memref<1x128xi32, #tpu.memory_space<hbm>> -> memref<128xi32, #tpu.memory_space<hbm>>
      %dma_wait3A_1025 = arith.constant 0 : i32
      %dma_wait3A_1026 = tpu.memref_slice %arg3[%dma_wait3A_1021, %dma_wait3A_1025] : memref<2500x128xi32, #tpu.memory_space<hbm>> -> memref<1x128xi32, #tpu.memory_space<hbm>>
      %dma_wait3A_1027 = tpu.memref_squeeze %dma_wait3A_1026 : memref<1x128xi32, #tpu.memory_space<hbm>> -> memref<128xi32, #tpu.memory_space<hbm>>
      tpu.wait_dma2 semaphore(%arg33 : memref<!tpu.dma_semaphore, #tpu.memory_space<semaphore_mem>>) src(%dma_wait3A_1027 : memref<128xi32, #tpu.memory_space<hbm>>) dst(%arg12 : memref<128xi32, #tpu.memory_space<vmem>>)
      %dma_wait3A_1028 = arith.constant 0 : i32
      %dma_wait3A_1029 = arith.constant 0 : i32
      %dma_wait3A_1030 = tpu.memref_slice %arg3[%dma_wait3A_1028, %dma_wait3A_1029] : memref<2500x128xi32, #tpu.memory_space<hbm>> -> memref<1x128xi32, #tpu.memory_space<hbm>>
      %dma_wait3A_1031 = tpu.memref_squeeze %dma_wait3A_1030 : memref<1x128xi32, #tpu.memory_space<hbm>> -> memref<128xi32, #tpu.memory_space<hbm>>
      %dma_wait3A_1032 = arith.constant 0 : i32
      %dma_wait3A_1033 = tpu.memref_slice %arg3[%dma_wait3A_1028, %dma_wait3A_1032] : memref<2500x128xi32, #tpu.memory_space<hbm>> -> memref<1x128xi32, #tpu.memory_space<hbm>>
      %dma_wait3A_1034 = tpu.memref_squeeze %dma_wait3A_1033 : memref<1x128xi32, #tpu.memory_space<hbm>> -> memref<128xi32, #tpu.memory_space<hbm>>
      tpu.wait_dma2 semaphore(%arg33 : memref<!tpu.dma_semaphore, #tpu.memory_space<semaphore_mem>>) src(%dma_wait3A_1034 : memref<128xi32, #tpu.memory_space<hbm>>) dst(%arg20 : memref<128xi32, #tpu.memory_space<vmem>>)
      %dma_wait3A_1035 = arith.constant 0 : i32
      %dma_wait3A_1036 = arith.constant 0 : i32
      %dma_wait3A_1037 = tpu.memref_slice %arg3[%dma_wait3A_1035, %dma_wait3A_1036] : memref<2500x128xi32, #tpu.memory_space<hbm>> -> memref<1x128xi32, #tpu.memory_space<hbm>>
      %dma_wait3A_1038 = tpu.memref_squeeze %dma_wait3A_1037 : memref<1x128xi32, #tpu.memory_space<hbm>> -> memref<128xi32, #tpu.memory_space<hbm>>
      %dma_wait3A_1039 = arith.constant 0 : i32
      %dma_wait3A_1040 = tpu.memref_slice %arg3[%dma_wait3A_1035, %dma_wait3A_1039] : memref<2500x128xi32, #tpu.memory_space<hbm>> -> memref<1x128xi32, #tpu.memory_space<hbm>>
      %dma_wait3A_1041 = tpu.memref_squeeze %dma_wait3A_1040 : memref<1x128xi32, #tpu.memory_space<hbm>> -> memref<128xi32, #tpu.memory_space<hbm>>
      tpu.wait_dma2 semaphore(%arg33 : memref<!tpu.dma_semaphore, #tpu.memory_space<semaphore_mem>>) src(%dma_wait3A_1041 : memref<128xi32, #tpu.memory_space<hbm>>) dst(%arg16 : memref<128xi32, #tpu.memory_space<vmem>>)
      %iota3A_1042 = tpu.iota {dimensions = array<i32: 0>} : vector<16xi32>
      %broadcast_in_dim3A_1043 = arith.constant 0 : i32
      %broadcast_in_dim3A_1044 = vector.broadcast %broadcast_in_dim3A_1043 : i32 to vector<16xi32>
      %get3A_1045 = arith.constant 0 : index
      %get3A_1046 = tpu.vector_load %arg16[%get3A_1045] {strides = array<i32>} : memref<128xi32, #tpu.memory_space<vmem>>, vector<16xi32>,
      %mul3A_1047 = arith.constant 10000 : i32
      %mul3A_1048 = vector.broadcast %mul3A_1047 : i32 to vector<16xi32>
      %mul3A_1049 = arith.muli %get3A_1046, %mul3A_1048 : vector<16xi32>
      %get3A_1050 = arith.constant 0 : index
      %get3A_1051 = tpu.vector_load %arg12[%get3A_1050] {strides = array<i32>} : memref<128xi32, #tpu.memory_space<vmem>>, vector<16xi32>,
      %add3A_1052 = arith.addi %mul3A_1049, %get3A_1051 : vector<16xi32>
      %swap3A_1053 = arith.constant 0 : index
      %swap3A_1054 = tpu.vector_load %arg24[%swap3A_1053] {strides = array<i32>} : memref<128xi32, #tpu.memory_space<vmem>>, vector<16xi32>,
      tpu.vector_store %arg24[%swap3A_1053], %add3A_1052 {strides = array<i32>} : memref<128xi32, #tpu.memory_space<vmem>>, vector<16xi32>,
      %gather3A_1055 = tpu.vector_load_idx %arg29[%get3A_1046] : memref<8xf32, #tpu.memory_space<vmem>>[vector<16xi32>], vector<16xf32>,
      %add3A_1056 = arith.constant 0 : i32
      %add3A_1057 = vector.broadcast %add3A_1056 : i32 to vector<16xi32>
      %add3A_1058 = arith.addi %add3A_1057, %iota3A_1042 : vector<16xi32>
      tpu.vector_store_idx %arg28[%add3A_1058, %broadcast_in_dim3A_1044], %gather3A_1055 : memref<128x16xf32, #tpu.memory_space<vmem>>[vector<16xi32>, vector<16xi32>], vector<16xf32>,
      %get3A_1059 = arith.constant 16 : index
      %get3A_1060 = tpu.vector_load %arg16[%get3A_1059] {strides = array<i32>} : memref<128xi32, #tpu.memory_space<vmem>>, vector<16xi32>,
      %mul3A_1061 = arith.constant 10000 : i32
      %mul3A_1062 = vector.broadcast %mul3A_1061 : i32 to vector<16xi32>
      %mul3A_1063 = arith.muli %get3A_1060, %mul3A_1062 : vector<16xi32>
      %get3A_1064 = arith.constant 16 : index
      %get3A_1065 = tpu.vector_load %arg12[%get3A_1064] {strides = array<i32>} : memref<128xi32, #tpu.memory_space<vmem>>, vector<16xi32>,
      %add3A_1066 = arith.addi %mul3A_1063, %get3A_1065 : vector<16xi32>
      %swap3A_1067 = arith.constant 16 : index
      %swap3A_1068 = tpu.vector_load %arg24[%swap3A_1067] {strides = array<i32>} : memref<128xi32, #tpu.memory_space<vmem>>, vector<16xi32>,
      tpu.vector_store %arg24[%swap3A_1067], %add3A_1066 {strides = array<i32>} : memref<128xi32, #tpu.memory_space<vmem>>, vector<16xi32>,
      %gather3A_1069 = tpu.vector_load_idx %arg29[%get3A_1060] : memref<8xf32, #tpu.memory_space<vmem>>[vector<16xi32>], vector<16xf32>,
      %add3A_1070 = arith.constant 16 : i32
      %add3A_1071 = vector.broadcast %add3A_1070 : i32 to vector<16xi32>
      %add3A_1072 = arith.addi %add3A_1071, %iota3A_1042 : vector<16xi32>
      tpu.vector_store_idx %arg28[%add3A_1072, %broadcast_in_dim3A_1044], %gather3A_1069 : memref<128x16xf32, #tpu.memory_space<vmem>>[vector<16xi32>, vector<16xi32>], vector<16xf32>,
      %get3A_1073 = arith.constant 32 : index
      %get3A_1074 = tpu.vector_load %arg16[%get3A_1073] {strides = array<i32>} : memref<128xi32, #tpu.memory_space<vmem>>, vector<16xi32>,
      %mul3A_1075 = arith.constant 10000 : i32
      %mul3A_1076 = vector.broadcast %mul3A_1075 : i32 to vector<16xi32>
      %mul3A_1077 = arith.muli %get3A_1074, %mul3A_1076 : vector<16xi32>
      %get3A_1078 = arith.constant 32 : index
      %get3A_1079 = tpu.vector_load %arg12[%get3A_1078] {strides = array<i32>} : memref<128xi32, #tpu.memory_space<vmem>>, vector<16xi32>,
      %add3A_1080 = arith.addi %mul3A_1077, %get3A_1079 : vector<16xi32>
      %swap3A_1081 = arith.constant 32 : index
      %swap3A_1082 = tpu.vector_load %arg24[%swap3A_1081] {strides = array<i32>} : memref<128xi32, #tpu.memory_space<vmem>>, vector<16xi32>,
      tpu.vector_store %arg24[%swap3A_1081], %add3A_1080 {strides = array<i32>} : memref<128xi32, #tpu.memory_space<vmem>>, vector<16xi32>,
      %gather3A_1083 = tpu.vector_load_idx %arg29[%get3A_1074] : memref<8xf32, #tpu.memory_space<vmem>>[vector<16xi32>], vector<16xf32>,
      %add3A_1084 = arith.constant 32 : i32
      %add3A_1085 = vector.broadcast %add3A_1084 : i32 to vector<16xi32>
      %add3A_1086 = arith.addi %add3A_1085, %iota3A_1042 : vector<16xi32>
      tpu.vector_store_idx %arg28[%add3A_1086, %broadcast_in_dim3A_1044], %gather3A_1083 : memref<128x16xf32, #tpu.memory_space<vmem>>[vector<16xi32>, vector<16xi32>], vector<16xf32>,
      %get3A_1087 = arith.constant 48 : index
      %get3A_1088 = tpu.vector_load %arg16[%get3A_1087] {strides = array<i32>} : memref<128xi32, #tpu.memory_space<vmem>>, vector<16xi32>,
      %mul3A_1089 = arith.constant 10000 : i32
      %mul3A_1090 = vector.broadcast %mul3A_1089 : i32 to vector<16xi32>
      %mul3A_1091 = arith.muli %get3A_1088, %mul3A_1090 : vector<16xi32>
      %get3A_1092 = arith.constant 48 : index
      %get3A_1093 = tpu.vector_load %arg12[%get3A_1092] {strides = array<i32>} : memref<128xi32, #tpu.memory_space<vmem>>, vector<16xi32>,
      %add3A_1094 = arith.addi %mul3A_1091, %get3A_1093 : vector<16xi32>
      %swap3A_1095 = arith.constant 48 : index
      %swap3A_1096 = tpu.vector_load %arg24[%swap3A_1095] {strides = array<i32>} : memref<128xi32, #tpu.memory_space<vmem>>, vector<16xi32>,
      tpu.vector_store %arg24[%swap3A_1095], %add3A_1094 {strides = array<i32>} : memref<128xi32, #tpu.memory_space<vmem>>, vector<16xi32>,
      %gather3A_1097 = tpu.vector_load_idx %arg29[%get3A_1088] : memref<8xf32, #tpu.memory_space<vmem>>[vector<16xi32>], vector<16xf32>,
      %add3A_1098 = arith.constant 48 : i32
      %add3A_1099 = vector.broadcast %add3A_1098 : i32 to vector<16xi32>
      %add3A_1100 = arith.addi %add3A_1099, %iota3A_1042 : vector<16xi32>
      tpu.vector_store_idx %arg28[%add3A_1100, %broadcast_in_dim3A_1044], %gather3A_1097 : memref<128x16xf32, #tpu.memory_space<vmem>>[vector<16xi32>, vector<16xi32>], vector<16xf32>,
      %get3A_1101 = arith.constant 64 : index
      %get3A_1102 = tpu.vector_load %arg16[%get3A_1101] {strides = array<i32>} : memref<128xi32, #tpu.memory_space<vmem>>, vector<16xi32>,
      %mul3A_1103 = arith.constant 10000 : i32
      %mul3A_1104 = vector.broadcast %mul3A_1103 : i32 to vector<16xi32>
      %mul3A_1105 = arith.muli %get3A_1102, %mul3A_1104 : vector<16xi32>
      %get3A_1106 = arith.constant 64 : index
      %get3A_1107 = tpu.vector_load %arg12[%get3A_1106] {strides = array<i32>} : memref<128xi32, #tpu.memory_space<vmem>>, vector<16xi32>,
      %add3A_1108 = arith.addi %mul3A_1105, %get3A_1107 : vector<16xi32>
      %swap3A_1109 = arith.constant 64 : index
      %swap3A_1110 = tpu.vector_load %arg24[%swap3A_1109] {strides = array<i32>} : memref<128xi32, #tpu.memory_space<vmem>>, vector<16xi32>,
      tpu.vector_store %arg24[%swap3A_1109], %add3A_1108 {strides = array<i32>} : memref<128xi32, #tpu.memory_space<vmem>>, vector<16xi32>,
      %gather3A_1111 = tpu.vector_load_idx %arg29[%get3A_1102] : memref<8xf32, #tpu.memory_space<vmem>>[vector<16xi32>], vector<16xf32>,
      %add3A_1112 = arith.constant 64 : i32
      %add3A_1113 = vector.broadcast %add3A_1112 : i32 to vector<16xi32>
      %add3A_1114 = arith.addi %add3A_1113, %iota3A_1042 : vector<16xi32>
      tpu.vector_store_idx %arg28[%add3A_1114, %broadcast_in_dim3A_1044], %gather3A_1111 : memref<128x16xf32, #tpu.memory_space<vmem>>[vector<16xi32>, vector<16xi32>], vector<16xf32>,
      %get3A_1115 = arith.constant 80 : index
      %get3A_1116 = tpu.vector_load %arg16[%get3A_1115] {strides = array<i32>} : memref<128xi32, #tpu.memory_space<vmem>>, vector<16xi32>,
      %mul3A_1117 = arith.constant 10000 : i32
      %mul3A_1118 = vector.broadcast %mul3A_1117 : i32 to vector<16xi32>
      %mul3A_1119 = arith.muli %get3A_1116, %mul3A_1118 : vector<16xi32>
      %get3A_1120 = arith.constant 80 : index
      %get3A_1121 = tpu.vector_load %arg12[%get3A_1120] {strides = array<i32>} : memref<128xi32, #tpu.memory_space<vmem>>, vector<16xi32>,
      %add3A_1122 = arith.addi %mul3A_1119, %get3A_1121 : vector<16xi32>
      %swap3A_1123 = arith.constant 80 : index
      %swap3A_1124 = tpu.vector_load %arg24[%swap3A_1123] {strides = array<i32>} : memref<128xi32, #tpu.memory_space<vmem>>, vector<16xi32>,
      tpu.vector_store %arg24[%swap3A_1123], %add3A_1122 {strides = array<i32>} : memref<128xi32, #tpu.memory_space<vmem>>, vector<16xi32>,
      %gather3A_1125 = tpu.vector_load_idx %arg29[%get3A_1116] : memref<8xf32, #tpu.memory_space<vmem>>[vector<16xi32>], vector<16xf32>,
      %add3A_1126 = arith.constant 80 : i32
      %add3A_1127 = vector.broadcast %add3A_1126 : i32 to vector<16xi32>
      %add3A_1128 = arith.addi %add3A_1127, %iota3A_1042 : vector<16xi32>
      tpu.vector_store_idx %arg28[%add3A_1128, %broadcast_in_dim3A_1044], %gather3A_1125 : memref<128x16xf32, #tpu.memory_space<vmem>>[vector<16xi32>, vector<16xi32>], vector<16xf32>,
      %get3A_1129 = arith.constant 96 : index
      %get3A_1130 = tpu.vector_load %arg16[%get3A_1129] {strides = array<i32>} : memref<128xi32, #tpu.memory_space<vmem>>, vector<16xi32>,
      %mul3A_1131 = arith.constant 10000 : i32
      %mul3A_1132 = vector.broadcast %mul3A_1131 : i32 to vector<16xi32>
      %mul3A_1133 = arith.muli %get3A_1130, %mul3A_1132 : vector<16xi32>
      %get3A_1134 = arith.constant 96 : index
      %get3A_1135 = tpu.vector_load %arg12[%get3A_1134] {strides = array<i32>} : memref<128xi32, #tpu.memory_space<vmem>>, vector<16xi32>,
      %add3A_1136 = arith.addi %mul3A_1133, %get3A_1135 : vector<16xi32>
      %swap3A_1137 = arith.constant 96 : index
      %swap3A_1138 = tpu.vector_load %arg24[%swap3A_1137] {strides = array<i32>} : memref<128xi32, #tpu.memory_space<vmem>>, vector<16xi32>,
      tpu.vector_store %arg24[%swap3A_1137], %add3A_1136 {strides = array<i32>} : memref<128xi32, #tpu.memory_space<vmem>>, vector<16xi32>,
      %gather3A_1139 = tpu.vector_load_idx %arg29[%get3A_1130] : memref<8xf32, #tpu.memory_space<vmem>>[vector<16xi32>], vector<16xf32>,
      %add3A_1140 = arith.constant 96 : i32
      %add3A_1141 = vector.broadcast %add3A_1140 : i32 to vector<16xi32>
      %add3A_1142 = arith.addi %add3A_1141, %iota3A_1042 : vector<16xi32>
      tpu.vector_store_idx %arg28[%add3A_1142, %broadcast_in_dim3A_1044], %gather3A_1139 : memref<128x16xf32, #tpu.memory_space<vmem>>[vector<16xi32>, vector<16xi32>], vector<16xf32>,
      %get3A_1143 = arith.constant 112 : index
      %get3A_1144 = tpu.vector_load %arg16[%get3A_1143] {strides = array<i32>} : memref<128xi32, #tpu.memory_space<vmem>>, vector<16xi32>,
      %mul3A_1145 = arith.constant 10000 : i32
      %mul3A_1146 = vector.broadcast %mul3A_1145 : i32 to vector<16xi32>
      %mul3A_1147 = arith.muli %get3A_1144, %mul3A_1146 : vector<16xi32>
      %get3A_1148 = arith.constant 112 : index
      %get3A_1149 = tpu.vector_load %arg12[%get3A_1148] {strides = array<i32>} : memref<128xi32, #tpu.memory_space<vmem>>, vector<16xi32>,
      %add3A_1150 = arith.addi %mul3A_1147, %get3A_1149 : vector<16xi32>
      %swap3A_1151 = arith.constant 112 : index
      %swap3A_1152 = tpu.vector_load %arg24[%swap3A_1151] {strides = array<i32>} : memref<128xi32, #tpu.memory_space<vmem>>, vector<16xi32>,
      tpu.vector_store %arg24[%swap3A_1151], %add3A_1150 {strides = array<i32>} : memref<128xi32, #tpu.memory_space<vmem>>, vector<16xi32>,
      %gather3A_1153 = tpu.vector_load_idx %arg29[%get3A_1144] : memref<8xf32, #tpu.memory_space<vmem>>[vector<16xi32>], vector<16xf32>,
      %add3A_1154 = arith.constant 112 : i32
      %add3A_1155 = vector.broadcast %add3A_1154 : i32 to vector<16xi32>
      %add3A_1156 = arith.addi %add3A_1155, %iota3A_1042 : vector<16xi32>
      tpu.vector_store_idx %arg28[%add3A_1156, %broadcast_in_dim3A_1044], %gather3A_1153 : memref<128x16xf32, #tpu.memory_space<vmem>>[vector<16xi32>, vector<16xi32>], vector<16xf32>,
      %dma_start3A_1157 = arith.constant 0 : i32
      %dma_start3A_1158 = arith.constant 0 : i32
      %dma_start3A_1159 = tpu.memref_slice %arg2[%dma_start3A_1157, %dma_start3A_1158] : memref<70000x128xf32, #tpu.memory_space<hbm>> -> memref<70000x128xf32, #tpu.memory_space<hbm>>
      tpu.enqueue_indirect_dma source(%dma_start3A_1159 : memref<70000x128xf32, #tpu.memory_space<hbm>>) target(%arg26 : memref<128x128xf32, #tpu.memory_space<vmem>>) offsets(%arg24 : memref<128xi32, #tpu.memory_space<vmem>>) semaphore(%arg37 : memref<!tpu.dma_semaphore, #tpu.memory_space<semaphore_mem>>)
      %dma_wait3A_1160 = arith.constant 0 : i32
      %dma_wait3A_1161 = arith.constant 0 : i32
      %dma_wait3A_1162 = tpu.memref_slice %arg2[%dma_wait3A_1160, %dma_wait3A_1161] : memref<70000x128xf32, #tpu.memory_space<hbm>> -> memref<70000x128xf32, #tpu.memory_space<hbm>>
      tpu.wait_indirect_dma semaphore(%arg36 : memref<!tpu.dma_semaphore, #tpu.memory_space<semaphore_mem>>) src(%dma_wait3A_1162 : memref<70000x128xf32, #tpu.memory_space<hbm>>) dst(%arg25 : memref<128x128xf32, #tpu.memory_space<vmem>>)
      "tpu.region"() ({
        %run_scoped3A = tpu.sem_alloc : memref<!tpu.dma_semaphore, #tpu.memory_space<semaphore_mem>>
        %dma_start3A_1689 = arith.constant 0 : i32
        %dma_start3A_1690 = arith.constant 0 : i32
        %dma_start3A_1691 = tpu.memref_slice %arg30[%dma_start3A_1689, %dma_start3A_1690] : memref<10112x128xf32, #tpu.memory_space<vmem_shared>> -> memref<10112x128xf32, #tpu.memory_space<vmem_shared>>
        tpu.enqueue_indirect_dma source(%arg25 : memref<128x128xf32, #tpu.memory_space<vmem>>) target(%dma_start3A_1691 : memref<10112x128xf32, #tpu.memory_space<vmem_shared>>) offsets(%arg19 : memref<128xi32, #tpu.memory_space<vmem>>) semaphore(%run_scoped3A : memref<!tpu.dma_semaphore, #tpu.memory_space<semaphore_mem>>) {add = true}
        %dma_wait3A_1692 = arith.constant 0 : i32
        %dma_wait3A_1693 = arith.constant 0 : i32
        %dma_wait3A_1694 = tpu.memref_slice %arg30[%dma_wait3A_1692, %dma_wait3A_1693] : memref<10112x128xf32, #tpu.memory_space<vmem_shared>> -> memref<10112x128xf32, #tpu.memory_space<vmem_shared>>
        tpu.wait_indirect_dma semaphore(%run_scoped3A : memref<!tpu.dma_semaphore, #tpu.memory_space<semaphore_mem>>) src(%arg25 : memref<128x128xf32, #tpu.memory_space<vmem>>) dst(%dma_wait3A_1694 : memref<10112x128xf32, #tpu.memory_space<vmem_shared>>)
        tpu.yield
      }) : () -> ()
      "tpu.region"() ({
        %run_scoped3A = tpu.sem_alloc : memref<!tpu.dma_semaphore, #tpu.memory_space<semaphore_mem>>
        %dma_start3A_1689 = arith.constant 0 : i32
        %dma_start3A_1690 = arith.constant 0 : i32
        %dma_start3A_1691 = tpu.memref_slice %arg31[%dma_start3A_1689, %dma_start3A_1690] : memref<10112x16xf32, #tpu.memory_space<vmem_shared>> -> memref<10112x16xf32, #tpu.memory_space<vmem_shared>>
        tpu.enqueue_indirect_dma source(%arg27 : memref<128x16xf32, #tpu.memory_space<vmem>>) target(%dma_start3A_1691 : memref<10112x16xf32, #tpu.memory_space<vmem_shared>>) offsets(%arg19 : memref<128xi32, #tpu.memory_space<vmem>>) semaphore(%run_scoped3A : memref<!tpu.dma_semaphore, #tpu.memory_space<semaphore_mem>>) {add = true}
        %dma_wait3A_1692 = arith.constant 0 : i32
        %dma_wait3A_1693 = arith.constant 0 : i32
        %dma_wait3A_1694 = tpu.memref_slice %arg31[%dma_wait3A_1692, %dma_wait3A_1693] : memref<10112x16xf32, #tpu.memory_space<vmem_shared>> -> memref<10112x16xf32, #tpu.memory_space<vmem_shared>>
        tpu.wait_indirect_dma semaphore(%run_scoped3A : memref<!tpu.dma_semaphore, #tpu.memory_space<semaphore_mem>>) src(%arg27 : memref<128x16xf32, #tpu.memory_space<vmem>>) dst(%dma_wait3A_1694 : memref<10112x16xf32, #tpu.memory_space<vmem_shared>>)
        tpu.yield
      }) : () -> ()
      %add3A_1163 = arith.constant 0 : i32
      %add3A_1164 = arith.addi %mul3A_1020, %add3A_1163 : i32
      %add3A_1165 = arith.constant 4 : i32
      %add3A_1166 = arith.addi %add3A_1164, %add3A_1165 : i32
      %mul3A_1167 = arith.constant 32 : i32
      %mul3A_1168 = arith.muli %add3A_1166, %mul3A_1167 : i32
      %add3A_1169 = arith.addi %mul3A_1168, %add3A : i32
      %dma_start3A_1170 = arith.constant 0 : i32
      %dma_start3A_1171 = tpu.memref_slice %arg3[%add3A_1169, %dma_start3A_1170] : memref<2500x128xi32, #tpu.memory_space<hbm>> -> memref<1x128xi32, #tpu.memory_space<hbm>>
      %dma_start3A_1172 = tpu.memref_squeeze %dma_start3A_1171 : memref<1x128xi32, #tpu.memory_space<hbm>> -> memref<128xi32, #tpu.memory_space<hbm>>
      %dma_start3A_1173 = arith.constant 0 : i32
      %dma_start3A_1174 = tpu.memref_slice %arg3[%add3A_1169, %dma_start3A_1173] : memref<2500x128xi32, #tpu.memory_space<hbm>> -> memref<1x128xi32, #tpu.memory_space<hbm>>
      %dma_start3A_1175 = tpu.memref_squeeze %dma_start3A_1174 : memref<1x128xi32, #tpu.memory_space<hbm>> -> memref<128xi32, #tpu.memory_space<hbm>>
      tpu.enqueue_dma source(%dma_start3A_1175 : memref<128xi32, #tpu.memory_space<hbm>>) target(%arg11 : memref<128xi32, #tpu.memory_space<vmem>>) target_semaphore(%arg32 : memref<!tpu.dma_semaphore, #tpu.memory_space<semaphore_mem>>)
      %dma_start3A_1176 = arith.constant 0 : i32
      %dma_start3A_1177 = tpu.memref_slice %arg4[%add3A_1169, %dma_start3A_1176] : memref<2500x128xi32, #tpu.memory_space<hbm>> -> memref<1x128xi32, #tpu.memory_space<hbm>>
      %dma_start3A_1178 = tpu.memref_squeeze %dma_start3A_1177 : memref<1x128xi32, #tpu.memory_space<hbm>> -> memref<128xi32, #tpu.memory_space<hbm>>
      %dma_start3A_1179 = arith.constant 0 : i32
      %dma_start3A_1180 = tpu.memref_slice %arg4[%add3A_1169, %dma_start3A_1179] : memref<2500x128xi32, #tpu.memory_space<hbm>> -> memref<1x128xi32, #tpu.memory_space<hbm>>
      %dma_start3A_1181 = tpu.memref_squeeze %dma_start3A_1180 : memref<1x128xi32, #tpu.memory_space<hbm>> -> memref<128xi32, #tpu.memory_space<hbm>>
      tpu.enqueue_dma source(%dma_start3A_1181 : memref<128xi32, #tpu.memory_space<hbm>>) target(%arg19 : memref<128xi32, #tpu.memory_space<vmem>>) target_semaphore(%arg32 : memref<!tpu.dma_semaphore, #tpu.memory_space<semaphore_mem>>)
      %dma_start3A_1182 = arith.constant 0 : i32
      %dma_start3A_1183 = tpu.memref_slice %arg5[%add3A_1169, %dma_start3A_1182] : memref<2500x128xi32, #tpu.memory_space<hbm>> -> memref<1x128xi32, #tpu.memory_space<hbm>>
      %dma_start3A_1184 = tpu.memref_squeeze %dma_start3A_1183 : memref<1x128xi32, #tpu.memory_space<hbm>> -> memref<128xi32, #tpu.memory_space<hbm>>
      %dma_start3A_1185 = arith.constant 0 : i32
      %dma_start3A_1186 = tpu.memref_slice %arg5[%add3A_1169, %dma_start3A_1185] : memref<2500x128xi32, #tpu.memory_space<hbm>> -> memref<1x128xi32, #tpu.memory_space<hbm>>
      %dma_start3A_1187 = tpu.memref_squeeze %dma_start3A_1186 : memref<1x128xi32, #tpu.memory_space<hbm>> -> memref<128xi32, #tpu.memory_space<hbm>>
      tpu.enqueue_dma source(%dma_start3A_1187 : memref<128xi32, #tpu.memory_space<hbm>>) target(%arg15 : memref<128xi32, #tpu.memory_space<vmem>>) target_semaphore(%arg32 : memref<!tpu.dma_semaphore, #tpu.memory_space<semaphore_mem>>)
      %dma_wait3A_1188 = arith.constant 0 : i32
      %dma_wait3A_1189 = arith.constant 0 : i32
      %dma_wait3A_1190 = tpu.memref_slice %arg3[%dma_wait3A_1188, %dma_wait3A_1189] : memref<2500x128xi32, #tpu.memory_space<hbm>> -> memref<1x128xi32, #tpu.memory_space<hbm>>
      %dma_wait3A_1191 = tpu.memref_squeeze %dma_wait3A_1190 : memref<1x128xi32, #tpu.memory_space<hbm>> -> memref<128xi32, #tpu.memory_space<hbm>>
      %dma_wait3A_1192 = arith.constant 0 : i32
      %dma_wait3A_1193 = tpu.memref_slice %arg3[%dma_wait3A_1188, %dma_wait3A_1192] : memref<2500x128xi32, #tpu.memory_space<hbm>> -> memref<1x128xi32, #tpu.memory_space<hbm>>
      %dma_wait3A_1194 = tpu.memref_squeeze %dma_wait3A_1193 : memref<1x128xi32, #tpu.memory_space<hbm>> -> memref<128xi32, #tpu.memory_space<hbm>>
      tpu.wait_dma2 semaphore(%arg34 : memref<!tpu.dma_semaphore, #tpu.memory_space<semaphore_mem>>) src(%dma_wait3A_1194 : memref<128xi32, #tpu.memory_space<hbm>>) dst(%arg13 : memref<128xi32, #tpu.memory_space<vmem>>)
      %dma_wait3A_1195 = arith.constant 0 : i32
      %dma_wait3A_1196 = arith.constant 0 : i32
      %dma_wait3A_1197 = tpu.memref_slice %arg3[%dma_wait3A_1195, %dma_wait3A_1196] : memref<2500x128xi32, #tpu.memory_space<hbm>> -> memref<1x128xi32, #tpu.memory_space<hbm>>
      %dma_wait3A_1198 = tpu.memref_squeeze %dma_wait3A_1197 : memref<1x128xi32, #tpu.memory_space<hbm>> -> memref<128xi32, #tpu.memory_space<hbm>>
      %dma_wait3A_1199 = arith.constant 0 : i32
      %dma_wait3A_1200 = tpu.memref_slice %arg3[%dma_wait3A_1195, %dma_wait3A_1199] : memref<2500x128xi32, #tpu.memory_space<hbm>> -> memref<1x128xi32, #tpu.memory_space<hbm>>
      %dma_wait3A_1201 = tpu.memref_squeeze %dma_wait3A_1200 : memref<1x128xi32, #tpu.memory_space<hbm>> -> memref<128xi32, #tpu.memory_space<hbm>>
      tpu.wait_dma2 semaphore(%arg34 : memref<!tpu.dma_semaphore, #tpu.memory_space<semaphore_mem>>) src(%dma_wait3A_1201 : memref<128xi32, #tpu.memory_space<hbm>>) dst(%arg21 : memref<128xi32, #tpu.memory_space<vmem>>)
      %dma_wait3A_1202 = arith.constant 0 : i32
      %dma_wait3A_1203 = arith.constant 0 : i32
      %dma_wait3A_1204 = tpu.memref_slice %arg3[%dma_wait3A_1202, %dma_wait3A_1203] : memref<2500x128xi32, #tpu.memory_space<hbm>> -> memref<1x128xi32, #tpu.memory_space<hbm>>
      %dma_wait3A_1205 = tpu.memref_squeeze %dma_wait3A_1204 : memref<1x128xi32, #tpu.memory_space<hbm>> -> memref<128xi32, #tpu.memory_space<hbm>>
      %dma_wait3A_1206 = arith.constant 0 : i32
      %dma_wait3A_1207 = tpu.memref_slice %arg3[%dma_wait3A_1202, %dma_wait3A_1206] : memref<2500x128xi32, #tpu.memory_space<hbm>> -> memref<1x128xi32, #tpu.memory_space<hbm>>
      %dma_wait3A_1208 = tpu.memref_squeeze %dma_wait3A_1207 : memref<1x128xi32, #tpu.memory_space<hbm>> -> memref<128xi32, #tpu.memory_space<hbm>>
      tpu.wait_dma2 semaphore(%arg34 : memref<!tpu.dma_semaphore, #tpu.memory_space<semaphore_mem>>) src(%dma_wait3A_1208 : memref<128xi32, #tpu.memory_space<hbm>>) dst(%arg17 : memref<128xi32, #tpu.memory_space<vmem>>)
      %iota3A_1209 = tpu.iota {dimensions = array<i32: 0>} : vector<16xi32>
      %broadcast_in_dim3A_1210 = arith.constant 0 : i32
      %broadcast_in_dim3A_1211 = vector.broadcast %broadcast_in_dim3A_1210 : i32 to vector<16xi32>
      %get3A_1212 = arith.constant 0 : index
      %get3A_1213 = tpu.vector_load %arg17[%get3A_1212] {strides = array<i32>} : memref<128xi32, #tpu.memory_space<vmem>>, vector<16xi32>,
      %mul3A_1214 = arith.constant 10000 : i32
      %mul3A_1215 = vector.broadcast %mul3A_1214 : i32 to vector<16xi32>
      %mul3A_1216 = arith.muli %get3A_1213, %mul3A_1215 : vector<16xi32>
      %get3A_1217 = arith.constant 0 : index
      %get3A_1218 = tpu.vector_load %arg13[%get3A_1217] {strides = array<i32>} : memref<128xi32, #tpu.memory_space<vmem>>, vector<16xi32>,
      %add3A_1219 = arith.addi %mul3A_1216, %get3A_1218 : vector<16xi32>
      %swap3A_1220 = arith.constant 0 : index
      %swap3A_1221 = tpu.vector_load %arg23[%swap3A_1220] {strides = array<i32>} : memref<128xi32, #tpu.memory_space<vmem>>, vector<16xi32>,
      tpu.vector_store %arg23[%swap3A_1220], %add3A_1219 {strides = array<i32>} : memref<128xi32, #tpu.memory_space<vmem>>, vector<16xi32>,
      %gather3A_1222 = tpu.vector_load_idx %arg29[%get3A_1213] : memref<8xf32, #tpu.memory_space<vmem>>[vector<16xi32>], vector<16xf32>,
      %add3A_1223 = arith.constant 0 : i32
      %add3A_1224 = vector.broadcast %add3A_1223 : i32 to vector<16xi32>
      %add3A_1225 = arith.addi %add3A_1224, %iota3A_1209 : vector<16xi32>
      tpu.vector_store_idx %arg27[%add3A_1225, %broadcast_in_dim3A_1211], %gather3A_1222 : memref<128x16xf32, #tpu.memory_space<vmem>>[vector<16xi32>, vector<16xi32>], vector<16xf32>,
      %get3A_1226 = arith.constant 16 : index
      %get3A_1227 = tpu.vector_load %arg17[%get3A_1226] {strides = array<i32>} : memref<128xi32, #tpu.memory_space<vmem>>, vector<16xi32>,
      %mul3A_1228 = arith.constant 10000 : i32
      %mul3A_1229 = vector.broadcast %mul3A_1228 : i32 to vector<16xi32>
      %mul3A_1230 = arith.muli %get3A_1227, %mul3A_1229 : vector<16xi32>
      %get3A_1231 = arith.constant 16 : index
      %get3A_1232 = tpu.vector_load %arg13[%get3A_1231] {strides = array<i32>} : memref<128xi32, #tpu.memory_space<vmem>>, vector<16xi32>,
      %add3A_1233 = arith.addi %mul3A_1230, %get3A_1232 : vector<16xi32>
      %swap3A_1234 = arith.constant 16 : index
      %swap3A_1235 = tpu.vector_load %arg23[%swap3A_1234] {strides = array<i32>} : memref<128xi32, #tpu.memory_space<vmem>>, vector<16xi32>,
      tpu.vector_store %arg23[%swap3A_1234], %add3A_1233 {strides = array<i32>} : memref<128xi32, #tpu.memory_space<vmem>>, vector<16xi32>,
      %gather3A_1236 = tpu.vector_load_idx %arg29[%get3A_1227] : memref<8xf32, #tpu.memory_space<vmem>>[vector<16xi32>], vector<16xf32>,
      %add3A_1237 = arith.constant 16 : i32
      %add3A_1238 = vector.broadcast %add3A_1237 : i32 to vector<16xi32>
      %add3A_1239 = arith.addi %add3A_1238, %iota3A_1209 : vector<16xi32>
      tpu.vector_store_idx %arg27[%add3A_1239, %broadcast_in_dim3A_1211], %gather3A_1236 : memref<128x16xf32, #tpu.memory_space<vmem>>[vector<16xi32>, vector<16xi32>], vector<16xf32>,
      %get3A_1240 = arith.constant 32 : index
      %get3A_1241 = tpu.vector_load %arg17[%get3A_1240] {strides = array<i32>} : memref<128xi32, #tpu.memory_space<vmem>>, vector<16xi32>,
      %mul3A_1242 = arith.constant 10000 : i32
      %mul3A_1243 = vector.broadcast %mul3A_1242 : i32 to vector<16xi32>
      %mul3A_1244 = arith.muli %get3A_1241, %mul3A_1243 : vector<16xi32>
      %get3A_1245 = arith.constant 32 : index
      %get3A_1246 = tpu.vector_load %arg13[%get3A_1245] {strides = array<i32>} : memref<128xi32, #tpu.memory_space<vmem>>, vector<16xi32>,
      %add3A_1247 = arith.addi %mul3A_1244, %get3A_1246 : vector<16xi32>
      %swap3A_1248 = arith.constant 32 : index
      %swap3A_1249 = tpu.vector_load %arg23[%swap3A_1248] {strides = array<i32>} : memref<128xi32, #tpu.memory_space<vmem>>, vector<16xi32>,
      tpu.vector_store %arg23[%swap3A_1248], %add3A_1247 {strides = array<i32>} : memref<128xi32, #tpu.memory_space<vmem>>, vector<16xi32>,
      %gather3A_1250 = tpu.vector_load_idx %arg29[%get3A_1241] : memref<8xf32, #tpu.memory_space<vmem>>[vector<16xi32>], vector<16xf32>,
      %add3A_1251 = arith.constant 32 : i32
      %add3A_1252 = vector.broadcast %add3A_1251 : i32 to vector<16xi32>
      %add3A_1253 = arith.addi %add3A_1252, %iota3A_1209 : vector<16xi32>
      tpu.vector_store_idx %arg27[%add3A_1253, %broadcast_in_dim3A_1211], %gather3A_1250 : memref<128x16xf32, #tpu.memory_space<vmem>>[vector<16xi32>, vector<16xi32>], vector<16xf32>,
      %get3A_1254 = arith.constant 48 : index
      %get3A_1255 = tpu.vector_load %arg17[%get3A_1254] {strides = array<i32>} : memref<128xi32, #tpu.memory_space<vmem>>, vector<16xi32>,
      %mul3A_1256 = arith.constant 10000 : i32
      %mul3A_1257 = vector.broadcast %mul3A_1256 : i32 to vector<16xi32>
      %mul3A_1258 = arith.muli %get3A_1255, %mul3A_1257 : vector<16xi32>
      %get3A_1259 = arith.constant 48 : index
      %get3A_1260 = tpu.vector_load %arg13[%get3A_1259] {strides = array<i32>} : memref<128xi32, #tpu.memory_space<vmem>>, vector<16xi32>,
      %add3A_1261 = arith.addi %mul3A_1258, %get3A_1260 : vector<16xi32>
      %swap3A_1262 = arith.constant 48 : index
      %swap3A_1263 = tpu.vector_load %arg23[%swap3A_1262] {strides = array<i32>} : memref<128xi32, #tpu.memory_space<vmem>>, vector<16xi32>,
      tpu.vector_store %arg23[%swap3A_1262], %add3A_1261 {strides = array<i32>} : memref<128xi32, #tpu.memory_space<vmem>>, vector<16xi32>,
      %gather3A_1264 = tpu.vector_load_idx %arg29[%get3A_1255] : memref<8xf32, #tpu.memory_space<vmem>>[vector<16xi32>], vector<16xf32>,
      %add3A_1265 = arith.constant 48 : i32
      %add3A_1266 = vector.broadcast %add3A_1265 : i32 to vector<16xi32>
      %add3A_1267 = arith.addi %add3A_1266, %iota3A_1209 : vector<16xi32>
      tpu.vector_store_idx %arg27[%add3A_1267, %broadcast_in_dim3A_1211], %gather3A_1264 : memref<128x16xf32, #tpu.memory_space<vmem>>[vector<16xi32>, vector<16xi32>], vector<16xf32>,
      %get3A_1268 = arith.constant 64 : index
      %get3A_1269 = tpu.vector_load %arg17[%get3A_1268] {strides = array<i32>} : memref<128xi32, #tpu.memory_space<vmem>>, vector<16xi32>,
      %mul3A_1270 = arith.constant 10000 : i32
      %mul3A_1271 = vector.broadcast %mul3A_1270 : i32 to vector<16xi32>
      %mul3A_1272 = arith.muli %get3A_1269, %mul3A_1271 : vector<16xi32>
      %get3A_1273 = arith.constant 64 : index
      %get3A_1274 = tpu.vector_load %arg13[%get3A_1273] {strides = array<i32>} : memref<128xi32, #tpu.memory_space<vmem>>, vector<16xi32>,
      %add3A_1275 = arith.addi %mul3A_1272, %get3A_1274 : vector<16xi32>
      %swap3A_1276 = arith.constant 64 : index
      %swap3A_1277 = tpu.vector_load %arg23[%swap3A_1276] {strides = array<i32>} : memref<128xi32, #tpu.memory_space<vmem>>, vector<16xi32>,
      tpu.vector_store %arg23[%swap3A_1276], %add3A_1275 {strides = array<i32>} : memref<128xi32, #tpu.memory_space<vmem>>, vector<16xi32>,
      %gather3A_1278 = tpu.vector_load_idx %arg29[%get3A_1269] : memref<8xf32, #tpu.memory_space<vmem>>[vector<16xi32>], vector<16xf32>,
      %add3A_1279 = arith.constant 64 : i32
      %add3A_1280 = vector.broadcast %add3A_1279 : i32 to vector<16xi32>
      %add3A_1281 = arith.addi %add3A_1280, %iota3A_1209 : vector<16xi32>
      tpu.vector_store_idx %arg27[%add3A_1281, %broadcast_in_dim3A_1211], %gather3A_1278 : memref<128x16xf32, #tpu.memory_space<vmem>>[vector<16xi32>, vector<16xi32>], vector<16xf32>,
      %get3A_1282 = arith.constant 80 : index
      %get3A_1283 = tpu.vector_load %arg17[%get3A_1282] {strides = array<i32>} : memref<128xi32, #tpu.memory_space<vmem>>, vector<16xi32>,
      %mul3A_1284 = arith.constant 10000 : i32
      %mul3A_1285 = vector.broadcast %mul3A_1284 : i32 to vector<16xi32>
      %mul3A_1286 = arith.muli %get3A_1283, %mul3A_1285 : vector<16xi32>
      %get3A_1287 = arith.constant 80 : index
      %get3A_1288 = tpu.vector_load %arg13[%get3A_1287] {strides = array<i32>} : memref<128xi32, #tpu.memory_space<vmem>>, vector<16xi32>,
      %add3A_1289 = arith.addi %mul3A_1286, %get3A_1288 : vector<16xi32>
      %swap3A_1290 = arith.constant 80 : index
      %swap3A_1291 = tpu.vector_load %arg23[%swap3A_1290] {strides = array<i32>} : memref<128xi32, #tpu.memory_space<vmem>>, vector<16xi32>,
      tpu.vector_store %arg23[%swap3A_1290], %add3A_1289 {strides = array<i32>} : memref<128xi32, #tpu.memory_space<vmem>>, vector<16xi32>,
      %gather3A_1292 = tpu.vector_load_idx %arg29[%get3A_1283] : memref<8xf32, #tpu.memory_space<vmem>>[vector<16xi32>], vector<16xf32>,
      %add3A_1293 = arith.constant 80 : i32
      %add3A_1294 = vector.broadcast %add3A_1293 : i32 to vector<16xi32>
      %add3A_1295 = arith.addi %add3A_1294, %iota3A_1209 : vector<16xi32>
      tpu.vector_store_idx %arg27[%add3A_1295, %broadcast_in_dim3A_1211], %gather3A_1292 : memref<128x16xf32, #tpu.memory_space<vmem>>[vector<16xi32>, vector<16xi32>], vector<16xf32>,
      %get3A_1296 = arith.constant 96 : index
      %get3A_1297 = tpu.vector_load %arg17[%get3A_1296] {strides = array<i32>} : memref<128xi32, #tpu.memory_space<vmem>>, vector<16xi32>,
      %mul3A_1298 = arith.constant 10000 : i32
      %mul3A_1299 = vector.broadcast %mul3A_1298 : i32 to vector<16xi32>
      %mul3A_1300 = arith.muli %get3A_1297, %mul3A_1299 : vector<16xi32>
      %get3A_1301 = arith.constant 96 : index
      %get3A_1302 = tpu.vector_load %arg13[%get3A_1301] {strides = array<i32>} : memref<128xi32, #tpu.memory_space<vmem>>, vector<16xi32>,
      %add3A_1303 = arith.addi %mul3A_1300, %get3A_1302 : vector<16xi32>
      %swap3A_1304 = arith.constant 96 : index
      %swap3A_1305 = tpu.vector_load %arg23[%swap3A_1304] {strides = array<i32>} : memref<128xi32, #tpu.memory_space<vmem>>, vector<16xi32>,
      tpu.vector_store %arg23[%swap3A_1304], %add3A_1303 {strides = array<i32>} : memref<128xi32, #tpu.memory_space<vmem>>, vector<16xi32>,
      %gather3A_1306 = tpu.vector_load_idx %arg29[%get3A_1297] : memref<8xf32, #tpu.memory_space<vmem>>[vector<16xi32>], vector<16xf32>,
      %add3A_1307 = arith.constant 96 : i32
      %add3A_1308 = vector.broadcast %add3A_1307 : i32 to vector<16xi32>
      %add3A_1309 = arith.addi %add3A_1308, %iota3A_1209 : vector<16xi32>
      tpu.vector_store_idx %arg27[%add3A_1309, %broadcast_in_dim3A_1211], %gather3A_1306 : memref<128x16xf32, #tpu.memory_space<vmem>>[vector<16xi32>, vector<16xi32>], vector<16xf32>,
      %get3A_1310 = arith.constant 112 : index
      %get3A_1311 = tpu.vector_load %arg17[%get3A_1310] {strides = array<i32>} : memref<128xi32, #tpu.memory_space<vmem>>, vector<16xi32>,
      %mul3A_1312 = arith.constant 10000 : i32
      %mul3A_1313 = vector.broadcast %mul3A_1312 : i32 to vector<16xi32>
      %mul3A_1314 = arith.muli %get3A_1311, %mul3A_1313 : vector<16xi32>
      %get3A_1315 = arith.constant 112 : index
      %get3A_1316 = tpu.vector_load %arg13[%get3A_1315] {strides = array<i32>} : memref<128xi32, #tpu.memory_space<vmem>>, vector<16xi32>,
      %add3A_1317 = arith.addi %mul3A_1314, %get3A_1316 : vector<16xi32>
      %swap3A_1318 = arith.constant 112 : index
      %swap3A_1319 = tpu.vector_load %arg23[%swap3A_1318] {strides = array<i32>} : memref<128xi32, #tpu.memory_space<vmem>>, vector<16xi32>,
      tpu.vector_store %arg23[%swap3A_1318], %add3A_1317 {strides = array<i32>} : memref<128xi32, #tpu.memory_space<vmem>>, vector<16xi32>,
      %gather3A_1320 = tpu.vector_load_idx %arg29[%get3A_1311] : memref<8xf32, #tpu.memory_space<vmem>>[vector<16xi32>], vector<16xf32>,
      %add3A_1321 = arith.constant 112 : i32
      %add3A_1322 = vector.broadcast %add3A_1321 : i32 to vector<16xi32>
      %add3A_1323 = arith.addi %add3A_1322, %iota3A_1209 : vector<16xi32>
      tpu.vector_store_idx %arg27[%add3A_1323, %broadcast_in_dim3A_1211], %gather3A_1320 : memref<128x16xf32, #tpu.memory_space<vmem>>[vector<16xi32>, vector<16xi32>], vector<16xf32>,
      %dma_start3A_1324 = arith.constant 0 : i32
      %dma_start3A_1325 = arith.constant 0 : i32
      %dma_start3A_1326 = tpu.memref_slice %arg2[%dma_start3A_1324, %dma_start3A_1325] : memref<70000x128xf32, #tpu.memory_space<hbm>> -> memref<70000x128xf32, #tpu.memory_space<hbm>>
      tpu.enqueue_indirect_dma source(%dma_start3A_1326 : memref<70000x128xf32, #tpu.memory_space<hbm>>) target(%arg25 : memref<128x128xf32, #tpu.memory_space<vmem>>) offsets(%arg23 : memref<128xi32, #tpu.memory_space<vmem>>) semaphore(%arg36 : memref<!tpu.dma_semaphore, #tpu.memory_space<semaphore_mem>>)
      %dma_wait3A_1327 = arith.constant 0 : i32
      %dma_wait3A_1328 = arith.constant 0 : i32
      %dma_wait3A_1329 = tpu.memref_slice %arg2[%dma_wait3A_1327, %dma_wait3A_1328] : memref<70000x128xf32, #tpu.memory_space<hbm>> -> memref<70000x128xf32, #tpu.memory_space<hbm>>
      tpu.wait_indirect_dma semaphore(%arg37 : memref<!tpu.dma_semaphore, #tpu.memory_space<semaphore_mem>>) src(%dma_wait3A_1329 : memref<70000x128xf32, #tpu.memory_space<hbm>>) dst(%arg26 : memref<128x128xf32, #tpu.memory_space<vmem>>)
      "tpu.region"() ({
        %run_scoped3A = tpu.sem_alloc : memref<!tpu.dma_semaphore, #tpu.memory_space<semaphore_mem>>
        %dma_start3A_1689 = arith.constant 0 : i32
        %dma_start3A_1690 = arith.constant 0 : i32
        %dma_start3A_1691 = tpu.memref_slice %arg30[%dma_start3A_1689, %dma_start3A_1690] : memref<10112x128xf32, #tpu.memory_space<vmem_shared>> -> memref<10112x128xf32, #tpu.memory_space<vmem_shared>>
        tpu.enqueue_indirect_dma source(%arg26 : memref<128x128xf32, #tpu.memory_space<vmem>>) target(%dma_start3A_1691 : memref<10112x128xf32, #tpu.memory_space<vmem_shared>>) offsets(%arg20 : memref<128xi32, #tpu.memory_space<vmem>>) semaphore(%run_scoped3A : memref<!tpu.dma_semaphore, #tpu.memory_space<semaphore_mem>>) {add = true}
        %dma_wait3A_1692 = arith.constant 0 : i32
        %dma_wait3A_1693 = arith.constant 0 : i32
        %dma_wait3A_1694 = tpu.memref_slice %arg30[%dma_wait3A_1692, %dma_wait3A_1693] : memref<10112x128xf32, #tpu.memory_space<vmem_shared>> -> memref<10112x128xf32, #tpu.memory_space<vmem_shared>>
        tpu.wait_indirect_dma semaphore(%run_scoped3A : memref<!tpu.dma_semaphore, #tpu.memory_space<semaphore_mem>>) src(%arg26 : memref<128x128xf32, #tpu.memory_space<vmem>>) dst(%dma_wait3A_1694 : memref<10112x128xf32, #tpu.memory_space<vmem_shared>>)
        tpu.yield
      }) : () -> ()
      "tpu.region"() ({
        %run_scoped3A = tpu.sem_alloc : memref<!tpu.dma_semaphore, #tpu.memory_space<semaphore_mem>>
        %dma_start3A_1689 = arith.constant 0 : i32
        %dma_start3A_1690 = arith.constant 0 : i32
        %dma_start3A_1691 = tpu.memref_slice %arg31[%dma_start3A_1689, %dma_start3A_1690] : memref<10112x16xf32, #tpu.memory_space<vmem_shared>> -> memref<10112x16xf32, #tpu.memory_space<vmem_shared>>
        tpu.enqueue_indirect_dma source(%arg28 : memref<128x16xf32, #tpu.memory_space<vmem>>) target(%dma_start3A_1691 : memref<10112x16xf32, #tpu.memory_space<vmem_shared>>) offsets(%arg20 : memref<128xi32, #tpu.memory_space<vmem>>) semaphore(%run_scoped3A : memref<!tpu.dma_semaphore, #tpu.memory_space<semaphore_mem>>) {add = true}
        %dma_wait3A_1692 = arith.constant 0 : i32
        %dma_wait3A_1693 = arith.constant 0 : i32
        %dma_wait3A_1694 = tpu.memref_slice %arg31[%dma_wait3A_1692, %dma_wait3A_1693] : memref<10112x16xf32, #tpu.memory_space<vmem_shared>> -> memref<10112x16xf32, #tpu.memory_space<vmem_shared>>
        tpu.wait_indirect_dma semaphore(%run_scoped3A : memref<!tpu.dma_semaphore, #tpu.memory_space<semaphore_mem>>) src(%arg28 : memref<128x16xf32, #tpu.memory_space<vmem>>) dst(%dma_wait3A_1694 : memref<10112x16xf32, #tpu.memory_space<vmem_shared>>)
        tpu.yield
      }) : () -> ()
      %add3A_1330 = arith.constant 1 : i32
      %add3A_1331 = arith.addi %mul3A_1020, %add3A_1330 : i32
      %add3A_1332 = arith.constant 4 : i32
      %add3A_1333 = arith.addi %add3A_1331, %add3A_1332 : i32
      %mul3A_1334 = arith.constant 32 : i32
      %mul3A_1335 = arith.muli %add3A_1333, %mul3A_1334 : i32
      %add3A_1336 = arith.addi %mul3A_1335, %add3A : i32
      %dma_start3A_1337 = arith.constant 0 : i32
      %dma_start3A_1338 = tpu.memref_slice %arg3[%add3A_1336, %dma_start3A_1337] : memref<2500x128xi32, #tpu.memory_space<hbm>> -> memref<1x128xi32, #tpu.memory_space<hbm>>
      %dma_start3A_1339 = tpu.memref_squeeze %dma_start3A_1338 : memref<1x128xi32, #tpu.memory_space<hbm>> -> memref<128xi32, #tpu.memory_space<hbm>>
      %dma_start3A_1340 = arith.constant 0 : i32
      %dma_start3A_1341 = tpu.memref_slice %arg3[%add3A_1336, %dma_start3A_1340] : memref<2500x128xi32, #tpu.memory_space<hbm>> -> memref<1x128xi32, #tpu.memory_space<hbm>>
      %dma_start3A_1342 = tpu.memref_squeeze %dma_start3A_1341 : memref<1x128xi32, #tpu.memory_space<hbm>> -> memref<128xi32, #tpu.memory_space<hbm>>
      tpu.enqueue_dma source(%dma_start3A_1342 : memref<128xi32, #tpu.memory_space<hbm>>) target(%arg12 : memref<128xi32, #tpu.memory_space<vmem>>) target_semaphore(%arg33 : memref<!tpu.dma_semaphore, #tpu.memory_space<semaphore_mem>>)
      %dma_start3A_1343 = arith.constant 0 : i32
      %dma_start3A_1344 = tpu.memref_slice %arg4[%add3A_1336, %dma_start3A_1343] : memref<2500x128xi32, #tpu.memory_space<hbm>> -> memref<1x128xi32, #tpu.memory_space<hbm>>
      %dma_start3A_1345 = tpu.memref_squeeze %dma_start3A_1344 : memref<1x128xi32, #tpu.memory_space<hbm>> -> memref<128xi32, #tpu.memory_space<hbm>>
      %dma_start3A_1346 = arith.constant 0 : i32
      %dma_start3A_1347 = tpu.memref_slice %arg4[%add3A_1336, %dma_start3A_1346] : memref<2500x128xi32, #tpu.memory_space<hbm>> -> memref<1x128xi32, #tpu.memory_space<hbm>>
      %dma_start3A_1348 = tpu.memref_squeeze %dma_start3A_1347 : memref<1x128xi32, #tpu.memory_space<hbm>> -> memref<128xi32, #tpu.memory_space<hbm>>
      tpu.enqueue_dma source(%dma_start3A_1348 : memref<128xi32, #tpu.memory_space<hbm>>) target(%arg20 : memref<128xi32, #tpu.memory_space<vmem>>) target_semaphore(%arg33 : memref<!tpu.dma_semaphore, #tpu.memory_space<semaphore_mem>>)
      %dma_start3A_1349 = arith.constant 0 : i32
      %dma_start3A_1350 = tpu.memref_slice %arg5[%add3A_1336, %dma_start3A_1349] : memref<2500x128xi32, #tpu.memory_space<hbm>> -> memref<1x128xi32, #tpu.memory_space<hbm>>
      %dma_start3A_1351 = tpu.memref_squeeze %dma_start3A_1350 : memref<1x128xi32, #tpu.memory_space<hbm>> -> memref<128xi32, #tpu.memory_space<hbm>>
      %dma_start3A_1352 = arith.constant 0 : i32
      %dma_start3A_1353 = tpu.memref_slice %arg5[%add3A_1336, %dma_start3A_1352] : memref<2500x128xi32, #tpu.memory_space<hbm>> -> memref<1x128xi32, #tpu.memory_space<hbm>>
      %dma_start3A_1354 = tpu.memref_squeeze %dma_start3A_1353 : memref<1x128xi32, #tpu.memory_space<hbm>> -> memref<128xi32, #tpu.memory_space<hbm>>
      tpu.enqueue_dma source(%dma_start3A_1354 : memref<128xi32, #tpu.memory_space<hbm>>) target(%arg16 : memref<128xi32, #tpu.memory_space<vmem>>) target_semaphore(%arg33 : memref<!tpu.dma_semaphore, #tpu.memory_space<semaphore_mem>>)
      %dma_wait3A_1355 = arith.constant 0 : i32
      %dma_wait3A_1356 = arith.constant 0 : i32
      %dma_wait3A_1357 = tpu.memref_slice %arg3[%dma_wait3A_1355, %dma_wait3A_1356] : memref<2500x128xi32, #tpu.memory_space<hbm>> -> memref<1x128xi32, #tpu.memory_space<hbm>>
      %dma_wait3A_1358 = tpu.memref_squeeze %dma_wait3A_1357 : memref<1x128xi32, #tpu.memory_space<hbm>> -> memref<128xi32, #tpu.memory_space<hbm>>
      %dma_wait3A_1359 = arith.constant 0 : i32
      %dma_wait3A_1360 = tpu.memref_slice %arg3[%dma_wait3A_1355, %dma_wait3A_1359] : memref<2500x128xi32, #tpu.memory_space<hbm>> -> memref<1x128xi32, #tpu.memory_space<hbm>>
      %dma_wait3A_1361 = tpu.memref_squeeze %dma_wait3A_1360 : memref<1x128xi32, #tpu.memory_space<hbm>> -> memref<128xi32, #tpu.memory_space<hbm>>
      tpu.wait_dma2 semaphore(%arg35 : memref<!tpu.dma_semaphore, #tpu.memory_space<semaphore_mem>>) src(%dma_wait3A_1361 : memref<128xi32, #tpu.memory_space<hbm>>) dst(%arg14 : memref<128xi32, #tpu.memory_space<vmem>>)
      %dma_wait3A_1362 = arith.constant 0 : i32
      %dma_wait3A_1363 = arith.constant 0 : i32
      %dma_wait3A_1364 = tpu.memref_slice %arg3[%dma_wait3A_1362, %dma_wait3A_1363] : memref<2500x128xi32, #tpu.memory_space<hbm>> -> memref<1x128xi32, #tpu.memory_space<hbm>>
      %dma_wait3A_1365 = tpu.memref_squeeze %dma_wait3A_1364 : memref<1x128xi32, #tpu.memory_space<hbm>> -> memref<128xi32, #tpu.memory_space<hbm>>
      %dma_wait3A_1366 = arith.constant 0 : i32
      %dma_wait3A_1367 = tpu.memref_slice %arg3[%dma_wait3A_1362, %dma_wait3A_1366] : memref<2500x128xi32, #tpu.memory_space<hbm>> -> memref<1x128xi32, #tpu.memory_space<hbm>>
      %dma_wait3A_1368 = tpu.memref_squeeze %dma_wait3A_1367 : memref<1x128xi32, #tpu.memory_space<hbm>> -> memref<128xi32, #tpu.memory_space<hbm>>
      tpu.wait_dma2 semaphore(%arg35 : memref<!tpu.dma_semaphore, #tpu.memory_space<semaphore_mem>>) src(%dma_wait3A_1368 : memref<128xi32, #tpu.memory_space<hbm>>) dst(%arg22 : memref<128xi32, #tpu.memory_space<vmem>>)
      %dma_wait3A_1369 = arith.constant 0 : i32
      %dma_wait3A_1370 = arith.constant 0 : i32
      %dma_wait3A_1371 = tpu.memref_slice %arg3[%dma_wait3A_1369, %dma_wait3A_1370] : memref<2500x128xi32, #tpu.memory_space<hbm>> -> memref<1x128xi32, #tpu.memory_space<hbm>>
      %dma_wait3A_1372 = tpu.memref_squeeze %dma_wait3A_1371 : memref<1x128xi32, #tpu.memory_space<hbm>> -> memref<128xi32, #tpu.memory_space<hbm>>
      %dma_wait3A_1373 = arith.constant 0 : i32
      %dma_wait3A_1374 = tpu.memref_slice %arg3[%dma_wait3A_1369, %dma_wait3A_1373] : memref<2500x128xi32, #tpu.memory_space<hbm>> -> memref<1x128xi32, #tpu.memory_space<hbm>>
      %dma_wait3A_1375 = tpu.memref_squeeze %dma_wait3A_1374 : memref<1x128xi32, #tpu.memory_space<hbm>> -> memref<128xi32, #tpu.memory_space<hbm>>
      tpu.wait_dma2 semaphore(%arg35 : memref<!tpu.dma_semaphore, #tpu.memory_space<semaphore_mem>>) src(%dma_wait3A_1375 : memref<128xi32, #tpu.memory_space<hbm>>) dst(%arg18 : memref<128xi32, #tpu.memory_space<vmem>>)
      %iota3A_1376 = tpu.iota {dimensions = array<i32: 0>} : vector<16xi32>
      %broadcast_in_dim3A_1377 = arith.constant 0 : i32
      %broadcast_in_dim3A_1378 = vector.broadcast %broadcast_in_dim3A_1377 : i32 to vector<16xi32>
      %get3A_1379 = arith.constant 0 : index
      %get3A_1380 = tpu.vector_load %arg18[%get3A_1379] {strides = array<i32>} : memref<128xi32, #tpu.memory_space<vmem>>, vector<16xi32>,
      %mul3A_1381 = arith.constant 10000 : i32
      %mul3A_1382 = vector.broadcast %mul3A_1381 : i32 to vector<16xi32>
      %mul3A_1383 = arith.muli %get3A_1380, %mul3A_1382 : vector<16xi32>
      %get3A_1384 = arith.constant 0 : index
      %get3A_1385 = tpu.vector_load %arg14[%get3A_1384] {strides = array<i32>} : memref<128xi32, #tpu.memory_space<vmem>>, vector<16xi32>,
      %add3A_1386 = arith.addi %mul3A_1383, %get3A_1385 : vector<16xi32>
      %swap3A_1387 = arith.constant 0 : index
      %swap3A_1388 = tpu.vector_load %arg24[%swap3A_1387] {strides = array<i32>} : memref<128xi32, #tpu.memory_space<vmem>>, vector<16xi32>,
      tpu.vector_store %arg24[%swap3A_1387], %add3A_1386 {strides = array<i32>} : memref<128xi32, #tpu.memory_space<vmem>>, vector<16xi32>,
      %gather3A_1389 = tpu.vector_load_idx %arg29[%get3A_1380] : memref<8xf32, #tpu.memory_space<vmem>>[vector<16xi32>], vector<16xf32>,
      %add3A_1390 = arith.constant 0 : i32
      %add3A_1391 = vector.broadcast %add3A_1390 : i32 to vector<16xi32>
      %add3A_1392 = arith.addi %add3A_1391, %iota3A_1376 : vector<16xi32>
      tpu.vector_store_idx %arg28[%add3A_1392, %broadcast_in_dim3A_1378], %gather3A_1389 : memref<128x16xf32, #tpu.memory_space<vmem>>[vector<16xi32>, vector<16xi32>], vector<16xf32>,
      %get3A_1393 = arith.constant 16 : index
      %get3A_1394 = tpu.vector_load %arg18[%get3A_1393] {strides = array<i32>} : memref<128xi32, #tpu.memory_space<vmem>>, vector<16xi32>,
      %mul3A_1395 = arith.constant 10000 : i32
      %mul3A_1396 = vector.broadcast %mul3A_1395 : i32 to vector<16xi32>
      %mul3A_1397 = arith.muli %get3A_1394, %mul3A_1396 : vector<16xi32>
      %get3A_1398 = arith.constant 16 : index
      %get3A_1399 = tpu.vector_load %arg14[%get3A_1398] {strides = array<i32>} : memref<128xi32, #tpu.memory_space<vmem>>, vector<16xi32>,
      %add3A_1400 = arith.addi %mul3A_1397, %get3A_1399 : vector<16xi32>
      %swap3A_1401 = arith.constant 16 : index
      %swap3A_1402 = tpu.vector_load %arg24[%swap3A_1401] {strides = array<i32>} : memref<128xi32, #tpu.memory_space<vmem>>, vector<16xi32>,
      tpu.vector_store %arg24[%swap3A_1401], %add3A_1400 {strides = array<i32>} : memref<128xi32, #tpu.memory_space<vmem>>, vector<16xi32>,
      %gather3A_1403 = tpu.vector_load_idx %arg29[%get3A_1394] : memref<8xf32, #tpu.memory_space<vmem>>[vector<16xi32>], vector<16xf32>,
      %add3A_1404 = arith.constant 16 : i32
      %add3A_1405 = vector.broadcast %add3A_1404 : i32 to vector<16xi32>
      %add3A_1406 = arith.addi %add3A_1405, %iota3A_1376 : vector<16xi32>
      tpu.vector_store_idx %arg28[%add3A_1406, %broadcast_in_dim3A_1378], %gather3A_1403 : memref<128x16xf32, #tpu.memory_space<vmem>>[vector<16xi32>, vector<16xi32>], vector<16xf32>,
      %get3A_1407 = arith.constant 32 : index
      %get3A_1408 = tpu.vector_load %arg18[%get3A_1407] {strides = array<i32>} : memref<128xi32, #tpu.memory_space<vmem>>, vector<16xi32>,
      %mul3A_1409 = arith.constant 10000 : i32
      %mul3A_1410 = vector.broadcast %mul3A_1409 : i32 to vector<16xi32>
      %mul3A_1411 = arith.muli %get3A_1408, %mul3A_1410 : vector<16xi32>
      %get3A_1412 = arith.constant 32 : index
      %get3A_1413 = tpu.vector_load %arg14[%get3A_1412] {strides = array<i32>} : memref<128xi32, #tpu.memory_space<vmem>>, vector<16xi32>,
      %add3A_1414 = arith.addi %mul3A_1411, %get3A_1413 : vector<16xi32>
      %swap3A_1415 = arith.constant 32 : index
      %swap3A_1416 = tpu.vector_load %arg24[%swap3A_1415] {strides = array<i32>} : memref<128xi32, #tpu.memory_space<vmem>>, vector<16xi32>,
      tpu.vector_store %arg24[%swap3A_1415], %add3A_1414 {strides = array<i32>} : memref<128xi32, #tpu.memory_space<vmem>>, vector<16xi32>,
      %gather3A_1417 = tpu.vector_load_idx %arg29[%get3A_1408] : memref<8xf32, #tpu.memory_space<vmem>>[vector<16xi32>], vector<16xf32>,
      %add3A_1418 = arith.constant 32 : i32
      %add3A_1419 = vector.broadcast %add3A_1418 : i32 to vector<16xi32>
      %add3A_1420 = arith.addi %add3A_1419, %iota3A_1376 : vector<16xi32>
      tpu.vector_store_idx %arg28[%add3A_1420, %broadcast_in_dim3A_1378], %gather3A_1417 : memref<128x16xf32, #tpu.memory_space<vmem>>[vector<16xi32>, vector<16xi32>], vector<16xf32>,
      %get3A_1421 = arith.constant 48 : index
      %get3A_1422 = tpu.vector_load %arg18[%get3A_1421] {strides = array<i32>} : memref<128xi32, #tpu.memory_space<vmem>>, vector<16xi32>,
      %mul3A_1423 = arith.constant 10000 : i32
      %mul3A_1424 = vector.broadcast %mul3A_1423 : i32 to vector<16xi32>
      %mul3A_1425 = arith.muli %get3A_1422, %mul3A_1424 : vector<16xi32>
      %get3A_1426 = arith.constant 48 : index
      %get3A_1427 = tpu.vector_load %arg14[%get3A_1426] {strides = array<i32>} : memref<128xi32, #tpu.memory_space<vmem>>, vector<16xi32>,
      %add3A_1428 = arith.addi %mul3A_1425, %get3A_1427 : vector<16xi32>
      %swap3A_1429 = arith.constant 48 : index
      %swap3A_1430 = tpu.vector_load %arg24[%swap3A_1429] {strides = array<i32>} : memref<128xi32, #tpu.memory_space<vmem>>, vector<16xi32>,
      tpu.vector_store %arg24[%swap3A_1429], %add3A_1428 {strides = array<i32>} : memref<128xi32, #tpu.memory_space<vmem>>, vector<16xi32>,
      %gather3A_1431 = tpu.vector_load_idx %arg29[%get3A_1422] : memref<8xf32, #tpu.memory_space<vmem>>[vector<16xi32>], vector<16xf32>,
      %add3A_1432 = arith.constant 48 : i32
      %add3A_1433 = vector.broadcast %add3A_1432 : i32 to vector<16xi32>
      %add3A_1434 = arith.addi %add3A_1433, %iota3A_1376 : vector<16xi32>
      tpu.vector_store_idx %arg28[%add3A_1434, %broadcast_in_dim3A_1378], %gather3A_1431 : memref<128x16xf32, #tpu.memory_space<vmem>>[vector<16xi32>, vector<16xi32>], vector<16xf32>,
      %get3A_1435 = arith.constant 64 : index
      %get3A_1436 = tpu.vector_load %arg18[%get3A_1435] {strides = array<i32>} : memref<128xi32, #tpu.memory_space<vmem>>, vector<16xi32>,
      %mul3A_1437 = arith.constant 10000 : i32
      %mul3A_1438 = vector.broadcast %mul3A_1437 : i32 to vector<16xi32>
      %mul3A_1439 = arith.muli %get3A_1436, %mul3A_1438 : vector<16xi32>
      %get3A_1440 = arith.constant 64 : index
      %get3A_1441 = tpu.vector_load %arg14[%get3A_1440] {strides = array<i32>} : memref<128xi32, #tpu.memory_space<vmem>>, vector<16xi32>,
      %add3A_1442 = arith.addi %mul3A_1439, %get3A_1441 : vector<16xi32>
      %swap3A_1443 = arith.constant 64 : index
      %swap3A_1444 = tpu.vector_load %arg24[%swap3A_1443] {strides = array<i32>} : memref<128xi32, #tpu.memory_space<vmem>>, vector<16xi32>,
      tpu.vector_store %arg24[%swap3A_1443], %add3A_1442 {strides = array<i32>} : memref<128xi32, #tpu.memory_space<vmem>>, vector<16xi32>,
      %gather3A_1445 = tpu.vector_load_idx %arg29[%get3A_1436] : memref<8xf32, #tpu.memory_space<vmem>>[vector<16xi32>], vector<16xf32>,
      %add3A_1446 = arith.constant 64 : i32
      %add3A_1447 = vector.broadcast %add3A_1446 : i32 to vector<16xi32>
      %add3A_1448 = arith.addi %add3A_1447, %iota3A_1376 : vector<16xi32>
      tpu.vector_store_idx %arg28[%add3A_1448, %broadcast_in_dim3A_1378], %gather3A_1445 : memref<128x16xf32, #tpu.memory_space<vmem>>[vector<16xi32>, vector<16xi32>], vector<16xf32>,
      %get3A_1449 = arith.constant 80 : index
      %get3A_1450 = tpu.vector_load %arg18[%get3A_1449] {strides = array<i32>} : memref<128xi32, #tpu.memory_space<vmem>>, vector<16xi32>,
      %mul3A_1451 = arith.constant 10000 : i32
      %mul3A_1452 = vector.broadcast %mul3A_1451 : i32 to vector<16xi32>
      %mul3A_1453 = arith.muli %get3A_1450, %mul3A_1452 : vector<16xi32>
      %get3A_1454 = arith.constant 80 : index
      %get3A_1455 = tpu.vector_load %arg14[%get3A_1454] {strides = array<i32>} : memref<128xi32, #tpu.memory_space<vmem>>, vector<16xi32>,
      %add3A_1456 = arith.addi %mul3A_1453, %get3A_1455 : vector<16xi32>
      %swap3A_1457 = arith.constant 80 : index
      %swap3A_1458 = tpu.vector_load %arg24[%swap3A_1457] {strides = array<i32>} : memref<128xi32, #tpu.memory_space<vmem>>, vector<16xi32>,
      tpu.vector_store %arg24[%swap3A_1457], %add3A_1456 {strides = array<i32>} : memref<128xi32, #tpu.memory_space<vmem>>, vector<16xi32>,
      %gather3A_1459 = tpu.vector_load_idx %arg29[%get3A_1450] : memref<8xf32, #tpu.memory_space<vmem>>[vector<16xi32>], vector<16xf32>,
      %add3A_1460 = arith.constant 80 : i32
      %add3A_1461 = vector.broadcast %add3A_1460 : i32 to vector<16xi32>
      %add3A_1462 = arith.addi %add3A_1461, %iota3A_1376 : vector<16xi32>
      tpu.vector_store_idx %arg28[%add3A_1462, %broadcast_in_dim3A_1378], %gather3A_1459 : memref<128x16xf32, #tpu.memory_space<vmem>>[vector<16xi32>, vector<16xi32>], vector<16xf32>,
      %get3A_1463 = arith.constant 96 : index
      %get3A_1464 = tpu.vector_load %arg18[%get3A_1463] {strides = array<i32>} : memref<128xi32, #tpu.memory_space<vmem>>, vector<16xi32>,
      %mul3A_1465 = arith.constant 10000 : i32
      %mul3A_1466 = vector.broadcast %mul3A_1465 : i32 to vector<16xi32>
      %mul3A_1467 = arith.muli %get3A_1464, %mul3A_1466 : vector<16xi32>
      %get3A_1468 = arith.constant 96 : index
      %get3A_1469 = tpu.vector_load %arg14[%get3A_1468] {strides = array<i32>} : memref<128xi32, #tpu.memory_space<vmem>>, vector<16xi32>,
      %add3A_1470 = arith.addi %mul3A_1467, %get3A_1469 : vector<16xi32>
      %swap3A_1471 = arith.constant 96 : index
      %swap3A_1472 = tpu.vector_load %arg24[%swap3A_1471] {strides = array<i32>} : memref<128xi32, #tpu.memory_space<vmem>>, vector<16xi32>,
      tpu.vector_store %arg24[%swap3A_1471], %add3A_1470 {strides = array<i32>} : memref<128xi32, #tpu.memory_space<vmem>>, vector<16xi32>,
      %gather3A_1473 = tpu.vector_load_idx %arg29[%get3A_1464] : memref<8xf32, #tpu.memory_space<vmem>>[vector<16xi32>], vector<16xf32>,
      %add3A_1474 = arith.constant 96 : i32
      %add3A_1475 = vector.broadcast %add3A_1474 : i32 to vector<16xi32>
      %add3A_1476 = arith.addi %add3A_1475, %iota3A_1376 : vector<16xi32>
      tpu.vector_store_idx %arg28[%add3A_1476, %broadcast_in_dim3A_1378], %gather3A_1473 : memref<128x16xf32, #tpu.memory_space<vmem>>[vector<16xi32>, vector<16xi32>], vector<16xf32>,
      %get3A_1477 = arith.constant 112 : index
      %get3A_1478 = tpu.vector_load %arg18[%get3A_1477] {strides = array<i32>} : memref<128xi32, #tpu.memory_space<vmem>>, vector<16xi32>,
      %mul3A_1479 = arith.constant 10000 : i32
      %mul3A_1480 = vector.broadcast %mul3A_1479 : i32 to vector<16xi32>
      %mul3A_1481 = arith.muli %get3A_1478, %mul3A_1480 : vector<16xi32>
      %get3A_1482 = arith.constant 112 : index
      %get3A_1483 = tpu.vector_load %arg14[%get3A_1482] {strides = array<i32>} : memref<128xi32, #tpu.memory_space<vmem>>, vector<16xi32>,
      %add3A_1484 = arith.addi %mul3A_1481, %get3A_1483 : vector<16xi32>
      %swap3A_1485 = arith.constant 112 : index
      %swap3A_1486 = tpu.vector_load %arg24[%swap3A_1485] {strides = array<i32>} : memref<128xi32, #tpu.memory_space<vmem>>, vector<16xi32>,
      tpu.vector_store %arg24[%swap3A_1485], %add3A_1484 {strides = array<i32>} : memref<128xi32, #tpu.memory_space<vmem>>, vector<16xi32>,
      %gather3A_1487 = tpu.vector_load_idx %arg29[%get3A_1478] : memref<8xf32, #tpu.memory_space<vmem>>[vector<16xi32>], vector<16xf32>,
      %add3A_1488 = arith.constant 112 : i32
      %add3A_1489 = vector.broadcast %add3A_1488 : i32 to vector<16xi32>
      %add3A_1490 = arith.addi %add3A_1489, %iota3A_1376 : vector<16xi32>
      tpu.vector_store_idx %arg28[%add3A_1490, %broadcast_in_dim3A_1378], %gather3A_1487 : memref<128x16xf32, #tpu.memory_space<vmem>>[vector<16xi32>, vector<16xi32>], vector<16xf32>,
      %dma_start3A_1491 = arith.constant 0 : i32
      %dma_start3A_1492 = arith.constant 0 : i32
      %dma_start3A_1493 = tpu.memref_slice %arg2[%dma_start3A_1491, %dma_start3A_1492] : memref<70000x128xf32, #tpu.memory_space<hbm>> -> memref<70000x128xf32, #tpu.memory_space<hbm>>
      tpu.enqueue_indirect_dma source(%dma_start3A_1493 : memref<70000x128xf32, #tpu.memory_space<hbm>>) target(%arg26 : memref<128x128xf32, #tpu.memory_space<vmem>>) offsets(%arg24 : memref<128xi32, #tpu.memory_space<vmem>>) semaphore(%arg37 : memref<!tpu.dma_semaphore, #tpu.memory_space<semaphore_mem>>)
      %dma_wait3A_1494 = arith.constant 0 : i32
      %dma_wait3A_1495 = arith.constant 0 : i32
      %dma_wait3A_1496 = tpu.memref_slice %arg2[%dma_wait3A_1494, %dma_wait3A_1495] : memref<70000x128xf32, #tpu.memory_space<hbm>> -> memref<70000x128xf32, #tpu.memory_space<hbm>>
      tpu.wait_indirect_dma semaphore(%arg36 : memref<!tpu.dma_semaphore, #tpu.memory_space<semaphore_mem>>) src(%dma_wait3A_1496 : memref<70000x128xf32, #tpu.memory_space<hbm>>) dst(%arg25 : memref<128x128xf32, #tpu.memory_space<vmem>>)
      "tpu.region"() ({
        %run_scoped3A = tpu.sem_alloc : memref<!tpu.dma_semaphore, #tpu.memory_space<semaphore_mem>>
        %dma_start3A_1689 = arith.constant 0 : i32
        %dma_start3A_1690 = arith.constant 0 : i32
        %dma_start3A_1691 = tpu.memref_slice %arg30[%dma_start3A_1689, %dma_start3A_1690] : memref<10112x128xf32, #tpu.memory_space<vmem_shared>> -> memref<10112x128xf32, #tpu.memory_space<vmem_shared>>
        tpu.enqueue_indirect_dma source(%arg25 : memref<128x128xf32, #tpu.memory_space<vmem>>) target(%dma_start3A_1691 : memref<10112x128xf32, #tpu.memory_space<vmem_shared>>) offsets(%arg21 : memref<128xi32, #tpu.memory_space<vmem>>) semaphore(%run_scoped3A : memref<!tpu.dma_semaphore, #tpu.memory_space<semaphore_mem>>) {add = true}
        %dma_wait3A_1692 = arith.constant 0 : i32
        %dma_wait3A_1693 = arith.constant 0 : i32
        %dma_wait3A_1694 = tpu.memref_slice %arg30[%dma_wait3A_1692, %dma_wait3A_1693] : memref<10112x128xf32, #tpu.memory_space<vmem_shared>> -> memref<10112x128xf32, #tpu.memory_space<vmem_shared>>
        tpu.wait_indirect_dma semaphore(%run_scoped3A : memref<!tpu.dma_semaphore, #tpu.memory_space<semaphore_mem>>) src(%arg25 : memref<128x128xf32, #tpu.memory_space<vmem>>) dst(%dma_wait3A_1694 : memref<10112x128xf32, #tpu.memory_space<vmem_shared>>)
        tpu.yield
      }) : () -> ()
      "tpu.region"() ({
        %run_scoped3A = tpu.sem_alloc : memref<!tpu.dma_semaphore, #tpu.memory_space<semaphore_mem>>
        %dma_start3A_1689 = arith.constant 0 : i32
        %dma_start3A_1690 = arith.constant 0 : i32
        %dma_start3A_1691 = tpu.memref_slice %arg31[%dma_start3A_1689, %dma_start3A_1690] : memref<10112x16xf32, #tpu.memory_space<vmem_shared>> -> memref<10112x16xf32, #tpu.memory_space<vmem_shared>>
        tpu.enqueue_indirect_dma source(%arg27 : memref<128x16xf32, #tpu.memory_space<vmem>>) target(%dma_start3A_1691 : memref<10112x16xf32, #tpu.memory_space<vmem_shared>>) offsets(%arg21 : memref<128xi32, #tpu.memory_space<vmem>>) semaphore(%run_scoped3A : memref<!tpu.dma_semaphore, #tpu.memory_space<semaphore_mem>>) {add = true}
        %dma_wait3A_1692 = arith.constant 0 : i32
        %dma_wait3A_1693 = arith.constant 0 : i32
        %dma_wait3A_1694 = tpu.memref_slice %arg31[%dma_wait3A_1692, %dma_wait3A_1693] : memref<10112x16xf32, #tpu.memory_space<vmem_shared>> -> memref<10112x16xf32, #tpu.memory_space<vmem_shared>>
        tpu.wait_indirect_dma semaphore(%run_scoped3A : memref<!tpu.dma_semaphore, #tpu.memory_space<semaphore_mem>>) src(%arg27 : memref<128x16xf32, #tpu.memory_space<vmem>>) dst(%dma_wait3A_1694 : memref<10112x16xf32, #tpu.memory_space<vmem_shared>>)
        tpu.yield
      }) : () -> ()
      %add3A_1497 = arith.constant 2 : i32
      %add3A_1498 = arith.addi %mul3A_1020, %add3A_1497 : i32
      %add3A_1499 = arith.constant 4 : i32
      %add3A_1500 = arith.addi %add3A_1498, %add3A_1499 : i32
      %mul3A_1501 = arith.constant 32 : i32
      %mul3A_1502 = arith.muli %add3A_1500, %mul3A_1501 : i32
      %add3A_1503 = arith.addi %mul3A_1502, %add3A : i32
      %dma_start3A_1504 = arith.constant 0 : i32
      %dma_start3A_1505 = tpu.memref_slice %arg3[%add3A_1503, %dma_start3A_1504] : memref<2500x128xi32, #tpu.memory_space<hbm>> -> memref<1x128xi32, #tpu.memory_space<hbm>>
      %dma_start3A_1506 = tpu.memref_squeeze %dma_start3A_1505 : memref<1x128xi32, #tpu.memory_space<hbm>> -> memref<128xi32, #tpu.memory_space<hbm>>
      %dma_start3A_1507 = arith.constant 0 : i32
      %dma_start3A_1508 = tpu.memref_slice %arg3[%add3A_1503, %dma_start3A_1507] : memref<2500x128xi32, #tpu.memory_space<hbm>> -> memref<1x128xi32, #tpu.memory_space<hbm>>
      %dma_start3A_1509 = tpu.memref_squeeze %dma_start3A_1508 : memref<1x128xi32, #tpu.memory_space<hbm>> -> memref<128xi32, #tpu.memory_space<hbm>>
      tpu.enqueue_dma source(%dma_start3A_1509 : memref<128xi32, #tpu.memory_space<hbm>>) target(%arg13 : memref<128xi32, #tpu.memory_space<vmem>>) target_semaphore(%arg34 : memref<!tpu.dma_semaphore, #tpu.memory_space<semaphore_mem>>)
      %dma_start3A_1510 = arith.constant 0 : i32
      %dma_start3A_1511 = tpu.memref_slice %arg4[%add3A_1503, %dma_start3A_1510] : memref<2500x128xi32, #tpu.memory_space<hbm>> -> memref<1x128xi32, #tpu.memory_space<hbm>>
      %dma_start3A_1512 = tpu.memref_squeeze %dma_start3A_1511 : memref<1x128xi32, #tpu.memory_space<hbm>> -> memref<128xi32, #tpu.memory_space<hbm>>
      %dma_start3A_1513 = arith.constant 0 : i32
      %dma_start3A_1514 = tpu.memref_slice %arg4[%add3A_1503, %dma_start3A_1513] : memref<2500x128xi32, #tpu.memory_space<hbm>> -> memref<1x128xi32, #tpu.memory_space<hbm>>
      %dma_start3A_1515 = tpu.memref_squeeze %dma_start3A_1514 : memref<1x128xi32, #tpu.memory_space<hbm>> -> memref<128xi32, #tpu.memory_space<hbm>>
      tpu.enqueue_dma source(%dma_start3A_1515 : memref<128xi32, #tpu.memory_space<hbm>>) target(%arg21 : memref<128xi32, #tpu.memory_space<vmem>>) target_semaphore(%arg34 : memref<!tpu.dma_semaphore, #tpu.memory_space<semaphore_mem>>)
      %dma_start3A_1516 = arith.constant 0 : i32
      %dma_start3A_1517 = tpu.memref_slice %arg5[%add3A_1503, %dma_start3A_1516] : memref<2500x128xi32, #tpu.memory_space<hbm>> -> memref<1x128xi32, #tpu.memory_space<hbm>>
      %dma_start3A_1518 = tpu.memref_squeeze %dma_start3A_1517 : memref<1x128xi32, #tpu.memory_space<hbm>> -> memref<128xi32, #tpu.memory_space<hbm>>
      %dma_start3A_1519 = arith.constant 0 : i32
      %dma_start3A_1520 = tpu.memref_slice %arg5[%add3A_1503, %dma_start3A_1519] : memref<2500x128xi32, #tpu.memory_space<hbm>> -> memref<1x128xi32, #tpu.memory_space<hbm>>
      %dma_start3A_1521 = tpu.memref_squeeze %dma_start3A_1520 : memref<1x128xi32, #tpu.memory_space<hbm>> -> memref<128xi32, #tpu.memory_space<hbm>>
      tpu.enqueue_dma source(%dma_start3A_1521 : memref<128xi32, #tpu.memory_space<hbm>>) target(%arg17 : memref<128xi32, #tpu.memory_space<vmem>>) target_semaphore(%arg34 : memref<!tpu.dma_semaphore, #tpu.memory_space<semaphore_mem>>)
      %dma_wait3A_1522 = arith.constant 0 : i32
      %dma_wait3A_1523 = arith.constant 0 : i32
      %dma_wait3A_1524 = tpu.memref_slice %arg3[%dma_wait3A_1522, %dma_wait3A_1523] : memref<2500x128xi32, #tpu.memory_space<hbm>> -> memref<1x128xi32, #tpu.memory_space<hbm>>
      %dma_wait3A_1525 = tpu.memref_squeeze %dma_wait3A_1524 : memref<1x128xi32, #tpu.memory_space<hbm>> -> memref<128xi32, #tpu.memory_space<hbm>>
      %dma_wait3A_1526 = arith.constant 0 : i32
      %dma_wait3A_1527 = tpu.memref_slice %arg3[%dma_wait3A_1522, %dma_wait3A_1526] : memref<2500x128xi32, #tpu.memory_space<hbm>> -> memref<1x128xi32, #tpu.memory_space<hbm>>
      %dma_wait3A_1528 = tpu.memref_squeeze %dma_wait3A_1527 : memref<1x128xi32, #tpu.memory_space<hbm>> -> memref<128xi32, #tpu.memory_space<hbm>>
      tpu.wait_dma2 semaphore(%arg32 : memref<!tpu.dma_semaphore, #tpu.memory_space<semaphore_mem>>) src(%dma_wait3A_1528 : memref<128xi32, #tpu.memory_space<hbm>>) dst(%arg11 : memref<128xi32, #tpu.memory_space<vmem>>)
      %dma_wait3A_1529 = arith.constant 0 : i32
      %dma_wait3A_1530 = arith.constant 0 : i32
      %dma_wait3A_1531 = tpu.memref_slice %arg3[%dma_wait3A_1529, %dma_wait3A_1530] : memref<2500x128xi32, #tpu.memory_space<hbm>> -> memref<1x128xi32, #tpu.memory_space<hbm>>
      %dma_wait3A_1532 = tpu.memref_squeeze %dma_wait3A_1531 : memref<1x128xi32, #tpu.memory_space<hbm>> -> memref<128xi32, #tpu.memory_space<hbm>>
      %dma_wait3A_1533 = arith.constant 0 : i32
      %dma_wait3A_1534 = tpu.memref_slice %arg3[%dma_wait3A_1529, %dma_wait3A_1533] : memref<2500x128xi32, #tpu.memory_space<hbm>> -> memref<1x128xi32, #tpu.memory_space<hbm>>
      %dma_wait3A_1535 = tpu.memref_squeeze %dma_wait3A_1534 : memref<1x128xi32, #tpu.memory_space<hbm>> -> memref<128xi32, #tpu.memory_space<hbm>>
      tpu.wait_dma2 semaphore(%arg32 : memref<!tpu.dma_semaphore, #tpu.memory_space<semaphore_mem>>) src(%dma_wait3A_1535 : memref<128xi32, #tpu.memory_space<hbm>>) dst(%arg19 : memref<128xi32, #tpu.memory_space<vmem>>)
      %dma_wait3A_1536 = arith.constant 0 : i32
      %dma_wait3A_1537 = arith.constant 0 : i32
      %dma_wait3A_1538 = tpu.memref_slice %arg3[%dma_wait3A_1536, %dma_wait3A_1537] : memref<2500x128xi32, #tpu.memory_space<hbm>> -> memref<1x128xi32, #tpu.memory_space<hbm>>
      %dma_wait3A_1539 = tpu.memref_squeeze %dma_wait3A_1538 : memref<1x128xi32, #tpu.memory_space<hbm>> -> memref<128xi32, #tpu.memory_space<hbm>>
      %dma_wait3A_1540 = arith.constant 0 : i32
      %dma_wait3A_1541 = tpu.memref_slice %arg3[%dma_wait3A_1536, %dma_wait3A_1540] : memref<2500x128xi32, #tpu.memory_space<hbm>> -> memref<1x128xi32, #tpu.memory_space<hbm>>
      %dma_wait3A_1542 = tpu.memref_squeeze %dma_wait3A_1541 : memref<1x128xi32, #tpu.memory_space<hbm>> -> memref<128xi32, #tpu.memory_space<hbm>>
      tpu.wait_dma2 semaphore(%arg32 : memref<!tpu.dma_semaphore, #tpu.memory_space<semaphore_mem>>) src(%dma_wait3A_1542 : memref<128xi32, #tpu.memory_space<hbm>>) dst(%arg15 : memref<128xi32, #tpu.memory_space<vmem>>)
      %iota3A_1543 = tpu.iota {dimensions = array<i32: 0>} : vector<16xi32>
      %broadcast_in_dim3A_1544 = arith.constant 0 : i32
      %broadcast_in_dim3A_1545 = vector.broadcast %broadcast_in_dim3A_1544 : i32 to vector<16xi32>
      %get3A_1546 = arith.constant 0 : index
      %get3A_1547 = tpu.vector_load %arg15[%get3A_1546] {strides = array<i32>} : memref<128xi32, #tpu.memory_space<vmem>>, vector<16xi32>,
      %mul3A_1548 = arith.constant 10000 : i32
      %mul3A_1549 = vector.broadcast %mul3A_1548 : i32 to vector<16xi32>
      %mul3A_1550 = arith.muli %get3A_1547, %mul3A_1549 : vector<16xi32>
      %get3A_1551 = arith.constant 0 : index
      %get3A_1552 = tpu.vector_load %arg11[%get3A_1551] {strides = array<i32>} : memref<128xi32, #tpu.memory_space<vmem>>, vector<16xi32>,
      %add3A_1553 = arith.addi %mul3A_1550, %get3A_1552 : vector<16xi32>
      %swap3A_1554 = arith.constant 0 : index
      %swap3A_1555 = tpu.vector_load %arg23[%swap3A_1554] {strides = array<i32>} : memref<128xi32, #tpu.memory_space<vmem>>, vector<16xi32>,
      tpu.vector_store %arg23[%swap3A_1554], %add3A_1553 {strides = array<i32>} : memref<128xi32, #tpu.memory_space<vmem>>, vector<16xi32>,
      %gather3A_1556 = tpu.vector_load_idx %arg29[%get3A_1547] : memref<8xf32, #tpu.memory_space<vmem>>[vector<16xi32>], vector<16xf32>,
      %add3A_1557 = arith.constant 0 : i32
      %add3A_1558 = vector.broadcast %add3A_1557 : i32 to vector<16xi32>
      %add3A_1559 = arith.addi %add3A_1558, %iota3A_1543 : vector<16xi32>
      tpu.vector_store_idx %arg27[%add3A_1559, %broadcast_in_dim3A_1545], %gather3A_1556 : memref<128x16xf32, #tpu.memory_space<vmem>>[vector<16xi32>, vector<16xi32>], vector<16xf32>,
      %get3A_1560 = arith.constant 16 : index
      %get3A_1561 = tpu.vector_load %arg15[%get3A_1560] {strides = array<i32>} : memref<128xi32, #tpu.memory_space<vmem>>, vector<16xi32>,
      %mul3A_1562 = arith.constant 10000 : i32
      %mul3A_1563 = vector.broadcast %mul3A_1562 : i32 to vector<16xi32>
      %mul3A_1564 = arith.muli %get3A_1561, %mul3A_1563 : vector<16xi32>
      %get3A_1565 = arith.constant 16 : index
      %get3A_1566 = tpu.vector_load %arg11[%get3A_1565] {strides = array<i32>} : memref<128xi32, #tpu.memory_space<vmem>>, vector<16xi32>,
      %add3A_1567 = arith.addi %mul3A_1564, %get3A_1566 : vector<16xi32>
      %swap3A_1568 = arith.constant 16 : index
      %swap3A_1569 = tpu.vector_load %arg23[%swap3A_1568] {strides = array<i32>} : memref<128xi32, #tpu.memory_space<vmem>>, vector<16xi32>,
      tpu.vector_store %arg23[%swap3A_1568], %add3A_1567 {strides = array<i32>} : memref<128xi32, #tpu.memory_space<vmem>>, vector<16xi32>,
      %gather3A_1570 = tpu.vector_load_idx %arg29[%get3A_1561] : memref<8xf32, #tpu.memory_space<vmem>>[vector<16xi32>], vector<16xf32>,
      %add3A_1571 = arith.constant 16 : i32
      %add3A_1572 = vector.broadcast %add3A_1571 : i32 to vector<16xi32>
      %add3A_1573 = arith.addi %add3A_1572, %iota3A_1543 : vector<16xi32>
      tpu.vector_store_idx %arg27[%add3A_1573, %broadcast_in_dim3A_1545], %gather3A_1570 : memref<128x16xf32, #tpu.memory_space<vmem>>[vector<16xi32>, vector<16xi32>], vector<16xf32>,
      %get3A_1574 = arith.constant 32 : index
      %get3A_1575 = tpu.vector_load %arg15[%get3A_1574] {strides = array<i32>} : memref<128xi32, #tpu.memory_space<vmem>>, vector<16xi32>,
      %mul3A_1576 = arith.constant 10000 : i32
      %mul3A_1577 = vector.broadcast %mul3A_1576 : i32 to vector<16xi32>
      %mul3A_1578 = arith.muli %get3A_1575, %mul3A_1577 : vector<16xi32>
      %get3A_1579 = arith.constant 32 : index
      %get3A_1580 = tpu.vector_load %arg11[%get3A_1579] {strides = array<i32>} : memref<128xi32, #tpu.memory_space<vmem>>, vector<16xi32>,
      %add3A_1581 = arith.addi %mul3A_1578, %get3A_1580 : vector<16xi32>
      %swap3A_1582 = arith.constant 32 : index
      %swap3A_1583 = tpu.vector_load %arg23[%swap3A_1582] {strides = array<i32>} : memref<128xi32, #tpu.memory_space<vmem>>, vector<16xi32>,
      tpu.vector_store %arg23[%swap3A_1582], %add3A_1581 {strides = array<i32>} : memref<128xi32, #tpu.memory_space<vmem>>, vector<16xi32>,
      %gather3A_1584 = tpu.vector_load_idx %arg29[%get3A_1575] : memref<8xf32, #tpu.memory_space<vmem>>[vector<16xi32>], vector<16xf32>,
      %add3A_1585 = arith.constant 32 : i32
      %add3A_1586 = vector.broadcast %add3A_1585 : i32 to vector<16xi32>
      %add3A_1587 = arith.addi %add3A_1586, %iota3A_1543 : vector<16xi32>
      tpu.vector_store_idx %arg27[%add3A_1587, %broadcast_in_dim3A_1545], %gather3A_1584 : memref<128x16xf32, #tpu.memory_space<vmem>>[vector<16xi32>, vector<16xi32>], vector<16xf32>,
      %get3A_1588 = arith.constant 48 : index
      %get3A_1589 = tpu.vector_load %arg15[%get3A_1588] {strides = array<i32>} : memref<128xi32, #tpu.memory_space<vmem>>, vector<16xi32>,
      %mul3A_1590 = arith.constant 10000 : i32
      %mul3A_1591 = vector.broadcast %mul3A_1590 : i32 to vector<16xi32>
      %mul3A_1592 = arith.muli %get3A_1589, %mul3A_1591 : vector<16xi32>
      %get3A_1593 = arith.constant 48 : index
      %get3A_1594 = tpu.vector_load %arg11[%get3A_1593] {strides = array<i32>} : memref<128xi32, #tpu.memory_space<vmem>>, vector<16xi32>,
      %add3A_1595 = arith.addi %mul3A_1592, %get3A_1594 : vector<16xi32>
      %swap3A_1596 = arith.constant 48 : index
      %swap3A_1597 = tpu.vector_load %arg23[%swap3A_1596] {strides = array<i32>} : memref<128xi32, #tpu.memory_space<vmem>>, vector<16xi32>,
      tpu.vector_store %arg23[%swap3A_1596], %add3A_1595 {strides = array<i32>} : memref<128xi32, #tpu.memory_space<vmem>>, vector<16xi32>,
      %gather3A_1598 = tpu.vector_load_idx %arg29[%get3A_1589] : memref<8xf32, #tpu.memory_space<vmem>>[vector<16xi32>], vector<16xf32>,
      %add3A_1599 = arith.constant 48 : i32
      %add3A_1600 = vector.broadcast %add3A_1599 : i32 to vector<16xi32>
      %add3A_1601 = arith.addi %add3A_1600, %iota3A_1543 : vector<16xi32>
      tpu.vector_store_idx %arg27[%add3A_1601, %broadcast_in_dim3A_1545], %gather3A_1598 : memref<128x16xf32, #tpu.memory_space<vmem>>[vector<16xi32>, vector<16xi32>], vector<16xf32>,
      %get3A_1602 = arith.constant 64 : index
      %get3A_1603 = tpu.vector_load %arg15[%get3A_1602] {strides = array<i32>} : memref<128xi32, #tpu.memory_space<vmem>>, vector<16xi32>,
      %mul3A_1604 = arith.constant 10000 : i32
      %mul3A_1605 = vector.broadcast %mul3A_1604 : i32 to vector<16xi32>
      %mul3A_1606 = arith.muli %get3A_1603, %mul3A_1605 : vector<16xi32>
      %get3A_1607 = arith.constant 64 : index
      %get3A_1608 = tpu.vector_load %arg11[%get3A_1607] {strides = array<i32>} : memref<128xi32, #tpu.memory_space<vmem>>, vector<16xi32>,
      %add3A_1609 = arith.addi %mul3A_1606, %get3A_1608 : vector<16xi32>
      %swap3A_1610 = arith.constant 64 : index
      %swap3A_1611 = tpu.vector_load %arg23[%swap3A_1610] {strides = array<i32>} : memref<128xi32, #tpu.memory_space<vmem>>, vector<16xi32>,
      tpu.vector_store %arg23[%swap3A_1610], %add3A_1609 {strides = array<i32>} : memref<128xi32, #tpu.memory_space<vmem>>, vector<16xi32>,
      %gather3A_1612 = tpu.vector_load_idx %arg29[%get3A_1603] : memref<8xf32, #tpu.memory_space<vmem>>[vector<16xi32>], vector<16xf32>,
      %add3A_1613 = arith.constant 64 : i32
      %add3A_1614 = vector.broadcast %add3A_1613 : i32 to vector<16xi32>
      %add3A_1615 = arith.addi %add3A_1614, %iota3A_1543 : vector<16xi32>
      tpu.vector_store_idx %arg27[%add3A_1615, %broadcast_in_dim3A_1545], %gather3A_1612 : memref<128x16xf32, #tpu.memory_space<vmem>>[vector<16xi32>, vector<16xi32>], vector<16xf32>,
      %get3A_1616 = arith.constant 80 : index
      %get3A_1617 = tpu.vector_load %arg15[%get3A_1616] {strides = array<i32>} : memref<128xi32, #tpu.memory_space<vmem>>, vector<16xi32>,
      %mul3A_1618 = arith.constant 10000 : i32
      %mul3A_1619 = vector.broadcast %mul3A_1618 : i32 to vector<16xi32>
      %mul3A_1620 = arith.muli %get3A_1617, %mul3A_1619 : vector<16xi32>
      %get3A_1621 = arith.constant 80 : index
      %get3A_1622 = tpu.vector_load %arg11[%get3A_1621] {strides = array<i32>} : memref<128xi32, #tpu.memory_space<vmem>>, vector<16xi32>,
      %add3A_1623 = arith.addi %mul3A_1620, %get3A_1622 : vector<16xi32>
      %swap3A_1624 = arith.constant 80 : index
      %swap3A_1625 = tpu.vector_load %arg23[%swap3A_1624] {strides = array<i32>} : memref<128xi32, #tpu.memory_space<vmem>>, vector<16xi32>,
      tpu.vector_store %arg23[%swap3A_1624], %add3A_1623 {strides = array<i32>} : memref<128xi32, #tpu.memory_space<vmem>>, vector<16xi32>,
      %gather3A_1626 = tpu.vector_load_idx %arg29[%get3A_1617] : memref<8xf32, #tpu.memory_space<vmem>>[vector<16xi32>], vector<16xf32>,
      %add3A_1627 = arith.constant 80 : i32
      %add3A_1628 = vector.broadcast %add3A_1627 : i32 to vector<16xi32>
      %add3A_1629 = arith.addi %add3A_1628, %iota3A_1543 : vector<16xi32>
      tpu.vector_store_idx %arg27[%add3A_1629, %broadcast_in_dim3A_1545], %gather3A_1626 : memref<128x16xf32, #tpu.memory_space<vmem>>[vector<16xi32>, vector<16xi32>], vector<16xf32>,
      %get3A_1630 = arith.constant 96 : index
      %get3A_1631 = tpu.vector_load %arg15[%get3A_1630] {strides = array<i32>} : memref<128xi32, #tpu.memory_space<vmem>>, vector<16xi32>,
      %mul3A_1632 = arith.constant 10000 : i32
      %mul3A_1633 = vector.broadcast %mul3A_1632 : i32 to vector<16xi32>
      %mul3A_1634 = arith.muli %get3A_1631, %mul3A_1633 : vector<16xi32>
      %get3A_1635 = arith.constant 96 : index
      %get3A_1636 = tpu.vector_load %arg11[%get3A_1635] {strides = array<i32>} : memref<128xi32, #tpu.memory_space<vmem>>, vector<16xi32>,
      %add3A_1637 = arith.addi %mul3A_1634, %get3A_1636 : vector<16xi32>
      %swap3A_1638 = arith.constant 96 : index
      %swap3A_1639 = tpu.vector_load %arg23[%swap3A_1638] {strides = array<i32>} : memref<128xi32, #tpu.memory_space<vmem>>, vector<16xi32>,
      tpu.vector_store %arg23[%swap3A_1638], %add3A_1637 {strides = array<i32>} : memref<128xi32, #tpu.memory_space<vmem>>, vector<16xi32>,
      %gather3A_1640 = tpu.vector_load_idx %arg29[%get3A_1631] : memref<8xf32, #tpu.memory_space<vmem>>[vector<16xi32>], vector<16xf32>,
      %add3A_1641 = arith.constant 96 : i32
      %add3A_1642 = vector.broadcast %add3A_1641 : i32 to vector<16xi32>
      %add3A_1643 = arith.addi %add3A_1642, %iota3A_1543 : vector<16xi32>
      tpu.vector_store_idx %arg27[%add3A_1643, %broadcast_in_dim3A_1545], %gather3A_1640 : memref<128x16xf32, #tpu.memory_space<vmem>>[vector<16xi32>, vector<16xi32>], vector<16xf32>,
      %get3A_1644 = arith.constant 112 : index
      %get3A_1645 = tpu.vector_load %arg15[%get3A_1644] {strides = array<i32>} : memref<128xi32, #tpu.memory_space<vmem>>, vector<16xi32>,
      %mul3A_1646 = arith.constant 10000 : i32
      %mul3A_1647 = vector.broadcast %mul3A_1646 : i32 to vector<16xi32>
      %mul3A_1648 = arith.muli %get3A_1645, %mul3A_1647 : vector<16xi32>
      %get3A_1649 = arith.constant 112 : index
      %get3A_1650 = tpu.vector_load %arg11[%get3A_1649] {strides = array<i32>} : memref<128xi32, #tpu.memory_space<vmem>>, vector<16xi32>,
      %add3A_1651 = arith.addi %mul3A_1648, %get3A_1650 : vector<16xi32>
      %swap3A_1652 = arith.constant 112 : index
      %swap3A_1653 = tpu.vector_load %arg23[%swap3A_1652] {strides = array<i32>} : memref<128xi32, #tpu.memory_space<vmem>>, vector<16xi32>,
      tpu.vector_store %arg23[%swap3A_1652], %add3A_1651 {strides = array<i32>} : memref<128xi32, #tpu.memory_space<vmem>>, vector<16xi32>,
      %gather3A_1654 = tpu.vector_load_idx %arg29[%get3A_1645] : memref<8xf32, #tpu.memory_space<vmem>>[vector<16xi32>], vector<16xf32>,
      %add3A_1655 = arith.constant 112 : i32
      %add3A_1656 = vector.broadcast %add3A_1655 : i32 to vector<16xi32>
      %add3A_1657 = arith.addi %add3A_1656, %iota3A_1543 : vector<16xi32>
      tpu.vector_store_idx %arg27[%add3A_1657, %broadcast_in_dim3A_1545], %gather3A_1654 : memref<128x16xf32, #tpu.memory_space<vmem>>[vector<16xi32>, vector<16xi32>], vector<16xf32>,
      %dma_start3A_1658 = arith.constant 0 : i32
      %dma_start3A_1659 = arith.constant 0 : i32
      %dma_start3A_1660 = tpu.memref_slice %arg2[%dma_start3A_1658, %dma_start3A_1659] : memref<70000x128xf32, #tpu.memory_space<hbm>> -> memref<70000x128xf32, #tpu.memory_space<hbm>>
      tpu.enqueue_indirect_dma source(%dma_start3A_1660 : memref<70000x128xf32, #tpu.memory_space<hbm>>) target(%arg25 : memref<128x128xf32, #tpu.memory_space<vmem>>) offsets(%arg23 : memref<128xi32, #tpu.memory_space<vmem>>) semaphore(%arg36 : memref<!tpu.dma_semaphore, #tpu.memory_space<semaphore_mem>>)
      %dma_wait3A_1661 = arith.constant 0 : i32
      %dma_wait3A_1662 = arith.constant 0 : i32
      %dma_wait3A_1663 = tpu.memref_slice %arg2[%dma_wait3A_1661, %dma_wait3A_1662] : memref<70000x128xf32, #tpu.memory_space<hbm>> -> memref<70000x128xf32, #tpu.memory_space<hbm>>
      tpu.wait_indirect_dma semaphore(%arg37 : memref<!tpu.dma_semaphore, #tpu.memory_space<semaphore_mem>>) src(%dma_wait3A_1663 : memref<70000x128xf32, #tpu.memory_space<hbm>>) dst(%arg26 : memref<128x128xf32, #tpu.memory_space<vmem>>)
      "tpu.region"() ({
        %run_scoped3A = tpu.sem_alloc : memref<!tpu.dma_semaphore, #tpu.memory_space<semaphore_mem>>
        %dma_start3A_1689 = arith.constant 0 : i32
        %dma_start3A_1690 = arith.constant 0 : i32
        %dma_start3A_1691 = tpu.memref_slice %arg30[%dma_start3A_1689, %dma_start3A_1690] : memref<10112x128xf32, #tpu.memory_space<vmem_shared>> -> memref<10112x128xf32, #tpu.memory_space<vmem_shared>>
        tpu.enqueue_indirect_dma source(%arg26 : memref<128x128xf32, #tpu.memory_space<vmem>>) target(%dma_start3A_1691 : memref<10112x128xf32, #tpu.memory_space<vmem_shared>>) offsets(%arg22 : memref<128xi32, #tpu.memory_space<vmem>>) semaphore(%run_scoped3A : memref<!tpu.dma_semaphore, #tpu.memory_space<semaphore_mem>>) {add = true}
        %dma_wait3A_1692 = arith.constant 0 : i32
        %dma_wait3A_1693 = arith.constant 0 : i32
        %dma_wait3A_1694 = tpu.memref_slice %arg30[%dma_wait3A_1692, %dma_wait3A_1693] : memref<10112x128xf32, #tpu.memory_space<vmem_shared>> -> memref<10112x128xf32, #tpu.memory_space<vmem_shared>>
        tpu.wait_indirect_dma semaphore(%run_scoped3A : memref<!tpu.dma_semaphore, #tpu.memory_space<semaphore_mem>>) src(%arg26 : memref<128x128xf32, #tpu.memory_space<vmem>>) dst(%dma_wait3A_1694 : memref<10112x128xf32, #tpu.memory_space<vmem_shared>>)
        tpu.yield
      }) : () -> ()
      "tpu.region"() ({
        %run_scoped3A = tpu.sem_alloc : memref<!tpu.dma_semaphore, #tpu.memory_space<semaphore_mem>>
        %dma_start3A_1689 = arith.constant 0 : i32
        %dma_start3A_1690 = arith.constant 0 : i32
        %dma_start3A_1691 = tpu.memref_slice %arg31[%dma_start3A_1689, %dma_start3A_1690] : memref<10112x16xf32, #tpu.memory_space<vmem_shared>> -> memref<10112x16xf32, #tpu.memory_space<vmem_shared>>
        tpu.enqueue_indirect_dma source(%arg28 : memref<128x16xf32, #tpu.memory_space<vmem>>) target(%dma_start3A_1691 : memref<10112x16xf32, #tpu.memory_space<vmem_shared>>) offsets(%arg22 : memref<128xi32, #tpu.memory_space<vmem>>) semaphore(%run_scoped3A : memref<!tpu.dma_semaphore, #tpu.memory_space<semaphore_mem>>) {add = true}
        %dma_wait3A_1692 = arith.constant 0 : i32
        %dma_wait3A_1693 = arith.constant 0 : i32
        %dma_wait3A_1694 = tpu.memref_slice %arg31[%dma_wait3A_1692, %dma_wait3A_1693] : memref<10112x16xf32, #tpu.memory_space<vmem_shared>> -> memref<10112x16xf32, #tpu.memory_space<vmem_shared>>
        tpu.wait_indirect_dma semaphore(%run_scoped3A : memref<!tpu.dma_semaphore, #tpu.memory_space<semaphore_mem>>) src(%arg28 : memref<128x16xf32, #tpu.memory_space<vmem>>) dst(%dma_wait3A_1694 : memref<10112x16xf32, #tpu.memory_space<vmem_shared>>)
        tpu.yield
      }) : () -> ()
      %add3A_1664 = arith.constant 3 : i32
      %add3A_1665 = arith.addi %mul3A_1020, %add3A_1664 : i32
      %add3A_1666 = arith.constant 4 : i32
      %add3A_1667 = arith.addi %add3A_1665, %add3A_1666 : i32
      %mul3A_1668 = arith.constant 32 : i32
      %mul3A_1669 = arith.muli %add3A_1667, %mul3A_1668 : i32
      %add3A_1670 = arith.addi %mul3A_1669, %add3A : i32
      %dma_start3A_1671 = arith.constant 0 : i32
      %dma_start3A_1672 = tpu.memref_slice %arg3[%add3A_1670, %dma_start3A_1671] : memref<2500x128xi32, #tpu.memory_space<hbm>> -> memref<1x128xi32, #tpu.memory_space<hbm>>
      %dma_start3A_1673 = tpu.memref_squeeze %dma_start3A_1672 : memref<1x128xi32, #tpu.memory_space<hbm>> -> memref<128xi32, #tpu.memory_space<hbm>>
      %dma_start3A_1674 = arith.constant 0 : i32
      %dma_start3A_1675 = tpu.memref_slice %arg3[%add3A_1670, %dma_start3A_1674] : memref<2500x128xi32, #tpu.memory_space<hbm>> -> memref<1x128xi32, #tpu.memory_space<hbm>>
      %dma_start3A_1676 = tpu.memref_squeeze %dma_start3A_1675 : memref<1x128xi32, #tpu.memory_space<hbm>> -> memref<128xi32, #tpu.memory_space<hbm>>
      tpu.enqueue_dma source(%dma_start3A_1676 : memref<128xi32, #tpu.memory_space<hbm>>) target(%arg14 : memref<128xi32, #tpu.memory_space<vmem>>) target_semaphore(%arg35 : memref<!tpu.dma_semaphore, #tpu.memory_space<semaphore_mem>>)
      %dma_start3A_1677 = arith.constant 0 : i32
      %dma_start3A_1678 = tpu.memref_slice %arg4[%add3A_1670, %dma_start3A_1677] : memref<2500x128xi32, #tpu.memory_space<hbm>> -> memref<1x128xi32, #tpu.memory_space<hbm>>
      %dma_start3A_1679 = tpu.memref_squeeze %dma_start3A_1678 : memref<1x128xi32, #tpu.memory_space<hbm>> -> memref<128xi32, #tpu.memory_space<hbm>>
      %dma_start3A_1680 = arith.constant 0 : i32
      %dma_start3A_1681 = tpu.memref_slice %arg4[%add3A_1670, %dma_start3A_1680] : memref<2500x128xi32, #tpu.memory_space<hbm>> -> memref<1x128xi32, #tpu.memory_space<hbm>>
      %dma_start3A_1682 = tpu.memref_squeeze %dma_start3A_1681 : memref<1x128xi32, #tpu.memory_space<hbm>> -> memref<128xi32, #tpu.memory_space<hbm>>
      tpu.enqueue_dma source(%dma_start3A_1682 : memref<128xi32, #tpu.memory_space<hbm>>) target(%arg22 : memref<128xi32, #tpu.memory_space<vmem>>) target_semaphore(%arg35 : memref<!tpu.dma_semaphore, #tpu.memory_space<semaphore_mem>>)
      %dma_start3A_1683 = arith.constant 0 : i32
      %dma_start3A_1684 = tpu.memref_slice %arg5[%add3A_1670, %dma_start3A_1683] : memref<2500x128xi32, #tpu.memory_space<hbm>> -> memref<1x128xi32, #tpu.memory_space<hbm>>
      %dma_start3A_1685 = tpu.memref_squeeze %dma_start3A_1684 : memref<1x128xi32, #tpu.memory_space<hbm>> -> memref<128xi32, #tpu.memory_space<hbm>>
      %dma_start3A_1686 = arith.constant 0 : i32
      %dma_start3A_1687 = tpu.memref_slice %arg5[%add3A_1670, %dma_start3A_1686] : memref<2500x128xi32, #tpu.memory_space<hbm>> -> memref<1x128xi32, #tpu.memory_space<hbm>>
      %dma_start3A_1688 = tpu.memref_squeeze %dma_start3A_1687 : memref<1x128xi32, #tpu.memory_space<hbm>> -> memref<128xi32, #tpu.memory_space<hbm>>
      tpu.enqueue_dma source(%dma_start3A_1688 : memref<128xi32, #tpu.memory_space<hbm>>) target(%arg18 : memref<128xi32, #tpu.memory_space<vmem>>) target_semaphore(%arg35 : memref<!tpu.dma_semaphore, #tpu.memory_space<semaphore_mem>>)
    }
    %scan3A_248 = arith.constant 18 : i32
    %dma_wait3A_249 = arith.constant 0 : i32
    %dma_wait3A_250 = arith.constant 0 : i32
    %dma_wait3A_251 = tpu.memref_slice %arg3[%dma_wait3A_249, %dma_wait3A_250] : memref<2500x128xi32, #tpu.memory_space<hbm>> -> memref<1x128xi32, #tpu.memory_space<hbm>>
    %dma_wait3A_252 = tpu.memref_squeeze %dma_wait3A_251 : memref<1x128xi32, #tpu.memory_space<hbm>> -> memref<128xi32, #tpu.memory_space<hbm>>
    %dma_wait3A_253 = arith.constant 0 : i32
    %dma_wait3A_254 = tpu.memref_slice %arg3[%dma_wait3A_249, %dma_wait3A_253] : memref<2500x128xi32, #tpu.memory_space<hbm>> -> memref<1x128xi32, #tpu.memory_space<hbm>>
    %dma_wait3A_255 = tpu.memref_squeeze %dma_wait3A_254 : memref<1x128xi32, #tpu.memory_space<hbm>> -> memref<128xi32, #tpu.memory_space<hbm>>
    tpu.wait_dma2 semaphore(%arg33 : memref<!tpu.dma_semaphore, #tpu.memory_space<semaphore_mem>>) src(%dma_wait3A_255 : memref<128xi32, #tpu.memory_space<hbm>>) dst(%arg12 : memref<128xi32, #tpu.memory_space<vmem>>)
    %dma_wait3A_256 = arith.constant 0 : i32
    %dma_wait3A_257 = arith.constant 0 : i32
    %dma_wait3A_258 = tpu.memref_slice %arg3[%dma_wait3A_256, %dma_wait3A_257] : memref<2500x128xi32, #tpu.memory_space<hbm>> -> memref<1x128xi32, #tpu.memory_space<hbm>>
    %dma_wait3A_259 = tpu.memref_squeeze %dma_wait3A_258 : memref<1x128xi32, #tpu.memory_space<hbm>> -> memref<128xi32, #tpu.memory_space<hbm>>
    %dma_wait3A_260 = arith.constant 0 : i32
    %dma_wait3A_261 = tpu.memref_slice %arg3[%dma_wait3A_256, %dma_wait3A_260] : memref<2500x128xi32, #tpu.memory_space<hbm>> -> memref<1x128xi32, #tpu.memory_space<hbm>>
    %dma_wait3A_262 = tpu.memref_squeeze %dma_wait3A_261 : memref<1x128xi32, #tpu.memory_space<hbm>> -> memref<128xi32, #tpu.memory_space<hbm>>
    tpu.wait_dma2 semaphore(%arg33 : memref<!tpu.dma_semaphore, #tpu.memory_space<semaphore_mem>>) src(%dma_wait3A_262 : memref<128xi32, #tpu.memory_space<hbm>>) dst(%arg20 : memref<128xi32, #tpu.memory_space<vmem>>)
    %dma_wait3A_263 = arith.constant 0 : i32
    %dma_wait3A_264 = arith.constant 0 : i32
    %dma_wait3A_265 = tpu.memref_slice %arg3[%dma_wait3A_263, %dma_wait3A_264] : memref<2500x128xi32, #tpu.memory_space<hbm>> -> memref<1x128xi32, #tpu.memory_space<hbm>>
    %dma_wait3A_266 = tpu.memref_squeeze %dma_wait3A_265 : memref<1x128xi32, #tpu.memory_space<hbm>> -> memref<128xi32, #tpu.memory_space<hbm>>
    %dma_wait3A_267 = arith.constant 0 : i32
    %dma_wait3A_268 = tpu.memref_slice %arg3[%dma_wait3A_263, %dma_wait3A_267] : memref<2500x128xi32, #tpu.memory_space<hbm>> -> memref<1x128xi32, #tpu.memory_space<hbm>>
    %dma_wait3A_269 = tpu.memref_squeeze %dma_wait3A_268 : memref<1x128xi32, #tpu.memory_space<hbm>> -> memref<128xi32, #tpu.memory_space<hbm>>
    tpu.wait_dma2 semaphore(%arg33 : memref<!tpu.dma_semaphore, #tpu.memory_space<semaphore_mem>>) src(%dma_wait3A_269 : memref<128xi32, #tpu.memory_space<hbm>>) dst(%arg16 : memref<128xi32, #tpu.memory_space<vmem>>)
    %iota3A_270 = tpu.iota {dimensions = array<i32: 0>} : vector<16xi32>
    %broadcast_in_dim3A_271 = arith.constant 0 : i32
    %broadcast_in_dim3A_272 = vector.broadcast %broadcast_in_dim3A_271 : i32 to vector<16xi32>
    %get3A_273 = arith.constant 0 : index
    %get3A_274 = tpu.vector_load %arg16[%get3A_273] {strides = array<i32>} : memref<128xi32, #tpu.memory_space<vmem>>, vector<16xi32>,
    %mul3A_275 = arith.constant 10000 : i32
    %mul3A_276 = vector.broadcast %mul3A_275 : i32 to vector<16xi32>
    %mul3A_277 = arith.muli %get3A_274, %mul3A_276 : vector<16xi32>
    %get3A_278 = arith.constant 0 : index
    %get3A_279 = tpu.vector_load %arg12[%get3A_278] {strides = array<i32>} : memref<128xi32, #tpu.memory_space<vmem>>, vector<16xi32>,
    %add3A_280 = arith.addi %mul3A_277, %get3A_279 : vector<16xi32>
    %swap3A_281 = arith.constant 0 : index
    %swap3A_282 = tpu.vector_load %arg24[%swap3A_281] {strides = array<i32>} : memref<128xi32, #tpu.memory_space<vmem>>, vector<16xi32>,
    tpu.vector_store %arg24[%swap3A_281], %add3A_280 {strides = array<i32>} : memref<128xi32, #tpu.memory_space<vmem>>, vector<16xi32>,
    %gather3A_283 = tpu.vector_load_idx %arg29[%get3A_274] : memref<8xf32, #tpu.memory_space<vmem>>[vector<16xi32>], vector<16xf32>,
    %add3A_284 = arith.constant 0 : i32
    %add3A_285 = vector.broadcast %add3A_284 : i32 to vector<16xi32>
    %add3A_286 = arith.addi %add3A_285, %iota3A_270 : vector<16xi32>
    tpu.vector_store_idx %arg28[%add3A_286, %broadcast_in_dim3A_272], %gather3A_283 : memref<128x16xf32, #tpu.memory_space<vmem>>[vector<16xi32>, vector<16xi32>], vector<16xf32>,
    %get3A_287 = arith.constant 16 : index
    %get3A_288 = tpu.vector_load %arg16[%get3A_287] {strides = array<i32>} : memref<128xi32, #tpu.memory_space<vmem>>, vector<16xi32>,
    %mul3A_289 = arith.constant 10000 : i32
    %mul3A_290 = vector.broadcast %mul3A_289 : i32 to vector<16xi32>
    %mul3A_291 = arith.muli %get3A_288, %mul3A_290 : vector<16xi32>
    %get3A_292 = arith.constant 16 : index
    %get3A_293 = tpu.vector_load %arg12[%get3A_292] {strides = array<i32>} : memref<128xi32, #tpu.memory_space<vmem>>, vector<16xi32>,
    %add3A_294 = arith.addi %mul3A_291, %get3A_293 : vector<16xi32>
    %swap3A_295 = arith.constant 16 : index
    %swap3A_296 = tpu.vector_load %arg24[%swap3A_295] {strides = array<i32>} : memref<128xi32, #tpu.memory_space<vmem>>, vector<16xi32>,
    tpu.vector_store %arg24[%swap3A_295], %add3A_294 {strides = array<i32>} : memref<128xi32, #tpu.memory_space<vmem>>, vector<16xi32>,
    %gather3A_297 = tpu.vector_load_idx %arg29[%get3A_288] : memref<8xf32, #tpu.memory_space<vmem>>[vector<16xi32>], vector<16xf32>,
    %add3A_298 = arith.constant 16 : i32
    %add3A_299 = vector.broadcast %add3A_298 : i32 to vector<16xi32>
    %add3A_300 = arith.addi %add3A_299, %iota3A_270 : vector<16xi32>
    tpu.vector_store_idx %arg28[%add3A_300, %broadcast_in_dim3A_272], %gather3A_297 : memref<128x16xf32, #tpu.memory_space<vmem>>[vector<16xi32>, vector<16xi32>], vector<16xf32>,
    %get3A_301 = arith.constant 32 : index
    %get3A_302 = tpu.vector_load %arg16[%get3A_301] {strides = array<i32>} : memref<128xi32, #tpu.memory_space<vmem>>, vector<16xi32>,
    %mul3A_303 = arith.constant 10000 : i32
    %mul3A_304 = vector.broadcast %mul3A_303 : i32 to vector<16xi32>
    %mul3A_305 = arith.muli %get3A_302, %mul3A_304 : vector<16xi32>
    %get3A_306 = arith.constant 32 : index
    %get3A_307 = tpu.vector_load %arg12[%get3A_306] {strides = array<i32>} : memref<128xi32, #tpu.memory_space<vmem>>, vector<16xi32>,
    %add3A_308 = arith.addi %mul3A_305, %get3A_307 : vector<16xi32>
    %swap3A_309 = arith.constant 32 : index
    %swap3A_310 = tpu.vector_load %arg24[%swap3A_309] {strides = array<i32>} : memref<128xi32, #tpu.memory_space<vmem>>, vector<16xi32>,
    tpu.vector_store %arg24[%swap3A_309], %add3A_308 {strides = array<i32>} : memref<128xi32, #tpu.memory_space<vmem>>, vector<16xi32>,
    %gather3A_311 = tpu.vector_load_idx %arg29[%get3A_302] : memref<8xf32, #tpu.memory_space<vmem>>[vector<16xi32>], vector<16xf32>,
    %add3A_312 = arith.constant 32 : i32
    %add3A_313 = vector.broadcast %add3A_312 : i32 to vector<16xi32>
    %add3A_314 = arith.addi %add3A_313, %iota3A_270 : vector<16xi32>
    tpu.vector_store_idx %arg28[%add3A_314, %broadcast_in_dim3A_272], %gather3A_311 : memref<128x16xf32, #tpu.memory_space<vmem>>[vector<16xi32>, vector<16xi32>], vector<16xf32>,
    %get3A_315 = arith.constant 48 : index
    %get3A_316 = tpu.vector_load %arg16[%get3A_315] {strides = array<i32>} : memref<128xi32, #tpu.memory_space<vmem>>, vector<16xi32>,
    %mul3A_317 = arith.constant 10000 : i32
    %mul3A_318 = vector.broadcast %mul3A_317 : i32 to vector<16xi32>
    %mul3A_319 = arith.muli %get3A_316, %mul3A_318 : vector<16xi32>
    %get3A_320 = arith.constant 48 : index
    %get3A_321 = tpu.vector_load %arg12[%get3A_320] {strides = array<i32>} : memref<128xi32, #tpu.memory_space<vmem>>, vector<16xi32>,
    %add3A_322 = arith.addi %mul3A_319, %get3A_321 : vector<16xi32>
    %swap3A_323 = arith.constant 48 : index
    %swap3A_324 = tpu.vector_load %arg24[%swap3A_323] {strides = array<i32>} : memref<128xi32, #tpu.memory_space<vmem>>, vector<16xi32>,
    tpu.vector_store %arg24[%swap3A_323], %add3A_322 {strides = array<i32>} : memref<128xi32, #tpu.memory_space<vmem>>, vector<16xi32>,
    %gather3A_325 = tpu.vector_load_idx %arg29[%get3A_316] : memref<8xf32, #tpu.memory_space<vmem>>[vector<16xi32>], vector<16xf32>,
    %add3A_326 = arith.constant 48 : i32
    %add3A_327 = vector.broadcast %add3A_326 : i32 to vector<16xi32>
    %add3A_328 = arith.addi %add3A_327, %iota3A_270 : vector<16xi32>
    tpu.vector_store_idx %arg28[%add3A_328, %broadcast_in_dim3A_272], %gather3A_325 : memref<128x16xf32, #tpu.memory_space<vmem>>[vector<16xi32>, vector<16xi32>], vector<16xf32>,
    %get3A_329 = arith.constant 64 : index
    %get3A_330 = tpu.vector_load %arg16[%get3A_329] {strides = array<i32>} : memref<128xi32, #tpu.memory_space<vmem>>, vector<16xi32>,
    %mul3A_331 = arith.constant 10000 : i32
    %mul3A_332 = vector.broadcast %mul3A_331 : i32 to vector<16xi32>
    %mul3A_333 = arith.muli %get3A_330, %mul3A_332 : vector<16xi32>
    %get3A_334 = arith.constant 64 : index
    %get3A_335 = tpu.vector_load %arg12[%get3A_334] {strides = array<i32>} : memref<128xi32, #tpu.memory_space<vmem>>, vector<16xi32>,
    %add3A_336 = arith.addi %mul3A_333, %get3A_335 : vector<16xi32>
    %swap3A_337 = arith.constant 64 : index
    %swap3A_338 = tpu.vector_load %arg24[%swap3A_337] {strides = array<i32>} : memref<128xi32, #tpu.memory_space<vmem>>, vector<16xi32>,
    tpu.vector_store %arg24[%swap3A_337], %add3A_336 {strides = array<i32>} : memref<128xi32, #tpu.memory_space<vmem>>, vector<16xi32>,
    %gather3A_339 = tpu.vector_load_idx %arg29[%get3A_330] : memref<8xf32, #tpu.memory_space<vmem>>[vector<16xi32>], vector<16xf32>,
    %add3A_340 = arith.constant 64 : i32
    %add3A_341 = vector.broadcast %add3A_340 : i32 to vector<16xi32>
    %add3A_342 = arith.addi %add3A_341, %iota3A_270 : vector<16xi32>
    tpu.vector_store_idx %arg28[%add3A_342, %broadcast_in_dim3A_272], %gather3A_339 : memref<128x16xf32, #tpu.memory_space<vmem>>[vector<16xi32>, vector<16xi32>], vector<16xf32>,
    %get3A_343 = arith.constant 80 : index
    %get3A_344 = tpu.vector_load %arg16[%get3A_343] {strides = array<i32>} : memref<128xi32, #tpu.memory_space<vmem>>, vector<16xi32>,
    %mul3A_345 = arith.constant 10000 : i32
    %mul3A_346 = vector.broadcast %mul3A_345 : i32 to vector<16xi32>
    %mul3A_347 = arith.muli %get3A_344, %mul3A_346 : vector<16xi32>
    %get3A_348 = arith.constant 80 : index
    %get3A_349 = tpu.vector_load %arg12[%get3A_348] {strides = array<i32>} : memref<128xi32, #tpu.memory_space<vmem>>, vector<16xi32>,
    %add3A_350 = arith.addi %mul3A_347, %get3A_349 : vector<16xi32>
    %swap3A_351 = arith.constant 80 : index
    %swap3A_352 = tpu.vector_load %arg24[%swap3A_351] {strides = array<i32>} : memref<128xi32, #tpu.memory_space<vmem>>, vector<16xi32>,
    tpu.vector_store %arg24[%swap3A_351], %add3A_350 {strides = array<i32>} : memref<128xi32, #tpu.memory_space<vmem>>, vector<16xi32>,
    %gather3A_353 = tpu.vector_load_idx %arg29[%get3A_344] : memref<8xf32, #tpu.memory_space<vmem>>[vector<16xi32>], vector<16xf32>,
    %add3A_354 = arith.constant 80 : i32
    %add3A_355 = vector.broadcast %add3A_354 : i32 to vector<16xi32>
    %add3A_356 = arith.addi %add3A_355, %iota3A_270 : vector<16xi32>
    tpu.vector_store_idx %arg28[%add3A_356, %broadcast_in_dim3A_272], %gather3A_353 : memref<128x16xf32, #tpu.memory_space<vmem>>[vector<16xi32>, vector<16xi32>], vector<16xf32>,
    %get3A_357 = arith.constant 96 : index
    %get3A_358 = tpu.vector_load %arg16[%get3A_357] {strides = array<i32>} : memref<128xi32, #tpu.memory_space<vmem>>, vector<16xi32>,
    %mul3A_359 = arith.constant 10000 : i32
    %mul3A_360 = vector.broadcast %mul3A_359 : i32 to vector<16xi32>
    %mul3A_361 = arith.muli %get3A_358, %mul3A_360 : vector<16xi32>
    %get3A_362 = arith.constant 96 : index
    %get3A_363 = tpu.vector_load %arg12[%get3A_362] {strides = array<i32>} : memref<128xi32, #tpu.memory_space<vmem>>, vector<16xi32>,
    %add3A_364 = arith.addi %mul3A_361, %get3A_363 : vector<16xi32>
    %swap3A_365 = arith.constant 96 : index
    %swap3A_366 = tpu.vector_load %arg24[%swap3A_365] {strides = array<i32>} : memref<128xi32, #tpu.memory_space<vmem>>, vector<16xi32>,
    tpu.vector_store %arg24[%swap3A_365], %add3A_364 {strides = array<i32>} : memref<128xi32, #tpu.memory_space<vmem>>, vector<16xi32>,
    %gather3A_367 = tpu.vector_load_idx %arg29[%get3A_358] : memref<8xf32, #tpu.memory_space<vmem>>[vector<16xi32>], vector<16xf32>,
    %add3A_368 = arith.constant 96 : i32
    %add3A_369 = vector.broadcast %add3A_368 : i32 to vector<16xi32>
    %add3A_370 = arith.addi %add3A_369, %iota3A_270 : vector<16xi32>
    tpu.vector_store_idx %arg28[%add3A_370, %broadcast_in_dim3A_272], %gather3A_367 : memref<128x16xf32, #tpu.memory_space<vmem>>[vector<16xi32>, vector<16xi32>], vector<16xf32>,
    %get3A_371 = arith.constant 112 : index
    %get3A_372 = tpu.vector_load %arg16[%get3A_371] {strides = array<i32>} : memref<128xi32, #tpu.memory_space<vmem>>, vector<16xi32>,
    %mul3A_373 = arith.constant 10000 : i32
    %mul3A_374 = vector.broadcast %mul3A_373 : i32 to vector<16xi32>
    %mul3A_375 = arith.muli %get3A_372, %mul3A_374 : vector<16xi32>
    %get3A_376 = arith.constant 112 : index
    %get3A_377 = tpu.vector_load %arg12[%get3A_376] {strides = array<i32>} : memref<128xi32, #tpu.memory_space<vmem>>, vector<16xi32>,
    %add3A_378 = arith.addi %mul3A_375, %get3A_377 : vector<16xi32>
    %swap3A_379 = arith.constant 112 : index
    %swap3A_380 = tpu.vector_load %arg24[%swap3A_379] {strides = array<i32>} : memref<128xi32, #tpu.memory_space<vmem>>, vector<16xi32>,
    tpu.vector_store %arg24[%swap3A_379], %add3A_378 {strides = array<i32>} : memref<128xi32, #tpu.memory_space<vmem>>, vector<16xi32>,
    %gather3A_381 = tpu.vector_load_idx %arg29[%get3A_372] : memref<8xf32, #tpu.memory_space<vmem>>[vector<16xi32>], vector<16xf32>,
    %add3A_382 = arith.constant 112 : i32
    %add3A_383 = vector.broadcast %add3A_382 : i32 to vector<16xi32>
    %add3A_384 = arith.addi %add3A_383, %iota3A_270 : vector<16xi32>
    tpu.vector_store_idx %arg28[%add3A_384, %broadcast_in_dim3A_272], %gather3A_381 : memref<128x16xf32, #tpu.memory_space<vmem>>[vector<16xi32>, vector<16xi32>], vector<16xf32>,
    %dma_start3A_385 = arith.constant 0 : i32
    %dma_start3A_386 = arith.constant 0 : i32
    %dma_start3A_387 = tpu.memref_slice %arg2[%dma_start3A_385, %dma_start3A_386] : memref<70000x128xf32, #tpu.memory_space<hbm>> -> memref<70000x128xf32, #tpu.memory_space<hbm>>
    tpu.enqueue_indirect_dma source(%dma_start3A_387 : memref<70000x128xf32, #tpu.memory_space<hbm>>) target(%arg26 : memref<128x128xf32, #tpu.memory_space<vmem>>) offsets(%arg24 : memref<128xi32, #tpu.memory_space<vmem>>) semaphore(%arg37 : memref<!tpu.dma_semaphore, #tpu.memory_space<semaphore_mem>>)
    %dma_wait3A_388 = arith.constant 0 : i32
    %dma_wait3A_389 = arith.constant 0 : i32
    %dma_wait3A_390 = tpu.memref_slice %arg2[%dma_wait3A_388, %dma_wait3A_389] : memref<70000x128xf32, #tpu.memory_space<hbm>> -> memref<70000x128xf32, #tpu.memory_space<hbm>>
    tpu.wait_indirect_dma semaphore(%arg36 : memref<!tpu.dma_semaphore, #tpu.memory_space<semaphore_mem>>) src(%dma_wait3A_390 : memref<70000x128xf32, #tpu.memory_space<hbm>>) dst(%arg25 : memref<128x128xf32, #tpu.memory_space<vmem>>)
    "tpu.region"() ({
      %run_scoped3A = tpu.sem_alloc : memref<!tpu.dma_semaphore, #tpu.memory_space<semaphore_mem>>
      %dma_start3A_1014 = arith.constant 0 : i32
      %dma_start3A_1015 = arith.constant 0 : i32
      %dma_start3A_1016 = tpu.memref_slice %arg30[%dma_start3A_1014, %dma_start3A_1015] : memref<10112x128xf32, #tpu.memory_space<vmem_shared>> -> memref<10112x128xf32, #tpu.memory_space<vmem_shared>>
      tpu.enqueue_indirect_dma source(%arg25 : memref<128x128xf32, #tpu.memory_space<vmem>>) target(%dma_start3A_1016 : memref<10112x128xf32, #tpu.memory_space<vmem_shared>>) offsets(%arg19 : memref<128xi32, #tpu.memory_space<vmem>>) semaphore(%run_scoped3A : memref<!tpu.dma_semaphore, #tpu.memory_space<semaphore_mem>>) {add = true}
      %dma_wait3A_1017 = arith.constant 0 : i32
      %dma_wait3A_1018 = arith.constant 0 : i32
      %dma_wait3A_1019 = tpu.memref_slice %arg30[%dma_wait3A_1017, %dma_wait3A_1018] : memref<10112x128xf32, #tpu.memory_space<vmem_shared>> -> memref<10112x128xf32, #tpu.memory_space<vmem_shared>>
      tpu.wait_indirect_dma semaphore(%run_scoped3A : memref<!tpu.dma_semaphore, #tpu.memory_space<semaphore_mem>>) src(%arg25 : memref<128x128xf32, #tpu.memory_space<vmem>>) dst(%dma_wait3A_1019 : memref<10112x128xf32, #tpu.memory_space<vmem_shared>>)
      tpu.yield
    }) : () -> ()
    "tpu.region"() ({
      %run_scoped3A = tpu.sem_alloc : memref<!tpu.dma_semaphore, #tpu.memory_space<semaphore_mem>>
      %dma_start3A_1014 = arith.constant 0 : i32
      %dma_start3A_1015 = arith.constant 0 : i32
      %dma_start3A_1016 = tpu.memref_slice %arg31[%dma_start3A_1014, %dma_start3A_1015] : memref<10112x16xf32, #tpu.memory_space<vmem_shared>> -> memref<10112x16xf32, #tpu.memory_space<vmem_shared>>
      tpu.enqueue_indirect_dma source(%arg27 : memref<128x16xf32, #tpu.memory_space<vmem>>) target(%dma_start3A_1016 : memref<10112x16xf32, #tpu.memory_space<vmem_shared>>) offsets(%arg19 : memref<128xi32, #tpu.memory_space<vmem>>) semaphore(%run_scoped3A : memref<!tpu.dma_semaphore, #tpu.memory_space<semaphore_mem>>) {add = true}
      %dma_wait3A_1017 = arith.constant 0 : i32
      %dma_wait3A_1018 = arith.constant 0 : i32
      %dma_wait3A_1019 = tpu.memref_slice %arg31[%dma_wait3A_1017, %dma_wait3A_1018] : memref<10112x16xf32, #tpu.memory_space<vmem_shared>> -> memref<10112x16xf32, #tpu.memory_space<vmem_shared>>
      tpu.wait_indirect_dma semaphore(%run_scoped3A : memref<!tpu.dma_semaphore, #tpu.memory_space<semaphore_mem>>) src(%arg27 : memref<128x16xf32, #tpu.memory_space<vmem>>) dst(%dma_wait3A_1019 : memref<10112x16xf32, #tpu.memory_space<vmem_shared>>)
      tpu.yield
    }) : () -> ()
    %add3A_391 = arith.constant 2432 : i32
    %add3A_392 = arith.addi %add3A_391, %add3A : i32
    %dma_start3A_393 = arith.constant 0 : i32
    %dma_start3A_394 = tpu.memref_slice %arg3[%add3A_392, %dma_start3A_393] : memref<2500x128xi32, #tpu.memory_space<hbm>> -> memref<1x128xi32, #tpu.memory_space<hbm>>
    %dma_start3A_395 = tpu.memref_squeeze %dma_start3A_394 : memref<1x128xi32, #tpu.memory_space<hbm>> -> memref<128xi32, #tpu.memory_space<hbm>>
    %dma_start3A_396 = arith.constant 0 : i32
    %dma_start3A_397 = tpu.memref_slice %arg3[%add3A_392, %dma_start3A_396] : memref<2500x128xi32, #tpu.memory_space<hbm>> -> memref<1x128xi32, #tpu.memory_space<hbm>>
    %dma_start3A_398 = tpu.memref_squeeze %dma_start3A_397 : memref<1x128xi32, #tpu.memory_space<hbm>> -> memref<128xi32, #tpu.memory_space<hbm>>
    tpu.enqueue_dma source(%dma_start3A_398 : memref<128xi32, #tpu.memory_space<hbm>>) target(%arg11 : memref<128xi32, #tpu.memory_space<vmem>>) target_semaphore(%arg32 : memref<!tpu.dma_semaphore, #tpu.memory_space<semaphore_mem>>)
    %dma_start3A_399 = arith.constant 0 : i32
    %dma_start3A_400 = tpu.memref_slice %arg4[%add3A_392, %dma_start3A_399] : memref<2500x128xi32, #tpu.memory_space<hbm>> -> memref<1x128xi32, #tpu.memory_space<hbm>>
    %dma_start3A_401 = tpu.memref_squeeze %dma_start3A_400 : memref<1x128xi32, #tpu.memory_space<hbm>> -> memref<128xi32, #tpu.memory_space<hbm>>
    %dma_start3A_402 = arith.constant 0 : i32
    %dma_start3A_403 = tpu.memref_slice %arg4[%add3A_392, %dma_start3A_402] : memref<2500x128xi32, #tpu.memory_space<hbm>> -> memref<1x128xi32, #tpu.memory_space<hbm>>
    %dma_start3A_404 = tpu.memref_squeeze %dma_start3A_403 : memref<1x128xi32, #tpu.memory_space<hbm>> -> memref<128xi32, #tpu.memory_space<hbm>>
    tpu.enqueue_dma source(%dma_start3A_404 : memref<128xi32, #tpu.memory_space<hbm>>) target(%arg19 : memref<128xi32, #tpu.memory_space<vmem>>) target_semaphore(%arg32 : memref<!tpu.dma_semaphore, #tpu.memory_space<semaphore_mem>>)
    %dma_start3A_405 = arith.constant 0 : i32
    %dma_start3A_406 = tpu.memref_slice %arg5[%add3A_392, %dma_start3A_405] : memref<2500x128xi32, #tpu.memory_space<hbm>> -> memref<1x128xi32, #tpu.memory_space<hbm>>
    %dma_start3A_407 = tpu.memref_squeeze %dma_start3A_406 : memref<1x128xi32, #tpu.memory_space<hbm>> -> memref<128xi32, #tpu.memory_space<hbm>>
    %dma_start3A_408 = arith.constant 0 : i32
    %dma_start3A_409 = tpu.memref_slice %arg5[%add3A_392, %dma_start3A_408] : memref<2500x128xi32, #tpu.memory_space<hbm>> -> memref<1x128xi32, #tpu.memory_space<hbm>>
    %dma_start3A_410 = tpu.memref_squeeze %dma_start3A_409 : memref<1x128xi32, #tpu.memory_space<hbm>> -> memref<128xi32, #tpu.memory_space<hbm>>
    tpu.enqueue_dma source(%dma_start3A_410 : memref<128xi32, #tpu.memory_space<hbm>>) target(%arg15 : memref<128xi32, #tpu.memory_space<vmem>>) target_semaphore(%arg32 : memref<!tpu.dma_semaphore, #tpu.memory_space<semaphore_mem>>)
    %dma_wait3A_411 = arith.constant 0 : i32
    %dma_wait3A_412 = arith.constant 0 : i32
    %dma_wait3A_413 = tpu.memref_slice %arg3[%dma_wait3A_411, %dma_wait3A_412] : memref<2500x128xi32, #tpu.memory_space<hbm>> -> memref<1x128xi32, #tpu.memory_space<hbm>>
    %dma_wait3A_414 = tpu.memref_squeeze %dma_wait3A_413 : memref<1x128xi32, #tpu.memory_space<hbm>> -> memref<128xi32, #tpu.memory_space<hbm>>
    %dma_wait3A_415 = arith.constant 0 : i32
    %dma_wait3A_416 = tpu.memref_slice %arg3[%dma_wait3A_411, %dma_wait3A_415] : memref<2500x128xi32, #tpu.memory_space<hbm>> -> memref<1x128xi32, #tpu.memory_space<hbm>>
    %dma_wait3A_417 = tpu.memref_squeeze %dma_wait3A_416 : memref<1x128xi32, #tpu.memory_space<hbm>> -> memref<128xi32, #tpu.memory_space<hbm>>
    tpu.wait_dma2 semaphore(%arg34 : memref<!tpu.dma_semaphore, #tpu.memory_space<semaphore_mem>>) src(%dma_wait3A_417 : memref<128xi32, #tpu.memory_space<hbm>>) dst(%arg13 : memref<128xi32, #tpu.memory_space<vmem>>)
    %dma_wait3A_418 = arith.constant 0 : i32
    %dma_wait3A_419 = arith.constant 0 : i32
    %dma_wait3A_420 = tpu.memref_slice %arg3[%dma_wait3A_418, %dma_wait3A_419] : memref<2500x128xi32, #tpu.memory_space<hbm>> -> memref<1x128xi32, #tpu.memory_space<hbm>>
    %dma_wait3A_421 = tpu.memref_squeeze %dma_wait3A_420 : memref<1x128xi32, #tpu.memory_space<hbm>> -> memref<128xi32, #tpu.memory_space<hbm>>
    %dma_wait3A_422 = arith.constant 0 : i32
    %dma_wait3A_423 = tpu.memref_slice %arg3[%dma_wait3A_418, %dma_wait3A_422] : memref<2500x128xi32, #tpu.memory_space<hbm>> -> memref<1x128xi32, #tpu.memory_space<hbm>>
    %dma_wait3A_424 = tpu.memref_squeeze %dma_wait3A_423 : memref<1x128xi32, #tpu.memory_space<hbm>> -> memref<128xi32, #tpu.memory_space<hbm>>
    tpu.wait_dma2 semaphore(%arg34 : memref<!tpu.dma_semaphore, #tpu.memory_space<semaphore_mem>>) src(%dma_wait3A_424 : memref<128xi32, #tpu.memory_space<hbm>>) dst(%arg21 : memref<128xi32, #tpu.memory_space<vmem>>)
    %dma_wait3A_425 = arith.constant 0 : i32
    %dma_wait3A_426 = arith.constant 0 : i32
    %dma_wait3A_427 = tpu.memref_slice %arg3[%dma_wait3A_425, %dma_wait3A_426] : memref<2500x128xi32, #tpu.memory_space<hbm>> -> memref<1x128xi32, #tpu.memory_space<hbm>>
    %dma_wait3A_428 = tpu.memref_squeeze %dma_wait3A_427 : memref<1x128xi32, #tpu.memory_space<hbm>> -> memref<128xi32, #tpu.memory_space<hbm>>
    %dma_wait3A_429 = arith.constant 0 : i32
    %dma_wait3A_430 = tpu.memref_slice %arg3[%dma_wait3A_425, %dma_wait3A_429] : memref<2500x128xi32, #tpu.memory_space<hbm>> -> memref<1x128xi32, #tpu.memory_space<hbm>>
    %dma_wait3A_431 = tpu.memref_squeeze %dma_wait3A_430 : memref<1x128xi32, #tpu.memory_space<hbm>> -> memref<128xi32, #tpu.memory_space<hbm>>
    tpu.wait_dma2 semaphore(%arg34 : memref<!tpu.dma_semaphore, #tpu.memory_space<semaphore_mem>>) src(%dma_wait3A_431 : memref<128xi32, #tpu.memory_space<hbm>>) dst(%arg17 : memref<128xi32, #tpu.memory_space<vmem>>)
    %iota3A_432 = tpu.iota {dimensions = array<i32: 0>} : vector<16xi32>
    %broadcast_in_dim3A_433 = arith.constant 0 : i32
    %broadcast_in_dim3A_434 = vector.broadcast %broadcast_in_dim3A_433 : i32 to vector<16xi32>
    %get3A_435 = arith.constant 0 : index
    %get3A_436 = tpu.vector_load %arg17[%get3A_435] {strides = array<i32>} : memref<128xi32, #tpu.memory_space<vmem>>, vector<16xi32>,
    %mul3A_437 = arith.constant 10000 : i32
    %mul3A_438 = vector.broadcast %mul3A_437 : i32 to vector<16xi32>
    %mul3A_439 = arith.muli %get3A_436, %mul3A_438 : vector<16xi32>
    %get3A_440 = arith.constant 0 : index
    %get3A_441 = tpu.vector_load %arg13[%get3A_440] {strides = array<i32>} : memref<128xi32, #tpu.memory_space<vmem>>, vector<16xi32>,
    %add3A_442 = arith.addi %mul3A_439, %get3A_441 : vector<16xi32>
    %swap3A_443 = arith.constant 0 : index
    %swap3A_444 = tpu.vector_load %arg23[%swap3A_443] {strides = array<i32>} : memref<128xi32, #tpu.memory_space<vmem>>, vector<16xi32>,
    tpu.vector_store %arg23[%swap3A_443], %add3A_442 {strides = array<i32>} : memref<128xi32, #tpu.memory_space<vmem>>, vector<16xi32>,
    %gather3A_445 = tpu.vector_load_idx %arg29[%get3A_436] : memref<8xf32, #tpu.memory_space<vmem>>[vector<16xi32>], vector<16xf32>,
    %add3A_446 = arith.constant 0 : i32
    %add3A_447 = vector.broadcast %add3A_446 : i32 to vector<16xi32>
    %add3A_448 = arith.addi %add3A_447, %iota3A_432 : vector<16xi32>
    tpu.vector_store_idx %arg27[%add3A_448, %broadcast_in_dim3A_434], %gather3A_445 : memref<128x16xf32, #tpu.memory_space<vmem>>[vector<16xi32>, vector<16xi32>], vector<16xf32>,
    %get3A_449 = arith.constant 16 : index
    %get3A_450 = tpu.vector_load %arg17[%get3A_449] {strides = array<i32>} : memref<128xi32, #tpu.memory_space<vmem>>, vector<16xi32>,
    %mul3A_451 = arith.constant 10000 : i32
    %mul3A_452 = vector.broadcast %mul3A_451 : i32 to vector<16xi32>
    %mul3A_453 = arith.muli %get3A_450, %mul3A_452 : vector<16xi32>
    %get3A_454 = arith.constant 16 : index
    %get3A_455 = tpu.vector_load %arg13[%get3A_454] {strides = array<i32>} : memref<128xi32, #tpu.memory_space<vmem>>, vector<16xi32>,
    %add3A_456 = arith.addi %mul3A_453, %get3A_455 : vector<16xi32>
    %swap3A_457 = arith.constant 16 : index
    %swap3A_458 = tpu.vector_load %arg23[%swap3A_457] {strides = array<i32>} : memref<128xi32, #tpu.memory_space<vmem>>, vector<16xi32>,
    tpu.vector_store %arg23[%swap3A_457], %add3A_456 {strides = array<i32>} : memref<128xi32, #tpu.memory_space<vmem>>, vector<16xi32>,
    %gather3A_459 = tpu.vector_load_idx %arg29[%get3A_450] : memref<8xf32, #tpu.memory_space<vmem>>[vector<16xi32>], vector<16xf32>,
    %add3A_460 = arith.constant 16 : i32
    %add3A_461 = vector.broadcast %add3A_460 : i32 to vector<16xi32>
    %add3A_462 = arith.addi %add3A_461, %iota3A_432 : vector<16xi32>
    tpu.vector_store_idx %arg27[%add3A_462, %broadcast_in_dim3A_434], %gather3A_459 : memref<128x16xf32, #tpu.memory_space<vmem>>[vector<16xi32>, vector<16xi32>], vector<16xf32>,
    %get3A_463 = arith.constant 32 : index
    %get3A_464 = tpu.vector_load %arg17[%get3A_463] {strides = array<i32>} : memref<128xi32, #tpu.memory_space<vmem>>, vector<16xi32>,
    %mul3A_465 = arith.constant 10000 : i32
    %mul3A_466 = vector.broadcast %mul3A_465 : i32 to vector<16xi32>
    %mul3A_467 = arith.muli %get3A_464, %mul3A_466 : vector<16xi32>
    %get3A_468 = arith.constant 32 : index
    %get3A_469 = tpu.vector_load %arg13[%get3A_468] {strides = array<i32>} : memref<128xi32, #tpu.memory_space<vmem>>, vector<16xi32>,
    %add3A_470 = arith.addi %mul3A_467, %get3A_469 : vector<16xi32>
    %swap3A_471 = arith.constant 32 : index
    %swap3A_472 = tpu.vector_load %arg23[%swap3A_471] {strides = array<i32>} : memref<128xi32, #tpu.memory_space<vmem>>, vector<16xi32>,
    tpu.vector_store %arg23[%swap3A_471], %add3A_470 {strides = array<i32>} : memref<128xi32, #tpu.memory_space<vmem>>, vector<16xi32>,
    %gather3A_473 = tpu.vector_load_idx %arg29[%get3A_464] : memref<8xf32, #tpu.memory_space<vmem>>[vector<16xi32>], vector<16xf32>,
    %add3A_474 = arith.constant 32 : i32
    %add3A_475 = vector.broadcast %add3A_474 : i32 to vector<16xi32>
    %add3A_476 = arith.addi %add3A_475, %iota3A_432 : vector<16xi32>
    tpu.vector_store_idx %arg27[%add3A_476, %broadcast_in_dim3A_434], %gather3A_473 : memref<128x16xf32, #tpu.memory_space<vmem>>[vector<16xi32>, vector<16xi32>], vector<16xf32>,
    %get3A_477 = arith.constant 48 : index
    %get3A_478 = tpu.vector_load %arg17[%get3A_477] {strides = array<i32>} : memref<128xi32, #tpu.memory_space<vmem>>, vector<16xi32>,
    %mul3A_479 = arith.constant 10000 : i32
    %mul3A_480 = vector.broadcast %mul3A_479 : i32 to vector<16xi32>
    %mul3A_481 = arith.muli %get3A_478, %mul3A_480 : vector<16xi32>
    %get3A_482 = arith.constant 48 : index
    %get3A_483 = tpu.vector_load %arg13[%get3A_482] {strides = array<i32>} : memref<128xi32, #tpu.memory_space<vmem>>, vector<16xi32>,
    %add3A_484 = arith.addi %mul3A_481, %get3A_483 : vector<16xi32>
    %swap3A_485 = arith.constant 48 : index
    %swap3A_486 = tpu.vector_load %arg23[%swap3A_485] {strides = array<i32>} : memref<128xi32, #tpu.memory_space<vmem>>, vector<16xi32>,
    tpu.vector_store %arg23[%swap3A_485], %add3A_484 {strides = array<i32>} : memref<128xi32, #tpu.memory_space<vmem>>, vector<16xi32>,
    %gather3A_487 = tpu.vector_load_idx %arg29[%get3A_478] : memref<8xf32, #tpu.memory_space<vmem>>[vector<16xi32>], vector<16xf32>,
    %add3A_488 = arith.constant 48 : i32
    %add3A_489 = vector.broadcast %add3A_488 : i32 to vector<16xi32>
    %add3A_490 = arith.addi %add3A_489, %iota3A_432 : vector<16xi32>
    tpu.vector_store_idx %arg27[%add3A_490, %broadcast_in_dim3A_434], %gather3A_487 : memref<128x16xf32, #tpu.memory_space<vmem>>[vector<16xi32>, vector<16xi32>], vector<16xf32>,
    %get3A_491 = arith.constant 64 : index
    %get3A_492 = tpu.vector_load %arg17[%get3A_491] {strides = array<i32>} : memref<128xi32, #tpu.memory_space<vmem>>, vector<16xi32>,
    %mul3A_493 = arith.constant 10000 : i32
    %mul3A_494 = vector.broadcast %mul3A_493 : i32 to vector<16xi32>
    %mul3A_495 = arith.muli %get3A_492, %mul3A_494 : vector<16xi32>
    %get3A_496 = arith.constant 64 : index
    %get3A_497 = tpu.vector_load %arg13[%get3A_496] {strides = array<i32>} : memref<128xi32, #tpu.memory_space<vmem>>, vector<16xi32>,
    %add3A_498 = arith.addi %mul3A_495, %get3A_497 : vector<16xi32>
    %swap3A_499 = arith.constant 64 : index
    %swap3A_500 = tpu.vector_load %arg23[%swap3A_499] {strides = array<i32>} : memref<128xi32, #tpu.memory_space<vmem>>, vector<16xi32>,
    tpu.vector_store %arg23[%swap3A_499], %add3A_498 {strides = array<i32>} : memref<128xi32, #tpu.memory_space<vmem>>, vector<16xi32>,
    %gather3A_501 = tpu.vector_load_idx %arg29[%get3A_492] : memref<8xf32, #tpu.memory_space<vmem>>[vector<16xi32>], vector<16xf32>,
    %add3A_502 = arith.constant 64 : i32
    %add3A_503 = vector.broadcast %add3A_502 : i32 to vector<16xi32>
    %add3A_504 = arith.addi %add3A_503, %iota3A_432 : vector<16xi32>
    tpu.vector_store_idx %arg27[%add3A_504, %broadcast_in_dim3A_434], %gather3A_501 : memref<128x16xf32, #tpu.memory_space<vmem>>[vector<16xi32>, vector<16xi32>], vector<16xf32>,
    %get3A_505 = arith.constant 80 : index
    %get3A_506 = tpu.vector_load %arg17[%get3A_505] {strides = array<i32>} : memref<128xi32, #tpu.memory_space<vmem>>, vector<16xi32>,
    %mul3A_507 = arith.constant 10000 : i32
    %mul3A_508 = vector.broadcast %mul3A_507 : i32 to vector<16xi32>
    %mul3A_509 = arith.muli %get3A_506, %mul3A_508 : vector<16xi32>
    %get3A_510 = arith.constant 80 : index
    %get3A_511 = tpu.vector_load %arg13[%get3A_510] {strides = array<i32>} : memref<128xi32, #tpu.memory_space<vmem>>, vector<16xi32>,
    %add3A_512 = arith.addi %mul3A_509, %get3A_511 : vector<16xi32>
    %swap3A_513 = arith.constant 80 : index
    %swap3A_514 = tpu.vector_load %arg23[%swap3A_513] {strides = array<i32>} : memref<128xi32, #tpu.memory_space<vmem>>, vector<16xi32>,
    tpu.vector_store %arg23[%swap3A_513], %add3A_512 {strides = array<i32>} : memref<128xi32, #tpu.memory_space<vmem>>, vector<16xi32>,
    %gather3A_515 = tpu.vector_load_idx %arg29[%get3A_506] : memref<8xf32, #tpu.memory_space<vmem>>[vector<16xi32>], vector<16xf32>,
    %add3A_516 = arith.constant 80 : i32
    %add3A_517 = vector.broadcast %add3A_516 : i32 to vector<16xi32>
    %add3A_518 = arith.addi %add3A_517, %iota3A_432 : vector<16xi32>
    tpu.vector_store_idx %arg27[%add3A_518, %broadcast_in_dim3A_434], %gather3A_515 : memref<128x16xf32, #tpu.memory_space<vmem>>[vector<16xi32>, vector<16xi32>], vector<16xf32>,
    %get3A_519 = arith.constant 96 : index
    %get3A_520 = tpu.vector_load %arg17[%get3A_519] {strides = array<i32>} : memref<128xi32, #tpu.memory_space<vmem>>, vector<16xi32>,
    %mul3A_521 = arith.constant 10000 : i32
    %mul3A_522 = vector.broadcast %mul3A_521 : i32 to vector<16xi32>
    %mul3A_523 = arith.muli %get3A_520, %mul3A_522 : vector<16xi32>
    %get3A_524 = arith.constant 96 : index
    %get3A_525 = tpu.vector_load %arg13[%get3A_524] {strides = array<i32>} : memref<128xi32, #tpu.memory_space<vmem>>, vector<16xi32>,
    %add3A_526 = arith.addi %mul3A_523, %get3A_525 : vector<16xi32>
    %swap3A_527 = arith.constant 96 : index
    %swap3A_528 = tpu.vector_load %arg23[%swap3A_527] {strides = array<i32>} : memref<128xi32, #tpu.memory_space<vmem>>, vector<16xi32>,
    tpu.vector_store %arg23[%swap3A_527], %add3A_526 {strides = array<i32>} : memref<128xi32, #tpu.memory_space<vmem>>, vector<16xi32>,
    %gather3A_529 = tpu.vector_load_idx %arg29[%get3A_520] : memref<8xf32, #tpu.memory_space<vmem>>[vector<16xi32>], vector<16xf32>,
    %add3A_530 = arith.constant 96 : i32
    %add3A_531 = vector.broadcast %add3A_530 : i32 to vector<16xi32>
    %add3A_532 = arith.addi %add3A_531, %iota3A_432 : vector<16xi32>
    tpu.vector_store_idx %arg27[%add3A_532, %broadcast_in_dim3A_434], %gather3A_529 : memref<128x16xf32, #tpu.memory_space<vmem>>[vector<16xi32>, vector<16xi32>], vector<16xf32>,
    %get3A_533 = arith.constant 112 : index
    %get3A_534 = tpu.vector_load %arg17[%get3A_533] {strides = array<i32>} : memref<128xi32, #tpu.memory_space<vmem>>, vector<16xi32>,
    %mul3A_535 = arith.constant 10000 : i32
    %mul3A_536 = vector.broadcast %mul3A_535 : i32 to vector<16xi32>
    %mul3A_537 = arith.muli %get3A_534, %mul3A_536 : vector<16xi32>
    %get3A_538 = arith.constant 112 : index
    %get3A_539 = tpu.vector_load %arg13[%get3A_538] {strides = array<i32>} : memref<128xi32, #tpu.memory_space<vmem>>, vector<16xi32>,
    %add3A_540 = arith.addi %mul3A_537, %get3A_539 : vector<16xi32>
    %swap3A_541 = arith.constant 112 : index
    %swap3A_542 = tpu.vector_load %arg23[%swap3A_541] {strides = array<i32>} : memref<128xi32, #tpu.memory_space<vmem>>, vector<16xi32>,
    tpu.vector_store %arg23[%swap3A_541], %add3A_540 {strides = array<i32>} : memref<128xi32, #tpu.memory_space<vmem>>, vector<16xi32>,
    %gather3A_543 = tpu.vector_load_idx %arg29[%get3A_534] : memref<8xf32, #tpu.memory_space<vmem>>[vector<16xi32>], vector<16xf32>,
    %add3A_544 = arith.constant 112 : i32
    %add3A_545 = vector.broadcast %add3A_544 : i32 to vector<16xi32>
    %add3A_546 = arith.addi %add3A_545, %iota3A_432 : vector<16xi32>
    tpu.vector_store_idx %arg27[%add3A_546, %broadcast_in_dim3A_434], %gather3A_543 : memref<128x16xf32, #tpu.memory_space<vmem>>[vector<16xi32>, vector<16xi32>], vector<16xf32>,
    %dma_start3A_547 = arith.constant 0 : i32
    %dma_start3A_548 = arith.constant 0 : i32
    %dma_start3A_549 = tpu.memref_slice %arg2[%dma_start3A_547, %dma_start3A_548] : memref<70000x128xf32, #tpu.memory_space<hbm>> -> memref<70000x128xf32, #tpu.memory_space<hbm>>
    tpu.enqueue_indirect_dma source(%dma_start3A_549 : memref<70000x128xf32, #tpu.memory_space<hbm>>) target(%arg25 : memref<128x128xf32, #tpu.memory_space<vmem>>) offsets(%arg23 : memref<128xi32, #tpu.memory_space<vmem>>) semaphore(%arg36 : memref<!tpu.dma_semaphore, #tpu.memory_space<semaphore_mem>>)
    %dma_wait3A_550 = arith.constant 0 : i32
    %dma_wait3A_551 = arith.constant 0 : i32
    %dma_wait3A_552 = tpu.memref_slice %arg2[%dma_wait3A_550, %dma_wait3A_551] : memref<70000x128xf32, #tpu.memory_space<hbm>> -> memref<70000x128xf32, #tpu.memory_space<hbm>>
    tpu.wait_indirect_dma semaphore(%arg37 : memref<!tpu.dma_semaphore, #tpu.memory_space<semaphore_mem>>) src(%dma_wait3A_552 : memref<70000x128xf32, #tpu.memory_space<hbm>>) dst(%arg26 : memref<128x128xf32, #tpu.memory_space<vmem>>)
    "tpu.region"() ({
      %run_scoped3A = tpu.sem_alloc : memref<!tpu.dma_semaphore, #tpu.memory_space<semaphore_mem>>
      %dma_start3A_1014 = arith.constant 0 : i32
      %dma_start3A_1015 = arith.constant 0 : i32
      %dma_start3A_1016 = tpu.memref_slice %arg30[%dma_start3A_1014, %dma_start3A_1015] : memref<10112x128xf32, #tpu.memory_space<vmem_shared>> -> memref<10112x128xf32, #tpu.memory_space<vmem_shared>>
      tpu.enqueue_indirect_dma source(%arg26 : memref<128x128xf32, #tpu.memory_space<vmem>>) target(%dma_start3A_1016 : memref<10112x128xf32, #tpu.memory_space<vmem_shared>>) offsets(%arg20 : memref<128xi32, #tpu.memory_space<vmem>>) semaphore(%run_scoped3A : memref<!tpu.dma_semaphore, #tpu.memory_space<semaphore_mem>>) {add = true}
      %dma_wait3A_1017 = arith.constant 0 : i32
      %dma_wait3A_1018 = arith.constant 0 : i32
      %dma_wait3A_1019 = tpu.memref_slice %arg30[%dma_wait3A_1017, %dma_wait3A_1018] : memref<10112x128xf32, #tpu.memory_space<vmem_shared>> -> memref<10112x128xf32, #tpu.memory_space<vmem_shared>>
      tpu.wait_indirect_dma semaphore(%run_scoped3A : memref<!tpu.dma_semaphore, #tpu.memory_space<semaphore_mem>>) src(%arg26 : memref<128x128xf32, #tpu.memory_space<vmem>>) dst(%dma_wait3A_1019 : memref<10112x128xf32, #tpu.memory_space<vmem_shared>>)
      tpu.yield
    }) : () -> ()
    "tpu.region"() ({
      %run_scoped3A = tpu.sem_alloc : memref<!tpu.dma_semaphore, #tpu.memory_space<semaphore_mem>>
      %dma_start3A_1014 = arith.constant 0 : i32
      %dma_start3A_1015 = arith.constant 0 : i32
      %dma_start3A_1016 = tpu.memref_slice %arg31[%dma_start3A_1014, %dma_start3A_1015] : memref<10112x16xf32, #tpu.memory_space<vmem_shared>> -> memref<10112x16xf32, #tpu.memory_space<vmem_shared>>
      tpu.enqueue_indirect_dma source(%arg28 : memref<128x16xf32, #tpu.memory_space<vmem>>) target(%dma_start3A_1016 : memref<10112x16xf32, #tpu.memory_space<vmem_shared>>) offsets(%arg20 : memref<128xi32, #tpu.memory_space<vmem>>) semaphore(%run_scoped3A : memref<!tpu.dma_semaphore, #tpu.memory_space<semaphore_mem>>) {add = true}
      %dma_wait3A_1017 = arith.constant 0 : i32
      %dma_wait3A_1018 = arith.constant 0 : i32
      %dma_wait3A_1019 = tpu.memref_slice %arg31[%dma_wait3A_1017, %dma_wait3A_1018] : memref<10112x16xf32, #tpu.memory_space<vmem_shared>> -> memref<10112x16xf32, #tpu.memory_space<vmem_shared>>
      tpu.wait_indirect_dma semaphore(%run_scoped3A : memref<!tpu.dma_semaphore, #tpu.memory_space<semaphore_mem>>) src(%arg28 : memref<128x16xf32, #tpu.memory_space<vmem>>) dst(%dma_wait3A_1019 : memref<10112x16xf32, #tpu.memory_space<vmem_shared>>)
      tpu.yield
    }) : () -> ()
    %add3A_553 = arith.constant 2464 : i32
    %add3A_554 = arith.addi %add3A_553, %add3A : i32
    %dma_start3A_555 = arith.constant 0 : i32
    %dma_start3A_556 = tpu.memref_slice %arg3[%add3A_554, %dma_start3A_555] : memref<2500x128xi32, #tpu.memory_space<hbm>> -> memref<1x128xi32, #tpu.memory_space<hbm>>
    %dma_start3A_557 = tpu.memref_squeeze %dma_start3A_556 : memref<1x128xi32, #tpu.memory_space<hbm>> -> memref<128xi32, #tpu.memory_space<hbm>>
    %dma_start3A_558 = arith.constant 0 : i32
    %dma_start3A_559 = tpu.memref_slice %arg3[%add3A_554, %dma_start3A_558] : memref<2500x128xi32, #tpu.memory_space<hbm>> -> memref<1x128xi32, #tpu.memory_space<hbm>>
    %dma_start3A_560 = tpu.memref_squeeze %dma_start3A_559 : memref<1x128xi32, #tpu.memory_space<hbm>> -> memref<128xi32, #tpu.memory_space<hbm>>
    tpu.enqueue_dma source(%dma_start3A_560 : memref<128xi32, #tpu.memory_space<hbm>>) target(%arg12 : memref<128xi32, #tpu.memory_space<vmem>>) target_semaphore(%arg33 : memref<!tpu.dma_semaphore, #tpu.memory_space<semaphore_mem>>)
    %dma_start3A_561 = arith.constant 0 : i32
    %dma_start3A_562 = tpu.memref_slice %arg4[%add3A_554, %dma_start3A_561] : memref<2500x128xi32, #tpu.memory_space<hbm>> -> memref<1x128xi32, #tpu.memory_space<hbm>>
    %dma_start3A_563 = tpu.memref_squeeze %dma_start3A_562 : memref<1x128xi32, #tpu.memory_space<hbm>> -> memref<128xi32, #tpu.memory_space<hbm>>
    %dma_start3A_564 = arith.constant 0 : i32
    %dma_start3A_565 = tpu.memref_slice %arg4[%add3A_554, %dma_start3A_564] : memref<2500x128xi32, #tpu.memory_space<hbm>> -> memref<1x128xi32, #tpu.memory_space<hbm>>
    %dma_start3A_566 = tpu.memref_squeeze %dma_start3A_565 : memref<1x128xi32, #tpu.memory_space<hbm>> -> memref<128xi32, #tpu.memory_space<hbm>>
    tpu.enqueue_dma source(%dma_start3A_566 : memref<128xi32, #tpu.memory_space<hbm>>) target(%arg20 : memref<128xi32, #tpu.memory_space<vmem>>) target_semaphore(%arg33 : memref<!tpu.dma_semaphore, #tpu.memory_space<semaphore_mem>>)
    %dma_start3A_567 = arith.constant 0 : i32
    %dma_start3A_568 = tpu.memref_slice %arg5[%add3A_554, %dma_start3A_567] : memref<2500x128xi32, #tpu.memory_space<hbm>> -> memref<1x128xi32, #tpu.memory_space<hbm>>
    %dma_start3A_569 = tpu.memref_squeeze %dma_start3A_568 : memref<1x128xi32, #tpu.memory_space<hbm>> -> memref<128xi32, #tpu.memory_space<hbm>>
    %dma_start3A_570 = arith.constant 0 : i32
    %dma_start3A_571 = tpu.memref_slice %arg5[%add3A_554, %dma_start3A_570] : memref<2500x128xi32, #tpu.memory_space<hbm>> -> memref<1x128xi32, #tpu.memory_space<hbm>>
    %dma_start3A_572 = tpu.memref_squeeze %dma_start3A_571 : memref<1x128xi32, #tpu.memory_space<hbm>> -> memref<128xi32, #tpu.memory_space<hbm>>
    tpu.enqueue_dma source(%dma_start3A_572 : memref<128xi32, #tpu.memory_space<hbm>>) target(%arg16 : memref<128xi32, #tpu.memory_space<vmem>>) target_semaphore(%arg33 : memref<!tpu.dma_semaphore, #tpu.memory_space<semaphore_mem>>)
    %dma_wait3A_573 = arith.constant 0 : i32
    %dma_wait3A_574 = arith.constant 0 : i32
    %dma_wait3A_575 = tpu.memref_slice %arg3[%dma_wait3A_573, %dma_wait3A_574] : memref<2500x128xi32, #tpu.memory_space<hbm>> -> memref<1x128xi32, #tpu.memory_space<hbm>>
    %dma_wait3A_576 = tpu.memref_squeeze %dma_wait3A_575 : memref<1x128xi32, #tpu.memory_space<hbm>> -> memref<128xi32, #tpu.memory_space<hbm>>
    %dma_wait3A_577 = arith.constant 0 : i32
    %dma_wait3A_578 = tpu.memref_slice %arg3[%dma_wait3A_573, %dma_wait3A_577] : memref<2500x128xi32, #tpu.memory_space<hbm>> -> memref<1x128xi32, #tpu.memory_space<hbm>>
    %dma_wait3A_579 = tpu.memref_squeeze %dma_wait3A_578 : memref<1x128xi32, #tpu.memory_space<hbm>> -> memref<128xi32, #tpu.memory_space<hbm>>
    tpu.wait_dma2 semaphore(%arg35 : memref<!tpu.dma_semaphore, #tpu.memory_space<semaphore_mem>>) src(%dma_wait3A_579 : memref<128xi32, #tpu.memory_space<hbm>>) dst(%arg14 : memref<128xi32, #tpu.memory_space<vmem>>)
    %dma_wait3A_580 = arith.constant 0 : i32
    %dma_wait3A_581 = arith.constant 0 : i32
    %dma_wait3A_582 = tpu.memref_slice %arg3[%dma_wait3A_580, %dma_wait3A_581] : memref<2500x128xi32, #tpu.memory_space<hbm>> -> memref<1x128xi32, #tpu.memory_space<hbm>>
    %dma_wait3A_583 = tpu.memref_squeeze %dma_wait3A_582 : memref<1x128xi32, #tpu.memory_space<hbm>> -> memref<128xi32, #tpu.memory_space<hbm>>
    %dma_wait3A_584 = arith.constant 0 : i32
    %dma_wait3A_585 = tpu.memref_slice %arg3[%dma_wait3A_580, %dma_wait3A_584] : memref<2500x128xi32, #tpu.memory_space<hbm>> -> memref<1x128xi32, #tpu.memory_space<hbm>>
    %dma_wait3A_586 = tpu.memref_squeeze %dma_wait3A_585 : memref<1x128xi32, #tpu.memory_space<hbm>> -> memref<128xi32, #tpu.memory_space<hbm>>
    tpu.wait_dma2 semaphore(%arg35 : memref<!tpu.dma_semaphore, #tpu.memory_space<semaphore_mem>>) src(%dma_wait3A_586 : memref<128xi32, #tpu.memory_space<hbm>>) dst(%arg22 : memref<128xi32, #tpu.memory_space<vmem>>)
    %dma_wait3A_587 = arith.constant 0 : i32
    %dma_wait3A_588 = arith.constant 0 : i32
    %dma_wait3A_589 = tpu.memref_slice %arg3[%dma_wait3A_587, %dma_wait3A_588] : memref<2500x128xi32, #tpu.memory_space<hbm>> -> memref<1x128xi32, #tpu.memory_space<hbm>>
    %dma_wait3A_590 = tpu.memref_squeeze %dma_wait3A_589 : memref<1x128xi32, #tpu.memory_space<hbm>> -> memref<128xi32, #tpu.memory_space<hbm>>
    %dma_wait3A_591 = arith.constant 0 : i32
    %dma_wait3A_592 = tpu.memref_slice %arg3[%dma_wait3A_587, %dma_wait3A_591] : memref<2500x128xi32, #tpu.memory_space<hbm>> -> memref<1x128xi32, #tpu.memory_space<hbm>>
    %dma_wait3A_593 = tpu.memref_squeeze %dma_wait3A_592 : memref<1x128xi32, #tpu.memory_space<hbm>> -> memref<128xi32, #tpu.memory_space<hbm>>
    tpu.wait_dma2 semaphore(%arg35 : memref<!tpu.dma_semaphore, #tpu.memory_space<semaphore_mem>>) src(%dma_wait3A_593 : memref<128xi32, #tpu.memory_space<hbm>>) dst(%arg18 : memref<128xi32, #tpu.memory_space<vmem>>)
    %iota3A_594 = tpu.iota {dimensions = array<i32: 0>} : vector<16xi32>
    %broadcast_in_dim3A_595 = arith.constant 0 : i32
    %broadcast_in_dim3A_596 = vector.broadcast %broadcast_in_dim3A_595 : i32 to vector<16xi32>
    %get3A_597 = arith.constant 0 : index
    %get3A_598 = tpu.vector_load %arg18[%get3A_597] {strides = array<i32>} : memref<128xi32, #tpu.memory_space<vmem>>, vector<16xi32>,
    %mul3A_599 = arith.constant 10000 : i32
    %mul3A_600 = vector.broadcast %mul3A_599 : i32 to vector<16xi32>
    %mul3A_601 = arith.muli %get3A_598, %mul3A_600 : vector<16xi32>
    %get3A_602 = arith.constant 0 : index
    %get3A_603 = tpu.vector_load %arg14[%get3A_602] {strides = array<i32>} : memref<128xi32, #tpu.memory_space<vmem>>, vector<16xi32>,
    %add3A_604 = arith.addi %mul3A_601, %get3A_603 : vector<16xi32>
    %swap3A_605 = arith.constant 0 : index
    %swap3A_606 = tpu.vector_load %arg24[%swap3A_605] {strides = array<i32>} : memref<128xi32, #tpu.memory_space<vmem>>, vector<16xi32>,
    tpu.vector_store %arg24[%swap3A_605], %add3A_604 {strides = array<i32>} : memref<128xi32, #tpu.memory_space<vmem>>, vector<16xi32>,
    %gather3A_607 = tpu.vector_load_idx %arg29[%get3A_598] : memref<8xf32, #tpu.memory_space<vmem>>[vector<16xi32>], vector<16xf32>,
    %add3A_608 = arith.constant 0 : i32
    %add3A_609 = vector.broadcast %add3A_608 : i32 to vector<16xi32>
    %add3A_610 = arith.addi %add3A_609, %iota3A_594 : vector<16xi32>
    tpu.vector_store_idx %arg28[%add3A_610, %broadcast_in_dim3A_596], %gather3A_607 : memref<128x16xf32, #tpu.memory_space<vmem>>[vector<16xi32>, vector<16xi32>], vector<16xf32>,
    %get3A_611 = arith.constant 16 : index
    %get3A_612 = tpu.vector_load %arg18[%get3A_611] {strides = array<i32>} : memref<128xi32, #tpu.memory_space<vmem>>, vector<16xi32>,
    %mul3A_613 = arith.constant 10000 : i32
    %mul3A_614 = vector.broadcast %mul3A_613 : i32 to vector<16xi32>
    %mul3A_615 = arith.muli %get3A_612, %mul3A_614 : vector<16xi32>
    %get3A_616 = arith.constant 16 : index
    %get3A_617 = tpu.vector_load %arg14[%get3A_616] {strides = array<i32>} : memref<128xi32, #tpu.memory_space<vmem>>, vector<16xi32>,
    %add3A_618 = arith.addi %mul3A_615, %get3A_617 : vector<16xi32>
    %swap3A_619 = arith.constant 16 : index
    %swap3A_620 = tpu.vector_load %arg24[%swap3A_619] {strides = array<i32>} : memref<128xi32, #tpu.memory_space<vmem>>, vector<16xi32>,
    tpu.vector_store %arg24[%swap3A_619], %add3A_618 {strides = array<i32>} : memref<128xi32, #tpu.memory_space<vmem>>, vector<16xi32>,
    %gather3A_621 = tpu.vector_load_idx %arg29[%get3A_612] : memref<8xf32, #tpu.memory_space<vmem>>[vector<16xi32>], vector<16xf32>,
    %add3A_622 = arith.constant 16 : i32
    %add3A_623 = vector.broadcast %add3A_622 : i32 to vector<16xi32>
    %add3A_624 = arith.addi %add3A_623, %iota3A_594 : vector<16xi32>
    tpu.vector_store_idx %arg28[%add3A_624, %broadcast_in_dim3A_596], %gather3A_621 : memref<128x16xf32, #tpu.memory_space<vmem>>[vector<16xi32>, vector<16xi32>], vector<16xf32>,
    %get3A_625 = arith.constant 32 : index
    %get3A_626 = tpu.vector_load %arg18[%get3A_625] {strides = array<i32>} : memref<128xi32, #tpu.memory_space<vmem>>, vector<16xi32>,
    %mul3A_627 = arith.constant 10000 : i32
    %mul3A_628 = vector.broadcast %mul3A_627 : i32 to vector<16xi32>
    %mul3A_629 = arith.muli %get3A_626, %mul3A_628 : vector<16xi32>
    %get3A_630 = arith.constant 32 : index
    %get3A_631 = tpu.vector_load %arg14[%get3A_630] {strides = array<i32>} : memref<128xi32, #tpu.memory_space<vmem>>, vector<16xi32>,
    %add3A_632 = arith.addi %mul3A_629, %get3A_631 : vector<16xi32>
    %swap3A_633 = arith.constant 32 : index
    %swap3A_634 = tpu.vector_load %arg24[%swap3A_633] {strides = array<i32>} : memref<128xi32, #tpu.memory_space<vmem>>, vector<16xi32>,
    tpu.vector_store %arg24[%swap3A_633], %add3A_632 {strides = array<i32>} : memref<128xi32, #tpu.memory_space<vmem>>, vector<16xi32>,
    %gather3A_635 = tpu.vector_load_idx %arg29[%get3A_626] : memref<8xf32, #tpu.memory_space<vmem>>[vector<16xi32>], vector<16xf32>,
    %add3A_636 = arith.constant 32 : i32
    %add3A_637 = vector.broadcast %add3A_636 : i32 to vector<16xi32>
    %add3A_638 = arith.addi %add3A_637, %iota3A_594 : vector<16xi32>
    tpu.vector_store_idx %arg28[%add3A_638, %broadcast_in_dim3A_596], %gather3A_635 : memref<128x16xf32, #tpu.memory_space<vmem>>[vector<16xi32>, vector<16xi32>], vector<16xf32>,
    %get3A_639 = arith.constant 48 : index
    %get3A_640 = tpu.vector_load %arg18[%get3A_639] {strides = array<i32>} : memref<128xi32, #tpu.memory_space<vmem>>, vector<16xi32>,
    %mul3A_641 = arith.constant 10000 : i32
    %mul3A_642 = vector.broadcast %mul3A_641 : i32 to vector<16xi32>
    %mul3A_643 = arith.muli %get3A_640, %mul3A_642 : vector<16xi32>
    %get3A_644 = arith.constant 48 : index
    %get3A_645 = tpu.vector_load %arg14[%get3A_644] {strides = array<i32>} : memref<128xi32, #tpu.memory_space<vmem>>, vector<16xi32>,
    %add3A_646 = arith.addi %mul3A_643, %get3A_645 : vector<16xi32>
    %swap3A_647 = arith.constant 48 : index
    %swap3A_648 = tpu.vector_load %arg24[%swap3A_647] {strides = array<i32>} : memref<128xi32, #tpu.memory_space<vmem>>, vector<16xi32>,
    tpu.vector_store %arg24[%swap3A_647], %add3A_646 {strides = array<i32>} : memref<128xi32, #tpu.memory_space<vmem>>, vector<16xi32>,
    %gather3A_649 = tpu.vector_load_idx %arg29[%get3A_640] : memref<8xf32, #tpu.memory_space<vmem>>[vector<16xi32>], vector<16xf32>,
    %add3A_650 = arith.constant 48 : i32
    %add3A_651 = vector.broadcast %add3A_650 : i32 to vector<16xi32>
    %add3A_652 = arith.addi %add3A_651, %iota3A_594 : vector<16xi32>
    tpu.vector_store_idx %arg28[%add3A_652, %broadcast_in_dim3A_596], %gather3A_649 : memref<128x16xf32, #tpu.memory_space<vmem>>[vector<16xi32>, vector<16xi32>], vector<16xf32>,
    %get3A_653 = arith.constant 64 : index
    %get3A_654 = tpu.vector_load %arg18[%get3A_653] {strides = array<i32>} : memref<128xi32, #tpu.memory_space<vmem>>, vector<16xi32>,
    %mul3A_655 = arith.constant 10000 : i32
    %mul3A_656 = vector.broadcast %mul3A_655 : i32 to vector<16xi32>
    %mul3A_657 = arith.muli %get3A_654, %mul3A_656 : vector<16xi32>
    %get3A_658 = arith.constant 64 : index
    %get3A_659 = tpu.vector_load %arg14[%get3A_658] {strides = array<i32>} : memref<128xi32, #tpu.memory_space<vmem>>, vector<16xi32>,
    %add3A_660 = arith.addi %mul3A_657, %get3A_659 : vector<16xi32>
    %swap3A_661 = arith.constant 64 : index
    %swap3A_662 = tpu.vector_load %arg24[%swap3A_661] {strides = array<i32>} : memref<128xi32, #tpu.memory_space<vmem>>, vector<16xi32>,
    tpu.vector_store %arg24[%swap3A_661], %add3A_660 {strides = array<i32>} : memref<128xi32, #tpu.memory_space<vmem>>, vector<16xi32>,
    %gather3A_663 = tpu.vector_load_idx %arg29[%get3A_654] : memref<8xf32, #tpu.memory_space<vmem>>[vector<16xi32>], vector<16xf32>,
    %add3A_664 = arith.constant 64 : i32
    %add3A_665 = vector.broadcast %add3A_664 : i32 to vector<16xi32>
    %add3A_666 = arith.addi %add3A_665, %iota3A_594 : vector<16xi32>
    tpu.vector_store_idx %arg28[%add3A_666, %broadcast_in_dim3A_596], %gather3A_663 : memref<128x16xf32, #tpu.memory_space<vmem>>[vector<16xi32>, vector<16xi32>], vector<16xf32>,
    %get3A_667 = arith.constant 80 : index
    %get3A_668 = tpu.vector_load %arg18[%get3A_667] {strides = array<i32>} : memref<128xi32, #tpu.memory_space<vmem>>, vector<16xi32>,
    %mul3A_669 = arith.constant 10000 : i32
    %mul3A_670 = vector.broadcast %mul3A_669 : i32 to vector<16xi32>
    %mul3A_671 = arith.muli %get3A_668, %mul3A_670 : vector<16xi32>
    %get3A_672 = arith.constant 80 : index
    %get3A_673 = tpu.vector_load %arg14[%get3A_672] {strides = array<i32>} : memref<128xi32, #tpu.memory_space<vmem>>, vector<16xi32>,
    %add3A_674 = arith.addi %mul3A_671, %get3A_673 : vector<16xi32>
    %swap3A_675 = arith.constant 80 : index
    %swap3A_676 = tpu.vector_load %arg24[%swap3A_675] {strides = array<i32>} : memref<128xi32, #tpu.memory_space<vmem>>, vector<16xi32>,
    tpu.vector_store %arg24[%swap3A_675], %add3A_674 {strides = array<i32>} : memref<128xi32, #tpu.memory_space<vmem>>, vector<16xi32>,
    %gather3A_677 = tpu.vector_load_idx %arg29[%get3A_668] : memref<8xf32, #tpu.memory_space<vmem>>[vector<16xi32>], vector<16xf32>,
    %add3A_678 = arith.constant 80 : i32
    %add3A_679 = vector.broadcast %add3A_678 : i32 to vector<16xi32>
    %add3A_680 = arith.addi %add3A_679, %iota3A_594 : vector<16xi32>
    tpu.vector_store_idx %arg28[%add3A_680, %broadcast_in_dim3A_596], %gather3A_677 : memref<128x16xf32, #tpu.memory_space<vmem>>[vector<16xi32>, vector<16xi32>], vector<16xf32>,
    %get3A_681 = arith.constant 96 : index
    %get3A_682 = tpu.vector_load %arg18[%get3A_681] {strides = array<i32>} : memref<128xi32, #tpu.memory_space<vmem>>, vector<16xi32>,
    %mul3A_683 = arith.constant 10000 : i32
    %mul3A_684 = vector.broadcast %mul3A_683 : i32 to vector<16xi32>
    %mul3A_685 = arith.muli %get3A_682, %mul3A_684 : vector<16xi32>
    %get3A_686 = arith.constant 96 : index
    %get3A_687 = tpu.vector_load %arg14[%get3A_686] {strides = array<i32>} : memref<128xi32, #tpu.memory_space<vmem>>, vector<16xi32>,
    %add3A_688 = arith.addi %mul3A_685, %get3A_687 : vector<16xi32>
    %swap3A_689 = arith.constant 96 : index
    %swap3A_690 = tpu.vector_load %arg24[%swap3A_689] {strides = array<i32>} : memref<128xi32, #tpu.memory_space<vmem>>, vector<16xi32>,
    tpu.vector_store %arg24[%swap3A_689], %add3A_688 {strides = array<i32>} : memref<128xi32, #tpu.memory_space<vmem>>, vector<16xi32>,
    %gather3A_691 = tpu.vector_load_idx %arg29[%get3A_682] : memref<8xf32, #tpu.memory_space<vmem>>[vector<16xi32>], vector<16xf32>,
    %add3A_692 = arith.constant 96 : i32
    %add3A_693 = vector.broadcast %add3A_692 : i32 to vector<16xi32>
    %add3A_694 = arith.addi %add3A_693, %iota3A_594 : vector<16xi32>
    tpu.vector_store_idx %arg28[%add3A_694, %broadcast_in_dim3A_596], %gather3A_691 : memref<128x16xf32, #tpu.memory_space<vmem>>[vector<16xi32>, vector<16xi32>], vector<16xf32>,
    %get3A_695 = arith.constant 112 : index
    %get3A_696 = tpu.vector_load %arg18[%get3A_695] {strides = array<i32>} : memref<128xi32, #tpu.memory_space<vmem>>, vector<16xi32>,
    %mul3A_697 = arith.constant 10000 : i32
    %mul3A_698 = vector.broadcast %mul3A_697 : i32 to vector<16xi32>
    %mul3A_699 = arith.muli %get3A_696, %mul3A_698 : vector<16xi32>
    %get3A_700 = arith.constant 112 : index
    %get3A_701 = tpu.vector_load %arg14[%get3A_700] {strides = array<i32>} : memref<128xi32, #tpu.memory_space<vmem>>, vector<16xi32>,
    %add3A_702 = arith.addi %mul3A_699, %get3A_701 : vector<16xi32>
    %swap3A_703 = arith.constant 112 : index
    %swap3A_704 = tpu.vector_load %arg24[%swap3A_703] {strides = array<i32>} : memref<128xi32, #tpu.memory_space<vmem>>, vector<16xi32>,
    tpu.vector_store %arg24[%swap3A_703], %add3A_702 {strides = array<i32>} : memref<128xi32, #tpu.memory_space<vmem>>, vector<16xi32>,
    %gather3A_705 = tpu.vector_load_idx %arg29[%get3A_696] : memref<8xf32, #tpu.memory_space<vmem>>[vector<16xi32>], vector<16xf32>,
    %add3A_706 = arith.constant 112 : i32
    %add3A_707 = vector.broadcast %add3A_706 : i32 to vector<16xi32>
    %add3A_708 = arith.addi %add3A_707, %iota3A_594 : vector<16xi32>
    tpu.vector_store_idx %arg28[%add3A_708, %broadcast_in_dim3A_596], %gather3A_705 : memref<128x16xf32, #tpu.memory_space<vmem>>[vector<16xi32>, vector<16xi32>], vector<16xf32>,
    %dma_start3A_709 = arith.constant 0 : i32
    %dma_start3A_710 = arith.constant 0 : i32
    %dma_start3A_711 = tpu.memref_slice %arg2[%dma_start3A_709, %dma_start3A_710] : memref<70000x128xf32, #tpu.memory_space<hbm>> -> memref<70000x128xf32, #tpu.memory_space<hbm>>
    tpu.enqueue_indirect_dma source(%dma_start3A_711 : memref<70000x128xf32, #tpu.memory_space<hbm>>) target(%arg26 : memref<128x128xf32, #tpu.memory_space<vmem>>) offsets(%arg24 : memref<128xi32, #tpu.memory_space<vmem>>) semaphore(%arg37 : memref<!tpu.dma_semaphore, #tpu.memory_space<semaphore_mem>>)
    %dma_wait3A_712 = arith.constant 0 : i32
    %dma_wait3A_713 = arith.constant 0 : i32
    %dma_wait3A_714 = tpu.memref_slice %arg2[%dma_wait3A_712, %dma_wait3A_713] : memref<70000x128xf32, #tpu.memory_space<hbm>> -> memref<70000x128xf32, #tpu.memory_space<hbm>>
    tpu.wait_indirect_dma semaphore(%arg36 : memref<!tpu.dma_semaphore, #tpu.memory_space<semaphore_mem>>) src(%dma_wait3A_714 : memref<70000x128xf32, #tpu.memory_space<hbm>>) dst(%arg25 : memref<128x128xf32, #tpu.memory_space<vmem>>)
    "tpu.region"() ({
      %run_scoped3A = tpu.sem_alloc : memref<!tpu.dma_semaphore, #tpu.memory_space<semaphore_mem>>
      %dma_start3A_1014 = arith.constant 0 : i32
      %dma_start3A_1015 = arith.constant 0 : i32
      %dma_start3A_1016 = tpu.memref_slice %arg30[%dma_start3A_1014, %dma_start3A_1015] : memref<10112x128xf32, #tpu.memory_space<vmem_shared>> -> memref<10112x128xf32, #tpu.memory_space<vmem_shared>>
      tpu.enqueue_indirect_dma source(%arg25 : memref<128x128xf32, #tpu.memory_space<vmem>>) target(%dma_start3A_1016 : memref<10112x128xf32, #tpu.memory_space<vmem_shared>>) offsets(%arg21 : memref<128xi32, #tpu.memory_space<vmem>>) semaphore(%run_scoped3A : memref<!tpu.dma_semaphore, #tpu.memory_space<semaphore_mem>>) {add = true}
      %dma_wait3A_1017 = arith.constant 0 : i32
      %dma_wait3A_1018 = arith.constant 0 : i32
      %dma_wait3A_1019 = tpu.memref_slice %arg30[%dma_wait3A_1017, %dma_wait3A_1018] : memref<10112x128xf32, #tpu.memory_space<vmem_shared>> -> memref<10112x128xf32, #tpu.memory_space<vmem_shared>>
      tpu.wait_indirect_dma semaphore(%run_scoped3A : memref<!tpu.dma_semaphore, #tpu.memory_space<semaphore_mem>>) src(%arg25 : memref<128x128xf32, #tpu.memory_space<vmem>>) dst(%dma_wait3A_1019 : memref<10112x128xf32, #tpu.memory_space<vmem_shared>>)
      tpu.yield
    }) : () -> ()
    "tpu.region"() ({
      %run_scoped3A = tpu.sem_alloc : memref<!tpu.dma_semaphore, #tpu.memory_space<semaphore_mem>>
      %dma_start3A_1014 = arith.constant 0 : i32
      %dma_start3A_1015 = arith.constant 0 : i32
      %dma_start3A_1016 = tpu.memref_slice %arg31[%dma_start3A_1014, %dma_start3A_1015] : memref<10112x16xf32, #tpu.memory_space<vmem_shared>> -> memref<10112x16xf32, #tpu.memory_space<vmem_shared>>
      tpu.enqueue_indirect_dma source(%arg27 : memref<128x16xf32, #tpu.memory_space<vmem>>) target(%dma_start3A_1016 : memref<10112x16xf32, #tpu.memory_space<vmem_shared>>) offsets(%arg21 : memref<128xi32, #tpu.memory_space<vmem>>) semaphore(%run_scoped3A : memref<!tpu.dma_semaphore, #tpu.memory_space<semaphore_mem>>) {add = true}
      %dma_wait3A_1017 = arith.constant 0 : i32
      %dma_wait3A_1018 = arith.constant 0 : i32
      %dma_wait3A_1019 = tpu.memref_slice %arg31[%dma_wait3A_1017, %dma_wait3A_1018] : memref<10112x16xf32, #tpu.memory_space<vmem_shared>> -> memref<10112x16xf32, #tpu.memory_space<vmem_shared>>
      tpu.wait_indirect_dma semaphore(%run_scoped3A : memref<!tpu.dma_semaphore, #tpu.memory_space<semaphore_mem>>) src(%arg27 : memref<128x16xf32, #tpu.memory_space<vmem>>) dst(%dma_wait3A_1019 : memref<10112x16xf32, #tpu.memory_space<vmem_shared>>)
      tpu.yield
    }) : () -> ()
    %dma_wait3A_715 = arith.constant 0 : i32
    %dma_wait3A_716 = arith.constant 0 : i32
    %dma_wait3A_717 = tpu.memref_slice %arg3[%dma_wait3A_715, %dma_wait3A_716] : memref<2500x128xi32, #tpu.memory_space<hbm>> -> memref<1x128xi32, #tpu.memory_space<hbm>>
    %dma_wait3A_718 = tpu.memref_squeeze %dma_wait3A_717 : memref<1x128xi32, #tpu.memory_space<hbm>> -> memref<128xi32, #tpu.memory_space<hbm>>
    %dma_wait3A_719 = arith.constant 0 : i32
    %dma_wait3A_720 = tpu.memref_slice %arg3[%dma_wait3A_715, %dma_wait3A_719] : memref<2500x128xi32, #tpu.memory_space<hbm>> -> memref<1x128xi32, #tpu.memory_space<hbm>>
    %dma_wait3A_721 = tpu.memref_squeeze %dma_wait3A_720 : memref<1x128xi32, #tpu.memory_space<hbm>> -> memref<128xi32, #tpu.memory_space<hbm>>
    tpu.wait_dma2 semaphore(%arg32 : memref<!tpu.dma_semaphore, #tpu.memory_space<semaphore_mem>>) src(%dma_wait3A_721 : memref<128xi32, #tpu.memory_space<hbm>>) dst(%arg11 : memref<128xi32, #tpu.memory_space<vmem>>)
    %dma_wait3A_722 = arith.constant 0 : i32
    %dma_wait3A_723 = arith.constant 0 : i32
    %dma_wait3A_724 = tpu.memref_slice %arg3[%dma_wait3A_722, %dma_wait3A_723] : memref<2500x128xi32, #tpu.memory_space<hbm>> -> memref<1x128xi32, #tpu.memory_space<hbm>>
    %dma_wait3A_725 = tpu.memref_squeeze %dma_wait3A_724 : memref<1x128xi32, #tpu.memory_space<hbm>> -> memref<128xi32, #tpu.memory_space<hbm>>
    %dma_wait3A_726 = arith.constant 0 : i32
    %dma_wait3A_727 = tpu.memref_slice %arg3[%dma_wait3A_722, %dma_wait3A_726] : memref<2500x128xi32, #tpu.memory_space<hbm>> -> memref<1x128xi32, #tpu.memory_space<hbm>>
    %dma_wait3A_728 = tpu.memref_squeeze %dma_wait3A_727 : memref<1x128xi32, #tpu.memory_space<hbm>> -> memref<128xi32, #tpu.memory_space<hbm>>
    tpu.wait_dma2 semaphore(%arg32 : memref<!tpu.dma_semaphore, #tpu.memory_space<semaphore_mem>>) src(%dma_wait3A_728 : memref<128xi32, #tpu.memory_space<hbm>>) dst(%arg19 : memref<128xi32, #tpu.memory_space<vmem>>)
    %dma_wait3A_729 = arith.constant 0 : i32
    %dma_wait3A_730 = arith.constant 0 : i32
    %dma_wait3A_731 = tpu.memref_slice %arg3[%dma_wait3A_729, %dma_wait3A_730] : memref<2500x128xi32, #tpu.memory_space<hbm>> -> memref<1x128xi32, #tpu.memory_space<hbm>>
    %dma_wait3A_732 = tpu.memref_squeeze %dma_wait3A_731 : memref<1x128xi32, #tpu.memory_space<hbm>> -> memref<128xi32, #tpu.memory_space<hbm>>
    %dma_wait3A_733 = arith.constant 0 : i32
    %dma_wait3A_734 = tpu.memref_slice %arg3[%dma_wait3A_729, %dma_wait3A_733] : memref<2500x128xi32, #tpu.memory_space<hbm>> -> memref<1x128xi32, #tpu.memory_space<hbm>>
    %dma_wait3A_735 = tpu.memref_squeeze %dma_wait3A_734 : memref<1x128xi32, #tpu.memory_space<hbm>> -> memref<128xi32, #tpu.memory_space<hbm>>
    tpu.wait_dma2 semaphore(%arg32 : memref<!tpu.dma_semaphore, #tpu.memory_space<semaphore_mem>>) src(%dma_wait3A_735 : memref<128xi32, #tpu.memory_space<hbm>>) dst(%arg15 : memref<128xi32, #tpu.memory_space<vmem>>)
    %iota3A_736 = tpu.iota {dimensions = array<i32: 0>} : vector<16xi32>
    %broadcast_in_dim3A_737 = arith.constant 0 : i32
    %broadcast_in_dim3A_738 = vector.broadcast %broadcast_in_dim3A_737 : i32 to vector<16xi32>
    %get3A_739 = arith.constant 0 : index
    %get3A_740 = tpu.vector_load %arg15[%get3A_739] {strides = array<i32>} : memref<128xi32, #tpu.memory_space<vmem>>, vector<16xi32>,
    %mul3A_741 = arith.constant 10000 : i32
    %mul3A_742 = vector.broadcast %mul3A_741 : i32 to vector<16xi32>
    %mul3A_743 = arith.muli %get3A_740, %mul3A_742 : vector<16xi32>
    %get3A_744 = arith.constant 0 : index
    %get3A_745 = tpu.vector_load %arg11[%get3A_744] {strides = array<i32>} : memref<128xi32, #tpu.memory_space<vmem>>, vector<16xi32>,
    %add3A_746 = arith.addi %mul3A_743, %get3A_745 : vector<16xi32>
    %swap3A_747 = arith.constant 0 : index
    %swap3A_748 = tpu.vector_load %arg23[%swap3A_747] {strides = array<i32>} : memref<128xi32, #tpu.memory_space<vmem>>, vector<16xi32>,
    tpu.vector_store %arg23[%swap3A_747], %add3A_746 {strides = array<i32>} : memref<128xi32, #tpu.memory_space<vmem>>, vector<16xi32>,
    %gather3A_749 = tpu.vector_load_idx %arg29[%get3A_740] : memref<8xf32, #tpu.memory_space<vmem>>[vector<16xi32>], vector<16xf32>,
    %add3A_750 = arith.constant 0 : i32
    %add3A_751 = vector.broadcast %add3A_750 : i32 to vector<16xi32>
    %add3A_752 = arith.addi %add3A_751, %iota3A_736 : vector<16xi32>
    tpu.vector_store_idx %arg27[%add3A_752, %broadcast_in_dim3A_738], %gather3A_749 : memref<128x16xf32, #tpu.memory_space<vmem>>[vector<16xi32>, vector<16xi32>], vector<16xf32>,
    %get3A_753 = arith.constant 16 : index
    %get3A_754 = tpu.vector_load %arg15[%get3A_753] {strides = array<i32>} : memref<128xi32, #tpu.memory_space<vmem>>, vector<16xi32>,
    %mul3A_755 = arith.constant 10000 : i32
    %mul3A_756 = vector.broadcast %mul3A_755 : i32 to vector<16xi32>
    %mul3A_757 = arith.muli %get3A_754, %mul3A_756 : vector<16xi32>
    %get3A_758 = arith.constant 16 : index
    %get3A_759 = tpu.vector_load %arg11[%get3A_758] {strides = array<i32>} : memref<128xi32, #tpu.memory_space<vmem>>, vector<16xi32>,
    %add3A_760 = arith.addi %mul3A_757, %get3A_759 : vector<16xi32>
    %swap3A_761 = arith.constant 16 : index
    %swap3A_762 = tpu.vector_load %arg23[%swap3A_761] {strides = array<i32>} : memref<128xi32, #tpu.memory_space<vmem>>, vector<16xi32>,
    tpu.vector_store %arg23[%swap3A_761], %add3A_760 {strides = array<i32>} : memref<128xi32, #tpu.memory_space<vmem>>, vector<16xi32>,
    %gather3A_763 = tpu.vector_load_idx %arg29[%get3A_754] : memref<8xf32, #tpu.memory_space<vmem>>[vector<16xi32>], vector<16xf32>,
    %add3A_764 = arith.constant 16 : i32
    %add3A_765 = vector.broadcast %add3A_764 : i32 to vector<16xi32>
    %add3A_766 = arith.addi %add3A_765, %iota3A_736 : vector<16xi32>
    tpu.vector_store_idx %arg27[%add3A_766, %broadcast_in_dim3A_738], %gather3A_763 : memref<128x16xf32, #tpu.memory_space<vmem>>[vector<16xi32>, vector<16xi32>], vector<16xf32>,
    %get3A_767 = arith.constant 32 : index
    %get3A_768 = tpu.vector_load %arg15[%get3A_767] {strides = array<i32>} : memref<128xi32, #tpu.memory_space<vmem>>, vector<16xi32>,
    %mul3A_769 = arith.constant 10000 : i32
    %mul3A_770 = vector.broadcast %mul3A_769 : i32 to vector<16xi32>
    %mul3A_771 = arith.muli %get3A_768, %mul3A_770 : vector<16xi32>
    %get3A_772 = arith.constant 32 : index
    %get3A_773 = tpu.vector_load %arg11[%get3A_772] {strides = array<i32>} : memref<128xi32, #tpu.memory_space<vmem>>, vector<16xi32>,
    %add3A_774 = arith.addi %mul3A_771, %get3A_773 : vector<16xi32>
    %swap3A_775 = arith.constant 32 : index
    %swap3A_776 = tpu.vector_load %arg23[%swap3A_775] {strides = array<i32>} : memref<128xi32, #tpu.memory_space<vmem>>, vector<16xi32>,
    tpu.vector_store %arg23[%swap3A_775], %add3A_774 {strides = array<i32>} : memref<128xi32, #tpu.memory_space<vmem>>, vector<16xi32>,
    %gather3A_777 = tpu.vector_load_idx %arg29[%get3A_768] : memref<8xf32, #tpu.memory_space<vmem>>[vector<16xi32>], vector<16xf32>,
    %add3A_778 = arith.constant 32 : i32
    %add3A_779 = vector.broadcast %add3A_778 : i32 to vector<16xi32>
    %add3A_780 = arith.addi %add3A_779, %iota3A_736 : vector<16xi32>
    tpu.vector_store_idx %arg27[%add3A_780, %broadcast_in_dim3A_738], %gather3A_777 : memref<128x16xf32, #tpu.memory_space<vmem>>[vector<16xi32>, vector<16xi32>], vector<16xf32>,
    %get3A_781 = arith.constant 48 : index
    %get3A_782 = tpu.vector_load %arg15[%get3A_781] {strides = array<i32>} : memref<128xi32, #tpu.memory_space<vmem>>, vector<16xi32>,
    %mul3A_783 = arith.constant 10000 : i32
    %mul3A_784 = vector.broadcast %mul3A_783 : i32 to vector<16xi32>
    %mul3A_785 = arith.muli %get3A_782, %mul3A_784 : vector<16xi32>
    %get3A_786 = arith.constant 48 : index
    %get3A_787 = tpu.vector_load %arg11[%get3A_786] {strides = array<i32>} : memref<128xi32, #tpu.memory_space<vmem>>, vector<16xi32>,
    %add3A_788 = arith.addi %mul3A_785, %get3A_787 : vector<16xi32>
    %swap3A_789 = arith.constant 48 : index
    %swap3A_790 = tpu.vector_load %arg23[%swap3A_789] {strides = array<i32>} : memref<128xi32, #tpu.memory_space<vmem>>, vector<16xi32>,
    tpu.vector_store %arg23[%swap3A_789], %add3A_788 {strides = array<i32>} : memref<128xi32, #tpu.memory_space<vmem>>, vector<16xi32>,
    %gather3A_791 = tpu.vector_load_idx %arg29[%get3A_782] : memref<8xf32, #tpu.memory_space<vmem>>[vector<16xi32>], vector<16xf32>,
    %add3A_792 = arith.constant 48 : i32
    %add3A_793 = vector.broadcast %add3A_792 : i32 to vector<16xi32>
    %add3A_794 = arith.addi %add3A_793, %iota3A_736 : vector<16xi32>
    tpu.vector_store_idx %arg27[%add3A_794, %broadcast_in_dim3A_738], %gather3A_791 : memref<128x16xf32, #tpu.memory_space<vmem>>[vector<16xi32>, vector<16xi32>], vector<16xf32>,
    %get3A_795 = arith.constant 64 : index
    %get3A_796 = tpu.vector_load %arg15[%get3A_795] {strides = array<i32>} : memref<128xi32, #tpu.memory_space<vmem>>, vector<16xi32>,
    %mul3A_797 = arith.constant 10000 : i32
    %mul3A_798 = vector.broadcast %mul3A_797 : i32 to vector<16xi32>
    %mul3A_799 = arith.muli %get3A_796, %mul3A_798 : vector<16xi32>
    %get3A_800 = arith.constant 64 : index
    %get3A_801 = tpu.vector_load %arg11[%get3A_800] {strides = array<i32>} : memref<128xi32, #tpu.memory_space<vmem>>, vector<16xi32>,
    %add3A_802 = arith.addi %mul3A_799, %get3A_801 : vector<16xi32>
    %swap3A_803 = arith.constant 64 : index
    %swap3A_804 = tpu.vector_load %arg23[%swap3A_803] {strides = array<i32>} : memref<128xi32, #tpu.memory_space<vmem>>, vector<16xi32>,
    tpu.vector_store %arg23[%swap3A_803], %add3A_802 {strides = array<i32>} : memref<128xi32, #tpu.memory_space<vmem>>, vector<16xi32>,
    %gather3A_805 = tpu.vector_load_idx %arg29[%get3A_796] : memref<8xf32, #tpu.memory_space<vmem>>[vector<16xi32>], vector<16xf32>,
    %add3A_806 = arith.constant 64 : i32
    %add3A_807 = vector.broadcast %add3A_806 : i32 to vector<16xi32>
    %add3A_808 = arith.addi %add3A_807, %iota3A_736 : vector<16xi32>
    tpu.vector_store_idx %arg27[%add3A_808, %broadcast_in_dim3A_738], %gather3A_805 : memref<128x16xf32, #tpu.memory_space<vmem>>[vector<16xi32>, vector<16xi32>], vector<16xf32>,
    %get3A_809 = arith.constant 80 : index
    %get3A_810 = tpu.vector_load %arg15[%get3A_809] {strides = array<i32>} : memref<128xi32, #tpu.memory_space<vmem>>, vector<16xi32>,
    %mul3A_811 = arith.constant 10000 : i32
    %mul3A_812 = vector.broadcast %mul3A_811 : i32 to vector<16xi32>
    %mul3A_813 = arith.muli %get3A_810, %mul3A_812 : vector<16xi32>
    %get3A_814 = arith.constant 80 : index
    %get3A_815 = tpu.vector_load %arg11[%get3A_814] {strides = array<i32>} : memref<128xi32, #tpu.memory_space<vmem>>, vector<16xi32>,
    %add3A_816 = arith.addi %mul3A_813, %get3A_815 : vector<16xi32>
    %swap3A_817 = arith.constant 80 : index
    %swap3A_818 = tpu.vector_load %arg23[%swap3A_817] {strides = array<i32>} : memref<128xi32, #tpu.memory_space<vmem>>, vector<16xi32>,
    tpu.vector_store %arg23[%swap3A_817], %add3A_816 {strides = array<i32>} : memref<128xi32, #tpu.memory_space<vmem>>, vector<16xi32>,
    %gather3A_819 = tpu.vector_load_idx %arg29[%get3A_810] : memref<8xf32, #tpu.memory_space<vmem>>[vector<16xi32>], vector<16xf32>,
    %add3A_820 = arith.constant 80 : i32
    %add3A_821 = vector.broadcast %add3A_820 : i32 to vector<16xi32>
    %add3A_822 = arith.addi %add3A_821, %iota3A_736 : vector<16xi32>
    tpu.vector_store_idx %arg27[%add3A_822, %broadcast_in_dim3A_738], %gather3A_819 : memref<128x16xf32, #tpu.memory_space<vmem>>[vector<16xi32>, vector<16xi32>], vector<16xf32>,
    %get3A_823 = arith.constant 96 : index
    %get3A_824 = tpu.vector_load %arg15[%get3A_823] {strides = array<i32>} : memref<128xi32, #tpu.memory_space<vmem>>, vector<16xi32>,
    %mul3A_825 = arith.constant 10000 : i32
    %mul3A_826 = vector.broadcast %mul3A_825 : i32 to vector<16xi32>
    %mul3A_827 = arith.muli %get3A_824, %mul3A_826 : vector<16xi32>
    %get3A_828 = arith.constant 96 : index
    %get3A_829 = tpu.vector_load %arg11[%get3A_828] {strides = array<i32>} : memref<128xi32, #tpu.memory_space<vmem>>, vector<16xi32>,
    %add3A_830 = arith.addi %mul3A_827, %get3A_829 : vector<16xi32>
    %swap3A_831 = arith.constant 96 : index
    %swap3A_832 = tpu.vector_load %arg23[%swap3A_831] {strides = array<i32>} : memref<128xi32, #tpu.memory_space<vmem>>, vector<16xi32>,
    tpu.vector_store %arg23[%swap3A_831], %add3A_830 {strides = array<i32>} : memref<128xi32, #tpu.memory_space<vmem>>, vector<16xi32>,
    %gather3A_833 = tpu.vector_load_idx %arg29[%get3A_824] : memref<8xf32, #tpu.memory_space<vmem>>[vector<16xi32>], vector<16xf32>,
    %add3A_834 = arith.constant 96 : i32
    %add3A_835 = vector.broadcast %add3A_834 : i32 to vector<16xi32>
    %add3A_836 = arith.addi %add3A_835, %iota3A_736 : vector<16xi32>
    tpu.vector_store_idx %arg27[%add3A_836, %broadcast_in_dim3A_738], %gather3A_833 : memref<128x16xf32, #tpu.memory_space<vmem>>[vector<16xi32>, vector<16xi32>], vector<16xf32>,
    %get3A_837 = arith.constant 112 : index
    %get3A_838 = tpu.vector_load %arg15[%get3A_837] {strides = array<i32>} : memref<128xi32, #tpu.memory_space<vmem>>, vector<16xi32>,
    %mul3A_839 = arith.constant 10000 : i32
    %mul3A_840 = vector.broadcast %mul3A_839 : i32 to vector<16xi32>
    %mul3A_841 = arith.muli %get3A_838, %mul3A_840 : vector<16xi32>
    %get3A_842 = arith.constant 112 : index
    %get3A_843 = tpu.vector_load %arg11[%get3A_842] {strides = array<i32>} : memref<128xi32, #tpu.memory_space<vmem>>, vector<16xi32>,
    %add3A_844 = arith.addi %mul3A_841, %get3A_843 : vector<16xi32>
    %swap3A_845 = arith.constant 112 : index
    %swap3A_846 = tpu.vector_load %arg23[%swap3A_845] {strides = array<i32>} : memref<128xi32, #tpu.memory_space<vmem>>, vector<16xi32>,
    tpu.vector_store %arg23[%swap3A_845], %add3A_844 {strides = array<i32>} : memref<128xi32, #tpu.memory_space<vmem>>, vector<16xi32>,
    %gather3A_847 = tpu.vector_load_idx %arg29[%get3A_838] : memref<8xf32, #tpu.memory_space<vmem>>[vector<16xi32>], vector<16xf32>,
    %add3A_848 = arith.constant 112 : i32
    %add3A_849 = vector.broadcast %add3A_848 : i32 to vector<16xi32>
    %add3A_850 = arith.addi %add3A_849, %iota3A_736 : vector<16xi32>
    tpu.vector_store_idx %arg27[%add3A_850, %broadcast_in_dim3A_738], %gather3A_847 : memref<128x16xf32, #tpu.memory_space<vmem>>[vector<16xi32>, vector<16xi32>], vector<16xf32>,
    %dma_start3A_851 = arith.constant 0 : i32
    %dma_start3A_852 = arith.constant 0 : i32
    %dma_start3A_853 = tpu.memref_slice %arg2[%dma_start3A_851, %dma_start3A_852] : memref<70000x128xf32, #tpu.memory_space<hbm>> -> memref<70000x128xf32, #tpu.memory_space<hbm>>
    tpu.enqueue_indirect_dma source(%dma_start3A_853 : memref<70000x128xf32, #tpu.memory_space<hbm>>) target(%arg25 : memref<128x128xf32, #tpu.memory_space<vmem>>) offsets(%arg23 : memref<128xi32, #tpu.memory_space<vmem>>) semaphore(%arg36 : memref<!tpu.dma_semaphore, #tpu.memory_space<semaphore_mem>>)
    %dma_wait3A_854 = arith.constant 0 : i32
    %dma_wait3A_855 = arith.constant 0 : i32
    %dma_wait3A_856 = tpu.memref_slice %arg2[%dma_wait3A_854, %dma_wait3A_855] : memref<70000x128xf32, #tpu.memory_space<hbm>> -> memref<70000x128xf32, #tpu.memory_space<hbm>>
    tpu.wait_indirect_dma semaphore(%arg37 : memref<!tpu.dma_semaphore, #tpu.memory_space<semaphore_mem>>) src(%dma_wait3A_856 : memref<70000x128xf32, #tpu.memory_space<hbm>>) dst(%arg26 : memref<128x128xf32, #tpu.memory_space<vmem>>)
    "tpu.region"() ({
      %run_scoped3A = tpu.sem_alloc : memref<!tpu.dma_semaphore, #tpu.memory_space<semaphore_mem>>
      %dma_start3A_1014 = arith.constant 0 : i32
      %dma_start3A_1015 = arith.constant 0 : i32
      %dma_start3A_1016 = tpu.memref_slice %arg30[%dma_start3A_1014, %dma_start3A_1015] : memref<10112x128xf32, #tpu.memory_space<vmem_shared>> -> memref<10112x128xf32, #tpu.memory_space<vmem_shared>>
      tpu.enqueue_indirect_dma source(%arg26 : memref<128x128xf32, #tpu.memory_space<vmem>>) target(%dma_start3A_1016 : memref<10112x128xf32, #tpu.memory_space<vmem_shared>>) offsets(%arg22 : memref<128xi32, #tpu.memory_space<vmem>>) semaphore(%run_scoped3A : memref<!tpu.dma_semaphore, #tpu.memory_space<semaphore_mem>>) {add = true}
      %dma_wait3A_1017 = arith.constant 0 : i32
      %dma_wait3A_1018 = arith.constant 0 : i32
      %dma_wait3A_1019 = tpu.memref_slice %arg30[%dma_wait3A_1017, %dma_wait3A_1018] : memref<10112x128xf32, #tpu.memory_space<vmem_shared>> -> memref<10112x128xf32, #tpu.memory_space<vmem_shared>>
      tpu.wait_indirect_dma semaphore(%run_scoped3A : memref<!tpu.dma_semaphore, #tpu.memory_space<semaphore_mem>>) src(%arg26 : memref<128x128xf32, #tpu.memory_space<vmem>>) dst(%dma_wait3A_1019 : memref<10112x128xf32, #tpu.memory_space<vmem_shared>>)
      tpu.yield
    }) : () -> ()
    "tpu.region"() ({
      %run_scoped3A = tpu.sem_alloc : memref<!tpu.dma_semaphore, #tpu.memory_space<semaphore_mem>>
      %dma_start3A_1014 = arith.constant 0 : i32
      %dma_start3A_1015 = arith.constant 0 : i32
      %dma_start3A_1016 = tpu.memref_slice %arg31[%dma_start3A_1014, %dma_start3A_1015] : memref<10112x16xf32, #tpu.memory_space<vmem_shared>> -> memref<10112x16xf32, #tpu.memory_space<vmem_shared>>
      tpu.enqueue_indirect_dma source(%arg28 : memref<128x16xf32, #tpu.memory_space<vmem>>) target(%dma_start3A_1016 : memref<10112x16xf32, #tpu.memory_space<vmem_shared>>) offsets(%arg22 : memref<128xi32, #tpu.memory_space<vmem>>) semaphore(%run_scoped3A : memref<!tpu.dma_semaphore, #tpu.memory_space<semaphore_mem>>) {add = true}
      %dma_wait3A_1017 = arith.constant 0 : i32
      %dma_wait3A_1018 = arith.constant 0 : i32
      %dma_wait3A_1019 = tpu.memref_slice %arg31[%dma_wait3A_1017, %dma_wait3A_1018] : memref<10112x16xf32, #tpu.memory_space<vmem_shared>> -> memref<10112x16xf32, #tpu.memory_space<vmem_shared>>
      tpu.wait_indirect_dma semaphore(%run_scoped3A : memref<!tpu.dma_semaphore, #tpu.memory_space<semaphore_mem>>) src(%arg28 : memref<128x16xf32, #tpu.memory_space<vmem>>) dst(%dma_wait3A_1019 : memref<10112x16xf32, #tpu.memory_space<vmem_shared>>)
      tpu.yield
    }) : () -> ()
    %dma_wait3A_857 = arith.constant 0 : i32
    %dma_wait3A_858 = arith.constant 0 : i32
    %dma_wait3A_859 = tpu.memref_slice %arg3[%dma_wait3A_857, %dma_wait3A_858] : memref<2500x128xi32, #tpu.memory_space<hbm>> -> memref<1x128xi32, #tpu.memory_space<hbm>>
    %dma_wait3A_860 = tpu.memref_squeeze %dma_wait3A_859 : memref<1x128xi32, #tpu.memory_space<hbm>> -> memref<128xi32, #tpu.memory_space<hbm>>
    %dma_wait3A_861 = arith.constant 0 : i32
    %dma_wait3A_862 = tpu.memref_slice %arg3[%dma_wait3A_857, %dma_wait3A_861] : memref<2500x128xi32, #tpu.memory_space<hbm>> -> memref<1x128xi32, #tpu.memory_space<hbm>>
    %dma_wait3A_863 = tpu.memref_squeeze %dma_wait3A_862 : memref<1x128xi32, #tpu.memory_space<hbm>> -> memref<128xi32, #tpu.memory_space<hbm>>
    tpu.wait_dma2 semaphore(%arg33 : memref<!tpu.dma_semaphore, #tpu.memory_space<semaphore_mem>>) src(%dma_wait3A_863 : memref<128xi32, #tpu.memory_space<hbm>>) dst(%arg12 : memref<128xi32, #tpu.memory_space<vmem>>)
    %dma_wait3A_864 = arith.constant 0 : i32
    %dma_wait3A_865 = arith.constant 0 : i32
    %dma_wait3A_866 = tpu.memref_slice %arg3[%dma_wait3A_864, %dma_wait3A_865] : memref<2500x128xi32, #tpu.memory_space<hbm>> -> memref<1x128xi32, #tpu.memory_space<hbm>>
    %dma_wait3A_867 = tpu.memref_squeeze %dma_wait3A_866 : memref<1x128xi32, #tpu.memory_space<hbm>> -> memref<128xi32, #tpu.memory_space<hbm>>
    %dma_wait3A_868 = arith.constant 0 : i32
    %dma_wait3A_869 = tpu.memref_slice %arg3[%dma_wait3A_864, %dma_wait3A_868] : memref<2500x128xi32, #tpu.memory_space<hbm>> -> memref<1x128xi32, #tpu.memory_space<hbm>>
    %dma_wait3A_870 = tpu.memref_squeeze %dma_wait3A_869 : memref<1x128xi32, #tpu.memory_space<hbm>> -> memref<128xi32, #tpu.memory_space<hbm>>
    tpu.wait_dma2 semaphore(%arg33 : memref<!tpu.dma_semaphore, #tpu.memory_space<semaphore_mem>>) src(%dma_wait3A_870 : memref<128xi32, #tpu.memory_space<hbm>>) dst(%arg20 : memref<128xi32, #tpu.memory_space<vmem>>)
    %dma_wait3A_871 = arith.constant 0 : i32
    %dma_wait3A_872 = arith.constant 0 : i32
    %dma_wait3A_873 = tpu.memref_slice %arg3[%dma_wait3A_871, %dma_wait3A_872] : memref<2500x128xi32, #tpu.memory_space<hbm>> -> memref<1x128xi32, #tpu.memory_space<hbm>>
    %dma_wait3A_874 = tpu.memref_squeeze %dma_wait3A_873 : memref<1x128xi32, #tpu.memory_space<hbm>> -> memref<128xi32, #tpu.memory_space<hbm>>
    %dma_wait3A_875 = arith.constant 0 : i32
    %dma_wait3A_876 = tpu.memref_slice %arg3[%dma_wait3A_871, %dma_wait3A_875] : memref<2500x128xi32, #tpu.memory_space<hbm>> -> memref<1x128xi32, #tpu.memory_space<hbm>>
    %dma_wait3A_877 = tpu.memref_squeeze %dma_wait3A_876 : memref<1x128xi32, #tpu.memory_space<hbm>> -> memref<128xi32, #tpu.memory_space<hbm>>
    tpu.wait_dma2 semaphore(%arg33 : memref<!tpu.dma_semaphore, #tpu.memory_space<semaphore_mem>>) src(%dma_wait3A_877 : memref<128xi32, #tpu.memory_space<hbm>>) dst(%arg16 : memref<128xi32, #tpu.memory_space<vmem>>)
    %iota3A_878 = tpu.iota {dimensions = array<i32: 0>} : vector<16xi32>
    %broadcast_in_dim3A_879 = arith.constant 0 : i32
    %broadcast_in_dim3A_880 = vector.broadcast %broadcast_in_dim3A_879 : i32 to vector<16xi32>
    %get3A_881 = arith.constant 0 : index
    %get3A_882 = tpu.vector_load %arg16[%get3A_881] {strides = array<i32>} : memref<128xi32, #tpu.memory_space<vmem>>, vector<16xi32>,
    %mul3A_883 = arith.constant 10000 : i32
    %mul3A_884 = vector.broadcast %mul3A_883 : i32 to vector<16xi32>
    %mul3A_885 = arith.muli %get3A_882, %mul3A_884 : vector<16xi32>
    %get3A_886 = arith.constant 0 : index
    %get3A_887 = tpu.vector_load %arg12[%get3A_886] {strides = array<i32>} : memref<128xi32, #tpu.memory_space<vmem>>, vector<16xi32>,
    %add3A_888 = arith.addi %mul3A_885, %get3A_887 : vector<16xi32>
    %swap3A_889 = arith.constant 0 : index
    %swap3A_890 = tpu.vector_load %arg24[%swap3A_889] {strides = array<i32>} : memref<128xi32, #tpu.memory_space<vmem>>, vector<16xi32>,
    tpu.vector_store %arg24[%swap3A_889], %add3A_888 {strides = array<i32>} : memref<128xi32, #tpu.memory_space<vmem>>, vector<16xi32>,
    %gather3A_891 = tpu.vector_load_idx %arg29[%get3A_882] : memref<8xf32, #tpu.memory_space<vmem>>[vector<16xi32>], vector<16xf32>,
    %add3A_892 = arith.constant 0 : i32
    %add3A_893 = vector.broadcast %add3A_892 : i32 to vector<16xi32>
    %add3A_894 = arith.addi %add3A_893, %iota3A_878 : vector<16xi32>
    tpu.vector_store_idx %arg28[%add3A_894, %broadcast_in_dim3A_880], %gather3A_891 : memref<128x16xf32, #tpu.memory_space<vmem>>[vector<16xi32>, vector<16xi32>], vector<16xf32>,
    %get3A_895 = arith.constant 16 : index
    %get3A_896 = tpu.vector_load %arg16[%get3A_895] {strides = array<i32>} : memref<128xi32, #tpu.memory_space<vmem>>, vector<16xi32>,
    %mul3A_897 = arith.constant 10000 : i32
    %mul3A_898 = vector.broadcast %mul3A_897 : i32 to vector<16xi32>
    %mul3A_899 = arith.muli %get3A_896, %mul3A_898 : vector<16xi32>
    %get3A_900 = arith.constant 16 : index
    %get3A_901 = tpu.vector_load %arg12[%get3A_900] {strides = array<i32>} : memref<128xi32, #tpu.memory_space<vmem>>, vector<16xi32>,
    %add3A_902 = arith.addi %mul3A_899, %get3A_901 : vector<16xi32>
    %swap3A_903 = arith.constant 16 : index
    %swap3A_904 = tpu.vector_load %arg24[%swap3A_903] {strides = array<i32>} : memref<128xi32, #tpu.memory_space<vmem>>, vector<16xi32>,
    tpu.vector_store %arg24[%swap3A_903], %add3A_902 {strides = array<i32>} : memref<128xi32, #tpu.memory_space<vmem>>, vector<16xi32>,
    %gather3A_905 = tpu.vector_load_idx %arg29[%get3A_896] : memref<8xf32, #tpu.memory_space<vmem>>[vector<16xi32>], vector<16xf32>,
    %add3A_906 = arith.constant 16 : i32
    %add3A_907 = vector.broadcast %add3A_906 : i32 to vector<16xi32>
    %add3A_908 = arith.addi %add3A_907, %iota3A_878 : vector<16xi32>
    tpu.vector_store_idx %arg28[%add3A_908, %broadcast_in_dim3A_880], %gather3A_905 : memref<128x16xf32, #tpu.memory_space<vmem>>[vector<16xi32>, vector<16xi32>], vector<16xf32>,
    %get3A_909 = arith.constant 32 : index
    %get3A_910 = tpu.vector_load %arg16[%get3A_909] {strides = array<i32>} : memref<128xi32, #tpu.memory_space<vmem>>, vector<16xi32>,
    %mul3A_911 = arith.constant 10000 : i32
    %mul3A_912 = vector.broadcast %mul3A_911 : i32 to vector<16xi32>
    %mul3A_913 = arith.muli %get3A_910, %mul3A_912 : vector<16xi32>
    %get3A_914 = arith.constant 32 : index
    %get3A_915 = tpu.vector_load %arg12[%get3A_914] {strides = array<i32>} : memref<128xi32, #tpu.memory_space<vmem>>, vector<16xi32>,
    %add3A_916 = arith.addi %mul3A_913, %get3A_915 : vector<16xi32>
    %swap3A_917 = arith.constant 32 : index
    %swap3A_918 = tpu.vector_load %arg24[%swap3A_917] {strides = array<i32>} : memref<128xi32, #tpu.memory_space<vmem>>, vector<16xi32>,
    tpu.vector_store %arg24[%swap3A_917], %add3A_916 {strides = array<i32>} : memref<128xi32, #tpu.memory_space<vmem>>, vector<16xi32>,
    %gather3A_919 = tpu.vector_load_idx %arg29[%get3A_910] : memref<8xf32, #tpu.memory_space<vmem>>[vector<16xi32>], vector<16xf32>,
    %add3A_920 = arith.constant 32 : i32
    %add3A_921 = vector.broadcast %add3A_920 : i32 to vector<16xi32>
    %add3A_922 = arith.addi %add3A_921, %iota3A_878 : vector<16xi32>
    tpu.vector_store_idx %arg28[%add3A_922, %broadcast_in_dim3A_880], %gather3A_919 : memref<128x16xf32, #tpu.memory_space<vmem>>[vector<16xi32>, vector<16xi32>], vector<16xf32>,
    %get3A_923 = arith.constant 48 : index
    %get3A_924 = tpu.vector_load %arg16[%get3A_923] {strides = array<i32>} : memref<128xi32, #tpu.memory_space<vmem>>, vector<16xi32>,
    %mul3A_925 = arith.constant 10000 : i32
    %mul3A_926 = vector.broadcast %mul3A_925 : i32 to vector<16xi32>
    %mul3A_927 = arith.muli %get3A_924, %mul3A_926 : vector<16xi32>
    %get3A_928 = arith.constant 48 : index
    %get3A_929 = tpu.vector_load %arg12[%get3A_928] {strides = array<i32>} : memref<128xi32, #tpu.memory_space<vmem>>, vector<16xi32>,
    %add3A_930 = arith.addi %mul3A_927, %get3A_929 : vector<16xi32>
    %swap3A_931 = arith.constant 48 : index
    %swap3A_932 = tpu.vector_load %arg24[%swap3A_931] {strides = array<i32>} : memref<128xi32, #tpu.memory_space<vmem>>, vector<16xi32>,
    tpu.vector_store %arg24[%swap3A_931], %add3A_930 {strides = array<i32>} : memref<128xi32, #tpu.memory_space<vmem>>, vector<16xi32>,
    %gather3A_933 = tpu.vector_load_idx %arg29[%get3A_924] : memref<8xf32, #tpu.memory_space<vmem>>[vector<16xi32>], vector<16xf32>,
    %add3A_934 = arith.constant 48 : i32
    %add3A_935 = vector.broadcast %add3A_934 : i32 to vector<16xi32>
    %add3A_936 = arith.addi %add3A_935, %iota3A_878 : vector<16xi32>
    tpu.vector_store_idx %arg28[%add3A_936, %broadcast_in_dim3A_880], %gather3A_933 : memref<128x16xf32, #tpu.memory_space<vmem>>[vector<16xi32>, vector<16xi32>], vector<16xf32>,
    %get3A_937 = arith.constant 64 : index
    %get3A_938 = tpu.vector_load %arg16[%get3A_937] {strides = array<i32>} : memref<128xi32, #tpu.memory_space<vmem>>, vector<16xi32>,
    %mul3A_939 = arith.constant 10000 : i32
    %mul3A_940 = vector.broadcast %mul3A_939 : i32 to vector<16xi32>
    %mul3A_941 = arith.muli %get3A_938, %mul3A_940 : vector<16xi32>
    %get3A_942 = arith.constant 64 : index
    %get3A_943 = tpu.vector_load %arg12[%get3A_942] {strides = array<i32>} : memref<128xi32, #tpu.memory_space<vmem>>, vector<16xi32>,
    %add3A_944 = arith.addi %mul3A_941, %get3A_943 : vector<16xi32>
    %swap3A_945 = arith.constant 64 : index
    %swap3A_946 = tpu.vector_load %arg24[%swap3A_945] {strides = array<i32>} : memref<128xi32, #tpu.memory_space<vmem>>, vector<16xi32>,
    tpu.vector_store %arg24[%swap3A_945], %add3A_944 {strides = array<i32>} : memref<128xi32, #tpu.memory_space<vmem>>, vector<16xi32>,
    %gather3A_947 = tpu.vector_load_idx %arg29[%get3A_938] : memref<8xf32, #tpu.memory_space<vmem>>[vector<16xi32>], vector<16xf32>,
    %add3A_948 = arith.constant 64 : i32
    %add3A_949 = vector.broadcast %add3A_948 : i32 to vector<16xi32>
    %add3A_950 = arith.addi %add3A_949, %iota3A_878 : vector<16xi32>
    tpu.vector_store_idx %arg28[%add3A_950, %broadcast_in_dim3A_880], %gather3A_947 : memref<128x16xf32, #tpu.memory_space<vmem>>[vector<16xi32>, vector<16xi32>], vector<16xf32>,
    %get3A_951 = arith.constant 80 : index
    %get3A_952 = tpu.vector_load %arg16[%get3A_951] {strides = array<i32>} : memref<128xi32, #tpu.memory_space<vmem>>, vector<16xi32>,
    %mul3A_953 = arith.constant 10000 : i32
    %mul3A_954 = vector.broadcast %mul3A_953 : i32 to vector<16xi32>
    %mul3A_955 = arith.muli %get3A_952, %mul3A_954 : vector<16xi32>
    %get3A_956 = arith.constant 80 : index
    %get3A_957 = tpu.vector_load %arg12[%get3A_956] {strides = array<i32>} : memref<128xi32, #tpu.memory_space<vmem>>, vector<16xi32>,
    %add3A_958 = arith.addi %mul3A_955, %get3A_957 : vector<16xi32>
    %swap3A_959 = arith.constant 80 : index
    %swap3A_960 = tpu.vector_load %arg24[%swap3A_959] {strides = array<i32>} : memref<128xi32, #tpu.memory_space<vmem>>, vector<16xi32>,
    tpu.vector_store %arg24[%swap3A_959], %add3A_958 {strides = array<i32>} : memref<128xi32, #tpu.memory_space<vmem>>, vector<16xi32>,
    %gather3A_961 = tpu.vector_load_idx %arg29[%get3A_952] : memref<8xf32, #tpu.memory_space<vmem>>[vector<16xi32>], vector<16xf32>,
    %add3A_962 = arith.constant 80 : i32
    %add3A_963 = vector.broadcast %add3A_962 : i32 to vector<16xi32>
    %add3A_964 = arith.addi %add3A_963, %iota3A_878 : vector<16xi32>
    tpu.vector_store_idx %arg28[%add3A_964, %broadcast_in_dim3A_880], %gather3A_961 : memref<128x16xf32, #tpu.memory_space<vmem>>[vector<16xi32>, vector<16xi32>], vector<16xf32>,
    %get3A_965 = arith.constant 96 : index
    %get3A_966 = tpu.vector_load %arg16[%get3A_965] {strides = array<i32>} : memref<128xi32, #tpu.memory_space<vmem>>, vector<16xi32>,
    %mul3A_967 = arith.constant 10000 : i32
    %mul3A_968 = vector.broadcast %mul3A_967 : i32 to vector<16xi32>
    %mul3A_969 = arith.muli %get3A_966, %mul3A_968 : vector<16xi32>
    %get3A_970 = arith.constant 96 : index
    %get3A_971 = tpu.vector_load %arg12[%get3A_970] {strides = array<i32>} : memref<128xi32, #tpu.memory_space<vmem>>, vector<16xi32>,
    %add3A_972 = arith.addi %mul3A_969, %get3A_971 : vector<16xi32>
    %swap3A_973 = arith.constant 96 : index
    %swap3A_974 = tpu.vector_load %arg24[%swap3A_973] {strides = array<i32>} : memref<128xi32, #tpu.memory_space<vmem>>, vector<16xi32>,
    tpu.vector_store %arg24[%swap3A_973], %add3A_972 {strides = array<i32>} : memref<128xi32, #tpu.memory_space<vmem>>, vector<16xi32>,
    %gather3A_975 = tpu.vector_load_idx %arg29[%get3A_966] : memref<8xf32, #tpu.memory_space<vmem>>[vector<16xi32>], vector<16xf32>,
    %add3A_976 = arith.constant 96 : i32
    %add3A_977 = vector.broadcast %add3A_976 : i32 to vector<16xi32>
    %add3A_978 = arith.addi %add3A_977, %iota3A_878 : vector<16xi32>
    tpu.vector_store_idx %arg28[%add3A_978, %broadcast_in_dim3A_880], %gather3A_975 : memref<128x16xf32, #tpu.memory_space<vmem>>[vector<16xi32>, vector<16xi32>], vector<16xf32>,
    %get3A_979 = arith.constant 112 : index
    %get3A_980 = tpu.vector_load %arg16[%get3A_979] {strides = array<i32>} : memref<128xi32, #tpu.memory_space<vmem>>, vector<16xi32>,
    %mul3A_981 = arith.constant 10000 : i32
    %mul3A_982 = vector.broadcast %mul3A_981 : i32 to vector<16xi32>
    %mul3A_983 = arith.muli %get3A_980, %mul3A_982 : vector<16xi32>
    %get3A_984 = arith.constant 112 : index
    %get3A_985 = tpu.vector_load %arg12[%get3A_984] {strides = array<i32>} : memref<128xi32, #tpu.memory_space<vmem>>, vector<16xi32>,
    %add3A_986 = arith.addi %mul3A_983, %get3A_985 : vector<16xi32>
    %swap3A_987 = arith.constant 112 : index
    %swap3A_988 = tpu.vector_load %arg24[%swap3A_987] {strides = array<i32>} : memref<128xi32, #tpu.memory_space<vmem>>, vector<16xi32>,
    tpu.vector_store %arg24[%swap3A_987], %add3A_986 {strides = array<i32>} : memref<128xi32, #tpu.memory_space<vmem>>, vector<16xi32>,
    %gather3A_989 = tpu.vector_load_idx %arg29[%get3A_980] : memref<8xf32, #tpu.memory_space<vmem>>[vector<16xi32>], vector<16xf32>,
    %add3A_990 = arith.constant 112 : i32
    %add3A_991 = vector.broadcast %add3A_990 : i32 to vector<16xi32>
    %add3A_992 = arith.addi %add3A_991, %iota3A_878 : vector<16xi32>
    tpu.vector_store_idx %arg28[%add3A_992, %broadcast_in_dim3A_880], %gather3A_989 : memref<128x16xf32, #tpu.memory_space<vmem>>[vector<16xi32>, vector<16xi32>], vector<16xf32>,
    %dma_start3A_993 = arith.constant 0 : i32
    %dma_start3A_994 = arith.constant 0 : i32
    %dma_start3A_995 = tpu.memref_slice %arg2[%dma_start3A_993, %dma_start3A_994] : memref<70000x128xf32, #tpu.memory_space<hbm>> -> memref<70000x128xf32, #tpu.memory_space<hbm>>
    tpu.enqueue_indirect_dma source(%dma_start3A_995 : memref<70000x128xf32, #tpu.memory_space<hbm>>) target(%arg26 : memref<128x128xf32, #tpu.memory_space<vmem>>) offsets(%arg24 : memref<128xi32, #tpu.memory_space<vmem>>) semaphore(%arg37 : memref<!tpu.dma_semaphore, #tpu.memory_space<semaphore_mem>>)
    %dma_wait3A_996 = arith.constant 0 : i32
    %dma_wait3A_997 = arith.constant 0 : i32
    %dma_wait3A_998 = tpu.memref_slice %arg2[%dma_wait3A_996, %dma_wait3A_997] : memref<70000x128xf32, #tpu.memory_space<hbm>> -> memref<70000x128xf32, #tpu.memory_space<hbm>>
    tpu.wait_indirect_dma semaphore(%arg36 : memref<!tpu.dma_semaphore, #tpu.memory_space<semaphore_mem>>) src(%dma_wait3A_998 : memref<70000x128xf32, #tpu.memory_space<hbm>>) dst(%arg25 : memref<128x128xf32, #tpu.memory_space<vmem>>)
    "tpu.region"() ({
      %run_scoped3A = tpu.sem_alloc : memref<!tpu.dma_semaphore, #tpu.memory_space<semaphore_mem>>
      %dma_start3A_1014 = arith.constant 0 : i32
      %dma_start3A_1015 = arith.constant 0 : i32
      %dma_start3A_1016 = tpu.memref_slice %arg30[%dma_start3A_1014, %dma_start3A_1015] : memref<10112x128xf32, #tpu.memory_space<vmem_shared>> -> memref<10112x128xf32, #tpu.memory_space<vmem_shared>>
      tpu.enqueue_indirect_dma source(%arg25 : memref<128x128xf32, #tpu.memory_space<vmem>>) target(%dma_start3A_1016 : memref<10112x128xf32, #tpu.memory_space<vmem_shared>>) offsets(%arg19 : memref<128xi32, #tpu.memory_space<vmem>>) semaphore(%run_scoped3A : memref<!tpu.dma_semaphore, #tpu.memory_space<semaphore_mem>>) {add = true}
      %dma_wait3A_1017 = arith.constant 0 : i32
      %dma_wait3A_1018 = arith.constant 0 : i32
      %dma_wait3A_1019 = tpu.memref_slice %arg30[%dma_wait3A_1017, %dma_wait3A_1018] : memref<10112x128xf32, #tpu.memory_space<vmem_shared>> -> memref<10112x128xf32, #tpu.memory_space<vmem_shared>>
      tpu.wait_indirect_dma semaphore(%run_scoped3A : memref<!tpu.dma_semaphore, #tpu.memory_space<semaphore_mem>>) src(%arg25 : memref<128x128xf32, #tpu.memory_space<vmem>>) dst(%dma_wait3A_1019 : memref<10112x128xf32, #tpu.memory_space<vmem_shared>>)
      tpu.yield
    }) : () -> ()
    "tpu.region"() ({
      %run_scoped3A = tpu.sem_alloc : memref<!tpu.dma_semaphore, #tpu.memory_space<semaphore_mem>>
      %dma_start3A_1014 = arith.constant 0 : i32
      %dma_start3A_1015 = arith.constant 0 : i32
      %dma_start3A_1016 = tpu.memref_slice %arg31[%dma_start3A_1014, %dma_start3A_1015] : memref<10112x16xf32, #tpu.memory_space<vmem_shared>> -> memref<10112x16xf32, #tpu.memory_space<vmem_shared>>
      tpu.enqueue_indirect_dma source(%arg27 : memref<128x16xf32, #tpu.memory_space<vmem>>) target(%dma_start3A_1016 : memref<10112x16xf32, #tpu.memory_space<vmem_shared>>) offsets(%arg19 : memref<128xi32, #tpu.memory_space<vmem>>) semaphore(%run_scoped3A : memref<!tpu.dma_semaphore, #tpu.memory_space<semaphore_mem>>) {add = true}
      %dma_wait3A_1017 = arith.constant 0 : i32
      %dma_wait3A_1018 = arith.constant 0 : i32
      %dma_wait3A_1019 = tpu.memref_slice %arg31[%dma_wait3A_1017, %dma_wait3A_1018] : memref<10112x16xf32, #tpu.memory_space<vmem_shared>> -> memref<10112x16xf32, #tpu.memory_space<vmem_shared>>
      tpu.wait_indirect_dma semaphore(%run_scoped3A : memref<!tpu.dma_semaphore, #tpu.memory_space<semaphore_mem>>) src(%arg27 : memref<128x16xf32, #tpu.memory_space<vmem>>) dst(%dma_wait3A_1019 : memref<10112x16xf32, #tpu.memory_space<vmem_shared>>)
      tpu.yield
    }) : () -> ()
    %dma_wait3A_999 = arith.constant 0 : i32
    %dma_wait3A_1000 = arith.constant 0 : i32
    %dma_wait3A_1001 = tpu.memref_slice %arg2[%dma_wait3A_999, %dma_wait3A_1000] : memref<70000x128xf32, #tpu.memory_space<hbm>> -> memref<70000x128xf32, #tpu.memory_space<hbm>>
    tpu.wait_indirect_dma semaphore(%arg37 : memref<!tpu.dma_semaphore, #tpu.memory_space<semaphore_mem>>) src(%dma_wait3A_1001 : memref<70000x128xf32, #tpu.memory_space<hbm>>) dst(%arg26 : memref<128x128xf32, #tpu.memory_space<vmem>>)
    "tpu.region"() ({
      %run_scoped3A = tpu.sem_alloc : memref<!tpu.dma_semaphore, #tpu.memory_space<semaphore_mem>>
      %dma_start3A_1014 = arith.constant 0 : i32
      %dma_start3A_1015 = arith.constant 0 : i32
      %dma_start3A_1016 = tpu.memref_slice %arg30[%dma_start3A_1014, %dma_start3A_1015] : memref<10112x128xf32, #tpu.memory_space<vmem_shared>> -> memref<10112x128xf32, #tpu.memory_space<vmem_shared>>
      tpu.enqueue_indirect_dma source(%arg26 : memref<128x128xf32, #tpu.memory_space<vmem>>) target(%dma_start3A_1016 : memref<10112x128xf32, #tpu.memory_space<vmem_shared>>) offsets(%arg20 : memref<128xi32, #tpu.memory_space<vmem>>) semaphore(%run_scoped3A : memref<!tpu.dma_semaphore, #tpu.memory_space<semaphore_mem>>) {add = true}
      %dma_wait3A_1017 = arith.constant 0 : i32
      %dma_wait3A_1018 = arith.constant 0 : i32
      %dma_wait3A_1019 = tpu.memref_slice %arg30[%dma_wait3A_1017, %dma_wait3A_1018] : memref<10112x128xf32, #tpu.memory_space<vmem_shared>> -> memref<10112x128xf32, #tpu.memory_space<vmem_shared>>
      tpu.wait_indirect_dma semaphore(%run_scoped3A : memref<!tpu.dma_semaphore, #tpu.memory_space<semaphore_mem>>) src(%arg26 : memref<128x128xf32, #tpu.memory_space<vmem>>) dst(%dma_wait3A_1019 : memref<10112x128xf32, #tpu.memory_space<vmem_shared>>)
      tpu.yield
    }) : () -> ()
    "tpu.region"() ({
      %run_scoped3A = tpu.sem_alloc : memref<!tpu.dma_semaphore, #tpu.memory_space<semaphore_mem>>
      %dma_start3A_1014 = arith.constant 0 : i32
      %dma_start3A_1015 = arith.constant 0 : i32
      %dma_start3A_1016 = tpu.memref_slice %arg31[%dma_start3A_1014, %dma_start3A_1015] : memref<10112x16xf32, #tpu.memory_space<vmem_shared>> -> memref<10112x16xf32, #tpu.memory_space<vmem_shared>>
      tpu.enqueue_indirect_dma source(%arg28 : memref<128x16xf32, #tpu.memory_space<vmem>>) target(%dma_start3A_1016 : memref<10112x16xf32, #tpu.memory_space<vmem_shared>>) offsets(%arg20 : memref<128xi32, #tpu.memory_space<vmem>>) semaphore(%run_scoped3A : memref<!tpu.dma_semaphore, #tpu.memory_space<semaphore_mem>>) {add = true}
      %dma_wait3A_1017 = arith.constant 0 : i32
      %dma_wait3A_1018 = arith.constant 0 : i32
      %dma_wait3A_1019 = tpu.memref_slice %arg31[%dma_wait3A_1017, %dma_wait3A_1018] : memref<10112x16xf32, #tpu.memory_space<vmem_shared>> -> memref<10112x16xf32, #tpu.memory_space<vmem_shared>>
      tpu.wait_indirect_dma semaphore(%run_scoped3A : memref<!tpu.dma_semaphore, #tpu.memory_space<semaphore_mem>>) src(%arg28 : memref<128x16xf32, #tpu.memory_space<vmem>>) dst(%dma_wait3A_1019 : memref<10112x16xf32, #tpu.memory_space<vmem_shared>>)
      tpu.yield
    }) : () -> ()
    %lt3A = arith.constant 4 : i32
    %lt3A_1002 = arith.cmpi slt, %add3A, %lt3A : i32
    %convert_element_type3A = arith.extui %lt3A_1002 : i1 to i32
    %cond3A = arith.constant 0 : i32
    %cond3A_1003 = arith.cmpi ne, %convert_element_type3A, %cond3A : i32
    scf.if %cond3A_1003 {
      %add3A_1014 = arith.constant 2496 : i32
      %add3A_1015 = arith.addi %add3A_1014, %add3A : i32
      %dma_start3A_1016 = arith.constant 0 : i32
      %dma_start3A_1017 = tpu.memref_slice %arg3[%add3A_1015, %dma_start3A_1016] : memref<2500x128xi32, #tpu.memory_space<hbm>> -> memref<1x128xi32, #tpu.memory_space<hbm>>
      %dma_start3A_1018 = tpu.memref_squeeze %dma_start3A_1017 : memref<1x128xi32, #tpu.memory_space<hbm>> -> memref<128xi32, #tpu.memory_space<hbm>>
      %dma_start3A_1019 = arith.constant 0 : i32
      %dma_start3A_1020 = tpu.memref_slice %arg3[%add3A_1015, %dma_start3A_1019] : memref<2500x128xi32, #tpu.memory_space<hbm>> -> memref<1x128xi32, #tpu.memory_space<hbm>>
      %dma_start3A_1021 = tpu.memref_squeeze %dma_start3A_1020 : memref<1x128xi32, #tpu.memory_space<hbm>> -> memref<128xi32, #tpu.memory_space<hbm>>
      tpu.enqueue_dma source(%dma_start3A_1021 : memref<128xi32, #tpu.memory_space<hbm>>) target(%arg11 : memref<128xi32, #tpu.memory_space<vmem>>) target_semaphore(%arg32 : memref<!tpu.dma_semaphore, #tpu.memory_space<semaphore_mem>>)
      %dma_start3A_1022 = arith.constant 0 : i32
      %dma_start3A_1023 = tpu.memref_slice %arg4[%add3A_1015, %dma_start3A_1022] : memref<2500x128xi32, #tpu.memory_space<hbm>> -> memref<1x128xi32, #tpu.memory_space<hbm>>
      %dma_start3A_1024 = tpu.memref_squeeze %dma_start3A_1023 : memref<1x128xi32, #tpu.memory_space<hbm>> -> memref<128xi32, #tpu.memory_space<hbm>>
      %dma_start3A_1025 = arith.constant 0 : i32
      %dma_start3A_1026 = tpu.memref_slice %arg4[%add3A_1015, %dma_start3A_1025] : memref<2500x128xi32, #tpu.memory_space<hbm>> -> memref<1x128xi32, #tpu.memory_space<hbm>>
      %dma_start3A_1027 = tpu.memref_squeeze %dma_start3A_1026 : memref<1x128xi32, #tpu.memory_space<hbm>> -> memref<128xi32, #tpu.memory_space<hbm>>
      tpu.enqueue_dma source(%dma_start3A_1027 : memref<128xi32, #tpu.memory_space<hbm>>) target(%arg19 : memref<128xi32, #tpu.memory_space<vmem>>) target_semaphore(%arg32 : memref<!tpu.dma_semaphore, #tpu.memory_space<semaphore_mem>>)
      %dma_start3A_1028 = arith.constant 0 : i32
      %dma_start3A_1029 = tpu.memref_slice %arg5[%add3A_1015, %dma_start3A_1028] : memref<2500x128xi32, #tpu.memory_space<hbm>> -> memref<1x128xi32, #tpu.memory_space<hbm>>
      %dma_start3A_1030 = tpu.memref_squeeze %dma_start3A_1029 : memref<1x128xi32, #tpu.memory_space<hbm>> -> memref<128xi32, #tpu.memory_space<hbm>>
      %dma_start3A_1031 = arith.constant 0 : i32
      %dma_start3A_1032 = tpu.memref_slice %arg5[%add3A_1015, %dma_start3A_1031] : memref<2500x128xi32, #tpu.memory_space<hbm>> -> memref<1x128xi32, #tpu.memory_space<hbm>>
      %dma_start3A_1033 = tpu.memref_squeeze %dma_start3A_1032 : memref<1x128xi32, #tpu.memory_space<hbm>> -> memref<128xi32, #tpu.memory_space<hbm>>
      tpu.enqueue_dma source(%dma_start3A_1033 : memref<128xi32, #tpu.memory_space<hbm>>) target(%arg15 : memref<128xi32, #tpu.memory_space<vmem>>) target_semaphore(%arg32 : memref<!tpu.dma_semaphore, #tpu.memory_space<semaphore_mem>>)
      %dma_wait3A_1034 = arith.constant 0 : i32
      %dma_wait3A_1035 = arith.constant 0 : i32
      %dma_wait3A_1036 = tpu.memref_slice %arg3[%dma_wait3A_1034, %dma_wait3A_1035] : memref<2500x128xi32, #tpu.memory_space<hbm>> -> memref<1x128xi32, #tpu.memory_space<hbm>>
      %dma_wait3A_1037 = tpu.memref_squeeze %dma_wait3A_1036 : memref<1x128xi32, #tpu.memory_space<hbm>> -> memref<128xi32, #tpu.memory_space<hbm>>
      %dma_wait3A_1038 = arith.constant 0 : i32
      %dma_wait3A_1039 = tpu.memref_slice %arg3[%dma_wait3A_1034, %dma_wait3A_1038] : memref<2500x128xi32, #tpu.memory_space<hbm>> -> memref<1x128xi32, #tpu.memory_space<hbm>>
      %dma_wait3A_1040 = tpu.memref_squeeze %dma_wait3A_1039 : memref<1x128xi32, #tpu.memory_space<hbm>> -> memref<128xi32, #tpu.memory_space<hbm>>
      tpu.wait_dma2 semaphore(%arg32 : memref<!tpu.dma_semaphore, #tpu.memory_space<semaphore_mem>>) src(%dma_wait3A_1040 : memref<128xi32, #tpu.memory_space<hbm>>) dst(%arg11 : memref<128xi32, #tpu.memory_space<vmem>>)
      %dma_wait3A_1041 = arith.constant 0 : i32
      %dma_wait3A_1042 = arith.constant 0 : i32
      %dma_wait3A_1043 = tpu.memref_slice %arg3[%dma_wait3A_1041, %dma_wait3A_1042] : memref<2500x128xi32, #tpu.memory_space<hbm>> -> memref<1x128xi32, #tpu.memory_space<hbm>>
      %dma_wait3A_1044 = tpu.memref_squeeze %dma_wait3A_1043 : memref<1x128xi32, #tpu.memory_space<hbm>> -> memref<128xi32, #tpu.memory_space<hbm>>
      %dma_wait3A_1045 = arith.constant 0 : i32
      %dma_wait3A_1046 = tpu.memref_slice %arg3[%dma_wait3A_1041, %dma_wait3A_1045] : memref<2500x128xi32, #tpu.memory_space<hbm>> -> memref<1x128xi32, #tpu.memory_space<hbm>>
      %dma_wait3A_1047 = tpu.memref_squeeze %dma_wait3A_1046 : memref<1x128xi32, #tpu.memory_space<hbm>> -> memref<128xi32, #tpu.memory_space<hbm>>
      tpu.wait_dma2 semaphore(%arg32 : memref<!tpu.dma_semaphore, #tpu.memory_space<semaphore_mem>>) src(%dma_wait3A_1047 : memref<128xi32, #tpu.memory_space<hbm>>) dst(%arg19 : memref<128xi32, #tpu.memory_space<vmem>>)
      %dma_wait3A_1048 = arith.constant 0 : i32
      %dma_wait3A_1049 = arith.constant 0 : i32
      %dma_wait3A_1050 = tpu.memref_slice %arg3[%dma_wait3A_1048, %dma_wait3A_1049] : memref<2500x128xi32, #tpu.memory_space<hbm>> -> memref<1x128xi32, #tpu.memory_space<hbm>>
      %dma_wait3A_1051 = tpu.memref_squeeze %dma_wait3A_1050 : memref<1x128xi32, #tpu.memory_space<hbm>> -> memref<128xi32, #tpu.memory_space<hbm>>
      %dma_wait3A_1052 = arith.constant 0 : i32
      %dma_wait3A_1053 = tpu.memref_slice %arg3[%dma_wait3A_1048, %dma_wait3A_1052] : memref<2500x128xi32, #tpu.memory_space<hbm>> -> memref<1x128xi32, #tpu.memory_space<hbm>>
      %dma_wait3A_1054 = tpu.memref_squeeze %dma_wait3A_1053 : memref<1x128xi32, #tpu.memory_space<hbm>> -> memref<128xi32, #tpu.memory_space<hbm>>
      tpu.wait_dma2 semaphore(%arg32 : memref<!tpu.dma_semaphore, #tpu.memory_space<semaphore_mem>>) src(%dma_wait3A_1054 : memref<128xi32, #tpu.memory_space<hbm>>) dst(%arg15 : memref<128xi32, #tpu.memory_space<vmem>>)
      %iota3A_1055 = tpu.iota {dimensions = array<i32: 0>} : vector<16xi32>
      %broadcast_in_dim3A_1056 = arith.constant 0 : i32
      %broadcast_in_dim3A_1057 = vector.broadcast %broadcast_in_dim3A_1056 : i32 to vector<16xi32>
      %get3A_1058 = arith.constant 0 : index
      %get3A_1059 = tpu.vector_load %arg15[%get3A_1058] {strides = array<i32>} : memref<128xi32, #tpu.memory_space<vmem>>, vector<16xi32>,
      %mul3A_1060 = arith.constant 10000 : i32
      %mul3A_1061 = vector.broadcast %mul3A_1060 : i32 to vector<16xi32>
      %mul3A_1062 = arith.muli %get3A_1059, %mul3A_1061 : vector<16xi32>
      %get3A_1063 = arith.constant 0 : index
      %get3A_1064 = tpu.vector_load %arg11[%get3A_1063] {strides = array<i32>} : memref<128xi32, #tpu.memory_space<vmem>>, vector<16xi32>,
      %add3A_1065 = arith.addi %mul3A_1062, %get3A_1064 : vector<16xi32>
      %swap3A_1066 = arith.constant 0 : index
      %swap3A_1067 = tpu.vector_load %arg23[%swap3A_1066] {strides = array<i32>} : memref<128xi32, #tpu.memory_space<vmem>>, vector<16xi32>,
      tpu.vector_store %arg23[%swap3A_1066], %add3A_1065 {strides = array<i32>} : memref<128xi32, #tpu.memory_space<vmem>>, vector<16xi32>,
      %gather3A_1068 = tpu.vector_load_idx %arg29[%get3A_1059] : memref<8xf32, #tpu.memory_space<vmem>>[vector<16xi32>], vector<16xf32>,
      %add3A_1069 = arith.constant 0 : i32
      %add3A_1070 = vector.broadcast %add3A_1069 : i32 to vector<16xi32>
      %add3A_1071 = arith.addi %add3A_1070, %iota3A_1055 : vector<16xi32>
      tpu.vector_store_idx %arg27[%add3A_1071, %broadcast_in_dim3A_1057], %gather3A_1068 : memref<128x16xf32, #tpu.memory_space<vmem>>[vector<16xi32>, vector<16xi32>], vector<16xf32>,
      %get3A_1072 = arith.constant 16 : index
      %get3A_1073 = tpu.vector_load %arg15[%get3A_1072] {strides = array<i32>} : memref<128xi32, #tpu.memory_space<vmem>>, vector<16xi32>,
      %mul3A_1074 = arith.constant 10000 : i32
      %mul3A_1075 = vector.broadcast %mul3A_1074 : i32 to vector<16xi32>
      %mul3A_1076 = arith.muli %get3A_1073, %mul3A_1075 : vector<16xi32>
      %get3A_1077 = arith.constant 16 : index
      %get3A_1078 = tpu.vector_load %arg11[%get3A_1077] {strides = array<i32>} : memref<128xi32, #tpu.memory_space<vmem>>, vector<16xi32>,
      %add3A_1079 = arith.addi %mul3A_1076, %get3A_1078 : vector<16xi32>
      %swap3A_1080 = arith.constant 16 : index
      %swap3A_1081 = tpu.vector_load %arg23[%swap3A_1080] {strides = array<i32>} : memref<128xi32, #tpu.memory_space<vmem>>, vector<16xi32>,
      tpu.vector_store %arg23[%swap3A_1080], %add3A_1079 {strides = array<i32>} : memref<128xi32, #tpu.memory_space<vmem>>, vector<16xi32>,
      %gather3A_1082 = tpu.vector_load_idx %arg29[%get3A_1073] : memref<8xf32, #tpu.memory_space<vmem>>[vector<16xi32>], vector<16xf32>,
      %add3A_1083 = arith.constant 16 : i32
      %add3A_1084 = vector.broadcast %add3A_1083 : i32 to vector<16xi32>
      %add3A_1085 = arith.addi %add3A_1084, %iota3A_1055 : vector<16xi32>
      tpu.vector_store_idx %arg27[%add3A_1085, %broadcast_in_dim3A_1057], %gather3A_1082 : memref<128x16xf32, #tpu.memory_space<vmem>>[vector<16xi32>, vector<16xi32>], vector<16xf32>,
      %get3A_1086 = arith.constant 32 : index
      %get3A_1087 = tpu.vector_load %arg15[%get3A_1086] {strides = array<i32>} : memref<128xi32, #tpu.memory_space<vmem>>, vector<16xi32>,
      %mul3A_1088 = arith.constant 10000 : i32
      %mul3A_1089 = vector.broadcast %mul3A_1088 : i32 to vector<16xi32>
      %mul3A_1090 = arith.muli %get3A_1087, %mul3A_1089 : vector<16xi32>
      %get3A_1091 = arith.constant 32 : index
      %get3A_1092 = tpu.vector_load %arg11[%get3A_1091] {strides = array<i32>} : memref<128xi32, #tpu.memory_space<vmem>>, vector<16xi32>,
      %add3A_1093 = arith.addi %mul3A_1090, %get3A_1092 : vector<16xi32>
      %swap3A_1094 = arith.constant 32 : index
      %swap3A_1095 = tpu.vector_load %arg23[%swap3A_1094] {strides = array<i32>} : memref<128xi32, #tpu.memory_space<vmem>>, vector<16xi32>,
      tpu.vector_store %arg23[%swap3A_1094], %add3A_1093 {strides = array<i32>} : memref<128xi32, #tpu.memory_space<vmem>>, vector<16xi32>,
      %gather3A_1096 = tpu.vector_load_idx %arg29[%get3A_1087] : memref<8xf32, #tpu.memory_space<vmem>>[vector<16xi32>], vector<16xf32>,
      %add3A_1097 = arith.constant 32 : i32
      %add3A_1098 = vector.broadcast %add3A_1097 : i32 to vector<16xi32>
      %add3A_1099 = arith.addi %add3A_1098, %iota3A_1055 : vector<16xi32>
      tpu.vector_store_idx %arg27[%add3A_1099, %broadcast_in_dim3A_1057], %gather3A_1096 : memref<128x16xf32, #tpu.memory_space<vmem>>[vector<16xi32>, vector<16xi32>], vector<16xf32>,
      %get3A_1100 = arith.constant 48 : index
      %get3A_1101 = tpu.vector_load %arg15[%get3A_1100] {strides = array<i32>} : memref<128xi32, #tpu.memory_space<vmem>>, vector<16xi32>,
      %mul3A_1102 = arith.constant 10000 : i32
      %mul3A_1103 = vector.broadcast %mul3A_1102 : i32 to vector<16xi32>
      %mul3A_1104 = arith.muli %get3A_1101, %mul3A_1103 : vector<16xi32>
      %get3A_1105 = arith.constant 48 : index
      %get3A_1106 = tpu.vector_load %arg11[%get3A_1105] {strides = array<i32>} : memref<128xi32, #tpu.memory_space<vmem>>, vector<16xi32>,
      %add3A_1107 = arith.addi %mul3A_1104, %get3A_1106 : vector<16xi32>
      %swap3A_1108 = arith.constant 48 : index
      %swap3A_1109 = tpu.vector_load %arg23[%swap3A_1108] {strides = array<i32>} : memref<128xi32, #tpu.memory_space<vmem>>, vector<16xi32>,
      tpu.vector_store %arg23[%swap3A_1108], %add3A_1107 {strides = array<i32>} : memref<128xi32, #tpu.memory_space<vmem>>, vector<16xi32>,
      %gather3A_1110 = tpu.vector_load_idx %arg29[%get3A_1101] : memref<8xf32, #tpu.memory_space<vmem>>[vector<16xi32>], vector<16xf32>,
      %add3A_1111 = arith.constant 48 : i32
      %add3A_1112 = vector.broadcast %add3A_1111 : i32 to vector<16xi32>
      %add3A_1113 = arith.addi %add3A_1112, %iota3A_1055 : vector<16xi32>
      tpu.vector_store_idx %arg27[%add3A_1113, %broadcast_in_dim3A_1057], %gather3A_1110 : memref<128x16xf32, #tpu.memory_space<vmem>>[vector<16xi32>, vector<16xi32>], vector<16xf32>,
      %get3A_1114 = arith.constant 64 : index
      %get3A_1115 = tpu.vector_load %arg15[%get3A_1114] {strides = array<i32>} : memref<128xi32, #tpu.memory_space<vmem>>, vector<16xi32>,
      %mul3A_1116 = arith.constant 10000 : i32
      %mul3A_1117 = vector.broadcast %mul3A_1116 : i32 to vector<16xi32>
      %mul3A_1118 = arith.muli %get3A_1115, %mul3A_1117 : vector<16xi32>
      %get3A_1119 = arith.constant 64 : index
      %get3A_1120 = tpu.vector_load %arg11[%get3A_1119] {strides = array<i32>} : memref<128xi32, #tpu.memory_space<vmem>>, vector<16xi32>,
      %add3A_1121 = arith.addi %mul3A_1118, %get3A_1120 : vector<16xi32>
      %swap3A_1122 = arith.constant 64 : index
      %swap3A_1123 = tpu.vector_load %arg23[%swap3A_1122] {strides = array<i32>} : memref<128xi32, #tpu.memory_space<vmem>>, vector<16xi32>,
      tpu.vector_store %arg23[%swap3A_1122], %add3A_1121 {strides = array<i32>} : memref<128xi32, #tpu.memory_space<vmem>>, vector<16xi32>,
      %gather3A_1124 = tpu.vector_load_idx %arg29[%get3A_1115] : memref<8xf32, #tpu.memory_space<vmem>>[vector<16xi32>], vector<16xf32>,
      %add3A_1125 = arith.constant 64 : i32
      %add3A_1126 = vector.broadcast %add3A_1125 : i32 to vector<16xi32>
      %add3A_1127 = arith.addi %add3A_1126, %iota3A_1055 : vector<16xi32>
      tpu.vector_store_idx %arg27[%add3A_1127, %broadcast_in_dim3A_1057], %gather3A_1124 : memref<128x16xf32, #tpu.memory_space<vmem>>[vector<16xi32>, vector<16xi32>], vector<16xf32>,
      %get3A_1128 = arith.constant 80 : index
      %get3A_1129 = tpu.vector_load %arg15[%get3A_1128] {strides = array<i32>} : memref<128xi32, #tpu.memory_space<vmem>>, vector<16xi32>,
      %mul3A_1130 = arith.constant 10000 : i32
      %mul3A_1131 = vector.broadcast %mul3A_1130 : i32 to vector<16xi32>
      %mul3A_1132 = arith.muli %get3A_1129, %mul3A_1131 : vector<16xi32>
      %get3A_1133 = arith.constant 80 : index
      %get3A_1134 = tpu.vector_load %arg11[%get3A_1133] {strides = array<i32>} : memref<128xi32, #tpu.memory_space<vmem>>, vector<16xi32>,
      %add3A_1135 = arith.addi %mul3A_1132, %get3A_1134 : vector<16xi32>
      %swap3A_1136 = arith.constant 80 : index
      %swap3A_1137 = tpu.vector_load %arg23[%swap3A_1136] {strides = array<i32>} : memref<128xi32, #tpu.memory_space<vmem>>, vector<16xi32>,
      tpu.vector_store %arg23[%swap3A_1136], %add3A_1135 {strides = array<i32>} : memref<128xi32, #tpu.memory_space<vmem>>, vector<16xi32>,
      %gather3A_1138 = tpu.vector_load_idx %arg29[%get3A_1129] : memref<8xf32, #tpu.memory_space<vmem>>[vector<16xi32>], vector<16xf32>,
      %add3A_1139 = arith.constant 80 : i32
      %add3A_1140 = vector.broadcast %add3A_1139 : i32 to vector<16xi32>
      %add3A_1141 = arith.addi %add3A_1140, %iota3A_1055 : vector<16xi32>
      tpu.vector_store_idx %arg27[%add3A_1141, %broadcast_in_dim3A_1057], %gather3A_1138 : memref<128x16xf32, #tpu.memory_space<vmem>>[vector<16xi32>, vector<16xi32>], vector<16xf32>,
      %get3A_1142 = arith.constant 96 : index
      %get3A_1143 = tpu.vector_load %arg15[%get3A_1142] {strides = array<i32>} : memref<128xi32, #tpu.memory_space<vmem>>, vector<16xi32>,
      %mul3A_1144 = arith.constant 10000 : i32
      %mul3A_1145 = vector.broadcast %mul3A_1144 : i32 to vector<16xi32>
      %mul3A_1146 = arith.muli %get3A_1143, %mul3A_1145 : vector<16xi32>
      %get3A_1147 = arith.constant 96 : index
      %get3A_1148 = tpu.vector_load %arg11[%get3A_1147] {strides = array<i32>} : memref<128xi32, #tpu.memory_space<vmem>>, vector<16xi32>,
      %add3A_1149 = arith.addi %mul3A_1146, %get3A_1148 : vector<16xi32>
      %swap3A_1150 = arith.constant 96 : index
      %swap3A_1151 = tpu.vector_load %arg23[%swap3A_1150] {strides = array<i32>} : memref<128xi32, #tpu.memory_space<vmem>>, vector<16xi32>,
      tpu.vector_store %arg23[%swap3A_1150], %add3A_1149 {strides = array<i32>} : memref<128xi32, #tpu.memory_space<vmem>>, vector<16xi32>,
      %gather3A_1152 = tpu.vector_load_idx %arg29[%get3A_1143] : memref<8xf32, #tpu.memory_space<vmem>>[vector<16xi32>], vector<16xf32>,
      %add3A_1153 = arith.constant 96 : i32
      %add3A_1154 = vector.broadcast %add3A_1153 : i32 to vector<16xi32>
      %add3A_1155 = arith.addi %add3A_1154, %iota3A_1055 : vector<16xi32>
      tpu.vector_store_idx %arg27[%add3A_1155, %broadcast_in_dim3A_1057], %gather3A_1152 : memref<128x16xf32, #tpu.memory_space<vmem>>[vector<16xi32>, vector<16xi32>], vector<16xf32>,
      %get3A_1156 = arith.constant 112 : index
      %get3A_1157 = tpu.vector_load %arg15[%get3A_1156] {strides = array<i32>} : memref<128xi32, #tpu.memory_space<vmem>>, vector<16xi32>,
      %mul3A_1158 = arith.constant 10000 : i32
      %mul3A_1159 = vector.broadcast %mul3A_1158 : i32 to vector<16xi32>
      %mul3A_1160 = arith.muli %get3A_1157, %mul3A_1159 : vector<16xi32>
      %get3A_1161 = arith.constant 112 : index
      %get3A_1162 = tpu.vector_load %arg11[%get3A_1161] {strides = array<i32>} : memref<128xi32, #tpu.memory_space<vmem>>, vector<16xi32>,
      %add3A_1163 = arith.addi %mul3A_1160, %get3A_1162 : vector<16xi32>
      %swap3A_1164 = arith.constant 112 : index
      %swap3A_1165 = tpu.vector_load %arg23[%swap3A_1164] {strides = array<i32>} : memref<128xi32, #tpu.memory_space<vmem>>, vector<16xi32>,
      tpu.vector_store %arg23[%swap3A_1164], %add3A_1163 {strides = array<i32>} : memref<128xi32, #tpu.memory_space<vmem>>, vector<16xi32>,
      %gather3A_1166 = tpu.vector_load_idx %arg29[%get3A_1157] : memref<8xf32, #tpu.memory_space<vmem>>[vector<16xi32>], vector<16xf32>,
      %add3A_1167 = arith.constant 112 : i32
      %add3A_1168 = vector.broadcast %add3A_1167 : i32 to vector<16xi32>
      %add3A_1169 = arith.addi %add3A_1168, %iota3A_1055 : vector<16xi32>
      tpu.vector_store_idx %arg27[%add3A_1169, %broadcast_in_dim3A_1057], %gather3A_1166 : memref<128x16xf32, #tpu.memory_space<vmem>>[vector<16xi32>, vector<16xi32>], vector<16xf32>,
      %dma_start3A_1170 = arith.constant 0 : i32
      %dma_start3A_1171 = arith.constant 0 : i32
      %dma_start3A_1172 = tpu.memref_slice %arg2[%dma_start3A_1170, %dma_start3A_1171] : memref<70000x128xf32, #tpu.memory_space<hbm>> -> memref<70000x128xf32, #tpu.memory_space<hbm>>
      tpu.enqueue_indirect_dma source(%dma_start3A_1172 : memref<70000x128xf32, #tpu.memory_space<hbm>>) target(%arg25 : memref<128x128xf32, #tpu.memory_space<vmem>>) offsets(%arg23 : memref<128xi32, #tpu.memory_space<vmem>>) semaphore(%arg36 : memref<!tpu.dma_semaphore, #tpu.memory_space<semaphore_mem>>)
      %dma_wait3A_1173 = arith.constant 0 : i32
      %dma_wait3A_1174 = arith.constant 0 : i32
      %dma_wait3A_1175 = tpu.memref_slice %arg2[%dma_wait3A_1173, %dma_wait3A_1174] : memref<70000x128xf32, #tpu.memory_space<hbm>> -> memref<70000x128xf32, #tpu.memory_space<hbm>>
      tpu.wait_indirect_dma semaphore(%arg36 : memref<!tpu.dma_semaphore, #tpu.memory_space<semaphore_mem>>) src(%dma_wait3A_1175 : memref<70000x128xf32, #tpu.memory_space<hbm>>) dst(%arg25 : memref<128x128xf32, #tpu.memory_space<vmem>>)
      "tpu.region"() ({
        %run_scoped3A = tpu.sem_alloc : memref<!tpu.dma_semaphore, #tpu.memory_space<semaphore_mem>>
        %dma_start3A_1176 = arith.constant 0 : i32
        %dma_start3A_1177 = arith.constant 0 : i32
        %dma_start3A_1178 = tpu.memref_slice %arg30[%dma_start3A_1176, %dma_start3A_1177] : memref<10112x128xf32, #tpu.memory_space<vmem_shared>> -> memref<10112x128xf32, #tpu.memory_space<vmem_shared>>
        tpu.enqueue_indirect_dma source(%arg25 : memref<128x128xf32, #tpu.memory_space<vmem>>) target(%dma_start3A_1178 : memref<10112x128xf32, #tpu.memory_space<vmem_shared>>) offsets(%arg19 : memref<128xi32, #tpu.memory_space<vmem>>) semaphore(%run_scoped3A : memref<!tpu.dma_semaphore, #tpu.memory_space<semaphore_mem>>) {add = true}
        %dma_wait3A_1179 = arith.constant 0 : i32
        %dma_wait3A_1180 = arith.constant 0 : i32
        %dma_wait3A_1181 = tpu.memref_slice %arg30[%dma_wait3A_1179, %dma_wait3A_1180] : memref<10112x128xf32, #tpu.memory_space<vmem_shared>> -> memref<10112x128xf32, #tpu.memory_space<vmem_shared>>
        tpu.wait_indirect_dma semaphore(%run_scoped3A : memref<!tpu.dma_semaphore, #tpu.memory_space<semaphore_mem>>) src(%arg25 : memref<128x128xf32, #tpu.memory_space<vmem>>) dst(%dma_wait3A_1181 : memref<10112x128xf32, #tpu.memory_space<vmem_shared>>)
        tpu.yield
      }) : () -> ()
      "tpu.region"() ({
        %run_scoped3A = tpu.sem_alloc : memref<!tpu.dma_semaphore, #tpu.memory_space<semaphore_mem>>
        %dma_start3A_1176 = arith.constant 0 : i32
        %dma_start3A_1177 = arith.constant 0 : i32
        %dma_start3A_1178 = tpu.memref_slice %arg31[%dma_start3A_1176, %dma_start3A_1177] : memref<10112x16xf32, #tpu.memory_space<vmem_shared>> -> memref<10112x16xf32, #tpu.memory_space<vmem_shared>>
        tpu.enqueue_indirect_dma source(%arg27 : memref<128x16xf32, #tpu.memory_space<vmem>>) target(%dma_start3A_1178 : memref<10112x16xf32, #tpu.memory_space<vmem_shared>>) offsets(%arg19 : memref<128xi32, #tpu.memory_space<vmem>>) semaphore(%run_scoped3A : memref<!tpu.dma_semaphore, #tpu.memory_space<semaphore_mem>>) {add = true}
        %dma_wait3A_1179 = arith.constant 0 : i32
        %dma_wait3A_1180 = arith.constant 0 : i32
        %dma_wait3A_1181 = tpu.memref_slice %arg31[%dma_wait3A_1179, %dma_wait3A_1180] : memref<10112x16xf32, #tpu.memory_space<vmem_shared>> -> memref<10112x16xf32, #tpu.memory_space<vmem_shared>>
        tpu.wait_indirect_dma semaphore(%run_scoped3A : memref<!tpu.dma_semaphore, #tpu.memory_space<semaphore_mem>>) src(%arg27 : memref<128x16xf32, #tpu.memory_space<vmem>>) dst(%dma_wait3A_1181 : memref<10112x16xf32, #tpu.memory_space<vmem_shared>>)
        tpu.yield
      }) : () -> ()
    } else {
    }
    %barrier3A_1004 = arith.constant 0 : index
    tpu.barrier barrier_id(%barrier3A_1004)
    %eq3A = arith.constant 0 : i32
    %eq3A_1005 = arith.cmpi eq, %arg0, %eq3A : i32
    %convert_element_type3A_1006 = arith.extui %eq3A_1005 : i1 to i32
    %cond3A_1007 = arith.constant 0 : i32
    %cond3A_1008 = arith.cmpi ne, %convert_element_type3A_1006, %cond3A_1007 : i32
    scf.if %cond3A_1008 {
      "tpu.region"() ({
        %run_scoped3A = tpu.sem_alloc : memref<!tpu.dma_semaphore, #tpu.memory_space<semaphore_mem>>
        %dma_start3A_1014 = arith.constant 0 : i32
        %dma_start3A_1015 = tpu.memref_slice %arg7[%mul3A_90, %dma_start3A_1014] : memref<10112x128xf32, #tpu.memory_space<hbm>> -> memref<632x128xf32, #tpu.memory_space<hbm>>
        %dma_start3A_1016 = arith.constant 0 : i32
        %dma_start3A_1017 = tpu.memref_slice %arg30[%mul3A_90, %dma_start3A_1016] : memref<10112x128xf32, #tpu.memory_space<vmem_shared>> -> memref<632x128xf32, #tpu.memory_space<vmem_shared>>
        tpu.enqueue_dma source(%dma_start3A_1017 : memref<632x128xf32, #tpu.memory_space<vmem_shared>>) target(%dma_start3A_1015 : memref<632x128xf32, #tpu.memory_space<hbm>>) target_semaphore(%run_scoped3A : memref<!tpu.dma_semaphore, #tpu.memory_space<semaphore_mem>>)
        %dma_wait3A_1018 = arith.constant 0 : i32
        %dma_wait3A_1019 = tpu.memref_slice %arg7[%mul3A_90, %dma_wait3A_1018] : memref<10112x128xf32, #tpu.memory_space<hbm>> -> memref<632x128xf32, #tpu.memory_space<hbm>>
        %dma_wait3A_1020 = arith.constant 0 : i32
        %dma_wait3A_1021 = tpu.memref_slice %arg30[%mul3A_90, %dma_wait3A_1020] : memref<10112x128xf32, #tpu.memory_space<vmem_shared>> -> memref<632x128xf32, #tpu.memory_space<vmem_shared>>
        tpu.wait_dma2 semaphore(%run_scoped3A : memref<!tpu.dma_semaphore, #tpu.memory_space<semaphore_mem>>) src(%dma_wait3A_1021 : memref<632x128xf32, #tpu.memory_space<vmem_shared>>) dst(%dma_wait3A_1019 : memref<632x128xf32, #tpu.memory_space<hbm>>)
        tpu.yield
      }) : () -> ()
      "tpu.region"() ({
        %run_scoped3A = tpu.sem_alloc : memref<!tpu.dma_semaphore, #tpu.memory_space<semaphore_mem>>
        %dma_start3A_1014 = arith.constant 0 : i32
        %dma_start3A_1015 = tpu.memref_slice %arg9[%mul3A_90, %dma_start3A_1014] : memref<10112x16xf32, #tpu.memory_space<hbm>> -> memref<632x16xf32, #tpu.memory_space<hbm>>
        %dma_start3A_1016 = arith.constant 0 : i32
        %dma_start3A_1017 = tpu.memref_slice %arg31[%mul3A_90, %dma_start3A_1016] : memref<10112x16xf32, #tpu.memory_space<vmem_shared>> -> memref<632x16xf32, #tpu.memory_space<vmem_shared>>
        tpu.enqueue_dma source(%dma_start3A_1017 : memref<632x16xf32, #tpu.memory_space<vmem_shared>>) target(%dma_start3A_1015 : memref<632x16xf32, #tpu.memory_space<hbm>>) target_semaphore(%run_scoped3A : memref<!tpu.dma_semaphore, #tpu.memory_space<semaphore_mem>>)
        %dma_wait3A_1018 = arith.constant 0 : i32
        %dma_wait3A_1019 = tpu.memref_slice %arg9[%mul3A_90, %dma_wait3A_1018] : memref<10112x16xf32, #tpu.memory_space<hbm>> -> memref<632x16xf32, #tpu.memory_space<hbm>>
        %dma_wait3A_1020 = arith.constant 0 : i32
        %dma_wait3A_1021 = tpu.memref_slice %arg31[%mul3A_90, %dma_wait3A_1020] : memref<10112x16xf32, #tpu.memory_space<vmem_shared>> -> memref<632x16xf32, #tpu.memory_space<vmem_shared>>
        tpu.wait_dma2 semaphore(%run_scoped3A : memref<!tpu.dma_semaphore, #tpu.memory_space<semaphore_mem>>) src(%dma_wait3A_1021 : memref<632x16xf32, #tpu.memory_space<vmem_shared>>) dst(%dma_wait3A_1019 : memref<632x16xf32, #tpu.memory_space<hbm>>)
        tpu.yield
      }) : () -> ()
    } else {
    }
    %eq3A_1009 = arith.constant 1 : i32
    %eq3A_1010 = arith.cmpi eq, %arg0, %eq3A_1009 : i32
    %convert_element_type3A_1011 = arith.extui %eq3A_1010 : i1 to i32
    %cond3A_1012 = arith.constant 0 : i32
    %cond3A_1013 = arith.cmpi ne, %convert_element_type3A_1011, %cond3A_1012 : i32
    scf.if %cond3A_1013 {
      "tpu.region"() ({
        %run_scoped3A = tpu.sem_alloc : memref<!tpu.dma_semaphore, #tpu.memory_space<semaphore_mem>>
        %dma_start3A_1014 = arith.constant 0 : i32
        %dma_start3A_1015 = tpu.memref_slice %arg8[%mul3A_90, %dma_start3A_1014] : memref<10112x128xf32, #tpu.memory_space<hbm>> -> memref<632x128xf32, #tpu.memory_space<hbm>>
        %dma_start3A_1016 = arith.constant 0 : i32
        %dma_start3A_1017 = tpu.memref_slice %arg30[%mul3A_90, %dma_start3A_1016] : memref<10112x128xf32, #tpu.memory_space<vmem_shared>> -> memref<632x128xf32, #tpu.memory_space<vmem_shared>>
        tpu.enqueue_dma source(%dma_start3A_1017 : memref<632x128xf32, #tpu.memory_space<vmem_shared>>) target(%dma_start3A_1015 : memref<632x128xf32, #tpu.memory_space<hbm>>) target_semaphore(%run_scoped3A : memref<!tpu.dma_semaphore, #tpu.memory_space<semaphore_mem>>)
        %dma_wait3A_1018 = arith.constant 0 : i32
        %dma_wait3A_1019 = tpu.memref_slice %arg8[%mul3A_90, %dma_wait3A_1018] : memref<10112x128xf32, #tpu.memory_space<hbm>> -> memref<632x128xf32, #tpu.memory_space<hbm>>
        %dma_wait3A_1020 = arith.constant 0 : i32
        %dma_wait3A_1021 = tpu.memref_slice %arg30[%mul3A_90, %dma_wait3A_1020] : memref<10112x128xf32, #tpu.memory_space<vmem_shared>> -> memref<632x128xf32, #tpu.memory_space<vmem_shared>>
        tpu.wait_dma2 semaphore(%run_scoped3A : memref<!tpu.dma_semaphore, #tpu.memory_space<semaphore_mem>>) src(%dma_wait3A_1021 : memref<632x128xf32, #tpu.memory_space<vmem_shared>>) dst(%dma_wait3A_1019 : memref<632x128xf32, #tpu.memory_space<hbm>>)
        tpu.yield
      }) : () -> ()
      "tpu.region"() ({
        %run_scoped3A = tpu.sem_alloc : memref<!tpu.dma_semaphore, #tpu.memory_space<semaphore_mem>>
        %dma_start3A_1014 = arith.constant 0 : i32
        %dma_start3A_1015 = tpu.memref_slice %arg10[%mul3A_90, %dma_start3A_1014] : memref<10112x16xf32, #tpu.memory_space<hbm>> -> memref<632x16xf32, #tpu.memory_space<hbm>>
        %dma_start3A_1016 = arith.constant 0 : i32
        %dma_start3A_1017 = tpu.memref_slice %arg31[%mul3A_90, %dma_start3A_1016] : memref<10112x16xf32, #tpu.memory_space<vmem_shared>> -> memref<632x16xf32, #tpu.memory_space<vmem_shared>>
        tpu.enqueue_dma source(%dma_start3A_1017 : memref<632x16xf32, #tpu.memory_space<vmem_shared>>) target(%dma_start3A_1015 : memref<632x16xf32, #tpu.memory_space<hbm>>) target_semaphore(%run_scoped3A : memref<!tpu.dma_semaphore, #tpu.memory_space<semaphore_mem>>)
        %dma_wait3A_1018 = arith.constant 0 : i32
        %dma_wait3A_1019 = tpu.memref_slice %arg10[%mul3A_90, %dma_wait3A_1018] : memref<10112x16xf32, #tpu.memory_space<hbm>> -> memref<632x16xf32, #tpu.memory_space<hbm>>
        %dma_wait3A_1020 = arith.constant 0 : i32
        %dma_wait3A_1021 = tpu.memref_slice %arg31[%mul3A_90, %dma_wait3A_1020] : memref<10112x16xf32, #tpu.memory_space<vmem_shared>> -> memref<632x16xf32, #tpu.memory_space<vmem_shared>>
        tpu.wait_dma2 semaphore(%run_scoped3A : memref<!tpu.dma_semaphore, #tpu.memory_space<semaphore_mem>>) src(%dma_wait3A_1021 : memref<632x16xf32, #tpu.memory_space<vmem_shared>>) dst(%dma_wait3A_1019 : memref<632x16xf32, #tpu.memory_space<hbm>>)
        tpu.yield
      }) : () -> ()
    } else {
    }
    return
  }
}

module attributes {stable_mosaic.version = 14 : i64} {
  func.func @body(%arg0: i32, %arg1: memref<7xf32, #tpu.memory_space<smem>>, %arg2: memref<10000x128xf32, #tpu.memory_space<vmem>>, %arg3: memref<128x128xf32, #tpu.memory_space<vmem>>, %arg4: memref<10000x128xf32, #tpu.memory_space<vmem>>, %arg5: memref<10000x128xf32, #tpu.memory_space<vmem>>) attributes {dimension_semantics = [#tpu.dimension_semantics<arbitrary>], iteration_bounds = array<i64: 7>, scalar_prefetch = 0 : i64, scratch_operands = 1 : i64, tpu.core_type = #tpu.core_type<tc>, window_params = [{transform_indices = @transform_0, window_bounds = array<i64: 7>}, {pipeline_mode = #tpu.pipeline_mode<synchronous>, transform_indices = @transform_1, window_bounds = array<i64: 10000, 128>}, {pipeline_mode = #tpu.pipeline_mode<synchronous>, transform_indices = @transform_2, window_bounds = array<i64: 128, 128>}, {transform_indices = @transform_3, window_bounds = array<i64: 10000, 128>}]} {
    %eq3A = arith.constant 0 : i32
    %eq3A_0 = arith.cmpi eq, %arg0, %eq3A : i32
    %convert_element_type3A = arith.extui %eq3A_0 : i1 to i32
    %cond3A = arith.constant 0 : i32
    %cond3A_1 = arith.cmpi ne, %convert_element_type3A, %cond3A : i32
    scf.if %cond3A_1 {
      %get3A_14 = arith.constant 0 : index
      %get3A_15 = arith.constant 0 : index
      %get3A_16 = vector.load %arg2[%get3A_14, %get3A_15] : memref<10000x128xf32, #tpu.memory_space<vmem>>, vector<10000x128xf32>
      %get3A_17 = arith.constant 0 : index
      %get3A_18 = arith.constant 0 : index
      %get3A_19 = vector.load %arg3[%get3A_17, %get3A_18] : memref<128x128xf32, #tpu.memory_space<vmem>>, vector<128x128xf32>
      %dot_general3A = arith.constant dense<0.000000e+00> : vector<10000x128xf32>
      %dot_general3A_20 = tpu.matmul %get3A_16, %get3A_19, %dot_general3A {dimension_numbers = #tpu.dot_dimension_numbers<[1], [0], [0], [1], [0, 0, 1, 1], [], []>, transpose_lhs_hint = false} : vector<10000x128xf32>, vector<128x128xf32>, vector<10000x128xf32> -> vector<10000x128xf32>
      %swap3A_21 = arith.constant 0 : index
      %swap3A_22 = arith.constant 0 : index
      %swap3A_23 = vector.load %arg5[%swap3A_21, %swap3A_22] : memref<10000x128xf32, #tpu.memory_space<vmem>>, vector<10000x128xf32>
      tpu.vector_store %arg5[%swap3A_21, %swap3A_22], %dot_general3A_20 {strides = array<i32>} : memref<10000x128xf32, #tpu.memory_space<vmem>>, vector<10000x128xf32>,
    } else {
    }
    %get3A = arith.index_cast %arg0 : i32 to index
    %get3A_2 = memref.load %arg1[%get3A] : memref<7xf32, #tpu.memory_space<smem>>
    %mul3A = arith.constant 1.000000e+02 : f32
    %mul3A_3 = arith.mulf %get3A_2, %mul3A : f32
    %ge3A = arith.constant 0.000000e+00 : f32
    %ge3A_4 = arith.cmpf oge, %mul3A_3, %ge3A : f32
    %mul3A_5 = arith.constant 0.00999999977 : f32
    %mul3A_6 = arith.mulf %mul3A_5, %mul3A_3 : f32
    %select_n3A = arith.select %ge3A_4, %mul3A_3, %mul3A_6 : f32
    %get3A_7 = arith.constant 0 : index
    %get3A_8 = arith.constant 0 : index
    %get3A_9 = vector.load %arg5[%get3A_7, %get3A_8] : memref<10000x128xf32, #tpu.memory_space<vmem>>, vector<10000x128xf32>
    %mul3A_10 = vector.broadcast %select_n3A : f32 to vector<10000x128xf32>
    %mul3A_11 = arith.mulf %get3A_9, %mul3A_10 : vector<10000x128xf32>
    %swap3A = arith.constant 0 : index
    %swap3A_12 = arith.constant 0 : index
    %swap3A_13 = vector.load %arg4[%swap3A, %swap3A_12] : memref<10000x128xf32, #tpu.memory_space<vmem>>, vector<10000x128xf32>
    tpu.vector_store %arg4[%swap3A, %swap3A_12], %mul3A_11 {strides = array<i32>} : memref<10000x128xf32, #tpu.memory_space<vmem>>, vector<10000x128xf32>,
    return
  }
  func.func @transform_0(%arg0: i32) -> i32 {
    %c0_i32 = arith.constant 0 : i32
    %c0_i32_0 = arith.constant 0 : i32
    return %c0_i32 : i32
  }
  func.func @transform_1(%arg0: i32) -> (i32, i32) {
    %c0_i32 = arith.constant 0 : i32
    %c0_i32_0 = arith.constant 0 : i32
    %c0_i32_1 = arith.constant 0 : i32
    return %c0_i32, %c0_i32_0 : i32, i32
  }
  func.func @transform_2(%arg0: i32) -> (i32, i32) {
    %c0_i32 = arith.constant 0 : i32
    %c0_i32_0 = arith.constant 0 : i32
    %c0_i32_1 = arith.constant 0 : i32
    return %c0_i32, %c0_i32_0 : i32, i32
  }
  func.func @transform_3(%arg0: i32) -> (i32, i32) {
    %c0_i32 = arith.constant 0 : i32
    %c0_i32_0 = arith.constant 0 : i32
    return %arg0, %c0_i32 : i32, i32
  }
}

module attributes {stable_mosaic.version = 14 : i64} {
  func.func @body(%arg0: i32, %arg1: memref<1000x128xf32, #tpu.memory_space<vmem>>, %arg2: memref<1000x128xf32, #tpu.memory_space<vmem>>, %arg3: memref<1000x16xf32, #tpu.memory_space<vmem>>, %arg4: memref<1000x16xf32, #tpu.memory_space<vmem>>, %arg5: memref<1x128xf32, #tpu.memory_space<vmem>>, %arg6: memref<1000x128xf32, #tpu.memory_space<vmem>>) attributes {dimension_semantics = [#tpu.dimension_semantics<arbitrary>], iteration_bounds = array<i64: 10>, scalar_prefetch = 0 : i64, scratch_operands = 0 : i64, tpu.core_type = #tpu.core_type<tc>, window_params = [{transform_indices = @transform_0, window_bounds = array<i64: 1000, 128>}, {transform_indices = @transform_1, window_bounds = array<i64: 1000, 128>}, {transform_indices = @transform_2, window_bounds = array<i64: 1000, 16>}, {transform_indices = @transform_3, window_bounds = array<i64: 1000, 16>}, {pipeline_mode = #tpu.pipeline_mode<synchronous>, transform_indices = @transform_4, window_bounds = array<i64: 1, 128>}, {transform_indices = @transform_5, window_bounds = array<i64: 1000, 128>}]} {
    %get3A = arith.constant 0 : index
    %get3A_0 = arith.constant 0 : index
    %get3A_1 = vector.load %arg1[%get3A, %get3A_0] : memref<1000x128xf32, #tpu.memory_space<vmem>>, vector<1000x128xf32>
    %get3A_2 = arith.constant 0 : index
    %get3A_3 = arith.constant 0 : index
    %get3A_4 = vector.load %arg2[%get3A_2, %get3A_3] : memref<1000x128xf32, #tpu.memory_space<vmem>>, vector<1000x128xf32>
    %add3A = arith.addf %get3A_1, %get3A_4 : vector<1000x128xf32>
    %get3A_5 = arith.constant 0 : index
    %get3A_6 = arith.constant 0 : index
    %get3A_7 = vector.load %arg3[%get3A_5, %get3A_6] : memref<1000x16xf32, #tpu.memory_space<vmem>>, vector<1000x1xf32>
    %get3A_8 = arith.constant 0 : index
    %get3A_9 = arith.constant 0 : index
    %get3A_10 = vector.load %arg4[%get3A_8, %get3A_9] : memref<1000x16xf32, #tpu.memory_space<vmem>>, vector<1000x1xf32>
    %add3A_11 = arith.addf %get3A_7, %get3A_10 : vector<1000x1xf32>
    %ne3A = arith.constant 0.000000e+00 : f32
    %ne3A_12 = vector.broadcast %ne3A : f32 to vector<1000x1xf32>
    %ne3A_13 = arith.cmpf one, %add3A_11, %ne3A_12 : vector<1000x1xf32>
    %div3A = arith.constant 1.000000e+00 : f32
    %div3A_14 = vector.broadcast %div3A : f32 to vector<1000x1xf32>
    %div3A_15 = arith.divf %div3A_14, %add3A_11 : vector<1000x1xf32>
    %jit3A = arith.constant 0.000000e+00 : f32
    %broadcast_in_dim3A = vector.broadcast %jit3A : f32 to vector<1000x1xf32>
    %select_n3A = arith.select %ne3A_13, %div3A_15, %broadcast_in_dim3A : vector<1000x1xi1>, vector<1000x1xf32>
    %mul3A = vector.broadcast %select_n3A : vector<1000x1xf32> to vector<1000x128xf32>
    %mul3A_16 = arith.mulf %add3A, %mul3A : vector<1000x128xf32>
    %get3A_17 = arith.constant 0 : index
    %get3A_18 = arith.constant 0 : index
    %get3A_19 = vector.load %arg5[%get3A_17, %get3A_18] : memref<1x128xf32, #tpu.memory_space<vmem>>, vector<1x128xf32>
    %add3A_20 = vector.broadcast %get3A_19 : vector<1x128xf32> to vector<1000x128xf32>
    %add3A_21 = arith.addf %mul3A_16, %add3A_20 : vector<1000x128xf32>
    %swap3A = arith.constant 0 : index
    %swap3A_22 = arith.constant 0 : index
    %swap3A_23 = vector.load %arg6[%swap3A, %swap3A_22] : memref<1000x128xf32, #tpu.memory_space<vmem>>, vector<1000x128xf32>
    tpu.vector_store %arg6[%swap3A, %swap3A_22], %add3A_21 {strides = array<i32>} : memref<1000x128xf32, #tpu.memory_space<vmem>>, vector<1000x128xf32>,
    return
  }
  func.func @transform_0(%arg0: i32) -> (i32, i32) {
    %c0_i32 = arith.constant 0 : i32
    %c0_i32_0 = arith.constant 0 : i32
    return %arg0, %c0_i32 : i32, i32
  }
  func.func @transform_1(%arg0: i32) -> (i32, i32) {
    %c0_i32 = arith.constant 0 : i32
    %c0_i32_0 = arith.constant 0 : i32
    return %arg0, %c0_i32 : i32, i32
  }
  func.func @transform_2(%arg0: i32) -> (i32, i32) {
    %c0_i32 = arith.constant 0 : i32
    %c0_i32_0 = arith.constant 0 : i32
    return %arg0, %c0_i32 : i32, i32
  }
  func.func @transform_3(%arg0: i32) -> (i32, i32) {
    %c0_i32 = arith.constant 0 : i32
    %c0_i32_0 = arith.constant 0 : i32
    return %arg0, %c0_i32 : i32, i32
  }
  func.func @transform_4(%arg0: i32) -> (i32, i32) {
    %c0_i32 = arith.constant 0 : i32
    %c0_i32_0 = arith.constant 0 : i32
    %c0_i32_1 = arith.constant 0 : i32
    return %c0_i32, %c0_i32_0 : i32, i32
  }
  func.func @transform_5(%arg0: i32) -> (i32, i32) {
    %c0_i32 = arith.constant 0 : i32
    %c0_i32_0 = arith.constant 0 : i32
    return %arg0, %c0_i32 : i32, i32
  }
}

</mosaic_0001>

<sc_bundles>
// kernel: kernel.5.cloned.1.call-start
scs
__scs_entry_jumppad:
0x0: {  	(pc) =	sbr.rel $0x88, $3  }
0x1: {  	(tag) =	ssettag $0x0;
	lr =	simm.s32 $0x1  }
0x2: {  	[smem:$0x3F9B] =	sst lr;
	_ =	strace $0xD0000000  }
0x3: {  	_ = 	snop  }
0x4: {  	_ = 	snop  }
0x5: {  	_ = 	snop  }
0x6: {  	_ = 	snop  }
0x7: {  	_ = 	snop  }
__scs_overlays_trampoline_lowered:
0x8: {  	[smem:$0x3FAA] =	sst s0  }
0x9: {  	[smem:$0x3FAB] =	sst s1  }
0xa: {  	[smem:$0x3FAC] =	sst s2  }
0xb: {  	[smem:$0x3FAD] =	sst s3  }
0xc: {  	[smem:$0x3FAE] =	sst s4  }
0xd: {  	[smem:$0x3FAF] =	sst s5  }
0xe: {  	[smem:$0x3FB0] =	sst s6  }
0xf: {  	[smem:$0x3FB1] =	sst s7  }
0x10: {  	[smem:$0x3FB2] =	sst s8  }
0x11: {  	[smem:$0x3FB3] =	sst s9;
	s0 =	simm.s32 @!p0 $0x0  }
0x12: {  	s1 =	sld [smem:$0x3F99];
	s0 =	simm.s32 @p0 $0x1  }
0x13: {  	[smem:$0x3FB4] =	sst s0;
	s0 =	simm.s32 @!p1 $0x0  }
0x14: {  	s2 =	sld [smem:$0x3F98];
	s0 =	simm.s32 @p1 $0x1  }
0x15: {  	[smem:$0x3FB5] =	sst s0;
	s0 =	simm.s32 @!p2 $0x0  }
0x16: {  	s3 =	sld [smem:$0x3FDB];
	s0 =	simm.s32 @p2 $0x1  }
0x17: {  	s4 =	simm.s32 $0x1BF5;
	[smem:$0x3FB7] =	sst s0  }
0x18: {  	s0 =	sld [smem:$0x3F9A];
	_ =	swait.ge [sflag:s4], $0x0  }
0x19: {  	s7 =	sld [smem:$0x3F9B]  }
0x1a: {  	s8 =	sadd.s32 $0xFFFFE003, lr  }
0x1b: {  	s9 =	sadd.s32 $0xFFFFFEF7, lr;
	s5 =	simm.s32 $0xFFFFFFFF;
	p2 =	slt.u32 s8, $0xFFFFF086  }
0x1c: {  	p1 =	slt.u32 s9, $0xF7A;
	s5 =	simm.s32 @!p2 $0x0  }
0x1d: {  	s5 =	simm.s32 @p1 $0x1;
	p0 =	seq.s32 s7, s2  }
0x1e: {  	s7 =	smul.u32 @!p0 $0xF7A, s2;
	p2 =	seq.s32 @!p0 s5, $0x0  }
0x1f: {  	s9 =	smul.u32 $0xF7A, s1;
	s8 =	simm.s32 @!p0 $0x1BF5;
	p2 =	por !p2, p0  }
0x20: {  	[sflag:s8] =	ssyncset.s32 @!p0 $0xFFFFF086;
	s6 =	sadd.s32 @!p0 s3, s7;
	s7 =	simm.s32 @!p0 $0x108  }
0x21: {  	s3 =	sadd.s32 s3, s9;
	s6 =	sadd.s32 @!p0 $0x88, s6;
	s7 =	simm.s32 @p2 $0x1082  }
0x22: {  	[simem:s7], [sflag:s8] =	dma.local @!p0 [hbm:s6], $0xF7A  }
0x23: {  	s9 =	sor.u32 $0xD0000000, s2;
	s6 =	simm.s32 $0x108;
	_ =	swait.ge @!p0 [sflag:s8], $0x0  }
0x24: {  	s3 =	sadd.s32 $0x88, s3;
	s6 =	simm.s32 @!p1 $0x1082;
	[sflag:s4] =	ssyncset.s32 $0xFFFFF086  }
0x25: {  	[simem:s6], [sflag:s4] =	dma.local [hbm:s3], $0xF7A  }
0x26: {  	[smem:$0x3F9B] =	sst s1;
	(tag) =	ssettag s2;
	_ =	strace s9  }
0x27: {  	s1 =	sld [smem:$0x3FAB]  }
0x28: {  	s2 =	sld [smem:$0x3FAC]  }
0x29: {  	s4 =	sld [smem:$0x3FAE]  }
0x2a: {  	p0 =	seq.s32 s5, $0x0;
	s5 =	sld [smem:$0x3FAF]  }
0x2b: {  	s6 =	sld [smem:$0x3FB0]  }
0x2c: {  	s7 =	sld [smem:$0x3FB1]  }
0x2d: {  	s3 =	simm.s32 $0x108;
	s8 =	sld [smem:$0x3FB2]  }
0x2e: {  	s3 =	simm.s32 @!p0 $0x1082;
	s9 =	sld [smem:$0x3FB3]  }
0x2f: {  	lr =	sadd.s32 s0, s3;
	s0 =	sld [smem:$0x3FAA]  }
0x30: {  	s3 =	sld [smem:$0x3FAD]  }
0x31: {  	[smem:$0x3FB6] =	sst s10  }
0x32: {  	s10 =	sld [smem:$0x3FB4];
	_ =	sdelay $0x3  }
0x33: {  	p0 =	seq.s32 s10, $0x1;
	s10 =	sld [smem:$0x3FB6];
	_ =	sdelay $0x3  }
0x34: {  	[smem:$0x3FB6] =	sst s10  }
0x35: {  	s10 =	sld [smem:$0x3FB5];
	_ =	sdelay $0x3  }
0x36: {  	p1 =	seq.s32 s10, $0x1;
	s10 =	sld [smem:$0x3FB6];
	_ =	sdelay $0x3  }
0x37: {  	[smem:$0x3FB6] =	sst s10  }
0x38: {  	s10 =	sld [smem:$0x3FB7]  }
0x39: {  	_ = 	snop;
	(pc) =	sbr.ind lr, $3  }
0x3a: {  	_ = 	snop  }
0x3b: {  	_ = 	snop  }
0x3c: {  	p2 =	seq.s32 s10, $0x1;
	s10 =	sld [smem:$0x3FB6]  }
0x3d: {  	_ =	shalt  }
0x3e: {  	_ =	shalt  }
0x3f: {  	_ =	shalt  }
0x40: {  	_ =	shalt  }
0x41: {  	_ =	shalt  }
0x42: {  	_ =	shalt  }
0x43: {  	_ =	shalt  }
0x44: {  	_ =	shalt  }
0x45: {  	_ =	shalt  }
0x46: {  	_ =	shalt  }
0x47: {  	_ =	shalt  }
0x48: {  	_ =	shalt  }
0x49: {  	_ =	shalt  }
0x4a: {  	_ =	shalt  }
0x4b: {  	_ =	shalt  }
0x4c: {  	_ =	shalt  }
0x4d: {  	_ =	shalt  }
0x4e: {  	_ =	shalt  }
0x4f: {  	_ =	shalt  }
0x50: {  	_ =	shalt  }
0x51: {  	_ =	shalt  }
0x52: {  	_ =	shalt  }
0x53: {  	_ =	shalt  }
0x54: {  	_ =	shalt  }
0x55: {  	_ =	shalt  }
0x56: {  	_ =	shalt  }
0x57: {  	_ =	shalt  }
0x58: {  	_ =	shalt  }
0x59: {  	_ =	shalt  }
0x5a: {  	_ =	shalt  }
0x5b: {  	_ =	shalt  }
0x5c: {  	_ =	shalt  }
0x5d: {  	_ =	shalt  }
0x5e: {  	_ =	shalt  }
0x5f: {  	_ =	shalt  }
0x60: {  	_ =	shalt  }
0x61: {  	_ =	shalt  }
0x62: {  	_ =	shalt  }
0x63: {  	_ =	shalt  }
0x64: {  	_ =	shalt  }
0x65: {  	_ =	shalt  }
0x66: {  	_ =	shalt  }
0x67: {  	_ =	shalt  }
0x68: {  	_ =	shalt  }
0x69: {  	_ =	shalt  }
0x6a: {  	_ =	shalt  }
0x6b: {  	_ =	shalt  }
0x6c: {  	_ =	shalt  }
0x6d: {  	_ =	shalt  }
0x6e: {  	_ =	shalt  }
0x6f: {  	_ =	shalt  }
0x70: {  	_ =	shalt  }
0x71: {  	_ =	shalt  }
0x72: {  	_ =	shalt  }
0x73: {  	_ =	shalt  }
0x74: {  	_ =	shalt  }
0x75: {  	_ =	shalt  }
0x76: {  	_ =	shalt  }
0x77: {  	_ =	shalt  }
0x78: {  	_ =	shalt  }
0x79: {  	_ =	shalt  }
0x7a: {  	_ =	shalt  }
0x7b: {  	_ =	shalt  }
0x7c: {  	_ =	shalt  }
0x7d: {  	_ =	shalt  }
0x7e: {  	_ =	shalt  }
0x7f: {  	_ =	shalt  }
0x80: {  	_ =	shalt  }
0x81: {  	_ =	shalt  }
0x82: {  	_ =	shalt  }
0x83: {  	_ =	shalt  }
0x84: {  	_ =	shalt  }
0x85: {  	_ =	shalt  }
0x86: {  	_ =	shalt  }
0x87: {  	_ =	shalt  }
.Lfunc_end0:
.L_simem_size_0:
called_computation_lowered:
.L_overlay_start_0:
0x88: {  	s2 =	sld [smem:$0x3FD9]  }
0x89: {  	s3 =	sld [smem:$0x3FFE];
	_ =	sdelay $0x1  }
0x8a: {  	s1 =	srdreg.scid  }
0x8b: {  	s0 =	sand.u32 $0x1, s1  }
0x8c: {  	s17 =	sshll.u32 s0, $0xA;
	s2 =	sadd.s32 s3, s2  }
0x8d: {  	s2 =	sadd.s32 s2, s17  }
0x8e: {  	[smem:$0x3FC2] =	sst s2  }
0x8f: {  	_ = 	snop  }
0x90: {  	s2 =	sld [smem:$0x3FC7]  }
0x91: {  	s18 =	sld [smem:$0x3FD0];
	(tm) =	ssettm $0x1  }
0x92: {  	s4 =	sld [smem:$0x3FFB];
	_ =	sdelay $0x3  }
0x93: {  	_ =	strace s4  }
0x94: {  	s4 =	sld [smem:$0x3FFC];
	_ =	sdelay $0x3  }
0x95: {  	_ =	strace s4  }
0x96: {  	s4 =	sld [smem:$0x3FFD];
	_ =	sdelay $0x3  }
0x97: {  	_ =	strace s4  }
0x98: {  	_ =	strace $0x8FFFFFFF  }
0x99: {  	s19 =	sld [smem:$0x3FDB];
	_ =	sdelay $0x1  }
0x9a: {  	s5 =	simm.s32 $_scs_section_size  }
0x9b: {  	s6 =	simm.s32 $_size__tile_overlayer_lowered;
	s7 =	simm.s32 $_tile_overlayer_lowered  }
0x9c: {  	s22 =	simm.s32 $0x1BFF;
	s21 =	sshll.u32 s7, $0x1;
	s4 =	sadd.s32 s5, s19  }
0x9d: {  	s8 =	simm.s32 $0x0;
	s20 =	sshll.u32 s6, $0x1;
	s6 =	sadd.s32 s21, s4  }
0x9e: {  	[timem:s8], [sflag:s22] =	dma.local [hbm:s6], s20  }
0x9f: {  	_ =	swait.ge [sflag:s22], s20  }
0xa0: {  	s5 =	ssub.s32 $0x0, s20;
	[sflag:s22] =	ssyncset.done $0x0  }
0xa1: {  	[sflag:s22] =	ssyncadd.s32 s5;
	_ =	sdelay $0x1  }
0xa2: {  	s23 =	simm.s32 $0x1B8B  }
0xa3: {  	_ =	swait.ge [sflag:s23], $0x1  }
0xa4: {  	[sflag:s23] =	ssyncset.done $0x0  }
0xa5: {  	s25 =	simm.s32 $0x1B8E;
	s24 =	sld [smem:$0x3FFE];
	[sflag:s23] =	ssyncadd.s32 $0xFFFFFFFF  }
0xa6: {  	s26 =	simm.s32 $execute0_lowered;
	[smem:$0x3FD2] =	sst s25  }
0xa7: {  	s6 =	sshll.u32 s26, $0x1;
	_ =	strace $0x80000046;
	[dreg:$0x1] =	wrdreg $0xFFFFFFFF  }
0xa8: {  	s28 =	simm.s32 $_size_execute0_lowered;
	s4 =	sadd.s32 s4, s6;
	[dreg:$0x0] =	wrdreg $0x0  }
0xa9: {  	s6 =	sshll.u32 s28, $0x1;
	[dreg:$0x2] =	wrdreg s4  }
0xaa: {  	[dreg:$0x3] =	wrdreg s6  }
0xab: {  	[dreg:$0x4] =	wrdreg $0xC0  }
0xac: {  	_ =	task [dreg:s8], $0x5FFFF  }
0xad: {  	[dreg:$0x1] =	wrdreg $0xFFFFFFFF  }
0xae: {  	[dreg:$0x0] =	wrdreg $0x60  }
0xaf: {  	[dreg:$0x2] =	wrdreg s24  }
0xb0: {  	[dreg:$0x3] =	wrdreg s18  }
0xb1: {  	[dreg:$0x4] =	wrdreg s2  }
0xb2: {  	[dreg:$0x5] =	wrdreg $0x97080  }
0xb3: {  	[dreg:$0x6] =	wrdreg $0x1D3080  }
0xb4: {  	[dreg:$0x7] =	wrdreg $0x9  }
0xb5: {  	_ =	task.clear_ibuf [dreg:s8], $0x8FFFF;
	_ =	strace $0x90000046  }
0xb6: {  	s29 =	simm.s32 $0x9;
	_ =	strace $0x80000048  }
0xb7: {  	_ =	swait.ge [sflag:s29], $0x1  }
0xb8: {  	[sflag:s29] =	ssyncadd.s32 $0xFFFFFFFF  }
0xb9: {  	_ =	strace $0x90000048  }
0xba: {  	_ =	sfence  }
0xbb: {  	s30 =	sld [smem:$0x0];
	_ =	sdelay $0x2  }
0xbc: {  	s31 =	sshll.u32 s1, $0xD;
	s1 =	sshrl.u32 s1, $0x2  }
0xbd: {  	s3 =	sand.u32 $0x4000, s31;
	s1 =	sadd.s32 s1, s30  }
0xbe: {  	s0 =	sor.u32 s3, s0;
	s1 =	sshll.u32 s1, $0x11  }
0xbf: {  	s0 =	sor.u32 s1, s0  }
0xc0: {  	s0 =	sadd.s32 $0x8F2B, s0  }
0xc1: {  	[sflag:s0] =	ssyncadd.remote.s32 $0x1  }
0xc2: {  	_ =	sfence.sel $0xFFFF  }
0xc3: {  	[dreg:$0x0] =	wrdreg $0xFFFFFFFF;
	(pc) =	sbr.abs _section_cstart, $3  }
0xc4: {  	[dreg:$0x1] =	wrdreg $0xFFFFFFFF  }
0xc5: {  	_ =	task.clear_ibuf [dreg:s8], $0x2FFFF;
	_ =	strace $0x9FFFFFFF  }
0xc6: {  	(tm) =	ssettm $0x7FFFFFFF  }
0xc7: {  	_ =	shalt  }
tec
execute0_lowered:
.L_overlay_start_1:
0x0: {  	(tag) =	ssettag $0x1  }
0x1: {  	s0 =	rddreg [dreg:$0x0]  }
0x2: {  	s5 =	rddreg [dreg:$0x1]  }
0x3: {  	s6 =	rddreg [dreg:$0x2]  }
0x4: {  	s1 =	rddreg [dreg:$0x3]  }
0x5: {  	s2 =	rddreg [dreg:$0x4];
	s3 =	simm.s32 $0x0;
	s4 =	srdreg.scid  }
0x6: {  	s18 =	stileid.u32;
	[smem:$0x7FF] =	sst s3  }
0x7: {  	s7 =	sadd.s32 $0xE00, s0;
	s8 =	sand.u32 $0x1, s4;
	s9 =	sadd.s32 $0x14DE00, s0  }
0x8: {  	s10 =	sshll.u32 s18, $0x5;
	s12 =	sadd.s32 $0x126600, s0;
	s11 =	sshll.u32 s8, $0x4  }
0x9: {  	s14 =	sadd.s32 $0x11C600, s0;
	s17 =	sadd.s32 $0x121600, s0;
	s13 =	sor.u32 s11, s10  }
0xa: {  	s29 =	sadd.s32 $0xAE00, s0;
	s0 =	sadd.s32 $0xAC00, s0;
	s16 =	sor.u32 $0x200, s13  }
0xb: {  	_ =	strace $0x80000047;
	[smem:$0x7F2] =	sst s0;
	s20 =	sadd.s32 s7, s16  }
0xc: {  	s4 =	ssub.s32 $0x2, s8;
	s21 =	sadd.s32 s5, s16;
	[dreg:$0x9] =	wrdreg s20  }
0xd: {  	s23 =	sor.u32 $0x400, s13;
	s22 =	sadd.s32 s6, s16;
	[dreg:$0xa] =	wrdreg s21  }
0xe: {  	s19 =	sadd.s32 s10, s6;
	s24 =	sadd.s32 s7, s23;
	[dreg:$0xb] =	wrdreg s22  }
0xf: {  	s15 =	sshrl.u32 s4, $0x1;
	s25 =	sadd.s32 s5, s23;
	[dreg:$0xc] =	wrdreg s24  }
0x10: {  	s4 =	ssub.s32 s4, s15;
	s15 =	sadd.s32 s6, s23;
	[dreg:$0xd] =	wrdreg s25  }
0x11: {  	[dreg:$0xe] =	wrdreg s15;
	s20 =	sadd.s32 s11, s19  }
0x12: {  	s15 =	sor.u32 $0x600, s13;
	s19 =	sadd.s32 s7, s13;
	[dreg:$0x6] =	wrdreg s20  }
0x13: {  	s21 =	sadd.s32 s10, s5;
	s22 =	sadd.s32 s7, s15;
	[dreg:$0x16] =	wrdreg s19  }
0x14: {  	p0 =	seq.s32 s8, $0x1;
	s23 =	sadd.s32 s11, s21;
	[dreg:$0x10] =	wrdreg s22  }
0x15: {  	s24 =	sor.u32 $0x9800, s13;
	s25 =	sadd.s32 s5, s15;
	[dreg:$0x7] =	wrdreg s23  }
0x16: {  	s9 =	smov.u32 @p0 s12;
	s12 =	sadd.s32 s7, s24;
	[dreg:$0x11] =	wrdreg s25  }
0x17: {  	s14 =	smov.u32 @p0 s17;
	s17 =	sadd.s32 s6, s24;
	[dreg:$0x13] =	wrdreg s12  }
0x18: {  	s16 =	smul.u32 $0x13C00, s18;
	s20 =	sadd.s32 s5, s13;
	[dreg:$0x15] =	wrdreg s17  }
0x19: {  	s21 =	sadd.s32 s6, s13;
	[dreg:$0x17] =	wrdreg s20  }
0x1a: {  	s26 =	sshrl.u32 s16, $0x3;
	s31 =	sadd.s32 s16, s1;
	[dreg:$0x18] =	wrdreg s21  }
0x1b: {  	s28 =	simm.s32 $0x8F00;
	s8 =	sadd.s32 s9, s26;
	[smem:$0x7FD] =	sst s31  }
0x1c: {  	s30 =	simm.s32 $0x1;
	s26 =	sadd.s32 s6, s15;
	[dreg:$0xf] =	wrdreg s8  }
0x1d: {  	s15 =	sadd.s32 s5, s24;
	s22 =	sor.u32 $0x9A00, s13;
	[dreg:$0x12] =	wrdreg s26  }
0x1e: {  	p0 =	sgt.u32 s18, $0x1;
	[dreg:$0x14] =	wrdreg s15;
	s24 =	sadd.s32 s7, s22  }
0x1f: {  	s10 =	sadd.s32 s10, s7;
	s25 =	sadd.s32 s5, s22;
	[dreg:$0x19] =	wrdreg s24  }
0x20: {  	s23 =	sor.u32 $0x9C00, s13;
	s8 =	sadd.s32 s6, s22;
	[dreg:$0x1a] =	wrdreg s25  }
0x21: {  	s12 =	smul.u32 $0x278, s18;
	s5 =	sadd.s32 s5, s23;
	[dreg:$0x1b] =	wrdreg s8  }
0x22: {  	s26 =	smul.u32 $0x2780, s18;
	s6 =	sadd.s32 s6, s23;
	[dreg:$0x1c] =	wrdreg s5  }
0x23: {  	s9 =	sadd.s32 s7, s23;
	s18 =	simm.s32 $0x180;
	[dreg:$0x1d] =	wrdreg s6  }
0x24: {  	s7 =	simm.s32 $0x3;
	[dreg:$0x1e] =	wrdreg s9;
	s6 =	sadd.s32 s11, s10  }
0x25: {  	s15 =	sadd.s32 $0x80, s12;
	s17 =	sadd.s32 $0x100, s12;
	s20 =	sadd.s32 $0x180, s12  }
0x26: {  	s23 =	sadd.s32 $0x200, s12;
	s10 =	simm.s32 $0x400;
	s12 =	simm.s32 $0x80  }
0x27: {  	s11 =	simm.s32 $0x280;
	s9 =	simm.s32 $0x4;
	s13 =	sshrl.u32 s26, $0x3  }
0x28: {  	[dreg:$0x8] =	wrdreg s6;
	s5 =	sadd.s32 s26, s2;
	s16 =	sshll.u32 s15, $0x7  }
0x29: {  	s0 =	sshll.u32 s15, $0x4;
	s19 =	sshll.u32 s17, $0x7;
	s21 =	sshll.u32 s20, $0x7  }
0x2a: {  	s22 =	sshll.u32 s20, $0x4;
	s24 =	sshll.u32 s23, $0x7;
	s26 =	smax.u32 s4, $0x1  }
0x2b: {  	s15 =	simm.s32 $0x100;
	s4 =	simm.s32 $0x2;
	s6 =	simm.s32 $0x5  }
0x2c: {  	s20 =	simm.s32 $0x0;
	s8 =	sadd.s32 s14, s13;
	[smem:$0x7F3] =	sst s5  }
0x2d: {  	s5 =	sadd.s32 s16, s1;
	s0 =	sadd.s32 s0, s2;
	[smem:$0x7FC] =	sst s26  }
0x2e: {  	s13 =	simm.s32 $0x480;
	s16 =	simm.s32 $0x500;
	[dreg:$0x1f] =	wrdreg s8  }
0x2f: {  	s14 =	simm.s32 $0x300;
	s26 =	simm.s32 $0x700;
	[smem:$0x7F4] =	sst s5  }
0x30: {  	[smem:$0x7F5] =	sst s0;
	s0 =	sshll.u32 s17, $0x4;
	s5 =	sadd.s32 s19, s1  }
0x31: {  	s19 =	simm.s32 $0x580;
	s8 =	simm.s32 $0x6;
	[smem:$0x7F6] =	sst s5  }
0x32: {  	v0 =	vlaneseq.u32;
	s0 =	sadd.s32 s0, s2;
	s5 =	sshll.u32 s23, $0x4;
	s23 =	simm.s32 $0x4700  }
.Ltmp0:
0x33: {  	v0 =	vmul.u32 $0x10, v0;
	[smem:$0x7F7] =	sst s0;
	s0 =	sadd.s32 s21, s1;
	(pc) =	sbr.rel .LBB2_1-.Ltmp0, $4  }
0x34: {  	s25 =	sadd.s32 s5, s2;
	s5 =	simm.s32 $0x200;
	[smem:$0x7F8] =	sst s0  }
0x35: {  	v1 =	vimm.f32 $0.0e+00;
	v2 =	vor.u32 $0x100, v0;
	s21 =	simm.s32 $0x9700;
	s0 =	sadd.s32 s22, s2;
	[smem:$0x7FB] =	sst s25  }
0x36: {  	v3 =	vor.u32 $0x200, v0;
	v4 =	vor.u32 $0x300, v0;
	v5 =	vor.u32 $0x400, v0;
	s25 =	simm.s32 $0x380;
	[smem:$0x7F9] =	sst s0;
	s0 =	sadd.s32 s24, s1  }
0x37: {  	v6 =	vor.u32 $0x500, v0;
	v7 =	vor.u32 $0x600, v0;
	v8 =	vor.u32 $0x700, v0;
	s22 =	simm.s32 $0x7;
	s24 =	simm.s32 $0x8700;
	[smem:$0x7FA] =	sst s0  }
.LBB2_9:
0x38: {  	[bflag:$0x0] =	sbarrier.arrive $0xFFFF  }
0x39: {  	s31 =	sld [smem:$0x7FD]  }
0x3a: {  	s0 =	stileid.u32  }
0x3b: {  	s0 =	sshll.u32 s0, $0x6  }
0x3c: {  	s17 =	rddreg [dreg:$0xf];
	s0 =	sor.u32 $0x1C07, s0;
	s15 =	sshrl.u32 s31, $0x3  }
0x3d: {  	[hbm:s17], [sflag:s0] =	dma.local [spmem:s15], $0x2780  }
0x3e: {  	_ =	swait.ge [sflag:s22], $0x2780  }
0x3f: {  	s17 =	sld [smem:$0x7F3];
	_ =	sdelay $0x1  }
0x40: {  	[sflag:s22] =	ssyncset.done $0x0  }
0x41: {  	s14 =	rddreg [dreg:$0x1f];
	[sflag:s22] =	ssyncadd.s32 $0xFFFFD880;
	s15 =	sshrl.u32 s17, $0x3  }
0x42: {  	[hbm:s14], [sflag:s0] =	dma.local [spmem:s15], $0x4F0  }
0x43: {  	_ =	swait.ge [sflag:s22], $0x4F0  }
0x44: {  	s17 =	sld [smem:$0x7FC];
	_ =	sdelay $0x1  }
0x45: {  	s20 =	sadd.s32 $0x1, s20  }
0x46: {  	p1 =	sne.s32 s20, s17  }
.Ltmp1:
0x47: {  	_ = 	snop;
	(pc) =	sbr.rel @!p1 .LBB2_10-.Ltmp1, $3  }
0x48: {  	_ =	sdelay $0x1  }
0x49: {  	[sflag:s22] =	ssyncset.done $0x0  }
0x4a: {  	s15 =	simm.s32 $0x100;
	s14 =	simm.s32 $0x300;
	[sflag:s22] =	ssyncadd.s32 $0xFFFFFB10  }
.LBB2_1:
0x4b: {  	[smem:$0x7F1] =	sst s20  }
0x4c: {  	s0 =	rddreg [dreg:$0x16]  }
0x4d: {  	[tilespmem:s3], [sflag:$0x1] =	stream.linear.gather [hbm4b:s0+s3], $0x80, $0x38;
	[tilespmem:$0x1FA88] =	vst v63  }
0x4e: {  	s17 =	rddreg [dreg:$0x17]  }
0x4f: {  	[tilespmem:s10], [sflag:$0x1] =	stream.linear.gather [hbm4b:s17+s3], $0x80, $0x38;
	[tilespmem:$0x1FA88] =	vst v63  }
0x50: {  	s20 =	rddreg [dreg:$0x18]  }
0x51: {  	[tilespmem:s5], [sflag:$0x1] =	stream.linear.gather [hbm4b:s20+s3], $0x80, $0x38;
	[tilespmem:$0x1FA88] =	vst v63  }
0x52: {  	s5 =	rddreg [dreg:$0x9]  }
0x53: {  	[tilespmem:s12], [sflag:$0x2] =	stream.linear.gather [hbm4b:s5+s3], $0x80, $0x38;
	[tilespmem:$0x1FA88] =	vst v63  }
0x54: {  	s17 =	rddreg [dreg:$0xa]  }
0x55: {  	[tilespmem:s13], [sflag:$0x2] =	stream.linear.gather [hbm4b:s17+s3], $0x80, $0x38;
	[tilespmem:$0x1FA88] =	vst v63  }
0x56: {  	s20 =	rddreg [dreg:$0xb]  }
0x57: {  	[tilespmem:s11], [sflag:$0x2] =	stream.linear.gather [hbm4b:s20+s3], $0x80, $0x38;
	[tilespmem:$0x1FA88] =	vst v63  }
0x58: {  	s5 =	rddreg [dreg:$0xc]  }
0x59: {  	[tilespmem:s15], [sflag:$0x3] =	stream.linear.gather [hbm4b:s5+s3], $0x80, $0x38;
	[tilespmem:$0x1FA88] =	vst v63  }
0x5a: {  	s11 =	rddreg [dreg:$0xd]  }
0x5b: {  	[tilespmem:s16], [sflag:$0x3] =	stream.linear.gather [hbm4b:s11+s3], $0x80, $0x38;
	[tilespmem:$0x1FA88] =	vst v63  }
0x5c: {  	s15 =	rddreg [dreg:$0xe]  }
0x5d: {  	[tilespmem:s14], [sflag:$0x3] =	stream.linear.gather [hbm4b:s15+s3], $0x80, $0x38;
	[tilespmem:$0x1FA88] =	vst v63  }
0x5e: {  	s17 =	rddreg [dreg:$0x10]  }
0x5f: {  	[tilespmem:s18], [sflag:$0x4] =	stream.linear.gather [hbm4b:s17+s3], $0x80, $0x38;
	[tilespmem:$0x1FA88] =	vst v63  }
0x60: {  	s18 =	rddreg [dreg:$0x11]  }
0x61: {  	[tilespmem:s19], [sflag:$0x4] =	stream.linear.gather [hbm4b:s18+s3], $0x80, $0x38;
	[tilespmem:$0x1FA88] =	vst v63  }
0x62: {  	s20 =	rddreg [dreg:$0x12]  }
0x63: {  	[tilespmem:s25], [sflag:$0x4] =	stream.linear.gather [hbm4b:s20+s3], $0x80, $0x38;
	[tilespmem:$0x1FA88] =	vst v63  }
0x64: {  	s25 =	sld [smem:$0x7F2];
	_ =	sdelay $0x2  }
0x65: {  	[tilespmem:s21], [sflag:$0x7] =	stream.linear.gather [hbm4b:s25+s3], $0x8, $0x38;
	[tilespmem:$0x1FA88] =	vst v63  }
0x66: {  	_ =	swait.ge [sflag:s22], $0x8  }
0x67: {  	[sflag:s22] =	ssyncset.done $0x0  }
0x68: {  	s0 =	simm.s32 $0x0;
	s15 =	simm.s32 $0x200;
	[sflag:s22] =	ssyncadd.s32 $0xFFFFFFF8  }
.LBB2_2:
0x69: {  	p1 =	sne.s32 s15, $0xFE00;
	[tilespmem:s0+$0x4770] =	vst v1  }
0x6a: {  	[tilespmem:s0+$0x4700] =	vst v1  }
0x6b: {  	[tilespmem:s0+$0x4710] =	vst v1  }
.Ltmp2:
0x6c: {  	[tilespmem:s0+$0x4720] =	vst v1;
	(pc) =	sbr.rel @p1 .LBB2_2-.Ltmp2, $4  }
0x6d: {  	[tilespmem:s0+$0x4730] =	vst v1  }
0x6e: {  	[tilespmem:s0+$0x4740] =	vst v1  }
0x6f: {  	[tilespmem:s0+$0x4750] =	vst v1  }
0x70: {  	[tilespmem:s0+$0x4760] =	vst v1;
	s0 =	sshra.s32 s15, $0x2;
	s15 =	sadd.s32 $0x200, s15  }
0x71: {  	[tilespmem:s0+$0x4770] =	vst v1  }
0x72: {  	[tilespmem:s0+$0x4700] =	vst v1  }
0x73: {  	[tilespmem:s0+$0x4710] =	vst v1  }
0x74: {  	[tilespmem:s0+$0x4720] =	vst v1  }
0x75: {  	[tilespmem:s0+$0x4730] =	vst v1  }
0x76: {  	[tilespmem:s0+$0x4740] =	vst v1  }
0x77: {  	[tilespmem:s0+$0x4750] =	vst v1  }
0x78: {  	[tilespmem:s0+$0x4760] =	vst v1;
	s0 =	simm.s32 $0x40;
	s15 =	simm.s32 $0x0;
	s5 =	simm.s32 $0x600  }
.LBB2_4:
0x79: {  	p1 =	sne.s32 s0, $0x1FC0;
	[tilespmem:s15+$0x8700] =	vst v1;
	s17 =	smov.u32 s0;
	s0 =	sadd.s32 $0x40, s0  }
.Ltmp3:
0x7a: {  	[tilespmem:s15+$0x8F00] =	vst v1;
	(pc) =	sbr.rel @p1 .LBB2_4-.Ltmp3, $2  }
0x7b: {  	_ =	sdelay $0x2  }
0x7c: {  	s15 =	sshra.s32 s17, $0x2  }
0x7d: {  	[tilespmem:s15+$0x8700] =	vst v1  }
0x7e: {  	[tilespmem:s15+$0x8F00] =	vst v1  }
0x7f: {  	[spmem:s31] =	stream.linear.scatter [tilespmem:s23], [sflag:$0x7], $0x4000, $0x38;
	[tilespmem:$0x1FA88] =	vst v63  }
0x80: {  	_ =	swait.ge [sflag:s22], $0x4000  }
0x81: {  	s0 =	sld [smem:$0x7F3]  }
0x82: {  	[sflag:s22] =	ssyncset.done $0x0  }
0x83: {  	[sflag:s22] =	ssyncadd.s32 $0xFFFFC000  }
0x84: {  	[spmem:s0] =	stream.linear.scatter [tilespmem:s28], [sflag:$0x7], $0x800, $0x38;
	[tilespmem:$0x1FA88] =	vst v63  }
0x85: {  	_ =	swait.ge [sflag:s22], $0x800  }
0x86: {  	s11 =	sld [smem:$0x7F4]  }
0x87: {  	[sflag:s22] =	ssyncset.done $0x0  }
0x88: {  	[sflag:s22] =	ssyncadd.s32 $0xFFFFF800  }
0x89: {  	[spmem:s11] =	stream.linear.scatter [tilespmem:s23], [sflag:$0x7], $0x4000, $0x38;
	[tilespmem:$0x1FA88] =	vst v63  }
0x8a: {  	_ =	swait.ge [sflag:s22], $0x4000  }
0x8b: {  	s14 =	sld [smem:$0x7F5]  }
0x8c: {  	[sflag:s22] =	ssyncset.done $0x0  }
0x8d: {  	[sflag:s22] =	ssyncadd.s32 $0xFFFFC000  }
0x8e: {  	[spmem:s14] =	stream.linear.scatter [tilespmem:s28], [sflag:$0x7], $0x800, $0x38;
	[tilespmem:$0x1FA88] =	vst v63  }
0x8f: {  	_ =	swait.ge [sflag:s22], $0x800  }
0x90: {  	s15 =	sld [smem:$0x7F6]  }
0x91: {  	[sflag:s22] =	ssyncset.done $0x0  }
0x92: {  	[sflag:s22] =	ssyncadd.s32 $0xFFFFF800  }
0x93: {  	[spmem:s15] =	stream.linear.scatter [tilespmem:s23], [sflag:$0x7], $0x4000, $0x38;
	[tilespmem:$0x1FA88] =	vst v63  }
0x94: {  	_ =	swait.ge [sflag:s22], $0x4000  }
0x95: {  	s17 =	sld [smem:$0x7F7]  }
0x96: {  	[sflag:s22] =	ssyncset.done $0x0  }
0x97: {  	[sflag:s22] =	ssyncadd.s32 $0xFFFFC000  }
0x98: {  	[spmem:s17] =	stream.linear.scatter [tilespmem:s28], [sflag:$0x7], $0x800, $0x38;
	[tilespmem:$0x1FA88] =	vst v63  }
0x99: {  	_ =	swait.ge [sflag:s22], $0x800  }
0x9a: {  	s18 =	sld [smem:$0x7F8]  }
0x9b: {  	[sflag:s22] =	ssyncset.done $0x0  }
0x9c: {  	[sflag:s22] =	ssyncadd.s32 $0xFFFFF800  }
0x9d: {  	[spmem:s18] =	stream.linear.scatter [tilespmem:s23], [sflag:$0x7], $0x4000, $0x38;
	[tilespmem:$0x1FA88] =	vst v63  }
0x9e: {  	_ =	swait.ge [sflag:s22], $0x4000  }
0x9f: {  	s20 =	sld [smem:$0x7F9]  }
0xa0: {  	[sflag:s22] =	ssyncset.done $0x0  }
0xa1: {  	[sflag:s22] =	ssyncadd.s32 $0xFFFFC000  }
0xa2: {  	[spmem:s20] =	stream.linear.scatter [tilespmem:s28], [sflag:$0x7], $0x800, $0x38;
	[tilespmem:$0x1FA88] =	vst v63  }
0xa3: {  	_ =	swait.ge [sflag:s22], $0x800  }
0xa4: {  	s25 =	sld [smem:$0x7FA]  }
0xa5: {  	[sflag:s22] =	ssyncset.done $0x0  }
0xa6: {  	[sflag:s22] =	ssyncadd.s32 $0xFFFFF800  }
0xa7: {  	[spmem:s25] =	stream.linear.scatter [tilespmem:s23], [sflag:$0x7], $0x3C00, $0x38;
	[tilespmem:$0x1FA88] =	vst v63  }
0xa8: {  	_ =	swait.ge [sflag:s22], $0x3C00  }
0xa9: {  	s31 =	sld [smem:$0x7FB]  }
0xaa: {  	[sflag:s22] =	ssyncset.done $0x0  }
0xab: {  	[sflag:s22] =	ssyncadd.s32 $0xFFFFC400  }
0xac: {  	[spmem:s31] =	stream.linear.scatter [tilespmem:s28], [sflag:$0x7], $0x780, $0x38;
	[tilespmem:$0x1FA88] =	vst v63  }
0xad: {  	_ =	swait.ge [sflag:s22], $0x780  }
0xae: {  	[sflag:s22] =	ssyncset.done $0x0  }
0xaf: {  	[sflag:s22] =	ssyncadd.s32 $0xFFFFF880  }
0xb0: {  	_ =	swait.ge [sflag:s30], $0x80  }
0xb1: {  	[sflag:s30] =	ssyncset.done $0x0  }
0xb2: {  	[sflag:s30] =	ssyncadd.s32 $0xFFFFFF80  }
0xb3: {  	_ =	swait.ge [sflag:s30], $0x80  }
0xb4: {  	[sflag:s30] =	ssyncset.done $0x0  }
0xb5: {  	[sflag:s30] =	ssyncadd.s32 $0xFFFFFF80  }
0xb6: {  	_ =	swait.ge [sflag:s30], $0x80  }
0xb7: {  	[sflag:s30] =	ssyncset.done $0x0  }
0xb8: {  	[sflag:s30] =	ssyncadd.s32 $0xFFFFFF80  }
0xb9: {  	v9 =	vld [tilespmem:$0x200];
	_ =	sdelay $0x1  }
0xba: {  	v10 =	vld [tilespmem:$0x0];
	_ =	sdelay $0x2  }
0xbb: {  	v11 =	vmul.u32 $0x2710, v9;
	_ =	sdelay $0x1  }
0xbc: {  	v10 =	vadd.s32 v10, v11  }
0xbd: {  	[tilespmem:$0x600] =	vst v10  }
0xbe: {  	v9 =	vld.idx.msk [tilespmem:v9+s21+$0x0], $0xffff;
	_ =	sdelay $0x4  }
0xbf: {  	[tilespmem:v0+s24+$0x0] =	vst.idx.msk $0xffff, v9  }
0xc0: {  	v9 =	vld [tilespmem:$0x210];
	_ =	sdelay $0x1  }
0xc1: {  	v10 =	vld [tilespmem:$0x10];
	_ =	sdelay $0x2  }
0xc2: {  	v11 =	vmul.u32 $0x2710, v9;
	_ =	sdelay $0x1  }
0xc3: {  	v10 =	vadd.s32 v10, v11  }
0xc4: {  	[tilespmem:$0x610] =	vst v10  }
0xc5: {  	v9 =	vld.idx.msk [tilespmem:v9+s21+$0x0], $0xffff;
	_ =	sdelay $0x4  }
0xc6: {  	[tilespmem:v2+s24+$0x0] =	vst.idx.msk $0xffff, v9  }
0xc7: {  	v9 =	vld [tilespmem:$0x220];
	_ =	sdelay $0x1  }
0xc8: {  	v10 =	vld [tilespmem:$0x20];
	_ =	sdelay $0x2  }
0xc9: {  	v11 =	vmul.u32 $0x2710, v9;
	_ =	sdelay $0x1  }
0xca: {  	v10 =	vadd.s32 v10, v11  }
0xcb: {  	[tilespmem:$0x620] =	vst v10  }
0xcc: {  	v9 =	vld.idx.msk [tilespmem:v9+s21+$0x0], $0xffff;
	_ =	sdelay $0x4  }
0xcd: {  	[tilespmem:v3+s24+$0x0] =	vst.idx.msk $0xffff, v9  }
0xce: {  	v9 =	vld [tilespmem:$0x230];
	_ =	sdelay $0x1  }
0xcf: {  	v10 =	vld [tilespmem:$0x30];
	_ =	sdelay $0x2  }
0xd0: {  	v11 =	vmul.u32 $0x2710, v9;
	_ =	sdelay $0x1  }
0xd1: {  	v10 =	vadd.s32 v10, v11  }
0xd2: {  	[tilespmem:$0x630] =	vst v10  }
0xd3: {  	v9 =	vld.idx.msk [tilespmem:v9+s21+$0x0], $0xffff;
	_ =	sdelay $0x4  }
0xd4: {  	[tilespmem:v4+s24+$0x0] =	vst.idx.msk $0xffff, v9  }
0xd5: {  	v9 =	vld [tilespmem:$0x240];
	_ =	sdelay $0x1  }
0xd6: {  	v10 =	vld [tilespmem:$0x40];
	_ =	sdelay $0x2  }
0xd7: {  	v11 =	vmul.u32 $0x2710, v9;
	_ =	sdelay $0x1  }
0xd8: {  	v10 =	vadd.s32 v10, v11  }
0xd9: {  	[tilespmem:$0x640] =	vst v10  }
0xda: {  	v9 =	vld.idx.msk [tilespmem:v9+s21+$0x0], $0xffff;
	_ =	sdelay $0x4  }
0xdb: {  	[tilespmem:v5+s24+$0x0] =	vst.idx.msk $0xffff, v9  }
0xdc: {  	v9 =	vld [tilespmem:$0x250];
	_ =	sdelay $0x1  }
0xdd: {  	v10 =	vld [tilespmem:$0x50];
	_ =	sdelay $0x2  }
0xde: {  	v11 =	vmul.u32 $0x2710, v9;
	_ =	sdelay $0x1  }
0xdf: {  	v10 =	vadd.s32 v10, v11  }
0xe0: {  	[tilespmem:$0x650] =	vst v10  }
0xe1: {  	v9 =	vld.idx.msk [tilespmem:v9+s21+$0x0], $0xffff;
	_ =	sdelay $0x4  }
0xe2: {  	[tilespmem:v6+s24+$0x0] =	vst.idx.msk $0xffff, v9  }
0xe3: {  	v9 =	vld [tilespmem:$0x260];
	_ =	sdelay $0x1  }
0xe4: {  	v10 =	vld [tilespmem:$0x60];
	_ =	sdelay $0x2  }
0xe5: {  	v11 =	vmul.u32 $0x2710, v9;
	_ =	sdelay $0x1  }
0xe6: {  	v10 =	vadd.s32 v10, v11  }
0xe7: {  	[tilespmem:$0x660] =	vst v10  }
0xe8: {  	v9 =	vld.idx.msk [tilespmem:v9+s21+$0x0], $0xffff;
	_ =	sdelay $0x4  }
0xe9: {  	[tilespmem:v7+s24+$0x0] =	vst.idx.msk $0xffff, v9  }
0xea: {  	v9 =	vld [tilespmem:$0x270];
	_ =	sdelay $0x1  }
0xeb: {  	v10 =	vld [tilespmem:$0x70];
	_ =	sdelay $0x2  }
0xec: {  	v11 =	vmul.u32 $0x2710, v9;
	_ =	sdelay $0x1  }
0xed: {  	v10 =	vadd.s32 v10, v11  }
0xee: {  	[tilespmem:$0x670] =	vst v10  }
0xef: {  	v9 =	vld.idx.msk [tilespmem:v9+s21+$0x0], $0xffff;
	_ =	sdelay $0x4  }
0xf0: {  	s0 =	simm.s32 $0x0;
	s11 =	simm.s32 $0x600;
	[tilespmem:v8+s24+$0x0] =	vst.idx.msk $0xffff, v9  }
0xf1: {  	[tilespmem:s26], [sflag:$0x5] =	stream.indirect.gather [hbm4b:s29+s12], $0x80, s5, s12, $0xb8;
	[tilespmem:$0x1FA88] =	vst v63  }
0xf2: {  	s14 =	simm.s32 $0x300;
	s5 =	simm.s32 $0x680;
	[bflag:$0x0] =	sbarrier.arrive $0xFFFF  }
.LBB2_6:
0xf3: {  	_ =	swait.ge [sflag:s4], $0x80  }
0xf4: {  	[sflag:s4] =	ssyncset.done $0x0  }
0xf5: {  	[sflag:s4] =	ssyncadd.s32 $0xFFFFFF80  }
0xf6: {  	_ =	swait.ge [sflag:s4], $0x80  }
0xf7: {  	[sflag:s4] =	ssyncset.done $0x0  }
0xf8: {  	[sflag:s4] =	ssyncadd.s32 $0xFFFFFF80  }
0xf9: {  	_ =	swait.ge [sflag:s4], $0x80  }
0xfa: {  	[sflag:s4] =	ssyncset.done $0x0  }
0xfb: {  	[sflag:s4] =	ssyncadd.s32 $0xFFFFFF80  }
0xfc: {  	v9 =	vld [tilespmem:$0x280];
	_ =	sdelay $0x1  }
0xfd: {  	v10 =	vld [tilespmem:$0x80];
	_ =	sdelay $0x2  }
0xfe: {  	v11 =	vmul.u32 $0x2710, v9;
	_ =	sdelay $0x1  }
0xff: {  	v10 =	vadd.s32 v10, v11  }
0x100: {  	[tilespmem:$0x680] =	vst v10  }
0x101: {  	v9 =	vld.idx.msk [tilespmem:v9+s21+$0x0], $0xffff;
	_ =	sdelay $0x4  }
0x102: {  	[tilespmem:v0+s28+$0x0] =	vst.idx.msk $0xffff, v9  }
0x103: {  	v9 =	vld [tilespmem:$0x290];
	_ =	sdelay $0x1  }
0x104: {  	v10 =	vld [tilespmem:$0x90];
	_ =	sdelay $0x2  }
0x105: {  	v11 =	vmul.u32 $0x2710, v9;
	_ =	sdelay $0x1  }
0x106: {  	v10 =	vadd.s32 v10, v11  }
0x107: {  	[tilespmem:$0x690] =	vst v10  }
0x108: {  	v9 =	vld.idx.msk [tilespmem:v9+s21+$0x0], $0xffff;
	_ =	sdelay $0x4  }
0x109: {  	[tilespmem:v2+s28+$0x0] =	vst.idx.msk $0xffff, v9  }
0x10a: {  	v9 =	vld [tilespmem:$0x2A0];
	_ =	sdelay $0x1  }
0x10b: {  	v10 =	vld [tilespmem:$0xA0];
	_ =	sdelay $0x2  }
0x10c: {  	v11 =	vmul.u32 $0x2710, v9;
	_ =	sdelay $0x1  }
0x10d: {  	v10 =	vadd.s32 v10, v11  }
0x10e: {  	[tilespmem:$0x6A0] =	vst v10  }
0x10f: {  	v9 =	vld.idx.msk [tilespmem:v9+s21+$0x0], $0xffff;
	_ =	sdelay $0x4  }
0x110: {  	[tilespmem:v3+s28+$0x0] =	vst.idx.msk $0xffff, v9  }
0x111: {  	v9 =	vld [tilespmem:$0x2B0];
	_ =	sdelay $0x1  }
0x112: {  	v10 =	vld [tilespmem:$0xB0];
	_ =	sdelay $0x2  }
0x113: {  	v11 =	vmul.u32 $0x2710, v9;
	_ =	sdelay $0x1  }
0x114: {  	v10 =	vadd.s32 v10, v11  }
0x115: {  	[tilespmem:$0x6B0] =	vst v10  }
0x116: {  	v9 =	vld.idx.msk [tilespmem:v9+s21+$0x0], $0xffff;
	_ =	sdelay $0x4  }
0x117: {  	[tilespmem:v4+s28+$0x0] =	vst.idx.msk $0xffff, v9  }
0x118: {  	v9 =	vld [tilespmem:$0x2C0];
	_ =	sdelay $0x1  }
0x119: {  	v10 =	vld [tilespmem:$0xC0];
	_ =	sdelay $0x2  }
0x11a: {  	v11 =	vmul.u32 $0x2710, v9;
	_ =	sdelay $0x1  }
0x11b: {  	v10 =	vadd.s32 v10, v11  }
0x11c: {  	[tilespmem:$0x6C0] =	vst v10  }
0x11d: {  	v9 =	vld.idx.msk [tilespmem:v9+s21+$0x0], $0xffff;
	_ =	sdelay $0x4  }
0x11e: {  	[tilespmem:v5+s28+$0x0] =	vst.idx.msk $0xffff, v9  }
0x11f: {  	v9 =	vld [tilespmem:$0x2D0];
	_ =	sdelay $0x1  }
0x120: {  	v10 =	vld [tilespmem:$0xD0];
	_ =	sdelay $0x2  }
0x121: {  	v11 =	vmul.u32 $0x2710, v9;
	_ =	sdelay $0x1  }
0x122: {  	v10 =	vadd.s32 v10, v11  }
0x123: {  	[tilespmem:$0x6D0] =	vst v10  }
0x124: {  	v9 =	vld.idx.msk [tilespmem:v9+s21+$0x0], $0xffff;
	_ =	sdelay $0x4  }
0x125: {  	[tilespmem:v6+s28+$0x0] =	vst.idx.msk $0xffff, v9  }
0x126: {  	v9 =	vld [tilespmem:$0x2E0];
	_ =	sdelay $0x1  }
0x127: {  	v10 =	vld [tilespmem:$0xE0];
	_ =	sdelay $0x2  }
0x128: {  	v11 =	vmul.u32 $0x2710, v9;
	_ =	sdelay $0x1  }
0x129: {  	v10 =	vadd.s32 v10, v11  }
0x12a: {  	[tilespmem:$0x6E0] =	vst v10  }
0x12b: {  	v9 =	vld.idx.msk [tilespmem:v9+s21+$0x0], $0xffff;
	_ =	sdelay $0x4  }
0x12c: {  	[tilespmem:v7+s28+$0x0] =	vst.idx.msk $0xffff, v9  }
0x12d: {  	v9 =	vld [tilespmem:$0x2F0];
	_ =	sdelay $0x1  }
0x12e: {  	v10 =	vld [tilespmem:$0xF0];
	_ =	sdelay $0x2  }
0x12f: {  	v11 =	vmul.u32 $0x2710, v9;
	_ =	sdelay $0x1  }
0x130: {  	v10 =	vadd.s32 v10, v11  }
0x131: {  	[tilespmem:$0x6F0] =	vst v10  }
0x132: {  	v9 =	vld.idx.msk [tilespmem:v9+s21+$0x0], $0xffff;
	_ =	sdelay $0x4  }
0x133: {  	[tilespmem:v8+s28+$0x0] =	vst.idx.msk $0xffff, v9  }
0x134: {  	[tilespmem:s23], [sflag:$0x6] =	stream.indirect.gather [hbm4b:s29+s12], $0x80, s5, s12, $0xb8;
	[tilespmem:$0x1FA88] =	vst v63  }
0x135: {  	_ =	swait.ge [sflag:s6], $0x4000  }
0x136: {  	[sflag:s6] =	ssyncset.done $0x0  }
0x137: {  	[sflag:s6] =	ssyncadd.s32 $0xFFFFC000  }
0x138: {  	[spmem:s1] =	stream.indirect.scatter.add.f32 [tilespmem:s26], [sflag:$0x7], $0x80, s10, s12, $0xb8;
	[tilespmem:$0x1FA88] =	vst v63  }
0x139: {  	_ =	swait.ge [sflag:s22], $0x4000  }
0x13a: {  	[sflag:s22] =	ssyncset.done $0x0  }
0x13b: {  	[sflag:s22] =	ssyncadd.s32 $0xFFFFC000  }
0x13c: {  	[spmem:s2] =	stream.indirect.scatter.add.f32 [tilespmem:s24], [sflag:$0x7], $0x10, s10, s12, $0xb8;
	[tilespmem:$0x1FA88] =	vst v63  }
0x13d: {  	_ =	swait.ge [sflag:s22], $0x800  }
0x13e: {  	s15 =	rddreg [dreg:$0x8]  }
0x13f: {  	s18 =	rddreg [dreg:$0x7]  }
0x140: {  	[sflag:s22] =	ssyncset.done $0x0;
	s20 =	rddreg [dreg:$0x6];
	s31 =	sadd.s32 s0, s15  }
0x141: {  	[sflag:s22] =	ssyncadd.s32 $0xFFFFF800;
	s15 =	sadd.s32 s0, s18;
	s17 =	sadd.s32 $0x800, s31  }
0x142: {  	[tilespmem:s3], [sflag:$0x1] =	stream.linear.gather [hbm4b:s17+s3], $0x80, $0x38;
	[tilespmem:$0x1FA88] =	vst v63  }
0x143: {  	s18 =	sadd.s32 $0x800, s15;
	s17 =	sadd.s32 s0, s20  }
0x144: {  	[tilespmem:s10], [sflag:$0x1] =	stream.linear.gather [hbm4b:s18+s3], $0x80, $0x38;
	[tilespmem:$0x1FA88] =	vst v63  }
0x145: {  	s20 =	simm.s32 $0x200;
	s18 =	sadd.s32 $0x800, s17  }
0x146: {  	[tilespmem:s20], [sflag:$0x1] =	stream.linear.gather [hbm4b:s18+s3], $0x80, $0x38;
	[tilespmem:$0x1FA88] =	vst v63  }
0x147: {  	_ =	swait.ge [sflag:s7], $0x80  }
0x148: {  	[sflag:s7] =	ssyncset.done $0x0  }
0x149: {  	[sflag:s7] =	ssyncadd.s32 $0xFFFFFF80  }
0x14a: {  	_ =	swait.ge [sflag:s7], $0x80  }
0x14b: {  	[sflag:s7] =	ssyncset.done $0x0  }
0x14c: {  	[sflag:s7] =	ssyncadd.s32 $0xFFFFFF80  }
0x14d: {  	_ =	swait.ge [sflag:s7], $0x80  }
0x14e: {  	[sflag:s7] =	ssyncset.done $0x0  }
0x14f: {  	[sflag:s7] =	ssyncadd.s32 $0xFFFFFF80  }
0x150: {  	v9 =	vld [tilespmem:$0x300];
	_ =	sdelay $0x1  }
0x151: {  	v10 =	vld [tilespmem:$0x100];
	_ =	sdelay $0x2  }
0x152: {  	v11 =	vmul.u32 $0x2710, v9;
	_ =	sdelay $0x1  }
0x153: {  	v10 =	vadd.s32 v10, v11  }
0x154: {  	[tilespmem:$0x600] =	vst v10  }
0x155: {  	v9 =	vld.idx.msk [tilespmem:v9+s21+$0x0], $0xffff;
	_ =	sdelay $0x4  }
0x156: {  	[tilespmem:v0+s24+$0x0] =	vst.idx.msk $0xffff, v9  }
0x157: {  	v9 =	vld [tilespmem:$0x310];
	_ =	sdelay $0x1  }
0x158: {  	v10 =	vld [tilespmem:$0x110];
	_ =	sdelay $0x2  }
0x159: {  	v11 =	vmul.u32 $0x2710, v9;
	_ =	sdelay $0x1  }
0x15a: {  	v10 =	vadd.s32 v10, v11  }
0x15b: {  	[tilespmem:$0x610] =	vst v10  }
0x15c: {  	v9 =	vld.idx.msk [tilespmem:v9+s21+$0x0], $0xffff;
	_ =	sdelay $0x4  }
0x15d: {  	[tilespmem:v2+s24+$0x0] =	vst.idx.msk $0xffff, v9  }
0x15e: {  	v9 =	vld [tilespmem:$0x320];
	_ =	sdelay $0x1  }
0x15f: {  	v10 =	vld [tilespmem:$0x120];
	_ =	sdelay $0x2  }
0x160: {  	v11 =	vmul.u32 $0x2710, v9;
	_ =	sdelay $0x1  }
0x161: {  	v10 =	vadd.s32 v10, v11  }
0x162: {  	[tilespmem:$0x620] =	vst v10  }
0x163: {  	v9 =	vld.idx.msk [tilespmem:v9+s21+$0x0], $0xffff;
	_ =	sdelay $0x4  }
0x164: {  	[tilespmem:v3+s24+$0x0] =	vst.idx.msk $0xffff, v9  }
0x165: {  	v9 =	vld [tilespmem:$0x330];
	_ =	sdelay $0x1  }
0x166: {  	v10 =	vld [tilespmem:$0x130];
	_ =	sdelay $0x2  }
0x167: {  	v11 =	vmul.u32 $0x2710, v9;
	_ =	sdelay $0x1  }
0x168: {  	v10 =	vadd.s32 v10, v11  }
0x169: {  	[tilespmem:$0x630] =	vst v10  }
0x16a: {  	v9 =	vld.idx.msk [tilespmem:v9+s21+$0x0], $0xffff;
	_ =	sdelay $0x4  }
0x16b: {  	[tilespmem:v4+s24+$0x0] =	vst.idx.msk $0xffff, v9  }
0x16c: {  	v9 =	vld [tilespmem:$0x340];
	_ =	sdelay $0x1  }
0x16d: {  	v10 =	vld [tilespmem:$0x140];
	_ =	sdelay $0x2  }
0x16e: {  	v11 =	vmul.u32 $0x2710, v9;
	_ =	sdelay $0x1  }
0x16f: {  	v10 =	vadd.s32 v10, v11  }
0x170: {  	[tilespmem:$0x640] =	vst v10  }
0x171: {  	v9 =	vld.idx.msk [tilespmem:v9+s21+$0x0], $0xffff;
	_ =	sdelay $0x4  }
0x172: {  	[tilespmem:v5+s24+$0x0] =	vst.idx.msk $0xffff, v9  }
0x173: {  	v9 =	vld [tilespmem:$0x350];
	_ =	sdelay $0x1  }
0x174: {  	v10 =	vld [tilespmem:$0x150];
	_ =	sdelay $0x2  }
0x175: {  	v11 =	vmul.u32 $0x2710, v9;
	_ =	sdelay $0x1  }
0x176: {  	v10 =	vadd.s32 v10, v11  }
0x177: {  	[tilespmem:$0x650] =	vst v10  }
0x178: {  	v9 =	vld.idx.msk [tilespmem:v9+s21+$0x0], $0xffff;
	_ =	sdelay $0x4  }
0x179: {  	[tilespmem:v6+s24+$0x0] =	vst.idx.msk $0xffff, v9  }
0x17a: {  	v9 =	vld [tilespmem:$0x360];
	_ =	sdelay $0x1  }
0x17b: {  	v10 =	vld [tilespmem:$0x160];
	_ =	sdelay $0x2  }
0x17c: {  	v11 =	vmul.u32 $0x2710, v9;
	_ =	sdelay $0x1  }
0x17d: {  	v10 =	vadd.s32 v10, v11  }
0x17e: {  	[tilespmem:$0x660] =	vst v10  }
0x17f: {  	v9 =	vld.idx.msk [tilespmem:v9+s21+$0x0], $0xffff;
	_ =	sdelay $0x4  }
0x180: {  	[tilespmem:v7+s24+$0x0] =	vst.idx.msk $0xffff, v9  }
0x181: {  	v9 =	vld [tilespmem:$0x370];
	_ =	sdelay $0x1  }
0x182: {  	v10 =	vld [tilespmem:$0x170];
	_ =	sdelay $0x2  }
0x183: {  	v11 =	vmul.u32 $0x2710, v9;
	_ =	sdelay $0x1  }
0x184: {  	v10 =	vadd.s32 v10, v11  }
0x185: {  	[tilespmem:$0x670] =	vst v10  }
0x186: {  	v9 =	vld.idx.msk [tilespmem:v9+s21+$0x0], $0xffff;
	_ =	sdelay $0x4  }
0x187: {  	[tilespmem:v8+s24+$0x0] =	vst.idx.msk $0xffff, v9  }
0x188: {  	[tilespmem:s26], [sflag:$0x5] =	stream.indirect.gather [hbm4b:s29+s12], $0x80, s11, s12, $0xb8;
	[tilespmem:$0x1FA88] =	vst v63  }
0x189: {  	_ =	swait.ge [sflag:s8], $0x4000  }
0x18a: {  	[sflag:s8] =	ssyncset.done $0x0  }
0x18b: {  	[sflag:s8] =	ssyncadd.s32 $0xFFFFC000  }
0x18c: {  	[spmem:s1] =	stream.indirect.scatter.add.f32 [tilespmem:s23], [sflag:$0x7], $0x80, s13, s12, $0xb8;
	[tilespmem:$0x1FA88] =	vst v63  }
0x18d: {  	_ =	swait.ge [sflag:s22], $0x4000  }
0x18e: {  	[sflag:s22] =	ssyncset.done $0x0  }
0x18f: {  	[sflag:s22] =	ssyncadd.s32 $0xFFFFC000  }
0x190: {  	[spmem:s2] =	stream.indirect.scatter.add.f32 [tilespmem:s28], [sflag:$0x7], $0x10, s13, s12, $0xb8;
	[tilespmem:$0x1FA88] =	vst v63  }
0x191: {  	_ =	swait.ge [sflag:s22], $0x800  }
0x192: {  	[sflag:s22] =	ssyncset.done $0x0  }
0x193: {  	s20 =	sadd.s32 $0xA00, s31;
	[sflag:s22] =	ssyncadd.s32 $0xFFFFF800  }
0x194: {  	[tilespmem:s12], [sflag:$0x2] =	stream.linear.gather [hbm4b:s20+s3], $0x80, $0x38;
	[tilespmem:$0x1FA88] =	vst v63  }
0x195: {  	s20 =	sadd.s32 $0xA00, s15  }
0x196: {  	[tilespmem:s13], [sflag:$0x2] =	stream.linear.gather [hbm4b:s20+s3], $0x80, $0x38;
	[tilespmem:$0x1FA88] =	vst v63  }
0x197: {  	s18 =	sadd.s32 $0xA00, s17;
	s20 =	simm.s32 $0x280  }
0x198: {  	[tilespmem:s20], [sflag:$0x2] =	stream.linear.gather [hbm4b:s18+s3], $0x80, $0x38;
	[tilespmem:$0x1FA88] =	vst v63  }
0x199: {  	_ =	swait.ge [sflag:s9], $0x80  }
0x19a: {  	[sflag:s9] =	ssyncset.done $0x0  }
0x19b: {  	[sflag:s9] =	ssyncadd.s32 $0xFFFFFF80  }
0x19c: {  	_ =	swait.ge [sflag:s9], $0x80  }
0x19d: {  	[sflag:s9] =	ssyncset.done $0x0  }
0x19e: {  	[sflag:s9] =	ssyncadd.s32 $0xFFFFFF80  }
0x19f: {  	_ =	swait.ge [sflag:s9], $0x80  }
0x1a0: {  	[sflag:s9] =	ssyncset.done $0x0  }
0x1a1: {  	[sflag:s9] =	ssyncadd.s32 $0xFFFFFF80  }
0x1a2: {  	v9 =	vld [tilespmem:$0x380];
	_ =	sdelay $0x1  }
0x1a3: {  	v10 =	vld [tilespmem:$0x180];
	_ =	sdelay $0x2  }
0x1a4: {  	v11 =	vmul.u32 $0x2710, v9;
	_ =	sdelay $0x1  }
0x1a5: {  	v10 =	vadd.s32 v10, v11  }
0x1a6: {  	[tilespmem:$0x680] =	vst v10  }
0x1a7: {  	v9 =	vld.idx.msk [tilespmem:v9+s21+$0x0], $0xffff;
	_ =	sdelay $0x4  }
0x1a8: {  	[tilespmem:v0+s28+$0x0] =	vst.idx.msk $0xffff, v9  }
0x1a9: {  	v9 =	vld [tilespmem:$0x390];
	_ =	sdelay $0x1  }
0x1aa: {  	v10 =	vld [tilespmem:$0x190];
	_ =	sdelay $0x2  }
0x1ab: {  	v11 =	vmul.u32 $0x2710, v9;
	_ =	sdelay $0x1  }
0x1ac: {  	v10 =	vadd.s32 v10, v11  }
0x1ad: {  	[tilespmem:$0x690] =	vst v10  }
0x1ae: {  	v9 =	vld.idx.msk [tilespmem:v9+s21+$0x0], $0xffff;
	_ =	sdelay $0x4  }
0x1af: {  	[tilespmem:v2+s28+$0x0] =	vst.idx.msk $0xffff, v9  }
0x1b0: {  	v9 =	vld [tilespmem:$0x3A0];
	_ =	sdelay $0x1  }
0x1b1: {  	v10 =	vld [tilespmem:$0x1A0];
	_ =	sdelay $0x2  }
0x1b2: {  	v11 =	vmul.u32 $0x2710, v9;
	_ =	sdelay $0x1  }
0x1b3: {  	v10 =	vadd.s32 v10, v11  }
0x1b4: {  	[tilespmem:$0x6A0] =	vst v10  }
0x1b5: {  	v9 =	vld.idx.msk [tilespmem:v9+s21+$0x0], $0xffff;
	_ =	sdelay $0x4  }
0x1b6: {  	[tilespmem:v3+s28+$0x0] =	vst.idx.msk $0xffff, v9  }
0x1b7: {  	v9 =	vld [tilespmem:$0x3B0];
	_ =	sdelay $0x1  }
0x1b8: {  	v10 =	vld [tilespmem:$0x1B0];
	_ =	sdelay $0x2  }
0x1b9: {  	v11 =	vmul.u32 $0x2710, v9;
	_ =	sdelay $0x1  }
0x1ba: {  	v10 =	vadd.s32 v10, v11  }
0x1bb: {  	[tilespmem:$0x6B0] =	vst v10  }
0x1bc: {  	v9 =	vld.idx.msk [tilespmem:v9+s21+$0x0], $0xffff;
	_ =	sdelay $0x4  }
0x1bd: {  	[tilespmem:v4+s28+$0x0] =	vst.idx.msk $0xffff, v9  }
0x1be: {  	v9 =	vld [tilespmem:$0x3C0];
	_ =	sdelay $0x1  }
0x1bf: {  	v10 =	vld [tilespmem:$0x1C0];
	_ =	sdelay $0x2  }
0x1c0: {  	v11 =	vmul.u32 $0x2710, v9;
	_ =	sdelay $0x1  }
0x1c1: {  	v10 =	vadd.s32 v10, v11  }
0x1c2: {  	[tilespmem:$0x6C0] =	vst v10  }
0x1c3: {  	v9 =	vld.idx.msk [tilespmem:v9+s21+$0x0], $0xffff;
	_ =	sdelay $0x4  }
0x1c4: {  	[tilespmem:v5+s28+$0x0] =	vst.idx.msk $0xffff, v9  }
0x1c5: {  	v9 =	vld [tilespmem:$0x3D0];
	_ =	sdelay $0x1  }
0x1c6: {  	v10 =	vld [tilespmem:$0x1D0];
	_ =	sdelay $0x2  }
0x1c7: {  	v11 =	vmul.u32 $0x2710, v9;
	_ =	sdelay $0x1  }
0x1c8: {  	v10 =	vadd.s32 v10, v11  }
0x1c9: {  	[tilespmem:$0x6D0] =	vst v10  }
0x1ca: {  	v9 =	vld.idx.msk [tilespmem:v9+s21+$0x0], $0xffff;
	_ =	sdelay $0x4  }
0x1cb: {  	[tilespmem:v6+s28+$0x0] =	vst.idx.msk $0xffff, v9  }
0x1cc: {  	v9 =	vld [tilespmem:$0x3E0];
	_ =	sdelay $0x1  }
0x1cd: {  	v10 =	vld [tilespmem:$0x1E0];
	_ =	sdelay $0x2  }
0x1ce: {  	v11 =	vmul.u32 $0x2710, v9;
	_ =	sdelay $0x1  }
0x1cf: {  	v10 =	vadd.s32 v10, v11  }
0x1d0: {  	[tilespmem:$0x6E0] =	vst v10  }
0x1d1: {  	v9 =	vld.idx.msk [tilespmem:v9+s21+$0x0], $0xffff;
	_ =	sdelay $0x4  }
0x1d2: {  	[tilespmem:v7+s28+$0x0] =	vst.idx.msk $0xffff, v9  }
0x1d3: {  	v9 =	vld [tilespmem:$0x3F0];
	_ =	sdelay $0x1  }
0x1d4: {  	v10 =	vld [tilespmem:$0x1F0];
	_ =	sdelay $0x2  }
0x1d5: {  	v11 =	vmul.u32 $0x2710, v9;
	_ =	sdelay $0x1  }
0x1d6: {  	v10 =	vadd.s32 v10, v11  }
0x1d7: {  	[tilespmem:$0x6F0] =	vst v10  }
0x1d8: {  	v9 =	vld.idx.msk [tilespmem:v9+s21+$0x0], $0xffff;
	_ =	sdelay $0x4  }
0x1d9: {  	[tilespmem:v8+s28+$0x0] =	vst.idx.msk $0xffff, v9  }
0x1da: {  	[tilespmem:s23], [sflag:$0x6] =	stream.indirect.gather [hbm4b:s29+s12], $0x80, s5, s12, $0xb8;
	[tilespmem:$0x1FA88] =	vst v63  }
0x1db: {  	_ =	swait.ge [sflag:s6], $0x4000  }
0x1dc: {  	[sflag:s6] =	ssyncset.done $0x0  }
0x1dd: {  	[sflag:s6] =	ssyncadd.s32 $0xFFFFC000  }
0x1de: {  	[spmem:s1] =	stream.indirect.scatter.add.f32 [tilespmem:s26], [sflag:$0x7], $0x80, s16, s12, $0xb8;
	[tilespmem:$0x1FA88] =	vst v63  }
0x1df: {  	_ =	swait.ge [sflag:s22], $0x4000  }
0x1e0: {  	[sflag:s22] =	ssyncset.done $0x0  }
0x1e1: {  	[sflag:s22] =	ssyncadd.s32 $0xFFFFC000  }
0x1e2: {  	[spmem:s2] =	stream.indirect.scatter.add.f32 [tilespmem:s24], [sflag:$0x7], $0x10, s16, s12, $0xb8;
	[tilespmem:$0x1FA88] =	vst v63  }
0x1e3: {  	_ =	swait.ge [sflag:s22], $0x800  }
0x1e4: {  	[sflag:s22] =	ssyncset.done $0x0  }
0x1e5: {  	s18 =	sadd.s32 $0xC00, s31;
	s20 =	simm.s32 $0x100;
	[sflag:s22] =	ssyncadd.s32 $0xFFFFF800  }
0x1e6: {  	[tilespmem:s20], [sflag:$0x3] =	stream.linear.gather [hbm4b:s18+s3], $0x80, $0x38;
	[tilespmem:$0x1FA88] =	vst v63  }
0x1e7: {  	s20 =	sadd.s32 $0xC00, s15  }
0x1e8: {  	[tilespmem:s16], [sflag:$0x3] =	stream.linear.gather [hbm4b:s20+s3], $0x80, $0x38;
	[tilespmem:$0x1FA88] =	vst v63  }
0x1e9: {  	s20 =	sadd.s32 $0xC00, s17  }
0x1ea: {  	[tilespmem:s14], [sflag:$0x3] =	stream.linear.gather [hbm4b:s20+s3], $0x80, $0x38;
	[tilespmem:$0x1FA88] =	vst v63  }
0x1eb: {  	_ =	swait.ge [sflag:s30], $0x80  }
0x1ec: {  	[sflag:s30] =	ssyncset.done $0x0  }
0x1ed: {  	[sflag:s30] =	ssyncadd.s32 $0xFFFFFF80  }
0x1ee: {  	_ =	swait.ge [sflag:s30], $0x80  }
0x1ef: {  	[sflag:s30] =	ssyncset.done $0x0  }
0x1f0: {  	[sflag:s30] =	ssyncadd.s32 $0xFFFFFF80  }
0x1f1: {  	_ =	swait.ge [sflag:s30], $0x80  }
0x1f2: {  	[sflag:s30] =	ssyncset.done $0x0  }
0x1f3: {  	[sflag:s30] =	ssyncadd.s32 $0xFFFFFF80  }
0x1f4: {  	v9 =	vld [tilespmem:$0x200];
	_ =	sdelay $0x1  }
0x1f5: {  	v10 =	vld [tilespmem:$0x0];
	_ =	sdelay $0x2  }
0x1f6: {  	v11 =	vmul.u32 $0x2710, v9;
	_ =	sdelay $0x1  }
0x1f7: {  	v10 =	vadd.s32 v10, v11  }
0x1f8: {  	[tilespmem:$0x600] =	vst v10  }
0x1f9: {  	v9 =	vld.idx.msk [tilespmem:v9+s21+$0x0], $0xffff;
	_ =	sdelay $0x4  }
0x1fa: {  	[tilespmem:v0+s24+$0x0] =	vst.idx.msk $0xffff, v9  }
0x1fb: {  	v9 =	vld [tilespmem:$0x210];
	_ =	sdelay $0x1  }
0x1fc: {  	v10 =	vld [tilespmem:$0x10];
	_ =	sdelay $0x2  }
0x1fd: {  	v11 =	vmul.u32 $0x2710, v9;
	_ =	sdelay $0x1  }
0x1fe: {  	v10 =	vadd.s32 v10, v11  }
0x1ff: {  	[tilespmem:$0x610] =	vst v10  }
0x200: {  	v9 =	vld.idx.msk [tilespmem:v9+s21+$0x0], $0xffff;
	_ =	sdelay $0x4  }
0x201: {  	[tilespmem:v2+s24+$0x0] =	vst.idx.msk $0xffff, v9  }
0x202: {  	v9 =	vld [tilespmem:$0x220];
	_ =	sdelay $0x1  }
0x203: {  	v10 =	vld [tilespmem:$0x20];
	_ =	sdelay $0x2  }
0x204: {  	v11 =	vmul.u32 $0x2710, v9;
	_ =	sdelay $0x1  }
0x205: {  	v10 =	vadd.s32 v10, v11  }
0x206: {  	[tilespmem:$0x620] =	vst v10  }
0x207: {  	v9 =	vld.idx.msk [tilespmem:v9+s21+$0x0], $0xffff;
	_ =	sdelay $0x4  }
0x208: {  	[tilespmem:v3+s24+$0x0] =	vst.idx.msk $0xffff, v9  }
0x209: {  	v9 =	vld [tilespmem:$0x230];
	_ =	sdelay $0x1  }
0x20a: {  	v10 =	vld [tilespmem:$0x30];
	_ =	sdelay $0x2  }
0x20b: {  	v11 =	vmul.u32 $0x2710, v9;
	_ =	sdelay $0x1  }
0x20c: {  	v10 =	vadd.s32 v10, v11  }
0x20d: {  	[tilespmem:$0x630] =	vst v10  }
0x20e: {  	v9 =	vld.idx.msk [tilespmem:v9+s21+$0x0], $0xffff;
	_ =	sdelay $0x4  }
0x20f: {  	[tilespmem:v4+s24+$0x0] =	vst.idx.msk $0xffff, v9  }
0x210: {  	v9 =	vld [tilespmem:$0x240];
	_ =	sdelay $0x1  }
0x211: {  	v10 =	vld [tilespmem:$0x40];
	_ =	sdelay $0x2  }
0x212: {  	v11 =	vmul.u32 $0x2710, v9;
	_ =	sdelay $0x1  }
0x213: {  	v10 =	vadd.s32 v10, v11  }
0x214: {  	[tilespmem:$0x640] =	vst v10  }
0x215: {  	v9 =	vld.idx.msk [tilespmem:v9+s21+$0x0], $0xffff;
	_ =	sdelay $0x4  }
0x216: {  	[tilespmem:v5+s24+$0x0] =	vst.idx.msk $0xffff, v9  }
0x217: {  	v9 =	vld [tilespmem:$0x250];
	_ =	sdelay $0x1  }
0x218: {  	v10 =	vld [tilespmem:$0x50];
	_ =	sdelay $0x2  }
0x219: {  	v11 =	vmul.u32 $0x2710, v9;
	_ =	sdelay $0x1  }
0x21a: {  	v10 =	vadd.s32 v10, v11  }
0x21b: {  	[tilespmem:$0x650] =	vst v10  }
0x21c: {  	v9 =	vld.idx.msk [tilespmem:v9+s21+$0x0], $0xffff;
	_ =	sdelay $0x4  }
0x21d: {  	[tilespmem:v6+s24+$0x0] =	vst.idx.msk $0xffff, v9  }
0x21e: {  	v9 =	vld [tilespmem:$0x260];
	_ =	sdelay $0x1  }
0x21f: {  	v10 =	vld [tilespmem:$0x60];
	_ =	sdelay $0x2  }
0x220: {  	v11 =	vmul.u32 $0x2710, v9;
	_ =	sdelay $0x1  }
0x221: {  	v10 =	vadd.s32 v10, v11  }
0x222: {  	[tilespmem:$0x660] =	vst v10  }
0x223: {  	v9 =	vld.idx.msk [tilespmem:v9+s21+$0x0], $0xffff;
	_ =	sdelay $0x4  }
0x224: {  	[tilespmem:v7+s24+$0x0] =	vst.idx.msk $0xffff, v9  }
0x225: {  	v9 =	vld [tilespmem:$0x270];
	_ =	sdelay $0x1  }
0x226: {  	v10 =	vld [tilespmem:$0x70];
	_ =	sdelay $0x2  }
0x227: {  	v11 =	vmul.u32 $0x2710, v9;
	_ =	sdelay $0x1  }
0x228: {  	v10 =	vadd.s32 v10, v11  }
0x229: {  	[tilespmem:$0x670] =	vst v10  }
0x22a: {  	v9 =	vld.idx.msk [tilespmem:v9+s21+$0x0], $0xffff;
	_ =	sdelay $0x4  }
0x22b: {  	[tilespmem:v8+s24+$0x0] =	vst.idx.msk $0xffff, v9  }
0x22c: {  	[tilespmem:s26], [sflag:$0x5] =	stream.indirect.gather [hbm4b:s29+s12], $0x80, s11, s12, $0xb8;
	[tilespmem:$0x1FA88] =	vst v63  }
0x22d: {  	_ =	swait.ge [sflag:s8], $0x4000  }
0x22e: {  	[sflag:s8] =	ssyncset.done $0x0  }
0x22f: {  	[sflag:s8] =	ssyncadd.s32 $0xFFFFC000  }
0x230: {  	[spmem:s1] =	stream.indirect.scatter.add.f32 [tilespmem:s23], [sflag:$0x7], $0x80, s19, s12, $0xb8;
	[tilespmem:$0x1FA88] =	vst v63  }
0x231: {  	_ =	swait.ge [sflag:s22], $0x4000  }
0x232: {  	[sflag:s22] =	ssyncset.done $0x0  }
0x233: {  	[sflag:s22] =	ssyncadd.s32 $0xFFFFC000  }
0x234: {  	[spmem:s2] =	stream.indirect.scatter.add.f32 [tilespmem:s28], [sflag:$0x7], $0x10, s19, s12, $0xb8;
	[tilespmem:$0x1FA88] =	vst v63  }
0x235: {  	_ =	swait.ge [sflag:s22], $0x800  }
0x236: {  	s25 =	simm.s32 $0x180;
	[sflag:s22] =	ssyncset.done $0x0  }
0x237: {  	p1 =	sne.s32 s0, $0x8800;
	s20 =	sadd.s32 $0xE00, s31;
	[sflag:s22] =	ssyncadd.s32 $0xFFFFF800  }
0x238: {  	[tilespmem:s25], [sflag:$0x4] =	stream.linear.gather [hbm4b:s20+s3], $0x80, $0x38;
	[tilespmem:$0x1FA88] =	vst v63  }
.Ltmp4:
0x239: {  	_ = 	snop;
	(pc) =	sbr.rel @p1 .LBB2_6-.Ltmp4, $4  }
0x23a: {  	s0 =	sadd.s32 $0x800, s0;
	s15 =	sadd.s32 $0xE00, s15  }
0x23b: {  	[tilespmem:s19], [sflag:$0x4] =	stream.linear.gather [hbm4b:s15+s3], $0x80, $0x38;
	[tilespmem:$0x1FA88] =	vst v63  }
0x23c: {  	s18 =	simm.s32 $0x180;
	s31 =	sadd.s32 $0xE00, s17;
	s25 =	simm.s32 $0x380  }
0x23d: {  	[tilespmem:s25], [sflag:$0x4] =	stream.linear.gather [hbm4b:s31+s3], $0x80, $0x38;
	[tilespmem:$0x1FA88] =	vst v63  }
0x23e: {  	_ =	swait.ge [sflag:s4], $0x80  }
0x23f: {  	[sflag:s4] =	ssyncset.done $0x0  }
0x240: {  	[sflag:s4] =	ssyncadd.s32 $0xFFFFFF80  }
0x241: {  	_ =	swait.ge [sflag:s4], $0x80  }
0x242: {  	[sflag:s4] =	ssyncset.done $0x0  }
0x243: {  	[sflag:s4] =	ssyncadd.s32 $0xFFFFFF80  }
0x244: {  	_ =	swait.ge [sflag:s4], $0x80  }
0x245: {  	[sflag:s4] =	ssyncset.done $0x0  }
0x246: {  	[sflag:s4] =	ssyncadd.s32 $0xFFFFFF80  }
0x247: {  	v9 =	vld [tilespmem:$0x280];
	_ =	sdelay $0x1  }
0x248: {  	v10 =	vld [tilespmem:$0x80];
	_ =	sdelay $0x2  }
0x249: {  	v11 =	vmul.u32 $0x2710, v9;
	_ =	sdelay $0x1  }
0x24a: {  	v10 =	vadd.s32 v10, v11  }
0x24b: {  	[tilespmem:$0x680] =	vst v10  }
0x24c: {  	v9 =	vld.idx.msk [tilespmem:v9+s21+$0x0], $0xffff;
	_ =	sdelay $0x4  }
0x24d: {  	[tilespmem:v0+s28+$0x0] =	vst.idx.msk $0xffff, v9  }
0x24e: {  	v9 =	vld [tilespmem:$0x290];
	_ =	sdelay $0x1  }
0x24f: {  	v10 =	vld [tilespmem:$0x90];
	_ =	sdelay $0x2  }
0x250: {  	v11 =	vmul.u32 $0x2710, v9;
	_ =	sdelay $0x1  }
0x251: {  	v10 =	vadd.s32 v10, v11  }
0x252: {  	[tilespmem:$0x690] =	vst v10  }
0x253: {  	v9 =	vld.idx.msk [tilespmem:v9+s21+$0x0], $0xffff;
	_ =	sdelay $0x4  }
0x254: {  	[tilespmem:v2+s28+$0x0] =	vst.idx.msk $0xffff, v9  }
0x255: {  	v9 =	vld [tilespmem:$0x2A0];
	_ =	sdelay $0x1  }
0x256: {  	v10 =	vld [tilespmem:$0xA0];
	_ =	sdelay $0x2  }
0x257: {  	v11 =	vmul.u32 $0x2710, v9;
	_ =	sdelay $0x1  }
0x258: {  	v10 =	vadd.s32 v10, v11  }
0x259: {  	[tilespmem:$0x6A0] =	vst v10  }
0x25a: {  	v9 =	vld.idx.msk [tilespmem:v9+s21+$0x0], $0xffff;
	_ =	sdelay $0x4  }
0x25b: {  	[tilespmem:v3+s28+$0x0] =	vst.idx.msk $0xffff, v9  }
0x25c: {  	v9 =	vld [tilespmem:$0x2B0];
	_ =	sdelay $0x1  }
0x25d: {  	v10 =	vld [tilespmem:$0xB0];
	_ =	sdelay $0x2  }
0x25e: {  	v11 =	vmul.u32 $0x2710, v9;
	_ =	sdelay $0x1  }
0x25f: {  	v10 =	vadd.s32 v10, v11  }
0x260: {  	[tilespmem:$0x6B0] =	vst v10  }
0x261: {  	v9 =	vld.idx.msk [tilespmem:v9+s21+$0x0], $0xffff;
	_ =	sdelay $0x4  }
0x262: {  	[tilespmem:v4+s28+$0x0] =	vst.idx.msk $0xffff, v9  }
0x263: {  	v9 =	vld [tilespmem:$0x2C0];
	_ =	sdelay $0x1  }
0x264: {  	v10 =	vld [tilespmem:$0xC0];
	_ =	sdelay $0x2  }
0x265: {  	v11 =	vmul.u32 $0x2710, v9;
	_ =	sdelay $0x1  }
0x266: {  	v10 =	vadd.s32 v10, v11  }
0x267: {  	[tilespmem:$0x6C0] =	vst v10  }
0x268: {  	v9 =	vld.idx.msk [tilespmem:v9+s21+$0x0], $0xffff;
	_ =	sdelay $0x4  }
0x269: {  	[tilespmem:v5+s28+$0x0] =	vst.idx.msk $0xffff, v9  }
0x26a: {  	v9 =	vld [tilespmem:$0x2D0];
	_ =	sdelay $0x1  }
0x26b: {  	v10 =	vld [tilespmem:$0xD0];
	_ =	sdelay $0x2  }
0x26c: {  	v11 =	vmul.u32 $0x2710, v9;
	_ =	sdelay $0x1  }
0x26d: {  	v10 =	vadd.s32 v10, v11  }
0x26e: {  	[tilespmem:$0x6D0] =	vst v10  }
0x26f: {  	v9 =	vld.idx.msk [tilespmem:v9+s21+$0x0], $0xffff;
	_ =	sdelay $0x4  }
0x270: {  	[tilespmem:v6+s28+$0x0] =	vst.idx.msk $0xffff, v9  }
0x271: {  	v9 =	vld [tilespmem:$0x2E0];
	_ =	sdelay $0x1  }
0x272: {  	v10 =	vld [tilespmem:$0xE0];
	_ =	sdelay $0x2  }
0x273: {  	v11 =	vmul.u32 $0x2710, v9;
	_ =	sdelay $0x1  }
0x274: {  	v10 =	vadd.s32 v10, v11  }
0x275: {  	[tilespmem:$0x6E0] =	vst v10  }
0x276: {  	v9 =	vld.idx.msk [tilespmem:v9+s21+$0x0], $0xffff;
	_ =	sdelay $0x4  }
0x277: {  	[tilespmem:v7+s28+$0x0] =	vst.idx.msk $0xffff, v9  }
0x278: {  	v9 =	vld [tilespmem:$0x2F0];
	_ =	sdelay $0x1  }
0x279: {  	v10 =	vld [tilespmem:$0xF0];
	_ =	sdelay $0x2  }
0x27a: {  	v11 =	vmul.u32 $0x2710, v9;
	_ =	sdelay $0x1  }
0x27b: {  	v10 =	vadd.s32 v10, v11  }
0x27c: {  	[tilespmem:$0x6F0] =	vst v10  }
0x27d: {  	v9 =	vld.idx.msk [tilespmem:v9+s21+$0x0], $0xffff;
	_ =	sdelay $0x4  }
0x27e: {  	[tilespmem:v8+s28+$0x0] =	vst.idx.msk $0xffff, v9  }
0x27f: {  	[tilespmem:s23], [sflag:$0x6] =	stream.indirect.gather [hbm4b:s29+s12], $0x80, s5, s12, $0xb8;
	[tilespmem:$0x1FA88] =	vst v63  }
0x280: {  	_ =	swait.ge [sflag:s6], $0x4000  }
0x281: {  	[sflag:s6] =	ssyncset.done $0x0  }
0x282: {  	[sflag:s6] =	ssyncadd.s32 $0xFFFFC000  }
0x283: {  	[spmem:s1] =	stream.indirect.scatter.add.f32 [tilespmem:s26], [sflag:$0x7], $0x80, s10, s12, $0xb8;
	[tilespmem:$0x1FA88] =	vst v63  }
0x284: {  	_ =	swait.ge [sflag:s22], $0x4000  }
0x285: {  	[sflag:s22] =	ssyncset.done $0x0  }
0x286: {  	[sflag:s22] =	ssyncadd.s32 $0xFFFFC000  }
0x287: {  	[spmem:s2] =	stream.indirect.scatter.add.f32 [tilespmem:s24], [sflag:$0x7], $0x10, s10, s12, $0xb8;
	[tilespmem:$0x1FA88] =	vst v63  }
0x288: {  	_ =	swait.ge [sflag:s22], $0x800  }
0x289: {  	[sflag:s22] =	ssyncset.done $0x0  }
0x28a: {  	s0 =	rddreg [dreg:$0x13];
	[sflag:s22] =	ssyncadd.s32 $0xFFFFF800  }
0x28b: {  	[tilespmem:s3], [sflag:$0x1] =	stream.linear.gather [hbm4b:s0+s3], $0x80, $0x38;
	[tilespmem:$0x1FA88] =	vst v63  }
0x28c: {  	s20 =	rddreg [dreg:$0x14]  }
0x28d: {  	[tilespmem:s10], [sflag:$0x1] =	stream.linear.gather [hbm4b:s20+s3], $0x80, $0x38;
	[tilespmem:$0x1FA88] =	vst v63  }
0x28e: {  	s14 =	simm.s32 $0x200;
	s31 =	rddreg [dreg:$0x15]  }
0x28f: {  	[tilespmem:s14], [sflag:$0x1] =	stream.linear.gather [hbm4b:s31+s3], $0x80, $0x38;
	[tilespmem:$0x1FA88] =	vst v63  }
0x290: {  	_ =	swait.ge [sflag:s7], $0x80  }
0x291: {  	[sflag:s7] =	ssyncset.done $0x0  }
0x292: {  	[sflag:s7] =	ssyncadd.s32 $0xFFFFFF80  }
0x293: {  	_ =	swait.ge [sflag:s7], $0x80  }
0x294: {  	[sflag:s7] =	ssyncset.done $0x0  }
0x295: {  	[sflag:s7] =	ssyncadd.s32 $0xFFFFFF80  }
0x296: {  	_ =	swait.ge [sflag:s7], $0x80  }
0x297: {  	[sflag:s7] =	ssyncset.done $0x0  }
0x298: {  	[sflag:s7] =	ssyncadd.s32 $0xFFFFFF80  }
0x299: {  	v9 =	vld [tilespmem:$0x300];
	_ =	sdelay $0x1  }
0x29a: {  	v10 =	vld [tilespmem:$0x100];
	_ =	sdelay $0x2  }
0x29b: {  	v11 =	vmul.u32 $0x2710, v9;
	_ =	sdelay $0x1  }
0x29c: {  	v10 =	vadd.s32 v10, v11  }
0x29d: {  	[tilespmem:$0x600] =	vst v10  }
0x29e: {  	v9 =	vld.idx.msk [tilespmem:v9+s21+$0x0], $0xffff;
	_ =	sdelay $0x4  }
0x29f: {  	[tilespmem:v0+s24+$0x0] =	vst.idx.msk $0xffff, v9  }
0x2a0: {  	v9 =	vld [tilespmem:$0x310];
	_ =	sdelay $0x1  }
0x2a1: {  	v10 =	vld [tilespmem:$0x110];
	_ =	sdelay $0x2  }
0x2a2: {  	v11 =	vmul.u32 $0x2710, v9;
	_ =	sdelay $0x1  }
0x2a3: {  	v10 =	vadd.s32 v10, v11  }
0x2a4: {  	[tilespmem:$0x610] =	vst v10  }
0x2a5: {  	v9 =	vld.idx.msk [tilespmem:v9+s21+$0x0], $0xffff;
	_ =	sdelay $0x4  }
0x2a6: {  	[tilespmem:v2+s24+$0x0] =	vst.idx.msk $0xffff, v9  }
0x2a7: {  	v9 =	vld [tilespmem:$0x320];
	_ =	sdelay $0x1  }
0x2a8: {  	v10 =	vld [tilespmem:$0x120];
	_ =	sdelay $0x2  }
0x2a9: {  	v11 =	vmul.u32 $0x2710, v9;
	_ =	sdelay $0x1  }
0x2aa: {  	v10 =	vadd.s32 v10, v11  }
0x2ab: {  	[tilespmem:$0x620] =	vst v10  }
0x2ac: {  	v9 =	vld.idx.msk [tilespmem:v9+s21+$0x0], $0xffff;
	_ =	sdelay $0x4  }
0x2ad: {  	[tilespmem:v3+s24+$0x0] =	vst.idx.msk $0xffff, v9  }
0x2ae: {  	v9 =	vld [tilespmem:$0x330];
	_ =	sdelay $0x1  }
0x2af: {  	v10 =	vld [tilespmem:$0x130];
	_ =	sdelay $0x2  }
0x2b0: {  	v11 =	vmul.u32 $0x2710, v9;
	_ =	sdelay $0x1  }
0x2b1: {  	v10 =	vadd.s32 v10, v11  }
0x2b2: {  	[tilespmem:$0x630] =	vst v10  }
0x2b3: {  	v9 =	vld.idx.msk [tilespmem:v9+s21+$0x0], $0xffff;
	_ =	sdelay $0x4  }
0x2b4: {  	[tilespmem:v4+s24+$0x0] =	vst.idx.msk $0xffff, v9  }
0x2b5: {  	v9 =	vld [tilespmem:$0x340];
	_ =	sdelay $0x1  }
0x2b6: {  	v10 =	vld [tilespmem:$0x140];
	_ =	sdelay $0x2  }
0x2b7: {  	v11 =	vmul.u32 $0x2710, v9;
	_ =	sdelay $0x1  }
0x2b8: {  	v10 =	vadd.s32 v10, v11  }
0x2b9: {  	[tilespmem:$0x640] =	vst v10  }
0x2ba: {  	v9 =	vld.idx.msk [tilespmem:v9+s21+$0x0], $0xffff;
	_ =	sdelay $0x4  }
0x2bb: {  	[tilespmem:v5+s24+$0x0] =	vst.idx.msk $0xffff, v9  }
0x2bc: {  	v9 =	vld [tilespmem:$0x350];
	_ =	sdelay $0x1  }
0x2bd: {  	v10 =	vld [tilespmem:$0x150];
	_ =	sdelay $0x2  }
0x2be: {  	v11 =	vmul.u32 $0x2710, v9;
	_ =	sdelay $0x1  }
0x2bf: {  	v10 =	vadd.s32 v10, v11  }
0x2c0: {  	[tilespmem:$0x650] =	vst v10  }
0x2c1: {  	v9 =	vld.idx.msk [tilespmem:v9+s21+$0x0], $0xffff;
	_ =	sdelay $0x4  }
0x2c2: {  	[tilespmem:v6+s24+$0x0] =	vst.idx.msk $0xffff, v9  }
0x2c3: {  	v9 =	vld [tilespmem:$0x360];
	_ =	sdelay $0x1  }
0x2c4: {  	v10 =	vld [tilespmem:$0x160];
	_ =	sdelay $0x2  }
0x2c5: {  	v11 =	vmul.u32 $0x2710, v9;
	_ =	sdelay $0x1  }
0x2c6: {  	v10 =	vadd.s32 v10, v11  }
0x2c7: {  	[tilespmem:$0x660] =	vst v10  }
0x2c8: {  	v9 =	vld.idx.msk [tilespmem:v9+s21+$0x0], $0xffff;
	_ =	sdelay $0x4  }
0x2c9: {  	[tilespmem:v7+s24+$0x0] =	vst.idx.msk $0xffff, v9  }
0x2ca: {  	v9 =	vld [tilespmem:$0x370];
	_ =	sdelay $0x1  }
0x2cb: {  	v10 =	vld [tilespmem:$0x170];
	_ =	sdelay $0x2  }
0x2cc: {  	v11 =	vmul.u32 $0x2710, v9;
	_ =	sdelay $0x1  }
0x2cd: {  	v10 =	vadd.s32 v10, v11  }
0x2ce: {  	[tilespmem:$0x670] =	vst v10  }
0x2cf: {  	v9 =	vld.idx.msk [tilespmem:v9+s21+$0x0], $0xffff;
	_ =	sdelay $0x4  }
0x2d0: {  	[tilespmem:v8+s24+$0x0] =	vst.idx.msk $0xffff, v9  }
0x2d1: {  	[tilespmem:s26], [sflag:$0x5] =	stream.indirect.gather [hbm4b:s29+s12], $0x80, s11, s12, $0xb8;
	[tilespmem:$0x1FA88] =	vst v63  }
0x2d2: {  	_ =	swait.ge [sflag:s8], $0x4000  }
0x2d3: {  	[sflag:s8] =	ssyncset.done $0x0  }
0x2d4: {  	[sflag:s8] =	ssyncadd.s32 $0xFFFFC000  }
0x2d5: {  	[spmem:s1] =	stream.indirect.scatter.add.f32 [tilespmem:s23], [sflag:$0x7], $0x80, s13, s12, $0xb8;
	[tilespmem:$0x1FA88] =	vst v63  }
0x2d6: {  	_ =	swait.ge [sflag:s22], $0x4000  }
0x2d7: {  	[sflag:s22] =	ssyncset.done $0x0  }
0x2d8: {  	[sflag:s22] =	ssyncadd.s32 $0xFFFFC000  }
0x2d9: {  	[spmem:s2] =	stream.indirect.scatter.add.f32 [tilespmem:s28], [sflag:$0x7], $0x10, s13, s12, $0xb8;
	[tilespmem:$0x1FA88] =	vst v63  }
0x2da: {  	_ =	swait.ge [sflag:s22], $0x800  }
0x2db: {  	[sflag:s22] =	ssyncset.done $0x0  }
0x2dc: {  	s15 =	rddreg [dreg:$0x19];
	[sflag:s22] =	ssyncadd.s32 $0xFFFFF800  }
0x2dd: {  	[tilespmem:s12], [sflag:$0x2] =	stream.linear.gather [hbm4b:s15+s3], $0x80, $0x38;
	[tilespmem:$0x1FA88] =	vst v63  }
0x2de: {  	s17 =	rddreg [dreg:$0x1a]  }
0x2df: {  	[tilespmem:s13], [sflag:$0x2] =	stream.linear.gather [hbm4b:s17+s3], $0x80, $0x38;
	[tilespmem:$0x1FA88] =	vst v63  }
0x2e0: {  	s31 =	simm.s32 $0x280;
	s20 =	rddreg [dreg:$0x1b]  }
0x2e1: {  	[tilespmem:s31], [sflag:$0x2] =	stream.linear.gather [hbm4b:s20+s3], $0x80, $0x38;
	[tilespmem:$0x1FA88] =	vst v63  }
0x2e2: {  	_ =	swait.ge [sflag:s9], $0x80  }
0x2e3: {  	[sflag:s9] =	ssyncset.done $0x0  }
0x2e4: {  	[sflag:s9] =	ssyncadd.s32 $0xFFFFFF80  }
0x2e5: {  	_ =	swait.ge [sflag:s9], $0x80  }
0x2e6: {  	[sflag:s9] =	ssyncset.done $0x0  }
0x2e7: {  	[sflag:s9] =	ssyncadd.s32 $0xFFFFFF80  }
0x2e8: {  	_ =	swait.ge [sflag:s9], $0x80  }
0x2e9: {  	[sflag:s9] =	ssyncset.done $0x0  }
0x2ea: {  	[sflag:s9] =	ssyncadd.s32 $0xFFFFFF80  }
0x2eb: {  	v9 =	vld [tilespmem:$0x380];
	_ =	sdelay $0x1  }
0x2ec: {  	v10 =	vld [tilespmem:$0x180];
	_ =	sdelay $0x2  }
0x2ed: {  	v11 =	vmul.u32 $0x2710, v9;
	_ =	sdelay $0x1  }
0x2ee: {  	v10 =	vadd.s32 v10, v11  }
0x2ef: {  	[tilespmem:$0x680] =	vst v10  }
0x2f0: {  	v9 =	vld.idx.msk [tilespmem:v9+s21+$0x0], $0xffff;
	_ =	sdelay $0x4  }
0x2f1: {  	[tilespmem:v0+s28+$0x0] =	vst.idx.msk $0xffff, v9  }
0x2f2: {  	v9 =	vld [tilespmem:$0x390];
	_ =	sdelay $0x1  }
0x2f3: {  	v10 =	vld [tilespmem:$0x190];
	_ =	sdelay $0x2  }
0x2f4: {  	v11 =	vmul.u32 $0x2710, v9;
	_ =	sdelay $0x1  }
0x2f5: {  	v10 =	vadd.s32 v10, v11  }
0x2f6: {  	[tilespmem:$0x690] =	vst v10  }
0x2f7: {  	v9 =	vld.idx.msk [tilespmem:v9+s21+$0x0], $0xffff;
	_ =	sdelay $0x4  }
0x2f8: {  	[tilespmem:v2+s28+$0x0] =	vst.idx.msk $0xffff, v9  }
0x2f9: {  	v9 =	vld [tilespmem:$0x3A0];
	_ =	sdelay $0x1  }
0x2fa: {  	v10 =	vld [tilespmem:$0x1A0];
	_ =	sdelay $0x2  }
0x2fb: {  	v11 =	vmul.u32 $0x2710, v9;
	_ =	sdelay $0x1  }
0x2fc: {  	v10 =	vadd.s32 v10, v11  }
0x2fd: {  	[tilespmem:$0x6A0] =	vst v10  }
0x2fe: {  	v9 =	vld.idx.msk [tilespmem:v9+s21+$0x0], $0xffff;
	_ =	sdelay $0x4  }
0x2ff: {  	[tilespmem:v3+s28+$0x0] =	vst.idx.msk $0xffff, v9  }
0x300: {  	v9 =	vld [tilespmem:$0x3B0];
	_ =	sdelay $0x1  }
0x301: {  	v10 =	vld [tilespmem:$0x1B0];
	_ =	sdelay $0x2  }
0x302: {  	v11 =	vmul.u32 $0x2710, v9;
	_ =	sdelay $0x1  }
0x303: {  	v10 =	vadd.s32 v10, v11  }
0x304: {  	[tilespmem:$0x6B0] =	vst v10  }
0x305: {  	v9 =	vld.idx.msk [tilespmem:v9+s21+$0x0], $0xffff;
	_ =	sdelay $0x4  }
0x306: {  	[tilespmem:v4+s28+$0x0] =	vst.idx.msk $0xffff, v9  }
0x307: {  	v9 =	vld [tilespmem:$0x3C0];
	_ =	sdelay $0x1  }
0x308: {  	v10 =	vld [tilespmem:$0x1C0];
	_ =	sdelay $0x2  }
0x309: {  	v11 =	vmul.u32 $0x2710, v9;
	_ =	sdelay $0x1  }
0x30a: {  	v10 =	vadd.s32 v10, v11  }
0x30b: {  	[tilespmem:$0x6C0] =	vst v10  }
0x30c: {  	v9 =	vld.idx.msk [tilespmem:v9+s21+$0x0], $0xffff;
	_ =	sdelay $0x4  }
0x30d: {  	[tilespmem:v5+s28+$0x0] =	vst.idx.msk $0xffff, v9  }
0x30e: {  	v9 =	vld [tilespmem:$0x3D0];
	_ =	sdelay $0x1  }
0x30f: {  	v10 =	vld [tilespmem:$0x1D0];
	_ =	sdelay $0x2  }
0x310: {  	v11 =	vmul.u32 $0x2710, v9;
	_ =	sdelay $0x1  }
0x311: {  	v10 =	vadd.s32 v10, v11  }
0x312: {  	[tilespmem:$0x6D0] =	vst v10  }
0x313: {  	v9 =	vld.idx.msk [tilespmem:v9+s21+$0x0], $0xffff;
	_ =	sdelay $0x4  }
0x314: {  	[tilespmem:v6+s28+$0x0] =	vst.idx.msk $0xffff, v9  }
0x315: {  	v9 =	vld [tilespmem:$0x3E0];
	_ =	sdelay $0x1  }
0x316: {  	v10 =	vld [tilespmem:$0x1E0];
	_ =	sdelay $0x2  }
0x317: {  	v11 =	vmul.u32 $0x2710, v9;
	_ =	sdelay $0x1  }
0x318: {  	v10 =	vadd.s32 v10, v11  }
0x319: {  	[tilespmem:$0x6E0] =	vst v10  }
0x31a: {  	v9 =	vld.idx.msk [tilespmem:v9+s21+$0x0], $0xffff;
	_ =	sdelay $0x4  }
0x31b: {  	[tilespmem:v7+s28+$0x0] =	vst.idx.msk $0xffff, v9  }
0x31c: {  	v9 =	vld [tilespmem:$0x3F0];
	_ =	sdelay $0x1  }
0x31d: {  	v10 =	vld [tilespmem:$0x1F0];
	_ =	sdelay $0x2  }
0x31e: {  	v11 =	vmul.u32 $0x2710, v9;
	_ =	sdelay $0x1  }
0x31f: {  	v10 =	vadd.s32 v10, v11  }
0x320: {  	[tilespmem:$0x6F0] =	vst v10  }
0x321: {  	v9 =	vld.idx.msk [tilespmem:v9+s21+$0x0], $0xffff;
	_ =	sdelay $0x4  }
0x322: {  	[tilespmem:v8+s28+$0x0] =	vst.idx.msk $0xffff, v9  }
0x323: {  	[tilespmem:s23], [sflag:$0x6] =	stream.indirect.gather [hbm4b:s29+s12], $0x80, s5, s12, $0xb8;
	[tilespmem:$0x1FA88] =	vst v63  }
0x324: {  	_ =	swait.ge [sflag:s6], $0x4000  }
0x325: {  	[sflag:s6] =	ssyncset.done $0x0  }
0x326: {  	[sflag:s6] =	ssyncadd.s32 $0xFFFFC000  }
0x327: {  	[spmem:s1] =	stream.indirect.scatter.add.f32 [tilespmem:s26], [sflag:$0x7], $0x80, s16, s12, $0xb8;
	[tilespmem:$0x1FA88] =	vst v63  }
0x328: {  	_ =	swait.ge [sflag:s22], $0x4000  }
0x329: {  	[sflag:s22] =	ssyncset.done $0x0  }
0x32a: {  	[sflag:s22] =	ssyncadd.s32 $0xFFFFC000  }
0x32b: {  	[spmem:s2] =	stream.indirect.scatter.add.f32 [tilespmem:s24], [sflag:$0x7], $0x10, s16, s12, $0xb8;
	[tilespmem:$0x1FA88] =	vst v63  }
0x32c: {  	_ =	swait.ge [sflag:s22], $0x800  }
0x32d: {  	[sflag:s22] =	ssyncset.done $0x0  }
0x32e: {  	[sflag:s22] =	ssyncadd.s32 $0xFFFFF800  }
0x32f: {  	_ =	swait.ge [sflag:s30], $0x80  }
0x330: {  	[sflag:s30] =	ssyncset.done $0x0  }
0x331: {  	[sflag:s30] =	ssyncadd.s32 $0xFFFFFF80  }
0x332: {  	_ =	swait.ge [sflag:s30], $0x80  }
0x333: {  	[sflag:s30] =	ssyncset.done $0x0  }
0x334: {  	[sflag:s30] =	ssyncadd.s32 $0xFFFFFF80  }
0x335: {  	_ =	swait.ge [sflag:s30], $0x80  }
0x336: {  	[sflag:s30] =	ssyncset.done $0x0  }
0x337: {  	[sflag:s30] =	ssyncadd.s32 $0xFFFFFF80  }
0x338: {  	v9 =	vld [tilespmem:$0x200];
	_ =	sdelay $0x1  }
0x339: {  	v10 =	vld [tilespmem:$0x0];
	_ =	sdelay $0x2  }
0x33a: {  	v11 =	vmul.u32 $0x2710, v9;
	_ =	sdelay $0x1  }
0x33b: {  	v10 =	vadd.s32 v10, v11  }
0x33c: {  	[tilespmem:$0x600] =	vst v10  }
0x33d: {  	v9 =	vld.idx.msk [tilespmem:v9+s21+$0x0], $0xffff;
	_ =	sdelay $0x4  }
0x33e: {  	[tilespmem:v0+s24+$0x0] =	vst.idx.msk $0xffff, v9  }
0x33f: {  	v9 =	vld [tilespmem:$0x210];
	_ =	sdelay $0x1  }
0x340: {  	v10 =	vld [tilespmem:$0x10];
	_ =	sdelay $0x2  }
0x341: {  	v11 =	vmul.u32 $0x2710, v9;
	_ =	sdelay $0x1  }
0x342: {  	v10 =	vadd.s32 v10, v11  }
0x343: {  	[tilespmem:$0x610] =	vst v10  }
0x344: {  	v9 =	vld.idx.msk [tilespmem:v9+s21+$0x0], $0xffff;
	_ =	sdelay $0x4  }
0x345: {  	[tilespmem:v2+s24+$0x0] =	vst.idx.msk $0xffff, v9  }
0x346: {  	v9 =	vld [tilespmem:$0x220];
	_ =	sdelay $0x1  }
0x347: {  	v10 =	vld [tilespmem:$0x20];
	_ =	sdelay $0x2  }
0x348: {  	v11 =	vmul.u32 $0x2710, v9;
	_ =	sdelay $0x1  }
0x349: {  	v10 =	vadd.s32 v10, v11  }
0x34a: {  	[tilespmem:$0x620] =	vst v10  }
0x34b: {  	v9 =	vld.idx.msk [tilespmem:v9+s21+$0x0], $0xffff;
	_ =	sdelay $0x4  }
0x34c: {  	[tilespmem:v3+s24+$0x0] =	vst.idx.msk $0xffff, v9  }
0x34d: {  	v9 =	vld [tilespmem:$0x230];
	_ =	sdelay $0x1  }
0x34e: {  	v10 =	vld [tilespmem:$0x30];
	_ =	sdelay $0x2  }
0x34f: {  	v11 =	vmul.u32 $0x2710, v9;
	_ =	sdelay $0x1  }
0x350: {  	v10 =	vadd.s32 v10, v11  }
0x351: {  	[tilespmem:$0x630] =	vst v10  }
0x352: {  	v9 =	vld.idx.msk [tilespmem:v9+s21+$0x0], $0xffff;
	_ =	sdelay $0x4  }
0x353: {  	[tilespmem:v4+s24+$0x0] =	vst.idx.msk $0xffff, v9  }
0x354: {  	v9 =	vld [tilespmem:$0x240];
	_ =	sdelay $0x1  }
0x355: {  	v10 =	vld [tilespmem:$0x40];
	_ =	sdelay $0x2  }
0x356: {  	v11 =	vmul.u32 $0x2710, v9;
	_ =	sdelay $0x1  }
0x357: {  	v10 =	vadd.s32 v10, v11  }
0x358: {  	[tilespmem:$0x640] =	vst v10  }
0x359: {  	v9 =	vld.idx.msk [tilespmem:v9+s21+$0x0], $0xffff;
	_ =	sdelay $0x4  }
0x35a: {  	[tilespmem:v5+s24+$0x0] =	vst.idx.msk $0xffff, v9  }
0x35b: {  	v9 =	vld [tilespmem:$0x250];
	_ =	sdelay $0x1  }
0x35c: {  	v10 =	vld [tilespmem:$0x50];
	_ =	sdelay $0x2  }
0x35d: {  	v11 =	vmul.u32 $0x2710, v9;
	_ =	sdelay $0x1  }
0x35e: {  	v10 =	vadd.s32 v10, v11  }
0x35f: {  	[tilespmem:$0x650] =	vst v10  }
0x360: {  	v9 =	vld.idx.msk [tilespmem:v9+s21+$0x0], $0xffff;
	_ =	sdelay $0x4  }
0x361: {  	[tilespmem:v6+s24+$0x0] =	vst.idx.msk $0xffff, v9  }
0x362: {  	v9 =	vld [tilespmem:$0x260];
	_ =	sdelay $0x1  }
0x363: {  	v10 =	vld [tilespmem:$0x60];
	_ =	sdelay $0x2  }
0x364: {  	v11 =	vmul.u32 $0x2710, v9;
	_ =	sdelay $0x1  }
0x365: {  	v10 =	vadd.s32 v10, v11  }
0x366: {  	[tilespmem:$0x660] =	vst v10  }
0x367: {  	v9 =	vld.idx.msk [tilespmem:v9+s21+$0x0], $0xffff;
	_ =	sdelay $0x4  }
0x368: {  	[tilespmem:v7+s24+$0x0] =	vst.idx.msk $0xffff, v9  }
0x369: {  	v9 =	vld [tilespmem:$0x270];
	_ =	sdelay $0x1  }
0x36a: {  	v10 =	vld [tilespmem:$0x70];
	_ =	sdelay $0x2  }
0x36b: {  	v11 =	vmul.u32 $0x2710, v9;
	_ =	sdelay $0x1  }
0x36c: {  	v10 =	vadd.s32 v10, v11  }
0x36d: {  	[tilespmem:$0x670] =	vst v10  }
0x36e: {  	v9 =	vld.idx.msk [tilespmem:v9+s21+$0x0], $0xffff;
	_ =	sdelay $0x4  }
0x36f: {  	[tilespmem:v8+s24+$0x0] =	vst.idx.msk $0xffff, v9  }
0x370: {  	[tilespmem:s26], [sflag:$0x5] =	stream.indirect.gather [hbm4b:s29+s12], $0x80, s11, s12, $0xb8;
	[tilespmem:$0x1FA88] =	vst v63  }
0x371: {  	_ =	swait.ge [sflag:s8], $0x4000  }
0x372: {  	[sflag:s8] =	ssyncset.done $0x0  }
0x373: {  	[sflag:s8] =	ssyncadd.s32 $0xFFFFC000  }
0x374: {  	[spmem:s1] =	stream.indirect.scatter.add.f32 [tilespmem:s23], [sflag:$0x7], $0x80, s19, s12, $0xb8;
	[tilespmem:$0x1FA88] =	vst v63  }
0x375: {  	_ =	swait.ge [sflag:s22], $0x4000  }
0x376: {  	[sflag:s22] =	ssyncset.done $0x0  }
0x377: {  	[sflag:s22] =	ssyncadd.s32 $0xFFFFC000  }
0x378: {  	[spmem:s2] =	stream.indirect.scatter.add.f32 [tilespmem:s28], [sflag:$0x7], $0x10, s19, s12, $0xb8;
	[tilespmem:$0x1FA88] =	vst v63  }
0x379: {  	_ =	swait.ge [sflag:s22], $0x800  }
0x37a: {  	[sflag:s22] =	ssyncset.done $0x0  }
0x37b: {  	[sflag:s22] =	ssyncadd.s32 $0xFFFFF800  }
0x37c: {  	_ =	swait.ge [sflag:s4], $0x80  }
0x37d: {  	[sflag:s4] =	ssyncset.done $0x0  }
0x37e: {  	[sflag:s4] =	ssyncadd.s32 $0xFFFFFF80  }
0x37f: {  	_ =	swait.ge [sflag:s4], $0x80  }
0x380: {  	[sflag:s4] =	ssyncset.done $0x0  }
0x381: {  	[sflag:s4] =	ssyncadd.s32 $0xFFFFFF80  }
0x382: {  	_ =	swait.ge [sflag:s4], $0x80  }
0x383: {  	[sflag:s4] =	ssyncset.done $0x0  }
0x384: {  	[sflag:s4] =	ssyncadd.s32 $0xFFFFFF80  }
0x385: {  	v9 =	vld [tilespmem:$0x280];
	_ =	sdelay $0x1  }
0x386: {  	v10 =	vld [tilespmem:$0x80];
	_ =	sdelay $0x2  }
0x387: {  	v11 =	vmul.u32 $0x2710, v9;
	_ =	sdelay $0x1  }
0x388: {  	v10 =	vadd.s32 v10, v11  }
0x389: {  	[tilespmem:$0x680] =	vst v10  }
0x38a: {  	v9 =	vld.idx.msk [tilespmem:v9+s21+$0x0], $0xffff;
	_ =	sdelay $0x4  }
0x38b: {  	[tilespmem:v0+s28+$0x0] =	vst.idx.msk $0xffff, v9  }
0x38c: {  	v9 =	vld [tilespmem:$0x290];
	_ =	sdelay $0x1  }
0x38d: {  	v10 =	vld [tilespmem:$0x90];
	_ =	sdelay $0x2  }
0x38e: {  	v11 =	vmul.u32 $0x2710, v9;
	_ =	sdelay $0x1  }
0x38f: {  	v10 =	vadd.s32 v10, v11  }
0x390: {  	[tilespmem:$0x690] =	vst v10  }
0x391: {  	v9 =	vld.idx.msk [tilespmem:v9+s21+$0x0], $0xffff;
	_ =	sdelay $0x4  }
0x392: {  	[tilespmem:v2+s28+$0x0] =	vst.idx.msk $0xffff, v9  }
0x393: {  	v9 =	vld [tilespmem:$0x2A0];
	_ =	sdelay $0x1  }
0x394: {  	v10 =	vld [tilespmem:$0xA0];
	_ =	sdelay $0x2  }
0x395: {  	v11 =	vmul.u32 $0x2710, v9;
	_ =	sdelay $0x1  }
0x396: {  	v10 =	vadd.s32 v10, v11  }
0x397: {  	[tilespmem:$0x6A0] =	vst v10  }
0x398: {  	v9 =	vld.idx.msk [tilespmem:v9+s21+$0x0], $0xffff;
	_ =	sdelay $0x4  }
0x399: {  	[tilespmem:v3+s28+$0x0] =	vst.idx.msk $0xffff, v9  }
0x39a: {  	v9 =	vld [tilespmem:$0x2B0];
	_ =	sdelay $0x1  }
0x39b: {  	v10 =	vld [tilespmem:$0xB0];
	_ =	sdelay $0x2  }
0x39c: {  	v11 =	vmul.u32 $0x2710, v9;
	_ =	sdelay $0x1  }
0x39d: {  	v10 =	vadd.s32 v10, v11  }
0x39e: {  	[tilespmem:$0x6B0] =	vst v10  }
0x39f: {  	v9 =	vld.idx.msk [tilespmem:v9+s21+$0x0], $0xffff;
	_ =	sdelay $0x4  }
0x3a0: {  	[tilespmem:v4+s28+$0x0] =	vst.idx.msk $0xffff, v9  }
0x3a1: {  	v9 =	vld [tilespmem:$0x2C0];
	_ =	sdelay $0x1  }
0x3a2: {  	v10 =	vld [tilespmem:$0xC0];
	_ =	sdelay $0x2  }
0x3a3: {  	v11 =	vmul.u32 $0x2710, v9;
	_ =	sdelay $0x1  }
0x3a4: {  	v10 =	vadd.s32 v10, v11  }
0x3a5: {  	[tilespmem:$0x6C0] =	vst v10  }
0x3a6: {  	v9 =	vld.idx.msk [tilespmem:v9+s21+$0x0], $0xffff;
	_ =	sdelay $0x4  }
0x3a7: {  	[tilespmem:v5+s28+$0x0] =	vst.idx.msk $0xffff, v9  }
0x3a8: {  	v9 =	vld [tilespmem:$0x2D0];
	_ =	sdelay $0x1  }
0x3a9: {  	v10 =	vld [tilespmem:$0xD0];
	_ =	sdelay $0x2  }
0x3aa: {  	v11 =	vmul.u32 $0x2710, v9;
	_ =	sdelay $0x1  }
0x3ab: {  	v10 =	vadd.s32 v10, v11  }
0x3ac: {  	[tilespmem:$0x6D0] =	vst v10  }
0x3ad: {  	v9 =	vld.idx.msk [tilespmem:v9+s21+$0x0], $0xffff;
	_ =	sdelay $0x4  }
0x3ae: {  	[tilespmem:v6+s28+$0x0] =	vst.idx.msk $0xffff, v9  }
0x3af: {  	v9 =	vld [tilespmem:$0x2E0];
	_ =	sdelay $0x1  }
0x3b0: {  	v10 =	vld [tilespmem:$0xE0];
	_ =	sdelay $0x2  }
0x3b1: {  	v11 =	vmul.u32 $0x2710, v9;
	_ =	sdelay $0x1  }
0x3b2: {  	v10 =	vadd.s32 v10, v11  }
0x3b3: {  	[tilespmem:$0x6E0] =	vst v10  }
0x3b4: {  	v9 =	vld.idx.msk [tilespmem:v9+s21+$0x0], $0xffff;
	_ =	sdelay $0x4  }
0x3b5: {  	[tilespmem:v7+s28+$0x0] =	vst.idx.msk $0xffff, v9  }
0x3b6: {  	v9 =	vld [tilespmem:$0x2F0];
	_ =	sdelay $0x1  }
0x3b7: {  	v10 =	vld [tilespmem:$0xF0];
	_ =	sdelay $0x2  }
0x3b8: {  	v11 =	vmul.u32 $0x2710, v9;
	_ =	sdelay $0x1  }
0x3b9: {  	v10 =	vadd.s32 v10, v11  }
0x3ba: {  	[tilespmem:$0x6F0] =	vst v10  }
0x3bb: {  	v9 =	vld.idx.msk [tilespmem:v9+s21+$0x0], $0xffff;
	_ =	sdelay $0x4  }
0x3bc: {  	[tilespmem:v8+s28+$0x0] =	vst.idx.msk $0xffff, v9  }
0x3bd: {  	[tilespmem:s23], [sflag:$0x6] =	stream.indirect.gather [hbm4b:s29+s12], $0x80, s5, s12, $0xb8;
	[tilespmem:$0x1FA88] =	vst v63  }
0x3be: {  	_ =	swait.ge [sflag:s6], $0x4000  }
0x3bf: {  	[sflag:s6] =	ssyncset.done $0x0  }
0x3c0: {  	[sflag:s6] =	ssyncadd.s32 $0xFFFFC000  }
0x3c1: {  	[spmem:s1] =	stream.indirect.scatter.add.f32 [tilespmem:s26], [sflag:$0x7], $0x80, s10, s12, $0xb8;
	[tilespmem:$0x1FA88] =	vst v63  }
0x3c2: {  	_ =	swait.ge [sflag:s22], $0x4000  }
0x3c3: {  	[sflag:s22] =	ssyncset.done $0x0  }
0x3c4: {  	[sflag:s22] =	ssyncadd.s32 $0xFFFFC000  }
0x3c5: {  	[spmem:s2] =	stream.indirect.scatter.add.f32 [tilespmem:s24], [sflag:$0x7], $0x10, s10, s12, $0xb8;
	[tilespmem:$0x1FA88] =	vst v63  }
0x3c6: {  	_ =	swait.ge [sflag:s22], $0x800  }
0x3c7: {  	[sflag:s22] =	ssyncset.done $0x0  }
0x3c8: {  	[sflag:s22] =	ssyncadd.s32 $0xFFFFF800  }
0x3c9: {  	_ =	swait.ge [sflag:s8], $0x4000  }
0x3ca: {  	[sflag:s8] =	ssyncset.done $0x0  }
0x3cb: {  	[sflag:s8] =	ssyncadd.s32 $0xFFFFC000  }
0x3cc: {  	[spmem:s1] =	stream.indirect.scatter.add.f32 [tilespmem:s23], [sflag:$0x7], $0x80, s13, s12, $0xb8;
	[tilespmem:$0x1FA88] =	vst v63  }
0x3cd: {  	_ =	swait.ge [sflag:s22], $0x4000  }
0x3ce: {  	[sflag:s22] =	ssyncset.done $0x0  }
.Ltmp5:
0x3cf: {  	[sflag:s22] =	ssyncadd.s32 $0xFFFFC000;
	(pc) =	sbr.rel @p0 .LBB2_9-.Ltmp5, $4  }
0x3d0: {  	[spmem:s2] =	stream.indirect.scatter.add.f32 [tilespmem:s28], [sflag:$0x7], $0x10, s13, s12, $0xb8;
	[tilespmem:$0x1FA88] =	vst v63  }
0x3d1: {  	_ =	swait.ge [sflag:s22], $0x800  }
0x3d2: {  	s14 =	simm.s32 $0x600;
	s11 =	simm.s32 $0x280;
	[sflag:s22] =	ssyncset.done $0x0  }
0x3d3: {  	s5 =	simm.s32 $0x200;
	s20 =	sld [smem:$0x7F1];
	[sflag:s22] =	ssyncadd.s32 $0xFFFFF800  }
0x3d4: {  	s0 =	rddreg [dreg:$0x1e]  }
0x3d5: {  	[tilespmem:s3], [sflag:$0x1] =	stream.linear.gather [hbm4b:s0+s3], $0x80, $0x38;
	[tilespmem:$0x1FA88] =	vst v63  }
0x3d6: {  	s17 =	rddreg [dreg:$0x1c]  }
0x3d7: {  	[tilespmem:s10], [sflag:$0x1] =	stream.linear.gather [hbm4b:s17+s3], $0x80, $0x38;
	[tilespmem:$0x1FA88] =	vst v63  }
0x3d8: {  	s31 =	rddreg [dreg:$0x1d]  }
0x3d9: {  	[tilespmem:s5], [sflag:$0x1] =	stream.linear.gather [hbm4b:s31+s3], $0x80, $0x38;
	[tilespmem:$0x1FA88] =	vst v63  }
0x3da: {  	_ =	swait.ge [sflag:s30], $0x80  }
0x3db: {  	[sflag:s30] =	ssyncset.done $0x0  }
0x3dc: {  	[sflag:s30] =	ssyncadd.s32 $0xFFFFFF80  }
0x3dd: {  	_ =	swait.ge [sflag:s30], $0x80  }
0x3de: {  	[sflag:s30] =	ssyncset.done $0x0  }
0x3df: {  	[sflag:s30] =	ssyncadd.s32 $0xFFFFFF80  }
0x3e0: {  	_ =	swait.ge [sflag:s30], $0x80  }
0x3e1: {  	[sflag:s30] =	ssyncset.done $0x0  }
0x3e2: {  	[sflag:s30] =	ssyncadd.s32 $0xFFFFFF80  }
0x3e3: {  	v9 =	vld [tilespmem:$0x200];
	_ =	sdelay $0x1  }
0x3e4: {  	v10 =	vld [tilespmem:$0x0];
	_ =	sdelay $0x2  }
0x3e5: {  	v11 =	vmul.u32 $0x2710, v9;
	_ =	sdelay $0x1  }
0x3e6: {  	v10 =	vadd.s32 v10, v11  }
0x3e7: {  	[tilespmem:$0x600] =	vst v10  }
0x3e8: {  	v9 =	vld.idx.msk [tilespmem:v9+s21+$0x0], $0xffff;
	_ =	sdelay $0x4  }
0x3e9: {  	[tilespmem:v0+s24+$0x0] =	vst.idx.msk $0xffff, v9  }
0x3ea: {  	v9 =	vld [tilespmem:$0x210];
	_ =	sdelay $0x1  }
0x3eb: {  	v10 =	vld [tilespmem:$0x10];
	_ =	sdelay $0x2  }
0x3ec: {  	v11 =	vmul.u32 $0x2710, v9;
	_ =	sdelay $0x1  }
0x3ed: {  	v10 =	vadd.s32 v10, v11  }
0x3ee: {  	[tilespmem:$0x610] =	vst v10  }
0x3ef: {  	v9 =	vld.idx.msk [tilespmem:v9+s21+$0x0], $0xffff;
	_ =	sdelay $0x4  }
0x3f0: {  	[tilespmem:v2+s24+$0x0] =	vst.idx.msk $0xffff, v9  }
0x3f1: {  	v9 =	vld [tilespmem:$0x220];
	_ =	sdelay $0x1  }
0x3f2: {  	v10 =	vld [tilespmem:$0x20];
	_ =	sdelay $0x2  }
0x3f3: {  	v11 =	vmul.u32 $0x2710, v9;
	_ =	sdelay $0x1  }
0x3f4: {  	v10 =	vadd.s32 v10, v11  }
0x3f5: {  	[tilespmem:$0x620] =	vst v10  }
0x3f6: {  	v9 =	vld.idx.msk [tilespmem:v9+s21+$0x0], $0xffff;
	_ =	sdelay $0x4  }
0x3f7: {  	[tilespmem:v3+s24+$0x0] =	vst.idx.msk $0xffff, v9  }
0x3f8: {  	v9 =	vld [tilespmem:$0x230];
	_ =	sdelay $0x1  }
0x3f9: {  	v10 =	vld [tilespmem:$0x30];
	_ =	sdelay $0x2  }
0x3fa: {  	v11 =	vmul.u32 $0x2710, v9;
	_ =	sdelay $0x1  }
0x3fb: {  	v10 =	vadd.s32 v10, v11  }
0x3fc: {  	[tilespmem:$0x630] =	vst v10  }
0x3fd: {  	v9 =	vld.idx.msk [tilespmem:v9+s21+$0x0], $0xffff;
	_ =	sdelay $0x4  }
0x3fe: {  	[tilespmem:v4+s24+$0x0] =	vst.idx.msk $0xffff, v9  }
0x3ff: {  	v9 =	vld [tilespmem:$0x240];
	_ =	sdelay $0x1  }
0x400: {  	v10 =	vld [tilespmem:$0x40];
	_ =	sdelay $0x2  }
0x401: {  	v11 =	vmul.u32 $0x2710, v9;
	_ =	sdelay $0x1  }
0x402: {  	v10 =	vadd.s32 v10, v11  }
0x403: {  	[tilespmem:$0x640] =	vst v10  }
0x404: {  	v9 =	vld.idx.msk [tilespmem:v9+s21+$0x0], $0xffff;
	_ =	sdelay $0x4  }
0x405: {  	[tilespmem:v5+s24+$0x0] =	vst.idx.msk $0xffff, v9  }
0x406: {  	v9 =	vld [tilespmem:$0x250];
	_ =	sdelay $0x1  }
0x407: {  	v10 =	vld [tilespmem:$0x50];
	_ =	sdelay $0x2  }
0x408: {  	v11 =	vmul.u32 $0x2710, v9;
	_ =	sdelay $0x1  }
0x409: {  	v10 =	vadd.s32 v10, v11  }
0x40a: {  	[tilespmem:$0x650] =	vst v10  }
0x40b: {  	v9 =	vld.idx.msk [tilespmem:v9+s21+$0x0], $0xffff;
	_ =	sdelay $0x4  }
0x40c: {  	[tilespmem:v6+s24+$0x0] =	vst.idx.msk $0xffff, v9  }
0x40d: {  	v9 =	vld [tilespmem:$0x260];
	_ =	sdelay $0x1  }
0x40e: {  	v10 =	vld [tilespmem:$0x60];
	_ =	sdelay $0x2  }
0x40f: {  	v11 =	vmul.u32 $0x2710, v9;
	_ =	sdelay $0x1  }
0x410: {  	v10 =	vadd.s32 v10, v11  }
0x411: {  	[tilespmem:$0x660] =	vst v10  }
0x412: {  	v9 =	vld.idx.msk [tilespmem:v9+s21+$0x0], $0xffff;
	_ =	sdelay $0x4  }
0x413: {  	[tilespmem:v7+s24+$0x0] =	vst.idx.msk $0xffff, v9  }
0x414: {  	v9 =	vld [tilespmem:$0x270];
	_ =	sdelay $0x1  }
0x415: {  	v10 =	vld [tilespmem:$0x70];
	_ =	sdelay $0x2  }
0x416: {  	v11 =	vmul.u32 $0x2710, v9;
	_ =	sdelay $0x1  }
0x417: {  	v10 =	vadd.s32 v10, v11  }
0x418: {  	[tilespmem:$0x670] =	vst v10  }
0x419: {  	v9 =	vld.idx.msk [tilespmem:v9+s21+$0x0], $0xffff;
	_ =	sdelay $0x4  }
0x41a: {  	[tilespmem:v8+s24+$0x0] =	vst.idx.msk $0xffff, v9  }
0x41b: {  	[tilespmem:s26], [sflag:$0x5] =	stream.indirect.gather [hbm4b:s29+s12], $0x80, s14, s12, $0xb8;
	[tilespmem:$0x1FA88] =	vst v63  }
0x41c: {  	_ =	swait.ge [sflag:s6], $0x4000  }
0x41d: {  	[sflag:s6] =	ssyncset.done $0x0  }
0x41e: {  	[sflag:s6] =	ssyncadd.s32 $0xFFFFC000  }
0x41f: {  	[spmem:s1] =	stream.indirect.scatter.add.f32 [tilespmem:s26], [sflag:$0x7], $0x80, s10, s12, $0xb8;
	[tilespmem:$0x1FA88] =	vst v63  }
0x420: {  	_ =	swait.ge [sflag:s22], $0x4000  }
0x421: {  	[sflag:s22] =	ssyncset.done $0x0  }
.Ltmp6:
0x422: {  	[sflag:s22] =	ssyncadd.s32 $0xFFFFC000;
	(pc) =	sbr.rel .LBB2_9-.Ltmp6, $4  }
0x423: {  	[spmem:s2] =	stream.indirect.scatter.add.f32 [tilespmem:s24], [sflag:$0x7], $0x10, s10, s12, $0xb8;
	[tilespmem:$0x1FA88] =	vst v63  }
0x424: {  	_ =	swait.ge [sflag:s22], $0x800  }
0x425: {  	[sflag:s22] =	ssyncset.done $0x0  }
0x426: {  	[sflag:s22] =	ssyncadd.s32 $0xFFFFF800  }
.LBB2_10:
0x427: {  	_ =	sfence.sel $0x180000  }
0x428: {  	[bflag:$0x0] =	sbarrier.arrive $0xFFFF  }
0x429: {  	_ =	strace $0x90000047  }
0x42a: {  	s0 =	stileid.u32;
	[bflag:$0x2] =	sbarrier.arrive $0xFFFF  }
0x42b: {  	p0 =	sne.s32 s0, $0x0;
	s0 =	rddreg [dreg:$0x5]  }
0x42c: {  	s0 =	sadd.s32 @!p0 $0x100000, s0  }
0x42d: {  	[sflag:s0] =	ssyncadd.tile.s32 @!p0 $0x1;
	_ =	shalt  }
.Lfunc_end2:
_tile_overlayer_lowered:
.L_overlay_start_2:
0x42e: {  	(tag) =	ssettag $0x2  }
0x42f: {  	s0 =	rddreg [dreg:$0x0];
	s2 =	stileid.u32  }
0x430: {  	s1 =	rddreg [dreg:$0x1];
	p0 =	sne.s32 s2, $0x0  }
0x431: {  	s3 =	rddreg [dreg:$0x2];
	[bflag:$0x3] =	sbarrier.arrive $0xFFFF;
	s2 =	simm.s32 @!p0 $0x1C07  }
0x432: {  	[timem:s3], [sflag:s2] =	dma.local @!p0 [hbm:s0], s1  }
0x433: {  	s0 =	simm.s32 @!p0 $0x7  }
0x434: {  	_ =	swait.ge @!p0 [sflag:s0], s1  }
0x435: {  	s1 =	ssub.s32 @!p0 $0x0, s1;
	[sflag:s0] =	ssyncset.done @!p0 $0x0  }
0x436: {  	[sflag:s0] =	ssyncadd.s32 @!p0 s1  }
0x437: {  	[bflag:$0x3] =	sbarrier.arrive $0xFFFF  }
0x438: {  	_ =	shalt  }

</sc_bundles>
